<compile_context>
chip_gen: v7x
topology: tpu7x:2x2x1
jax: 0.10.2.dev20260603
libtpu: 0.0.44.dev20260713+nightly
codegen_flags: <defaults>
</compile_context>

<pallas_src>
import functools

import jax
import jax.numpy as jnp
from jax import lax
from jax.experimental import pallas as pl
from jax.experimental.pallas import tpu as pltpu
from jax.experimental.pallas import tpu_sc as plsc

_D = 2
_F = 128
_DSQ = _D * _D
_TBLW = 16
_NC = 2
_NS = 16
_NW = _NC * _NS
_CH = 128
_L = 16
_NBUF = 8


def _tc_tables_body(x_ref, e_ref, wx_ref, we_ref, tn_ref, te_ref):
    lane = lax.broadcasted_iota(jnp.int32, tn_ref.shape, 1)
    for src, w, dst in ((x_ref, wx_ref, tn_ref), (e_ref, we_ref, te_ref)):
        v = src[...]
        m = (v + jnp.roll(v, -1, axis=0)) * 0.5
        p = jnp.dot(m, w[...], preferred_element_type=jnp.float32)
        q = jnp.sum(m * m, axis=1, keepdims=True)
        dst[...] = p + jnp.where(lane == 5, q, 0.0)


def _tc_tables(x, e, wx, we):
    n2, nh2 = x.shape[0], e.shape[0]
    blk = 4000
    return pl.pallas_call(
        _tc_tables_body,
        grid=(n2 // blk,),
        in_specs=[
            pl.BlockSpec((blk, _F), lambda i: (i, 0)),
            pl.BlockSpec((blk, _F), lambda i: (i, 0)),
            pl.BlockSpec((_F, _TBLW), lambda i: (0, 0)),
            pl.BlockSpec((_F, _TBLW), lambda i: (0, 0)),
        ],
        out_specs=[
            pl.BlockSpec((blk, _TBLW), lambda i: (i, 0)),
            pl.BlockSpec((blk, _TBLW), lambda i: (i, 0)),
        ],
        out_shape=[
            jax.ShapeDtypeStruct((n2, _TBLW), jnp.float32),
            jax.ShapeDtypeStruct((nh2, _TBLW), jnp.float32),
        ],
    )(x, e, wx, we)


def _tc_idx_body(r_ref, c_ref, e_ref, o0_ref, o1_ref):
    lane = lax.broadcasted_iota(jnp.int32, o0_ref.shape, 1)
    k = lane & 3
    p0 = (k >> 1).astype(jnp.float32)
    p1 = (k & 1).astype(jnp.float32)
    ex = e_ref[...]
    m0 = jnp.dot(r_ref[...], ex, preferred_element_type=jnp.float32,
                 precision=lax.Precision.HIGHEST)
    m1 = jnp.dot(c_ref[...], ex, preferred_element_type=jnp.float32,
                 precision=lax.Precision.HIGHEST)
    o0_ref[...] = (2.0 * m0 + p0).astype(jnp.int32)
    o1_ref[...] = (2.0 * m1 + p1).astype(jnp.int32)


def _tc_idx(rf, cf, e4):
    n = rf.shape[0]
    return pl.pallas_call(
        _tc_idx_body,
        grid=(1,),
        in_specs=[
            pl.BlockSpec((n, _F), lambda i: (0, 0)),
            pl.BlockSpec((n, _F), lambda i: (0, 0)),
            pl.BlockSpec((_F, _DSQ * _F), lambda i: (0, 0)),
        ],
        out_specs=[
            pl.BlockSpec((n, _DSQ * _F), lambda i: (0, 0)),
            pl.BlockSpec((n, _DSQ * _F), lambda i: (0, 0)),
        ],
        out_shape=[
            jax.ShapeDtypeStruct((n, _DSQ * _F), jnp.int32),
            jax.ShapeDtypeStruct((n, _DSQ * _F), jnp.int32),
        ],
    )(rf, cf, e4)


def _tc_final_body(d0, d1, d2, d3, s_ref, q_ref, cst_ref, o_ref):
    mu = s_ref[...] * (1.0 / (2.0 * _F))
    var = q_ref[...] * (1.0 / (2.0 * _F)) - mu * mu
    inv = lax.rsqrt(jnp.maximum(var, 0.0) + 1e-5)
    rowi = lax.broadcasted_iota(jnp.int32, (_F, _DSQ * _F), 0)
    coli = lax.broadcasted_iota(jnp.int32, (_F, _DSQ * _F), 1)
    acc = None
    for j, dj in enumerate((d0, d1, d2, d3)):
        z = (dj[...] - mu * cst_ref[j]) * inv + cst_ref[_DSQ + j]
        sg = jax.nn.sigmoid(z)
        ej = (coli == _DSQ * rowi + j).astype(jnp.float32)
        part = jnp.dot(sg, ej, preferred_element_type=jnp.float32)
        acc = part if acc is None else acc + part
    o_ref[...] = acc


def _tc_final(d0, d1, d2, d3, s, q, cst8):
    n = d0.shape[0]
    vspec = pl.BlockSpec((n, _F), lambda i: (0, 0))
    return pl.pallas_call(
        _tc_final_body,
        grid=(1,),
        in_specs=[vspec] * 6 + [pl.BlockSpec(memory_space=pltpu.SMEM)],
        out_specs=pl.BlockSpec((n, _DSQ * _F), lambda i: (0, 0)),
        out_shape=jax.ShapeDtypeStruct((n, _DSQ * _F), jnp.float32),
    )(d0, d1, d2, d3, s, q, cst8)


def _sc_sheaf(tn, te, rowp, colp, nnzp):
    per_tile = nnzp // _NW
    nchunk = per_tile // _CH
    mesh = plsc.VectorSubcoreMesh(core_axis_name="c", subcore_axis_name="s")
    vec_t = jax.ShapeDtypeStruct((nnzp,), jnp.float32)

    @functools.partial(
        pl.kernel,
        mesh=mesh,
        compiler_params=pltpu.CompilerParams(needs_layout_passes=False,
                                             use_tc_tiling_on_sc=False),
        out_type=[vec_t] * 6,
        scratch_types=[
            pltpu.VMEM((per_tile,), jnp.int32),
            pltpu.VMEM((per_tile,), jnp.int32),
            pltpu.VMEM((_NBUF, _CH, _TBLW), jnp.float32),
            pltpu.VMEM((_NBUF, _CH, _TBLW), jnp.float32),
        ] + [pltpu.VMEM((per_tile,), jnp.float32)] * 6
          + [pltpu.SemaphoreType.DMA] * (2 * _NBUF),
    )
    def sck(tn_hbm, te_hbm, row_hbm, col_hbm,
            d0_hbm, d1_hbm, d2_hbm, d3_hbm, s_hbm, q_hbm,
            rbuf, cbuf, ngb, egb, b0, b1, b2, b3, bs, bq, *sems):
        obufs = (b0, b1, b2, b3, bs, bq)
        ohbms = (d0_hbm, d1_hbm, d2_hbm, d3_hbm, s_hbm, q_hbm)
        sem_n = sems[:_NBUF]
        sem_e = sems[_NBUF:]
        wid = lax.axis_index("s") * _NC + lax.axis_index("c")
        pltpu.sync_copy(row_hbm.at[pl.ds(wid * per_tile, per_tile)], rbuf)
        pltpu.sync_copy(col_hbm.at[pl.ds(wid * per_tile, per_tile)], cbuf)
        lanes = lax.iota(jnp.int32, _L)

        def fire(j, b):
            pltpu.async_copy(tn_hbm.at[rbuf.at[pl.ds(j * _CH, _CH)]],
                             ngb.at[b], sem_n[b])
            pltpu.async_copy(te_hbm.at[cbuf.at[pl.ds(j * _CH, _CH)]],
                             egb.at[b], sem_e[b])

        def drain(b):
            pltpu.make_async_copy(tn_hbm.at[rbuf.at[pl.ds(0, _CH)]],
                                  ngb.at[b], sem_n[b]).wait()
            pltpu.make_async_copy(te_hbm.at[cbuf.at[pl.ds(0, _CH)]],
                                  egb.at[b], sem_e[b]).wait()

        for b in range(_NBUF):
            fire(b, b)

        def compute(j, b):
            base = j * _CH
            nb = ngb.at[b]
            eb = egb.at[b]

            @plsc.parallel_loop(0, _CH // _L, 1, unroll=_CH // _L)
            def _grp(g):
                rows = lanes + (g * _L)
                off = base + g * _L

                def col(refv, k):
                    return plsc.load_gather(
                        refv, [rows, jnp.full((_L,), k, jnp.int32)])

                for k in range(6):
                    obufs[k][pl.ds(off, _L)] = col(nb, k) + col(eb, k)

        def round_body(jj, carry):
            j0 = jj * _NBUF
            for b in range(_NBUF):
                j = j0 + b
                drain(b)
                compute(j, b)
                jn = j + _NBUF

                @pl.when(jn < nchunk)
                def _():
                    fire(jn, b)
            return carry

        lax.fori_loop(0, nchunk // _NBUF, round_body, 0)
        obase = wid * per_tile
        for k in range(6):
            pltpu.sync_copy(obufs[k], ohbms[k].at[pl.ds(obase, per_tile)])

    return sck(tn, te, rowp, colp)


def kernel(x, e, hyperedge_index, ln_scale, ln_bias, W, b):
    n_nodes = x.shape[0] // _D
    n_he = e.shape[0] // _D
    nnz = hyperedge_index.shape[1]
    Ws = W * ln_scale[:, None]
    t = jnp.sum(Ws, axis=0)
    cb = ln_bias @ W + b
    wx = (jnp.zeros((_F, _TBLW), jnp.float32)
          .at[:, :_DSQ].set(Ws[:_F]).at[:, 4].set(1.0))
    we = (jnp.zeros((_F, _TBLW), jnp.float32)
          .at[:, :_DSQ].set(Ws[_F:]).at[:, 4].set(1.0))
    tn, te = _tc_tables(x, e, wx, we)

    grain = _NW * _CH
    nnzp = ((nnz + grain - 1) // grain) * grain
    pad = nnzp - nnz
    row = hyperedge_index[0]
    col = hyperedge_index[1]
    rowp = jnp.concatenate([row * 2, jnp.zeros((pad,), row.dtype)])
    colp = jnp.concatenate([col * 2, jnp.zeros((pad,), col.dtype)])
    rowp = rowp.astype(jnp.int32)
    colp = colp.astype(jnp.int32)

    d0, d1, d2, d3, s, q = _sc_sheaf(tn, te, rowp, colp, nnzp)
    cst8 = jnp.concatenate([t, cb])
    nr = nnzp // _F
    at2 = _tc_final(d0.reshape(nr, _F), d1.reshape(nr, _F),
                    d2.reshape(nr, _F), d3.reshape(nr, _F),
                    s.reshape(nr, _F), q.reshape(nr, _F), cst8)
    at = at2.reshape(-1)

    rf = row.astype(jnp.float32).reshape(nnz // _F, _F)
    cf = col.astype(jnp.float32).reshape(nnz // _F, _F)
    e4 = (jnp.arange(_DSQ * _F)[None, :] // _DSQ
          == jnp.arange(_F)[:, None]).astype(jnp.float32)
    i0, i1 = _tc_idx(rf, cf, e4)

    m = nnz * _DSQ
    idx = jnp.stack([i0.reshape(-1), i1.reshape(-1)])
    return idx, at[:m]

# --- scband reference (transcript-rebuilt; emitter-appended) ---
"""Pipeline reference for scband-sheaf-builder-general-67980742361299 (READ-ONLY COPY).

The authoritative reference and input builder live on the scoring server;
editing this copy changes nothing except your own understanding.
"""

import jax, jax.numpy as jnp
import numpy as np

D = 2            # args.heads
F = 128          # args.MLP_hidden
N_NODES = 10000
N_HE = 10000
NNZ = 160000


def setup_inputs(seed: int = 0) -> dict:
    key = jax.random.key(seed)
    k1, k2, k3, k4 = jax.random.split(key, 4)
    x = jax.random.normal(k1, (N_NODES * D, F), dtype=jnp.float32)
    e = jax.random.normal(k2, (N_HE * D, F), dtype=jnp.float32)
    hyperedge_index = jax.random.randint(k3, (2, NNZ), 0, N_NODES)
    # guarantee max node / hyperedge id is present so num_nodes/num_edges are exact
    hyperedge_index = hyperedge_index.at[0, 0].set(N_NODES - 1).at[1, 0].set(N_HE - 1)
    # MLP(num_layers=1, InputNorm=True, Normalization='ln'): LN(2F) then Linear(2F -> D*D)
    ln_scale = jnp.ones((2 * F,), dtype=jnp.float32)
    ln_bias = jnp.zeros((2 * F,), dtype=jnp.float32)
    W = jax.random.normal(k4, (2 * F, D * D), dtype=jnp.float32) * 0.05
    b = jnp.zeros((D * D,), dtype=jnp.float32)
    return {"x": x, "e": e, "hyperedge_index": hyperedge_index,
            "ln_scale": ln_scale, "ln_bias": ln_bias, "W": W, "b": b}


def _layernorm(h, scale, bias):
    mu = jnp.mean(h, axis=-1, keepdims=True)
    var = jnp.var(h, axis=-1, keepdims=True)
    return (h - mu) / jnp.sqrt(var + 1e-5) * scale + bias


def reference(x, e, hyperedge_index, ln_scale, ln_bias, W, b):
    num_nodes = x.shape[0] // D
    num_edges = e.shape[0] // D
    # x.view(num_nodes, d, f).mean(1)
    x = x.reshape(num_nodes, D, x.shape[-1]).mean(1)
    e = e.reshape(num_edges, D, e.shape[-1]).mean(1)
    row = hyperedge_index[0]
    col = hyperedge_index[1]
    # predict_blocks (MLP_var1): gather, concat, MLP, sigmoid
    xs = jnp.take(x, row, axis=0)
    es = jnp.take(e, col, axis=0)
    h_sheaf = jnp.concatenate((xs, es), axis=-1)
    h_sheaf = _layernorm(h_sheaf, ln_scale, ln_bias)
    h_sheaf = h_sheaf @ W + b
    h_sheaf = jax.nn.sigmoid(h_sheaf)
    # build expanded block index (Nd x Ed sparse pattern)
    d_range = jnp.arange(D)
    d_range_edges = jnp.tile(d_range, D).reshape(-1, 1)          # repeat(d)
    d_range_nodes = jnp.repeat(d_range, D).reshape(-1, 1)        # repeat_interleave(d)
    hei = hyperedge_index[:, None, :]                             # unsqueeze(1)
    h0 = (D * hei[0] + d_range_nodes)                             # [d*d, nnz]
    h0 = jnp.transpose(h0, (1, 0)).reshape(1, -1)
    h1 = (D * hei[1] + d_range_edges)
    h1 = jnp.transpose(h1, (1, 0)).reshape(1, -1)
    h_general_sheaf_index = jnp.concatenate((h0, h1), axis=0)
    h_general_sheaf_attributes = h_sheaf.reshape(-1)
    return h_general_sheaf_index, h_general_sheaf_attributes

if __name__ == "__main__":
    import jax
    _d = setup_inputs()
    print(jax.jit(kernel)(*tuple(_d.values())))

</pallas_src>

<mosaic_0001>
#map = affine_map<(d0, d1) -> (0, 0)>
#map1 = affine_map<(d0, d1) -> (0)>
module attributes {stable_mosaic.version = 14 : i64} {
  func.func @sck(%arg0: i32, %arg1: i32, %arg2: memref<20000x16xf32, #tpu.memory_space<hbm>>, %arg3: memref<20000x16xf32, #tpu.memory_space<hbm>>, %arg4: memref<163840xi32, #tpu.memory_space<hbm>>, %arg5: memref<163840xi32, #tpu.memory_space<hbm>>, %arg6: memref<163840xf32, #tpu.memory_space<hbm>>, %arg7: memref<163840xf32, #tpu.memory_space<hbm>>, %arg8: memref<163840xf32, #tpu.memory_space<hbm>>, %arg9: memref<163840xf32, #tpu.memory_space<hbm>>, %arg10: memref<163840xf32, #tpu.memory_space<hbm>>, %arg11: memref<163840xf32, #tpu.memory_space<hbm>>, %arg12: memref<5120xi32, #tpu.memory_space<vmem>>, %arg13: memref<5120xi32, #tpu.memory_space<vmem>>, %arg14: memref<8x128x16xf32, #tpu.memory_space<vmem>>, %arg15: memref<8x128x16xf32, #tpu.memory_space<vmem>>, %arg16: memref<5120xf32, #tpu.memory_space<vmem>>, %arg17: memref<5120xf32, #tpu.memory_space<vmem>>, %arg18: memref<5120xf32, #tpu.memory_space<vmem>>, %arg19: memref<5120xf32, #tpu.memory_space<vmem>>, %arg20: memref<5120xf32, #tpu.memory_space<vmem>>, %arg21: memref<5120xf32, #tpu.memory_space<vmem>>, %arg22: memref<!tpu.dma_semaphore, #tpu.memory_space<semaphore_mem>>, %arg23: memref<!tpu.dma_semaphore, #tpu.memory_space<semaphore_mem>>, %arg24: memref<!tpu.dma_semaphore, #tpu.memory_space<semaphore_mem>>, %arg25: memref<!tpu.dma_semaphore, #tpu.memory_space<semaphore_mem>>, %arg26: memref<!tpu.dma_semaphore, #tpu.memory_space<semaphore_mem>>, %arg27: memref<!tpu.dma_semaphore, #tpu.memory_space<semaphore_mem>>, %arg28: memref<!tpu.dma_semaphore, #tpu.memory_space<semaphore_mem>>, %arg29: memref<!tpu.dma_semaphore, #tpu.memory_space<semaphore_mem>>, %arg30: memref<!tpu.dma_semaphore, #tpu.memory_space<semaphore_mem>>, %arg31: memref<!tpu.dma_semaphore, #tpu.memory_space<semaphore_mem>>, %arg32: memref<!tpu.dma_semaphore, #tpu.memory_space<semaphore_mem>>, %arg33: memref<!tpu.dma_semaphore, #tpu.memory_space<semaphore_mem>>, %arg34: memref<!tpu.dma_semaphore, #tpu.memory_space<semaphore_mem>>, %arg35: memref<!tpu.dma_semaphore, #tpu.memory_space<semaphore_mem>>, %arg36: memref<!tpu.dma_semaphore, #tpu.memory_space<semaphore_mem>>, %arg37: memref<!tpu.dma_semaphore, #tpu.memory_space<semaphore_mem>>) attributes {dimension_semantics = [#tpu.dimension_semantics<core_parallel>, #tpu.dimension_semantics<subcore_parallel>], iteration_bounds = array<i64: 2, 16>, scalar_prefetch = 0 : i64, scratch_operands = 26 : i64, tpu.core_type = #tpu.core_type<sc_vector_subcore>, window_params = [{transform_indices = #map}, {transform_indices = #map}, {transform_indices = #map1}, {transform_indices = #map1}, {transform_indices = #map1}, {transform_indices = #map1}, {transform_indices = #map1}, {transform_indices = #map1}, {transform_indices = #map1}, {transform_indices = #map1}]} {
    %mul3A = arith.constant 2 : i32
    %mul3A_0 = arith.muli %arg1, %mul3A : i32
    %add3A = arith.addi %mul3A_0, %arg0 : i32
    %mul3A_1 = arith.constant 5120 : i32
    %mul3A_2 = arith.muli %add3A, %mul3A_1 : i32
    "tpu.region"() ({
      %run_scoped3A = tpu.sem_alloc : memref<!tpu.dma_semaphore, #tpu.memory_space<semaphore_mem>>
      %dma_start3A_171 = tpu.memref_slice %arg4[%mul3A_2] : memref<163840xi32, #tpu.memory_space<hbm>> -> memref<5120xi32, #tpu.memory_space<hbm>>
      %dma_start3A_172 = tpu.memref_slice %arg4[%mul3A_2] : memref<163840xi32, #tpu.memory_space<hbm>> -> memref<5120xi32, #tpu.memory_space<hbm>>
      tpu.enqueue_dma source(%dma_start3A_172 : memref<5120xi32, #tpu.memory_space<hbm>>) target(%arg12 : memref<5120xi32, #tpu.memory_space<vmem>>) target_semaphore(%run_scoped3A : memref<!tpu.dma_semaphore, #tpu.memory_space<semaphore_mem>>)
      %dma_wait3A = tpu.memref_slice %arg4[%mul3A_2] : memref<163840xi32, #tpu.memory_space<hbm>> -> memref<5120xi32, #tpu.memory_space<hbm>>
      %dma_wait3A_173 = tpu.memref_slice %arg4[%mul3A_2] : memref<163840xi32, #tpu.memory_space<hbm>> -> memref<5120xi32, #tpu.memory_space<hbm>>
      tpu.wait_dma2 semaphore(%run_scoped3A : memref<!tpu.dma_semaphore, #tpu.memory_space<semaphore_mem>>) src(%dma_wait3A_173 : memref<5120xi32, #tpu.memory_space<hbm>>) dst(%arg12 : memref<5120xi32, #tpu.memory_space<vmem>>)
      tpu.yield
    }) : () -> ()
    %mul3A_3 = arith.constant 5120 : i32
    %mul3A_4 = arith.muli %add3A, %mul3A_3 : i32
    "tpu.region"() ({
      %run_scoped3A = tpu.sem_alloc : memref<!tpu.dma_semaphore, #tpu.memory_space<semaphore_mem>>
      %dma_start3A_171 = tpu.memref_slice %arg5[%mul3A_4] : memref<163840xi32, #tpu.memory_space<hbm>> -> memref<5120xi32, #tpu.memory_space<hbm>>
      %dma_start3A_172 = tpu.memref_slice %arg5[%mul3A_4] : memref<163840xi32, #tpu.memory_space<hbm>> -> memref<5120xi32, #tpu.memory_space<hbm>>
      tpu.enqueue_dma source(%dma_start3A_172 : memref<5120xi32, #tpu.memory_space<hbm>>) target(%arg13 : memref<5120xi32, #tpu.memory_space<vmem>>) target_semaphore(%run_scoped3A : memref<!tpu.dma_semaphore, #tpu.memory_space<semaphore_mem>>)
      %dma_wait3A = tpu.memref_slice %arg5[%mul3A_4] : memref<163840xi32, #tpu.memory_space<hbm>> -> memref<5120xi32, #tpu.memory_space<hbm>>
      %dma_wait3A_173 = tpu.memref_slice %arg5[%mul3A_4] : memref<163840xi32, #tpu.memory_space<hbm>> -> memref<5120xi32, #tpu.memory_space<hbm>>
      tpu.wait_dma2 semaphore(%run_scoped3A : memref<!tpu.dma_semaphore, #tpu.memory_space<semaphore_mem>>) src(%dma_wait3A_173 : memref<5120xi32, #tpu.memory_space<hbm>>) dst(%arg13 : memref<5120xi32, #tpu.memory_space<vmem>>)
      tpu.yield
    }) : () -> ()
    %iota3A = tpu.iota {dimensions = array<i32: 0>} : vector<16xi32>
    %dma_start3A = arith.constant 0 : i32
    %dma_start3A_5 = arith.constant 0 : i32
    %dma_start3A_6 = arith.constant 0 : i32
    %dma_start3A_7 = tpu.memref_slice %arg14[%dma_start3A, %dma_start3A_5, %dma_start3A_6] : memref<8x128x16xf32, #tpu.memory_space<vmem>> -> memref<1x128x16xf32, #tpu.memory_space<vmem>>
    %dma_start3A_8 = tpu.memref_squeeze %dma_start3A_7 : memref<1x128x16xf32, #tpu.memory_space<vmem>> -> memref<128x16xf32, #tpu.memory_space<vmem>>
    %dma_start3A_9 = arith.constant 0 : i32
    %dma_start3A_10 = tpu.memref_slice %arg12[%dma_start3A_9] : memref<5120xi32, #tpu.memory_space<vmem>> -> memref<128xi32, #tpu.memory_space<vmem>>
    %dma_start3A_11 = arith.constant 0 : i32
    %dma_start3A_12 = arith.constant 0 : i32
    %dma_start3A_13 = tpu.memref_slice %arg2[%dma_start3A_11, %dma_start3A_12] : memref<20000x16xf32, #tpu.memory_space<hbm>> -> memref<20000x16xf32, #tpu.memory_space<hbm>>
    tpu.enqueue_indirect_dma source(%dma_start3A_13 : memref<20000x16xf32, #tpu.memory_space<hbm>>) target(%dma_start3A_8 : memref<128x16xf32, #tpu.memory_space<vmem>>) offsets(%dma_start3A_10 : memref<128xi32, #tpu.memory_space<vmem>>) semaphore(%arg22 : memref<!tpu.dma_semaphore, #tpu.memory_space<semaphore_mem>>)
    %dma_start3A_14 = arith.constant 0 : i32
    %dma_start3A_15 = arith.constant 0 : i32
    %dma_start3A_16 = arith.constant 0 : i32
    %dma_start3A_17 = tpu.memref_slice %arg15[%dma_start3A_14, %dma_start3A_15, %dma_start3A_16] : memref<8x128x16xf32, #tpu.memory_space<vmem>> -> memref<1x128x16xf32, #tpu.memory_space<vmem>>
    %dma_start3A_18 = tpu.memref_squeeze %dma_start3A_17 : memref<1x128x16xf32, #tpu.memory_space<vmem>> -> memref<128x16xf32, #tpu.memory_space<vmem>>
    %dma_start3A_19 = arith.constant 0 : i32
    %dma_start3A_20 = tpu.memref_slice %arg13[%dma_start3A_19] : memref<5120xi32, #tpu.memory_space<vmem>> -> memref<128xi32, #tpu.memory_space<vmem>>
    %dma_start3A_21 = arith.constant 0 : i32
    %dma_start3A_22 = arith.constant 0 : i32
    %dma_start3A_23 = tpu.memref_slice %arg3[%dma_start3A_21, %dma_start3A_22] : memref<20000x16xf32, #tpu.memory_space<hbm>> -> memref<20000x16xf32, #tpu.memory_space<hbm>>
    tpu.enqueue_indirect_dma source(%dma_start3A_23 : memref<20000x16xf32, #tpu.memory_space<hbm>>) target(%dma_start3A_18 : memref<128x16xf32, #tpu.memory_space<vmem>>) offsets(%dma_start3A_20 : memref<128xi32, #tpu.memory_space<vmem>>) semaphore(%arg30 : memref<!tpu.dma_semaphore, #tpu.memory_space<semaphore_mem>>)
    %dma_start3A_24 = arith.constant 1 : i32
    %dma_start3A_25 = arith.constant 0 : i32
    %dma_start3A_26 = arith.constant 0 : i32
    %dma_start3A_27 = tpu.memref_slice %arg14[%dma_start3A_24, %dma_start3A_25, %dma_start3A_26] : memref<8x128x16xf32, #tpu.memory_space<vmem>> -> memref<1x128x16xf32, #tpu.memory_space<vmem>>
    %dma_start3A_28 = tpu.memref_squeeze %dma_start3A_27 : memref<1x128x16xf32, #tpu.memory_space<vmem>> -> memref<128x16xf32, #tpu.memory_space<vmem>>
    %dma_start3A_29 = arith.constant 128 : i32
    %dma_start3A_30 = tpu.memref_slice %arg12[%dma_start3A_29] : memref<5120xi32, #tpu.memory_space<vmem>> -> memref<128xi32, #tpu.memory_space<vmem>>
    %dma_start3A_31 = arith.constant 0 : i32
    %dma_start3A_32 = arith.constant 0 : i32
    %dma_start3A_33 = tpu.memref_slice %arg2[%dma_start3A_31, %dma_start3A_32] : memref<20000x16xf32, #tpu.memory_space<hbm>> -> memref<20000x16xf32, #tpu.memory_space<hbm>>
    tpu.enqueue_indirect_dma source(%dma_start3A_33 : memref<20000x16xf32, #tpu.memory_space<hbm>>) target(%dma_start3A_28 : memref<128x16xf32, #tpu.memory_space<vmem>>) offsets(%dma_start3A_30 : memref<128xi32, #tpu.memory_space<vmem>>) semaphore(%arg23 : memref<!tpu.dma_semaphore, #tpu.memory_space<semaphore_mem>>)
    %dma_start3A_34 = arith.constant 1 : i32
    %dma_start3A_35 = arith.constant 0 : i32
    %dma_start3A_36 = arith.constant 0 : i32
    %dma_start3A_37 = tpu.memref_slice %arg15[%dma_start3A_34, %dma_start3A_35, %dma_start3A_36] : memref<8x128x16xf32, #tpu.memory_space<vmem>> -> memref<1x128x16xf32, #tpu.memory_space<vmem>>
    %dma_start3A_38 = tpu.memref_squeeze %dma_start3A_37 : memref<1x128x16xf32, #tpu.memory_space<vmem>> -> memref<128x16xf32, #tpu.memory_space<vmem>>
    %dma_start3A_39 = arith.constant 128 : i32
    %dma_start3A_40 = tpu.memref_slice %arg13[%dma_start3A_39] : memref<5120xi32, #tpu.memory_space<vmem>> -> memref<128xi32, #tpu.memory_space<vmem>>
    %dma_start3A_41 = arith.constant 0 : i32
    %dma_start3A_42 = arith.constant 0 : i32
    %dma_start3A_43 = tpu.memref_slice %arg3[%dma_start3A_41, %dma_start3A_42] : memref<20000x16xf32, #tpu.memory_space<hbm>> -> memref<20000x16xf32, #tpu.memory_space<hbm>>
    tpu.enqueue_indirect_dma source(%dma_start3A_43 : memref<20000x16xf32, #tpu.memory_space<hbm>>) target(%dma_start3A_38 : memref<128x16xf32, #tpu.memory_space<vmem>>) offsets(%dma_start3A_40 : memref<128xi32, #tpu.memory_space<vmem>>) semaphore(%arg31 : memref<!tpu.dma_semaphore, #tpu.memory_space<semaphore_mem>>)
    %dma_start3A_44 = arith.constant 2 : i32
    %dma_start3A_45 = arith.constant 0 : i32
    %dma_start3A_46 = arith.constant 0 : i32
    %dma_start3A_47 = tpu.memref_slice %arg14[%dma_start3A_44, %dma_start3A_45, %dma_start3A_46] : memref<8x128x16xf32, #tpu.memory_space<vmem>> -> memref<1x128x16xf32, #tpu.memory_space<vmem>>
    %dma_start3A_48 = tpu.memref_squeeze %dma_start3A_47 : memref<1x128x16xf32, #tpu.memory_space<vmem>> -> memref<128x16xf32, #tpu.memory_space<vmem>>
    %dma_start3A_49 = arith.constant 256 : i32
    %dma_start3A_50 = tpu.memref_slice %arg12[%dma_start3A_49] : memref<5120xi32, #tpu.memory_space<vmem>> -> memref<128xi32, #tpu.memory_space<vmem>>
    %dma_start3A_51 = arith.constant 0 : i32
    %dma_start3A_52 = arith.constant 0 : i32
    %dma_start3A_53 = tpu.memref_slice %arg2[%dma_start3A_51, %dma_start3A_52] : memref<20000x16xf32, #tpu.memory_space<hbm>> -> memref<20000x16xf32, #tpu.memory_space<hbm>>
    tpu.enqueue_indirect_dma source(%dma_start3A_53 : memref<20000x16xf32, #tpu.memory_space<hbm>>) target(%dma_start3A_48 : memref<128x16xf32, #tpu.memory_space<vmem>>) offsets(%dma_start3A_50 : memref<128xi32, #tpu.memory_space<vmem>>) semaphore(%arg24 : memref<!tpu.dma_semaphore, #tpu.memory_space<semaphore_mem>>)
    %dma_start3A_54 = arith.constant 2 : i32
    %dma_start3A_55 = arith.constant 0 : i32
    %dma_start3A_56 = arith.constant 0 : i32
    %dma_start3A_57 = tpu.memref_slice %arg15[%dma_start3A_54, %dma_start3A_55, %dma_start3A_56] : memref<8x128x16xf32, #tpu.memory_space<vmem>> -> memref<1x128x16xf32, #tpu.memory_space<vmem>>
    %dma_start3A_58 = tpu.memref_squeeze %dma_start3A_57 : memref<1x128x16xf32, #tpu.memory_space<vmem>> -> memref<128x16xf32, #tpu.memory_space<vmem>>
    %dma_start3A_59 = arith.constant 256 : i32
    %dma_start3A_60 = tpu.memref_slice %arg13[%dma_start3A_59] : memref<5120xi32, #tpu.memory_space<vmem>> -> memref<128xi32, #tpu.memory_space<vmem>>
    %dma_start3A_61 = arith.constant 0 : i32
    %dma_start3A_62 = arith.constant 0 : i32
    %dma_start3A_63 = tpu.memref_slice %arg3[%dma_start3A_61, %dma_start3A_62] : memref<20000x16xf32, #tpu.memory_space<hbm>> -> memref<20000x16xf32, #tpu.memory_space<hbm>>
    tpu.enqueue_indirect_dma source(%dma_start3A_63 : memref<20000x16xf32, #tpu.memory_space<hbm>>) target(%dma_start3A_58 : memref<128x16xf32, #tpu.memory_space<vmem>>) offsets(%dma_start3A_60 : memref<128xi32, #tpu.memory_space<vmem>>) semaphore(%arg32 : memref<!tpu.dma_semaphore, #tpu.memory_space<semaphore_mem>>)
    %dma_start3A_64 = arith.constant 3 : i32
    %dma_start3A_65 = arith.constant 0 : i32
    %dma_start3A_66 = arith.constant 0 : i32
    %dma_start3A_67 = tpu.memref_slice %arg14[%dma_start3A_64, %dma_start3A_65, %dma_start3A_66] : memref<8x128x16xf32, #tpu.memory_space<vmem>> -> memref<1x128x16xf32, #tpu.memory_space<vmem>>
    %dma_start3A_68 = tpu.memref_squeeze %dma_start3A_67 : memref<1x128x16xf32, #tpu.memory_space<vmem>> -> memref<128x16xf32, #tpu.memory_space<vmem>>
    %dma_start3A_69 = arith.constant 384 : i32
    %dma_start3A_70 = tpu.memref_slice %arg12[%dma_start3A_69] : memref<5120xi32, #tpu.memory_space<vmem>> -> memref<128xi32, #tpu.memory_space<vmem>>
    %dma_start3A_71 = arith.constant 0 : i32
    %dma_start3A_72 = arith.constant 0 : i32
    %dma_start3A_73 = tpu.memref_slice %arg2[%dma_start3A_71, %dma_start3A_72] : memref<20000x16xf32, #tpu.memory_space<hbm>> -> memref<20000x16xf32, #tpu.memory_space<hbm>>
    tpu.enqueue_indirect_dma source(%dma_start3A_73 : memref<20000x16xf32, #tpu.memory_space<hbm>>) target(%dma_start3A_68 : memref<128x16xf32, #tpu.memory_space<vmem>>) offsets(%dma_start3A_70 : memref<128xi32, #tpu.memory_space<vmem>>) semaphore(%arg25 : memref<!tpu.dma_semaphore, #tpu.memory_space<semaphore_mem>>)
    %dma_start3A_74 = arith.constant 3 : i32
    %dma_start3A_75 = arith.constant 0 : i32
    %dma_start3A_76 = arith.constant 0 : i32
    %dma_start3A_77 = tpu.memref_slice %arg15[%dma_start3A_74, %dma_start3A_75, %dma_start3A_76] : memref<8x128x16xf32, #tpu.memory_space<vmem>> -> memref<1x128x16xf32, #tpu.memory_space<vmem>>
    %dma_start3A_78 = tpu.memref_squeeze %dma_start3A_77 : memref<1x128x16xf32, #tpu.memory_space<vmem>> -> memref<128x16xf32, #tpu.memory_space<vmem>>
    %dma_start3A_79 = arith.constant 384 : i32
    %dma_start3A_80 = tpu.memref_slice %arg13[%dma_start3A_79] : memref<5120xi32, #tpu.memory_space<vmem>> -> memref<128xi32, #tpu.memory_space<vmem>>
    %dma_start3A_81 = arith.constant 0 : i32
    %dma_start3A_82 = arith.constant 0 : i32
    %dma_start3A_83 = tpu.memref_slice %arg3[%dma_start3A_81, %dma_start3A_82] : memref<20000x16xf32, #tpu.memory_space<hbm>> -> memref<20000x16xf32, #tpu.memory_space<hbm>>
    tpu.enqueue_indirect_dma source(%dma_start3A_83 : memref<20000x16xf32, #tpu.memory_space<hbm>>) target(%dma_start3A_78 : memref<128x16xf32, #tpu.memory_space<vmem>>) offsets(%dma_start3A_80 : memref<128xi32, #tpu.memory_space<vmem>>) semaphore(%arg33 : memref<!tpu.dma_semaphore, #tpu.memory_space<semaphore_mem>>)
    %dma_start3A_84 = arith.constant 4 : i32
    %dma_start3A_85 = arith.constant 0 : i32
    %dma_start3A_86 = arith.constant 0 : i32
    %dma_start3A_87 = tpu.memref_slice %arg14[%dma_start3A_84, %dma_start3A_85, %dma_start3A_86] : memref<8x128x16xf32, #tpu.memory_space<vmem>> -> memref<1x128x16xf32, #tpu.memory_space<vmem>>
    %dma_start3A_88 = tpu.memref_squeeze %dma_start3A_87 : memref<1x128x16xf32, #tpu.memory_space<vmem>> -> memref<128x16xf32, #tpu.memory_space<vmem>>
    %dma_start3A_89 = arith.constant 512 : i32
    %dma_start3A_90 = tpu.memref_slice %arg12[%dma_start3A_89] : memref<5120xi32, #tpu.memory_space<vmem>> -> memref<128xi32, #tpu.memory_space<vmem>>
    %dma_start3A_91 = arith.constant 0 : i32
    %dma_start3A_92 = arith.constant 0 : i32
    %dma_start3A_93 = tpu.memref_slice %arg2[%dma_start3A_91, %dma_start3A_92] : memref<20000x16xf32, #tpu.memory_space<hbm>> -> memref<20000x16xf32, #tpu.memory_space<hbm>>
    tpu.enqueue_indirect_dma source(%dma_start3A_93 : memref<20000x16xf32, #tpu.memory_space<hbm>>) target(%dma_start3A_88 : memref<128x16xf32, #tpu.memory_space<vmem>>) offsets(%dma_start3A_90 : memref<128xi32, #tpu.memory_space<vmem>>) semaphore(%arg26 : memref<!tpu.dma_semaphore, #tpu.memory_space<semaphore_mem>>)
    %dma_start3A_94 = arith.constant 4 : i32
    %dma_start3A_95 = arith.constant 0 : i32
    %dma_start3A_96 = arith.constant 0 : i32
    %dma_start3A_97 = tpu.memref_slice %arg15[%dma_start3A_94, %dma_start3A_95, %dma_start3A_96] : memref<8x128x16xf32, #tpu.memory_space<vmem>> -> memref<1x128x16xf32, #tpu.memory_space<vmem>>
    %dma_start3A_98 = tpu.memref_squeeze %dma_start3A_97 : memref<1x128x16xf32, #tpu.memory_space<vmem>> -> memref<128x16xf32, #tpu.memory_space<vmem>>
    %dma_start3A_99 = arith.constant 512 : i32
    %dma_start3A_100 = tpu.memref_slice %arg13[%dma_start3A_99] : memref<5120xi32, #tpu.memory_space<vmem>> -> memref<128xi32, #tpu.memory_space<vmem>>
    %dma_start3A_101 = arith.constant 0 : i32
    %dma_start3A_102 = arith.constant 0 : i32
    %dma_start3A_103 = tpu.memref_slice %arg3[%dma_start3A_101, %dma_start3A_102] : memref<20000x16xf32, #tpu.memory_space<hbm>> -> memref<20000x16xf32, #tpu.memory_space<hbm>>
    tpu.enqueue_indirect_dma source(%dma_start3A_103 : memref<20000x16xf32, #tpu.memory_space<hbm>>) target(%dma_start3A_98 : memref<128x16xf32, #tpu.memory_space<vmem>>) offsets(%dma_start3A_100 : memref<128xi32, #tpu.memory_space<vmem>>) semaphore(%arg34 : memref<!tpu.dma_semaphore, #tpu.memory_space<semaphore_mem>>)
    %dma_start3A_104 = arith.constant 5 : i32
    %dma_start3A_105 = arith.constant 0 : i32
    %dma_start3A_106 = arith.constant 0 : i32
    %dma_start3A_107 = tpu.memref_slice %arg14[%dma_start3A_104, %dma_start3A_105, %dma_start3A_106] : memref<8x128x16xf32, #tpu.memory_space<vmem>> -> memref<1x128x16xf32, #tpu.memory_space<vmem>>
    %dma_start3A_108 = tpu.memref_squeeze %dma_start3A_107 : memref<1x128x16xf32, #tpu.memory_space<vmem>> -> memref<128x16xf32, #tpu.memory_space<vmem>>
    %dma_start3A_109 = arith.constant 640 : i32
    %dma_start3A_110 = tpu.memref_slice %arg12[%dma_start3A_109] : memref<5120xi32, #tpu.memory_space<vmem>> -> memref<128xi32, #tpu.memory_space<vmem>>
    %dma_start3A_111 = arith.constant 0 : i32
    %dma_start3A_112 = arith.constant 0 : i32
    %dma_start3A_113 = tpu.memref_slice %arg2[%dma_start3A_111, %dma_start3A_112] : memref<20000x16xf32, #tpu.memory_space<hbm>> -> memref<20000x16xf32, #tpu.memory_space<hbm>>
    tpu.enqueue_indirect_dma source(%dma_start3A_113 : memref<20000x16xf32, #tpu.memory_space<hbm>>) target(%dma_start3A_108 : memref<128x16xf32, #tpu.memory_space<vmem>>) offsets(%dma_start3A_110 : memref<128xi32, #tpu.memory_space<vmem>>) semaphore(%arg27 : memref<!tpu.dma_semaphore, #tpu.memory_space<semaphore_mem>>)
    %dma_start3A_114 = arith.constant 5 : i32
    %dma_start3A_115 = arith.constant 0 : i32
    %dma_start3A_116 = arith.constant 0 : i32
    %dma_start3A_117 = tpu.memref_slice %arg15[%dma_start3A_114, %dma_start3A_115, %dma_start3A_116] : memref<8x128x16xf32, #tpu.memory_space<vmem>> -> memref<1x128x16xf32, #tpu.memory_space<vmem>>
    %dma_start3A_118 = tpu.memref_squeeze %dma_start3A_117 : memref<1x128x16xf32, #tpu.memory_space<vmem>> -> memref<128x16xf32, #tpu.memory_space<vmem>>
    %dma_start3A_119 = arith.constant 640 : i32
    %dma_start3A_120 = tpu.memref_slice %arg13[%dma_start3A_119] : memref<5120xi32, #tpu.memory_space<vmem>> -> memref<128xi32, #tpu.memory_space<vmem>>
    %dma_start3A_121 = arith.constant 0 : i32
    %dma_start3A_122 = arith.constant 0 : i32
    %dma_start3A_123 = tpu.memref_slice %arg3[%dma_start3A_121, %dma_start3A_122] : memref<20000x16xf32, #tpu.memory_space<hbm>> -> memref<20000x16xf32, #tpu.memory_space<hbm>>
    tpu.enqueue_indirect_dma source(%dma_start3A_123 : memref<20000x16xf32, #tpu.memory_space<hbm>>) target(%dma_start3A_118 : memref<128x16xf32, #tpu.memory_space<vmem>>) offsets(%dma_start3A_120 : memref<128xi32, #tpu.memory_space<vmem>>) semaphore(%arg35 : memref<!tpu.dma_semaphore, #tpu.memory_space<semaphore_mem>>)
    %dma_start3A_124 = arith.constant 6 : i32
    %dma_start3A_125 = arith.constant 0 : i32
    %dma_start3A_126 = arith.constant 0 : i32
    %dma_start3A_127 = tpu.memref_slice %arg14[%dma_start3A_124, %dma_start3A_125, %dma_start3A_126] : memref<8x128x16xf32, #tpu.memory_space<vmem>> -> memref<1x128x16xf32, #tpu.memory_space<vmem>>
    %dma_start3A_128 = tpu.memref_squeeze %dma_start3A_127 : memref<1x128x16xf32, #tpu.memory_space<vmem>> -> memref<128x16xf32, #tpu.memory_space<vmem>>
    %dma_start3A_129 = arith.constant 768 : i32
    %dma_start3A_130 = tpu.memref_slice %arg12[%dma_start3A_129] : memref<5120xi32, #tpu.memory_space<vmem>> -> memref<128xi32, #tpu.memory_space<vmem>>
    %dma_start3A_131 = arith.constant 0 : i32
    %dma_start3A_132 = arith.constant 0 : i32
    %dma_start3A_133 = tpu.memref_slice %arg2[%dma_start3A_131, %dma_start3A_132] : memref<20000x16xf32, #tpu.memory_space<hbm>> -> memref<20000x16xf32, #tpu.memory_space<hbm>>
    tpu.enqueue_indirect_dma source(%dma_start3A_133 : memref<20000x16xf32, #tpu.memory_space<hbm>>) target(%dma_start3A_128 : memref<128x16xf32, #tpu.memory_space<vmem>>) offsets(%dma_start3A_130 : memref<128xi32, #tpu.memory_space<vmem>>) semaphore(%arg28 : memref<!tpu.dma_semaphore, #tpu.memory_space<semaphore_mem>>)
    %dma_start3A_134 = arith.constant 6 : i32
    %dma_start3A_135 = arith.constant 0 : i32
    %dma_start3A_136 = arith.constant 0 : i32
    %dma_start3A_137 = tpu.memref_slice %arg15[%dma_start3A_134, %dma_start3A_135, %dma_start3A_136] : memref<8x128x16xf32, #tpu.memory_space<vmem>> -> memref<1x128x16xf32, #tpu.memory_space<vmem>>
    %dma_start3A_138 = tpu.memref_squeeze %dma_start3A_137 : memref<1x128x16xf32, #tpu.memory_space<vmem>> -> memref<128x16xf32, #tpu.memory_space<vmem>>
    %dma_start3A_139 = arith.constant 768 : i32
    %dma_start3A_140 = tpu.memref_slice %arg13[%dma_start3A_139] : memref<5120xi32, #tpu.memory_space<vmem>> -> memref<128xi32, #tpu.memory_space<vmem>>
    %dma_start3A_141 = arith.constant 0 : i32
    %dma_start3A_142 = arith.constant 0 : i32
    %dma_start3A_143 = tpu.memref_slice %arg3[%dma_start3A_141, %dma_start3A_142] : memref<20000x16xf32, #tpu.memory_space<hbm>> -> memref<20000x16xf32, #tpu.memory_space<hbm>>
    tpu.enqueue_indirect_dma source(%dma_start3A_143 : memref<20000x16xf32, #tpu.memory_space<hbm>>) target(%dma_start3A_138 : memref<128x16xf32, #tpu.memory_space<vmem>>) offsets(%dma_start3A_140 : memref<128xi32, #tpu.memory_space<vmem>>) semaphore(%arg36 : memref<!tpu.dma_semaphore, #tpu.memory_space<semaphore_mem>>)
    %dma_start3A_144 = arith.constant 7 : i32
    %dma_start3A_145 = arith.constant 0 : i32
    %dma_start3A_146 = arith.constant 0 : i32
    %dma_start3A_147 = tpu.memref_slice %arg14[%dma_start3A_144, %dma_start3A_145, %dma_start3A_146] : memref<8x128x16xf32, #tpu.memory_space<vmem>> -> memref<1x128x16xf32, #tpu.memory_space<vmem>>
    %dma_start3A_148 = tpu.memref_squeeze %dma_start3A_147 : memref<1x128x16xf32, #tpu.memory_space<vmem>> -> memref<128x16xf32, #tpu.memory_space<vmem>>
    %dma_start3A_149 = arith.constant 896 : i32
    %dma_start3A_150 = tpu.memref_slice %arg12[%dma_start3A_149] : memref<5120xi32, #tpu.memory_space<vmem>> -> memref<128xi32, #tpu.memory_space<vmem>>
    %dma_start3A_151 = arith.constant 0 : i32
    %dma_start3A_152 = arith.constant 0 : i32
    %dma_start3A_153 = tpu.memref_slice %arg2[%dma_start3A_151, %dma_start3A_152] : memref<20000x16xf32, #tpu.memory_space<hbm>> -> memref<20000x16xf32, #tpu.memory_space<hbm>>
    tpu.enqueue_indirect_dma source(%dma_start3A_153 : memref<20000x16xf32, #tpu.memory_space<hbm>>) target(%dma_start3A_148 : memref<128x16xf32, #tpu.memory_space<vmem>>) offsets(%dma_start3A_150 : memref<128xi32, #tpu.memory_space<vmem>>) semaphore(%arg29 : memref<!tpu.dma_semaphore, #tpu.memory_space<semaphore_mem>>)
    %dma_start3A_154 = arith.constant 7 : i32
    %dma_start3A_155 = arith.constant 0 : i32
    %dma_start3A_156 = arith.constant 0 : i32
    %dma_start3A_157 = tpu.memref_slice %arg15[%dma_start3A_154, %dma_start3A_155, %dma_start3A_156] : memref<8x128x16xf32, #tpu.memory_space<vmem>> -> memref<1x128x16xf32, #tpu.memory_space<vmem>>
    %dma_start3A_158 = tpu.memref_squeeze %dma_start3A_157 : memref<1x128x16xf32, #tpu.memory_space<vmem>> -> memref<128x16xf32, #tpu.memory_space<vmem>>
    %dma_start3A_159 = arith.constant 896 : i32
    %dma_start3A_160 = tpu.memref_slice %arg13[%dma_start3A_159] : memref<5120xi32, #tpu.memory_space<vmem>> -> memref<128xi32, #tpu.memory_space<vmem>>
    %dma_start3A_161 = arith.constant 0 : i32
    %dma_start3A_162 = arith.constant 0 : i32
    %dma_start3A_163 = tpu.memref_slice %arg3[%dma_start3A_161, %dma_start3A_162] : memref<20000x16xf32, #tpu.memory_space<hbm>> -> memref<20000x16xf32, #tpu.memory_space<hbm>>
    tpu.enqueue_indirect_dma source(%dma_start3A_163 : memref<20000x16xf32, #tpu.memory_space<hbm>>) target(%dma_start3A_158 : memref<128x16xf32, #tpu.memory_space<vmem>>) offsets(%dma_start3A_160 : memref<128xi32, #tpu.memory_space<vmem>>) semaphore(%arg37 : memref<!tpu.dma_semaphore, #tpu.memory_space<semaphore_mem>>)
    %scan3A = arith.constant 0 : i32
    %scan3A_164 = arith.constant 0 : i32
    %scan3A_165 = arith.constant 5 : i32
    %scan3A_166 = arith.addi %scan3A_164, %scan3A_165 : i32
    %scan3A_167 = arith.constant 1 : i32
    scf.for %scan3A_171 = %scan3A_164 to %scan3A_166 step %scan3A_167  : i32 {
      %mul3A_172 = arith.constant 8 : i32
      %mul3A_173 = arith.muli %scan3A_171, %mul3A_172 : i32
      %add3A_174 = arith.constant 0 : i32
      %add3A_175 = arith.addi %mul3A_173, %add3A_174 : i32
      %dma_wait3A = arith.constant 0 : i32
      %dma_wait3A_176 = arith.constant 0 : i32
      %dma_wait3A_177 = arith.constant 0 : i32
      %dma_wait3A_178 = tpu.memref_slice %arg14[%dma_wait3A, %dma_wait3A_176, %dma_wait3A_177] : memref<8x128x16xf32, #tpu.memory_space<vmem>> -> memref<1x128x16xf32, #tpu.memory_space<vmem>>
      %dma_wait3A_179 = tpu.memref_squeeze %dma_wait3A_178 : memref<1x128x16xf32, #tpu.memory_space<vmem>> -> memref<128x16xf32, #tpu.memory_space<vmem>>
      %dma_wait3A_180 = arith.constant 0 : i32
      %dma_wait3A_181 = tpu.memref_slice %arg12[%dma_wait3A_180] : memref<5120xi32, #tpu.memory_space<vmem>> -> memref<128xi32, #tpu.memory_space<vmem>>
      %dma_wait3A_182 = arith.constant 0 : i32
      %dma_wait3A_183 = arith.constant 0 : i32
      %dma_wait3A_184 = tpu.memref_slice %arg2[%dma_wait3A_182, %dma_wait3A_183] : memref<20000x16xf32, #tpu.memory_space<hbm>> -> memref<20000x16xf32, #tpu.memory_space<hbm>>
      tpu.wait_indirect_dma semaphore(%arg22 : memref<!tpu.dma_semaphore, #tpu.memory_space<semaphore_mem>>) src(%dma_wait3A_184 : memref<20000x16xf32, #tpu.memory_space<hbm>>) dst(%dma_wait3A_179 : memref<128x16xf32, #tpu.memory_space<vmem>>)
      %dma_wait3A_185 = arith.constant 0 : i32
      %dma_wait3A_186 = arith.constant 0 : i32
      %dma_wait3A_187 = arith.constant 0 : i32
      %dma_wait3A_188 = tpu.memref_slice %arg15[%dma_wait3A_185, %dma_wait3A_186, %dma_wait3A_187] : memref<8x128x16xf32, #tpu.memory_space<vmem>> -> memref<1x128x16xf32, #tpu.memory_space<vmem>>
      %dma_wait3A_189 = tpu.memref_squeeze %dma_wait3A_188 : memref<1x128x16xf32, #tpu.memory_space<vmem>> -> memref<128x16xf32, #tpu.memory_space<vmem>>
      %dma_wait3A_190 = arith.constant 0 : i32
      %dma_wait3A_191 = tpu.memref_slice %arg13[%dma_wait3A_190] : memref<5120xi32, #tpu.memory_space<vmem>> -> memref<128xi32, #tpu.memory_space<vmem>>
      %dma_wait3A_192 = arith.constant 0 : i32
      %dma_wait3A_193 = arith.constant 0 : i32
      %dma_wait3A_194 = tpu.memref_slice %arg3[%dma_wait3A_192, %dma_wait3A_193] : memref<20000x16xf32, #tpu.memory_space<hbm>> -> memref<20000x16xf32, #tpu.memory_space<hbm>>
      tpu.wait_indirect_dma semaphore(%arg30 : memref<!tpu.dma_semaphore, #tpu.memory_space<semaphore_mem>>) src(%dma_wait3A_194 : memref<20000x16xf32, #tpu.memory_space<hbm>>) dst(%dma_wait3A_189 : memref<128x16xf32, #tpu.memory_space<vmem>>)
      %mul3A_195 = arith.constant 128 : i32
      %mul3A_196 = arith.muli %add3A_175, %mul3A_195 : i32
      %parallel_loop3A = arith.constant 0 : i32
      %parallel_loop3A_197 = arith.constant 8 : i32
      %parallel_loop3A_198 = arith.constant 1 : i32
      %parallel_loop3A_199 = arith.constant 0 : i32
      %parallel_loop3A_200 = arith.constant 0 : i32
      scf.for %parallel_loop3A_457 = %parallel_loop3A to %parallel_loop3A_197 step %parallel_loop3A_198  : i32 {
        %parallel_loop3A_458 = arith.constant 16 : i32
        %parallel_loop3A_459 = arith.muli %parallel_loop3A_457, %parallel_loop3A_458 : i32
        %parallel_loop3A_460 = vector.broadcast %parallel_loop3A_459 : i32 to vector<16xi32>
        %parallel_loop3A_461 = arith.addi %iota3A, %parallel_loop3A_460 : vector<16xi32>
        %parallel_loop3A_462 = arith.constant 16 : i32
        %parallel_loop3A_463 = arith.muli %parallel_loop3A_457, %parallel_loop3A_462 : i32
        %parallel_loop3A_464 = arith.addi %mul3A_196, %parallel_loop3A_463 : i32
        %parallel_loop3A_465 = arith.constant 0 : i32
        %parallel_loop3A_466 = vector.broadcast %parallel_loop3A_465 : i32 to vector<16xi32>
        %parallel_loop3A_467 = arith.constant 0 : i32
        %parallel_loop3A_468 = arith.constant 0 : i32
        %parallel_loop3A_469 = tpu.memref_slice %arg14[%parallel_loop3A_199, %parallel_loop3A_467, %parallel_loop3A_468] : memref<8x128x16xf32, #tpu.memory_space<vmem>> -> memref<1x128x16xf32, #tpu.memory_space<vmem>>
        %parallel_loop3A_470 = tpu.memref_squeeze %parallel_loop3A_469 : memref<1x128x16xf32, #tpu.memory_space<vmem>> -> memref<128x16xf32, #tpu.memory_space<vmem>>
        %parallel_loop3A_471 = tpu.vector_load_idx %parallel_loop3A_470[%parallel_loop3A_461, %parallel_loop3A_466] : memref<128x16xf32, #tpu.memory_space<vmem>>[vector<16xi32>, vector<16xi32>], vector<16xf32>,
        %parallel_loop3A_472 = arith.constant 0 : i32
        %parallel_loop3A_473 = vector.broadcast %parallel_loop3A_472 : i32 to vector<16xi32>
        %parallel_loop3A_474 = arith.constant 0 : i32
        %parallel_loop3A_475 = arith.constant 0 : i32
        %parallel_loop3A_476 = tpu.memref_slice %arg15[%parallel_loop3A_200, %parallel_loop3A_474, %parallel_loop3A_475] : memref<8x128x16xf32, #tpu.memory_space<vmem>> -> memref<1x128x16xf32, #tpu.memory_space<vmem>>
        %parallel_loop3A_477 = tpu.memref_squeeze %parallel_loop3A_476 : memref<1x128x16xf32, #tpu.memory_space<vmem>> -> memref<128x16xf32, #tpu.memory_space<vmem>>
        %parallel_loop3A_478 = tpu.vector_load_idx %parallel_loop3A_477[%parallel_loop3A_461, %parallel_loop3A_473] : memref<128x16xf32, #tpu.memory_space<vmem>>[vector<16xi32>, vector<16xi32>], vector<16xf32>,
        %parallel_loop3A_479 = arith.addf %parallel_loop3A_471, %parallel_loop3A_478 : vector<16xf32>
        %parallel_loop3A_480 = arith.index_cast %parallel_loop3A_464 : i32 to index
        %parallel_loop3A_481 = tpu.vector_load %arg16[%parallel_loop3A_480] {strides = array<i32>} : memref<5120xf32, #tpu.memory_space<vmem>>, vector<16xf32>,
        tpu.vector_store %arg16[%parallel_loop3A_480], %parallel_loop3A_479 {strides = array<i32>} : memref<5120xf32, #tpu.memory_space<vmem>>, vector<16xf32>,
        %parallel_loop3A_482 = arith.constant 1 : i32
        %parallel_loop3A_483 = vector.broadcast %parallel_loop3A_482 : i32 to vector<16xi32>
        %parallel_loop3A_484 = arith.constant 0 : i32
        %parallel_loop3A_485 = arith.constant 0 : i32
        %parallel_loop3A_486 = tpu.memref_slice %arg14[%parallel_loop3A_199, %parallel_loop3A_484, %parallel_loop3A_485] : memref<8x128x16xf32, #tpu.memory_space<vmem>> -> memref<1x128x16xf32, #tpu.memory_space<vmem>>
        %parallel_loop3A_487 = tpu.memref_squeeze %parallel_loop3A_486 : memref<1x128x16xf32, #tpu.memory_space<vmem>> -> memref<128x16xf32, #tpu.memory_space<vmem>>
        %parallel_loop3A_488 = tpu.vector_load_idx %parallel_loop3A_487[%parallel_loop3A_461, %parallel_loop3A_483] : memref<128x16xf32, #tpu.memory_space<vmem>>[vector<16xi32>, vector<16xi32>], vector<16xf32>,
        %parallel_loop3A_489 = arith.constant 1 : i32
        %parallel_loop3A_490 = vector.broadcast %parallel_loop3A_489 : i32 to vector<16xi32>
        %parallel_loop3A_491 = arith.constant 0 : i32
        %parallel_loop3A_492 = arith.constant 0 : i32
        %parallel_loop3A_493 = tpu.memref_slice %arg15[%parallel_loop3A_200, %parallel_loop3A_491, %parallel_loop3A_492] : memref<8x128x16xf32, #tpu.memory_space<vmem>> -> memref<1x128x16xf32, #tpu.memory_space<vmem>>
        %parallel_loop3A_494 = tpu.memref_squeeze %parallel_loop3A_493 : memref<1x128x16xf32, #tpu.memory_space<vmem>> -> memref<128x16xf32, #tpu.memory_space<vmem>>
        %parallel_loop3A_495 = tpu.vector_load_idx %parallel_loop3A_494[%parallel_loop3A_461, %parallel_loop3A_490] : memref<128x16xf32, #tpu.memory_space<vmem>>[vector<16xi32>, vector<16xi32>], vector<16xf32>,
        %parallel_loop3A_496 = arith.addf %parallel_loop3A_488, %parallel_loop3A_495 : vector<16xf32>
        %parallel_loop3A_497 = arith.index_cast %parallel_loop3A_464 : i32 to index
        %parallel_loop3A_498 = tpu.vector_load %arg17[%parallel_loop3A_497] {strides = array<i32>} : memref<5120xf32, #tpu.memory_space<vmem>>, vector<16xf32>,
        tpu.vector_store %arg17[%parallel_loop3A_497], %parallel_loop3A_496 {strides = array<i32>} : memref<5120xf32, #tpu.memory_space<vmem>>, vector<16xf32>,
        %parallel_loop3A_499 = arith.constant 2 : i32
        %parallel_loop3A_500 = vector.broadcast %parallel_loop3A_499 : i32 to vector<16xi32>
        %parallel_loop3A_501 = arith.constant 0 : i32
        %parallel_loop3A_502 = arith.constant 0 : i32
        %parallel_loop3A_503 = tpu.memref_slice %arg14[%parallel_loop3A_199, %parallel_loop3A_501, %parallel_loop3A_502] : memref<8x128x16xf32, #tpu.memory_space<vmem>> -> memref<1x128x16xf32, #tpu.memory_space<vmem>>
        %parallel_loop3A_504 = tpu.memref_squeeze %parallel_loop3A_503 : memref<1x128x16xf32, #tpu.memory_space<vmem>> -> memref<128x16xf32, #tpu.memory_space<vmem>>
        %parallel_loop3A_505 = tpu.vector_load_idx %parallel_loop3A_504[%parallel_loop3A_461, %parallel_loop3A_500] : memref<128x16xf32, #tpu.memory_space<vmem>>[vector<16xi32>, vector<16xi32>], vector<16xf32>,
        %parallel_loop3A_506 = arith.constant 2 : i32
        %parallel_loop3A_507 = vector.broadcast %parallel_loop3A_506 : i32 to vector<16xi32>
        %parallel_loop3A_508 = arith.constant 0 : i32
        %parallel_loop3A_509 = arith.constant 0 : i32
        %parallel_loop3A_510 = tpu.memref_slice %arg15[%parallel_loop3A_200, %parallel_loop3A_508, %parallel_loop3A_509] : memref<8x128x16xf32, #tpu.memory_space<vmem>> -> memref<1x128x16xf32, #tpu.memory_space<vmem>>
        %parallel_loop3A_511 = tpu.memref_squeeze %parallel_loop3A_510 : memref<1x128x16xf32, #tpu.memory_space<vmem>> -> memref<128x16xf32, #tpu.memory_space<vmem>>
        %parallel_loop3A_512 = tpu.vector_load_idx %parallel_loop3A_511[%parallel_loop3A_461, %parallel_loop3A_507] : memref<128x16xf32, #tpu.memory_space<vmem>>[vector<16xi32>, vector<16xi32>], vector<16xf32>,
        %parallel_loop3A_513 = arith.addf %parallel_loop3A_505, %parallel_loop3A_512 : vector<16xf32>
        %parallel_loop3A_514 = arith.index_cast %parallel_loop3A_464 : i32 to index
        %parallel_loop3A_515 = tpu.vector_load %arg18[%parallel_loop3A_514] {strides = array<i32>} : memref<5120xf32, #tpu.memory_space<vmem>>, vector<16xf32>,
        tpu.vector_store %arg18[%parallel_loop3A_514], %parallel_loop3A_513 {strides = array<i32>} : memref<5120xf32, #tpu.memory_space<vmem>>, vector<16xf32>,
        %parallel_loop3A_516 = arith.constant 3 : i32
        %parallel_loop3A_517 = vector.broadcast %parallel_loop3A_516 : i32 to vector<16xi32>
        %parallel_loop3A_518 = arith.constant 0 : i32
        %parallel_loop3A_519 = arith.constant 0 : i32
        %parallel_loop3A_520 = tpu.memref_slice %arg14[%parallel_loop3A_199, %parallel_loop3A_518, %parallel_loop3A_519] : memref<8x128x16xf32, #tpu.memory_space<vmem>> -> memref<1x128x16xf32, #tpu.memory_space<vmem>>
        %parallel_loop3A_521 = tpu.memref_squeeze %parallel_loop3A_520 : memref<1x128x16xf32, #tpu.memory_space<vmem>> -> memref<128x16xf32, #tpu.memory_space<vmem>>
        %parallel_loop3A_522 = tpu.vector_load_idx %parallel_loop3A_521[%parallel_loop3A_461, %parallel_loop3A_517] : memref<128x16xf32, #tpu.memory_space<vmem>>[vector<16xi32>, vector<16xi32>], vector<16xf32>,
        %parallel_loop3A_523 = arith.constant 3 : i32
        %parallel_loop3A_524 = vector.broadcast %parallel_loop3A_523 : i32 to vector<16xi32>
        %parallel_loop3A_525 = arith.constant 0 : i32
        %parallel_loop3A_526 = arith.constant 0 : i32
        %parallel_loop3A_527 = tpu.memref_slice %arg15[%parallel_loop3A_200, %parallel_loop3A_525, %parallel_loop3A_526] : memref<8x128x16xf32, #tpu.memory_space<vmem>> -> memref<1x128x16xf32, #tpu.memory_space<vmem>>
        %parallel_loop3A_528 = tpu.memref_squeeze %parallel_loop3A_527 : memref<1x128x16xf32, #tpu.memory_space<vmem>> -> memref<128x16xf32, #tpu.memory_space<vmem>>
        %parallel_loop3A_529 = tpu.vector_load_idx %parallel_loop3A_528[%parallel_loop3A_461, %parallel_loop3A_524] : memref<128x16xf32, #tpu.memory_space<vmem>>[vector<16xi32>, vector<16xi32>], vector<16xf32>,
        %parallel_loop3A_530 = arith.addf %parallel_loop3A_522, %parallel_loop3A_529 : vector<16xf32>
        %parallel_loop3A_531 = arith.index_cast %parallel_loop3A_464 : i32 to index
        %parallel_loop3A_532 = tpu.vector_load %arg19[%parallel_loop3A_531] {strides = array<i32>} : memref<5120xf32, #tpu.memory_space<vmem>>, vector<16xf32>,
        tpu.vector_store %arg19[%parallel_loop3A_531], %parallel_loop3A_530 {strides = array<i32>} : memref<5120xf32, #tpu.memory_space<vmem>>, vector<16xf32>,
        %parallel_loop3A_533 = arith.constant 4 : i32
        %parallel_loop3A_534 = vector.broadcast %parallel_loop3A_533 : i32 to vector<16xi32>
        %parallel_loop3A_535 = arith.constant 0 : i32
        %parallel_loop3A_536 = arith.constant 0 : i32
        %parallel_loop3A_537 = tpu.memref_slice %arg14[%parallel_loop3A_199, %parallel_loop3A_535, %parallel_loop3A_536] : memref<8x128x16xf32, #tpu.memory_space<vmem>> -> memref<1x128x16xf32, #tpu.memory_space<vmem>>
        %parallel_loop3A_538 = tpu.memref_squeeze %parallel_loop3A_537 : memref<1x128x16xf32, #tpu.memory_space<vmem>> -> memref<128x16xf32, #tpu.memory_space<vmem>>
        %parallel_loop3A_539 = tpu.vector_load_idx %parallel_loop3A_538[%parallel_loop3A_461, %parallel_loop3A_534] : memref<128x16xf32, #tpu.memory_space<vmem>>[vector<16xi32>, vector<16xi32>], vector<16xf32>,
        %parallel_loop3A_540 = arith.constant 4 : i32
        %parallel_loop3A_541 = vector.broadcast %parallel_loop3A_540 : i32 to vector<16xi32>
        %parallel_loop3A_542 = arith.constant 0 : i32
        %parallel_loop3A_543 = arith.constant 0 : i32
        %parallel_loop3A_544 = tpu.memref_slice %arg15[%parallel_loop3A_200, %parallel_loop3A_542, %parallel_loop3A_543] : memref<8x128x16xf32, #tpu.memory_space<vmem>> -> memref<1x128x16xf32, #tpu.memory_space<vmem>>
        %parallel_loop3A_545 = tpu.memref_squeeze %parallel_loop3A_544 : memref<1x128x16xf32, #tpu.memory_space<vmem>> -> memref<128x16xf32, #tpu.memory_space<vmem>>
        %parallel_loop3A_546 = tpu.vector_load_idx %parallel_loop3A_545[%parallel_loop3A_461, %parallel_loop3A_541] : memref<128x16xf32, #tpu.memory_space<vmem>>[vector<16xi32>, vector<16xi32>], vector<16xf32>,
        %parallel_loop3A_547 = arith.addf %parallel_loop3A_539, %parallel_loop3A_546 : vector<16xf32>
        %parallel_loop3A_548 = arith.index_cast %parallel_loop3A_464 : i32 to index
        %parallel_loop3A_549 = tpu.vector_load %arg20[%parallel_loop3A_548] {strides = array<i32>} : memref<5120xf32, #tpu.memory_space<vmem>>, vector<16xf32>,
        tpu.vector_store %arg20[%parallel_loop3A_548], %parallel_loop3A_547 {strides = array<i32>} : memref<5120xf32, #tpu.memory_space<vmem>>, vector<16xf32>,
        %parallel_loop3A_550 = arith.constant 5 : i32
        %parallel_loop3A_551 = vector.broadcast %parallel_loop3A_550 : i32 to vector<16xi32>
        %parallel_loop3A_552 = arith.constant 0 : i32
        %parallel_loop3A_553 = arith.constant 0 : i32
        %parallel_loop3A_554 = tpu.memref_slice %arg14[%parallel_loop3A_199, %parallel_loop3A_552, %parallel_loop3A_553] : memref<8x128x16xf32, #tpu.memory_space<vmem>> -> memref<1x128x16xf32, #tpu.memory_space<vmem>>
        %parallel_loop3A_555 = tpu.memref_squeeze %parallel_loop3A_554 : memref<1x128x16xf32, #tpu.memory_space<vmem>> -> memref<128x16xf32, #tpu.memory_space<vmem>>
        %parallel_loop3A_556 = tpu.vector_load_idx %parallel_loop3A_555[%parallel_loop3A_461, %parallel_loop3A_551] : memref<128x16xf32, #tpu.memory_space<vmem>>[vector<16xi32>, vector<16xi32>], vector<16xf32>,
        %parallel_loop3A_557 = arith.constant 5 : i32
        %parallel_loop3A_558 = vector.broadcast %parallel_loop3A_557 : i32 to vector<16xi32>
        %parallel_loop3A_559 = arith.constant 0 : i32
        %parallel_loop3A_560 = arith.constant 0 : i32
        %parallel_loop3A_561 = tpu.memref_slice %arg15[%parallel_loop3A_200, %parallel_loop3A_559, %parallel_loop3A_560] : memref<8x128x16xf32, #tpu.memory_space<vmem>> -> memref<1x128x16xf32, #tpu.memory_space<vmem>>
        %parallel_loop3A_562 = tpu.memref_squeeze %parallel_loop3A_561 : memref<1x128x16xf32, #tpu.memory_space<vmem>> -> memref<128x16xf32, #tpu.memory_space<vmem>>
        %parallel_loop3A_563 = tpu.vector_load_idx %parallel_loop3A_562[%parallel_loop3A_461, %parallel_loop3A_558] : memref<128x16xf32, #tpu.memory_space<vmem>>[vector<16xi32>, vector<16xi32>], vector<16xf32>,
        %parallel_loop3A_564 = arith.addf %parallel_loop3A_556, %parallel_loop3A_563 : vector<16xf32>
        %parallel_loop3A_565 = arith.index_cast %parallel_loop3A_464 : i32 to index
        %parallel_loop3A_566 = tpu.vector_load %arg21[%parallel_loop3A_565] {strides = array<i32>} : memref<5120xf32, #tpu.memory_space<vmem>>, vector<16xf32>,
        tpu.vector_store %arg21[%parallel_loop3A_565], %parallel_loop3A_564 {strides = array<i32>} : memref<5120xf32, #tpu.memory_space<vmem>>, vector<16xf32>,
      } {sc.loop_unroll_factor = 8 : i64, sc.parallel_access}
      %add3A_201 = arith.constant 8 : i32
      %add3A_202 = arith.addi %add3A_175, %add3A_201 : i32
      %lt3A = arith.constant 40 : i32
      %lt3A_203 = arith.cmpi slt, %add3A_202, %lt3A : i32
      %convert_element_type3A = arith.extui %lt3A_203 : i1 to i32
      %cond3A = arith.constant 0 : i32
      %cond3A_204 = arith.cmpi ne, %convert_element_type3A, %cond3A : i32
      scf.if %cond3A_204 {
        %mul3A_457 = arith.constant 128 : i32
        %mul3A_458 = arith.muli %add3A_202, %mul3A_457 : i32
        %dma_start3A_459 = arith.constant 0 : i32
        %dma_start3A_460 = arith.constant 0 : i32
        %dma_start3A_461 = arith.constant 0 : i32
        %dma_start3A_462 = tpu.memref_slice %arg14[%dma_start3A_459, %dma_start3A_460, %dma_start3A_461] : memref<8x128x16xf32, #tpu.memory_space<vmem>> -> memref<1x128x16xf32, #tpu.memory_space<vmem>>
        %dma_start3A_463 = tpu.memref_squeeze %dma_start3A_462 : memref<1x128x16xf32, #tpu.memory_space<vmem>> -> memref<128x16xf32, #tpu.memory_space<vmem>>
        %dma_start3A_464 = tpu.memref_slice %arg12[%mul3A_458] : memref<5120xi32, #tpu.memory_space<vmem>> -> memref<128xi32, #tpu.memory_space<vmem>>
        %dma_start3A_465 = arith.constant 0 : i32
        %dma_start3A_466 = arith.constant 0 : i32
        %dma_start3A_467 = tpu.memref_slice %arg2[%dma_start3A_465, %dma_start3A_466] : memref<20000x16xf32, #tpu.memory_space<hbm>> -> memref<20000x16xf32, #tpu.memory_space<hbm>>
        tpu.enqueue_indirect_dma source(%dma_start3A_467 : memref<20000x16xf32, #tpu.memory_space<hbm>>) target(%dma_start3A_463 : memref<128x16xf32, #tpu.memory_space<vmem>>) offsets(%dma_start3A_464 : memref<128xi32, #tpu.memory_space<vmem>>) semaphore(%arg22 : memref<!tpu.dma_semaphore, #tpu.memory_space<semaphore_mem>>)
        %mul3A_468 = arith.constant 128 : i32
        %mul3A_469 = arith.muli %add3A_202, %mul3A_468 : i32
        %dma_start3A_470 = arith.constant 0 : i32
        %dma_start3A_471 = arith.constant 0 : i32
        %dma_start3A_472 = arith.constant 0 : i32
        %dma_start3A_473 = tpu.memref_slice %arg15[%dma_start3A_470, %dma_start3A_471, %dma_start3A_472] : memref<8x128x16xf32, #tpu.memory_space<vmem>> -> memref<1x128x16xf32, #tpu.memory_space<vmem>>
        %dma_start3A_474 = tpu.memref_squeeze %dma_start3A_473 : memref<1x128x16xf32, #tpu.memory_space<vmem>> -> memref<128x16xf32, #tpu.memory_space<vmem>>
        %dma_start3A_475 = tpu.memref_slice %arg13[%mul3A_469] : memref<5120xi32, #tpu.memory_space<vmem>> -> memref<128xi32, #tpu.memory_space<vmem>>
        %dma_start3A_476 = arith.constant 0 : i32
        %dma_start3A_477 = arith.constant 0 : i32
        %dma_start3A_478 = tpu.memref_slice %arg3[%dma_start3A_476, %dma_start3A_477] : memref<20000x16xf32, #tpu.memory_space<hbm>> -> memref<20000x16xf32, #tpu.memory_space<hbm>>
        tpu.enqueue_indirect_dma source(%dma_start3A_478 : memref<20000x16xf32, #tpu.memory_space<hbm>>) target(%dma_start3A_474 : memref<128x16xf32, #tpu.memory_space<vmem>>) offsets(%dma_start3A_475 : memref<128xi32, #tpu.memory_space<vmem>>) semaphore(%arg30 : memref<!tpu.dma_semaphore, #tpu.memory_space<semaphore_mem>>)
      } else {
      }
      %add3A_205 = arith.constant 1 : i32
      %add3A_206 = arith.addi %mul3A_173, %add3A_205 : i32
      %dma_wait3A_207 = arith.constant 1 : i32
      %dma_wait3A_208 = arith.constant 0 : i32
      %dma_wait3A_209 = arith.constant 0 : i32
      %dma_wait3A_210 = tpu.memref_slice %arg14[%dma_wait3A_207, %dma_wait3A_208, %dma_wait3A_209] : memref<8x128x16xf32, #tpu.memory_space<vmem>> -> memref<1x128x16xf32, #tpu.memory_space<vmem>>
      %dma_wait3A_211 = tpu.memref_squeeze %dma_wait3A_210 : memref<1x128x16xf32, #tpu.memory_space<vmem>> -> memref<128x16xf32, #tpu.memory_space<vmem>>
      %dma_wait3A_212 = arith.constant 0 : i32
      %dma_wait3A_213 = tpu.memref_slice %arg12[%dma_wait3A_212] : memref<5120xi32, #tpu.memory_space<vmem>> -> memref<128xi32, #tpu.memory_space<vmem>>
      %dma_wait3A_214 = arith.constant 0 : i32
      %dma_wait3A_215 = arith.constant 0 : i32
      %dma_wait3A_216 = tpu.memref_slice %arg2[%dma_wait3A_214, %dma_wait3A_215] : memref<20000x16xf32, #tpu.memory_space<hbm>> -> memref<20000x16xf32, #tpu.memory_space<hbm>>
      tpu.wait_indirect_dma semaphore(%arg23 : memref<!tpu.dma_semaphore, #tpu.memory_space<semaphore_mem>>) src(%dma_wait3A_216 : memref<20000x16xf32, #tpu.memory_space<hbm>>) dst(%dma_wait3A_211 : memref<128x16xf32, #tpu.memory_space<vmem>>)
      %dma_wait3A_217 = arith.constant 1 : i32
      %dma_wait3A_218 = arith.constant 0 : i32
      %dma_wait3A_219 = arith.constant 0 : i32
      %dma_wait3A_220 = tpu.memref_slice %arg15[%dma_wait3A_217, %dma_wait3A_218, %dma_wait3A_219] : memref<8x128x16xf32, #tpu.memory_space<vmem>> -> memref<1x128x16xf32, #tpu.memory_space<vmem>>
      %dma_wait3A_221 = tpu.memref_squeeze %dma_wait3A_220 : memref<1x128x16xf32, #tpu.memory_space<vmem>> -> memref<128x16xf32, #tpu.memory_space<vmem>>
      %dma_wait3A_222 = arith.constant 0 : i32
      %dma_wait3A_223 = tpu.memref_slice %arg13[%dma_wait3A_222] : memref<5120xi32, #tpu.memory_space<vmem>> -> memref<128xi32, #tpu.memory_space<vmem>>
      %dma_wait3A_224 = arith.constant 0 : i32
      %dma_wait3A_225 = arith.constant 0 : i32
      %dma_wait3A_226 = tpu.memref_slice %arg3[%dma_wait3A_224, %dma_wait3A_225] : memref<20000x16xf32, #tpu.memory_space<hbm>> -> memref<20000x16xf32, #tpu.memory_space<hbm>>
      tpu.wait_indirect_dma semaphore(%arg31 : memref<!tpu.dma_semaphore, #tpu.memory_space<semaphore_mem>>) src(%dma_wait3A_226 : memref<20000x16xf32, #tpu.memory_space<hbm>>) dst(%dma_wait3A_221 : memref<128x16xf32, #tpu.memory_space<vmem>>)
      %mul3A_227 = arith.constant 128 : i32
      %mul3A_228 = arith.muli %add3A_206, %mul3A_227 : i32
      %parallel_loop3A_229 = arith.constant 0 : i32
      %parallel_loop3A_230 = arith.constant 8 : i32
      %parallel_loop3A_231 = arith.constant 1 : i32
      %parallel_loop3A_232 = arith.constant 1 : i32
      %parallel_loop3A_233 = arith.constant 1 : i32
      scf.for %parallel_loop3A_457 = %parallel_loop3A_229 to %parallel_loop3A_230 step %parallel_loop3A_231  : i32 {
        %parallel_loop3A_458 = arith.constant 16 : i32
        %parallel_loop3A_459 = arith.muli %parallel_loop3A_457, %parallel_loop3A_458 : i32
        %parallel_loop3A_460 = vector.broadcast %parallel_loop3A_459 : i32 to vector<16xi32>
        %parallel_loop3A_461 = arith.addi %iota3A, %parallel_loop3A_460 : vector<16xi32>
        %parallel_loop3A_462 = arith.constant 16 : i32
        %parallel_loop3A_463 = arith.muli %parallel_loop3A_457, %parallel_loop3A_462 : i32
        %parallel_loop3A_464 = arith.addi %mul3A_228, %parallel_loop3A_463 : i32
        %parallel_loop3A_465 = arith.constant 0 : i32
        %parallel_loop3A_466 = vector.broadcast %parallel_loop3A_465 : i32 to vector<16xi32>
        %parallel_loop3A_467 = arith.constant 0 : i32
        %parallel_loop3A_468 = arith.constant 0 : i32
        %parallel_loop3A_469 = tpu.memref_slice %arg14[%parallel_loop3A_232, %parallel_loop3A_467, %parallel_loop3A_468] : memref<8x128x16xf32, #tpu.memory_space<vmem>> -> memref<1x128x16xf32, #tpu.memory_space<vmem>>
        %parallel_loop3A_470 = tpu.memref_squeeze %parallel_loop3A_469 : memref<1x128x16xf32, #tpu.memory_space<vmem>> -> memref<128x16xf32, #tpu.memory_space<vmem>>
        %parallel_loop3A_471 = tpu.vector_load_idx %parallel_loop3A_470[%parallel_loop3A_461, %parallel_loop3A_466] : memref<128x16xf32, #tpu.memory_space<vmem>>[vector<16xi32>, vector<16xi32>], vector<16xf32>,
        %parallel_loop3A_472 = arith.constant 0 : i32
        %parallel_loop3A_473 = vector.broadcast %parallel_loop3A_472 : i32 to vector<16xi32>
        %parallel_loop3A_474 = arith.constant 0 : i32
        %parallel_loop3A_475 = arith.constant 0 : i32
        %parallel_loop3A_476 = tpu.memref_slice %arg15[%parallel_loop3A_233, %parallel_loop3A_474, %parallel_loop3A_475] : memref<8x128x16xf32, #tpu.memory_space<vmem>> -> memref<1x128x16xf32, #tpu.memory_space<vmem>>
        %parallel_loop3A_477 = tpu.memref_squeeze %parallel_loop3A_476 : memref<1x128x16xf32, #tpu.memory_space<vmem>> -> memref<128x16xf32, #tpu.memory_space<vmem>>
        %parallel_loop3A_478 = tpu.vector_load_idx %parallel_loop3A_477[%parallel_loop3A_461, %parallel_loop3A_473] : memref<128x16xf32, #tpu.memory_space<vmem>>[vector<16xi32>, vector<16xi32>], vector<16xf32>,
        %parallel_loop3A_479 = arith.addf %parallel_loop3A_471, %parallel_loop3A_478 : vector<16xf32>
        %parallel_loop3A_480 = arith.index_cast %parallel_loop3A_464 : i32 to index
        %parallel_loop3A_481 = tpu.vector_load %arg16[%parallel_loop3A_480] {strides = array<i32>} : memref<5120xf32, #tpu.memory_space<vmem>>, vector<16xf32>,
        tpu.vector_store %arg16[%parallel_loop3A_480], %parallel_loop3A_479 {strides = array<i32>} : memref<5120xf32, #tpu.memory_space<vmem>>, vector<16xf32>,
        %parallel_loop3A_482 = arith.constant 1 : i32
        %parallel_loop3A_483 = vector.broadcast %parallel_loop3A_482 : i32 to vector<16xi32>
        %parallel_loop3A_484 = arith.constant 0 : i32
        %parallel_loop3A_485 = arith.constant 0 : i32
        %parallel_loop3A_486 = tpu.memref_slice %arg14[%parallel_loop3A_232, %parallel_loop3A_484, %parallel_loop3A_485] : memref<8x128x16xf32, #tpu.memory_space<vmem>> -> memref<1x128x16xf32, #tpu.memory_space<vmem>>
        %parallel_loop3A_487 = tpu.memref_squeeze %parallel_loop3A_486 : memref<1x128x16xf32, #tpu.memory_space<vmem>> -> memref<128x16xf32, #tpu.memory_space<vmem>>
        %parallel_loop3A_488 = tpu.vector_load_idx %parallel_loop3A_487[%parallel_loop3A_461, %parallel_loop3A_483] : memref<128x16xf32, #tpu.memory_space<vmem>>[vector<16xi32>, vector<16xi32>], vector<16xf32>,
        %parallel_loop3A_489 = arith.constant 1 : i32
        %parallel_loop3A_490 = vector.broadcast %parallel_loop3A_489 : i32 to vector<16xi32>
        %parallel_loop3A_491 = arith.constant 0 : i32
        %parallel_loop3A_492 = arith.constant 0 : i32
        %parallel_loop3A_493 = tpu.memref_slice %arg15[%parallel_loop3A_233, %parallel_loop3A_491, %parallel_loop3A_492] : memref<8x128x16xf32, #tpu.memory_space<vmem>> -> memref<1x128x16xf32, #tpu.memory_space<vmem>>
        %parallel_loop3A_494 = tpu.memref_squeeze %parallel_loop3A_493 : memref<1x128x16xf32, #tpu.memory_space<vmem>> -> memref<128x16xf32, #tpu.memory_space<vmem>>
        %parallel_loop3A_495 = tpu.vector_load_idx %parallel_loop3A_494[%parallel_loop3A_461, %parallel_loop3A_490] : memref<128x16xf32, #tpu.memory_space<vmem>>[vector<16xi32>, vector<16xi32>], vector<16xf32>,
        %parallel_loop3A_496 = arith.addf %parallel_loop3A_488, %parallel_loop3A_495 : vector<16xf32>
        %parallel_loop3A_497 = arith.index_cast %parallel_loop3A_464 : i32 to index
        %parallel_loop3A_498 = tpu.vector_load %arg17[%parallel_loop3A_497] {strides = array<i32>} : memref<5120xf32, #tpu.memory_space<vmem>>, vector<16xf32>,
        tpu.vector_store %arg17[%parallel_loop3A_497], %parallel_loop3A_496 {strides = array<i32>} : memref<5120xf32, #tpu.memory_space<vmem>>, vector<16xf32>,
        %parallel_loop3A_499 = arith.constant 2 : i32
        %parallel_loop3A_500 = vector.broadcast %parallel_loop3A_499 : i32 to vector<16xi32>
        %parallel_loop3A_501 = arith.constant 0 : i32
        %parallel_loop3A_502 = arith.constant 0 : i32
        %parallel_loop3A_503 = tpu.memref_slice %arg14[%parallel_loop3A_232, %parallel_loop3A_501, %parallel_loop3A_502] : memref<8x128x16xf32, #tpu.memory_space<vmem>> -> memref<1x128x16xf32, #tpu.memory_space<vmem>>
        %parallel_loop3A_504 = tpu.memref_squeeze %parallel_loop3A_503 : memref<1x128x16xf32, #tpu.memory_space<vmem>> -> memref<128x16xf32, #tpu.memory_space<vmem>>
        %parallel_loop3A_505 = tpu.vector_load_idx %parallel_loop3A_504[%parallel_loop3A_461, %parallel_loop3A_500] : memref<128x16xf32, #tpu.memory_space<vmem>>[vector<16xi32>, vector<16xi32>], vector<16xf32>,
        %parallel_loop3A_506 = arith.constant 2 : i32
        %parallel_loop3A_507 = vector.broadcast %parallel_loop3A_506 : i32 to vector<16xi32>
        %parallel_loop3A_508 = arith.constant 0 : i32
        %parallel_loop3A_509 = arith.constant 0 : i32
        %parallel_loop3A_510 = tpu.memref_slice %arg15[%parallel_loop3A_233, %parallel_loop3A_508, %parallel_loop3A_509] : memref<8x128x16xf32, #tpu.memory_space<vmem>> -> memref<1x128x16xf32, #tpu.memory_space<vmem>>
        %parallel_loop3A_511 = tpu.memref_squeeze %parallel_loop3A_510 : memref<1x128x16xf32, #tpu.memory_space<vmem>> -> memref<128x16xf32, #tpu.memory_space<vmem>>
        %parallel_loop3A_512 = tpu.vector_load_idx %parallel_loop3A_511[%parallel_loop3A_461, %parallel_loop3A_507] : memref<128x16xf32, #tpu.memory_space<vmem>>[vector<16xi32>, vector<16xi32>], vector<16xf32>,
        %parallel_loop3A_513 = arith.addf %parallel_loop3A_505, %parallel_loop3A_512 : vector<16xf32>
        %parallel_loop3A_514 = arith.index_cast %parallel_loop3A_464 : i32 to index
        %parallel_loop3A_515 = tpu.vector_load %arg18[%parallel_loop3A_514] {strides = array<i32>} : memref<5120xf32, #tpu.memory_space<vmem>>, vector<16xf32>,
        tpu.vector_store %arg18[%parallel_loop3A_514], %parallel_loop3A_513 {strides = array<i32>} : memref<5120xf32, #tpu.memory_space<vmem>>, vector<16xf32>,
        %parallel_loop3A_516 = arith.constant 3 : i32
        %parallel_loop3A_517 = vector.broadcast %parallel_loop3A_516 : i32 to vector<16xi32>
        %parallel_loop3A_518 = arith.constant 0 : i32
        %parallel_loop3A_519 = arith.constant 0 : i32
        %parallel_loop3A_520 = tpu.memref_slice %arg14[%parallel_loop3A_232, %parallel_loop3A_518, %parallel_loop3A_519] : memref<8x128x16xf32, #tpu.memory_space<vmem>> -> memref<1x128x16xf32, #tpu.memory_space<vmem>>
        %parallel_loop3A_521 = tpu.memref_squeeze %parallel_loop3A_520 : memref<1x128x16xf32, #tpu.memory_space<vmem>> -> memref<128x16xf32, #tpu.memory_space<vmem>>
        %parallel_loop3A_522 = tpu.vector_load_idx %parallel_loop3A_521[%parallel_loop3A_461, %parallel_loop3A_517] : memref<128x16xf32, #tpu.memory_space<vmem>>[vector<16xi32>, vector<16xi32>], vector<16xf32>,
        %parallel_loop3A_523 = arith.constant 3 : i32
        %parallel_loop3A_524 = vector.broadcast %parallel_loop3A_523 : i32 to vector<16xi32>
        %parallel_loop3A_525 = arith.constant 0 : i32
        %parallel_loop3A_526 = arith.constant 0 : i32
        %parallel_loop3A_527 = tpu.memref_slice %arg15[%parallel_loop3A_233, %parallel_loop3A_525, %parallel_loop3A_526] : memref<8x128x16xf32, #tpu.memory_space<vmem>> -> memref<1x128x16xf32, #tpu.memory_space<vmem>>
        %parallel_loop3A_528 = tpu.memref_squeeze %parallel_loop3A_527 : memref<1x128x16xf32, #tpu.memory_space<vmem>> -> memref<128x16xf32, #tpu.memory_space<vmem>>
        %parallel_loop3A_529 = tpu.vector_load_idx %parallel_loop3A_528[%parallel_loop3A_461, %parallel_loop3A_524] : memref<128x16xf32, #tpu.memory_space<vmem>>[vector<16xi32>, vector<16xi32>], vector<16xf32>,
        %parallel_loop3A_530 = arith.addf %parallel_loop3A_522, %parallel_loop3A_529 : vector<16xf32>
        %parallel_loop3A_531 = arith.index_cast %parallel_loop3A_464 : i32 to index
        %parallel_loop3A_532 = tpu.vector_load %arg19[%parallel_loop3A_531] {strides = array<i32>} : memref<5120xf32, #tpu.memory_space<vmem>>, vector<16xf32>,
        tpu.vector_store %arg19[%parallel_loop3A_531], %parallel_loop3A_530 {strides = array<i32>} : memref<5120xf32, #tpu.memory_space<vmem>>, vector<16xf32>,
        %parallel_loop3A_533 = arith.constant 4 : i32
        %parallel_loop3A_534 = vector.broadcast %parallel_loop3A_533 : i32 to vector<16xi32>
        %parallel_loop3A_535 = arith.constant 0 : i32
        %parallel_loop3A_536 = arith.constant 0 : i32
        %parallel_loop3A_537 = tpu.memref_slice %arg14[%parallel_loop3A_232, %parallel_loop3A_535, %parallel_loop3A_536] : memref<8x128x16xf32, #tpu.memory_space<vmem>> -> memref<1x128x16xf32, #tpu.memory_space<vmem>>
        %parallel_loop3A_538 = tpu.memref_squeeze %parallel_loop3A_537 : memref<1x128x16xf32, #tpu.memory_space<vmem>> -> memref<128x16xf32, #tpu.memory_space<vmem>>
        %parallel_loop3A_539 = tpu.vector_load_idx %parallel_loop3A_538[%parallel_loop3A_461, %parallel_loop3A_534] : memref<128x16xf32, #tpu.memory_space<vmem>>[vector<16xi32>, vector<16xi32>], vector<16xf32>,
        %parallel_loop3A_540 = arith.constant 4 : i32
        %parallel_loop3A_541 = vector.broadcast %parallel_loop3A_540 : i32 to vector<16xi32>
        %parallel_loop3A_542 = arith.constant 0 : i32
        %parallel_loop3A_543 = arith.constant 0 : i32
        %parallel_loop3A_544 = tpu.memref_slice %arg15[%parallel_loop3A_233, %parallel_loop3A_542, %parallel_loop3A_543] : memref<8x128x16xf32, #tpu.memory_space<vmem>> -> memref<1x128x16xf32, #tpu.memory_space<vmem>>
        %parallel_loop3A_545 = tpu.memref_squeeze %parallel_loop3A_544 : memref<1x128x16xf32, #tpu.memory_space<vmem>> -> memref<128x16xf32, #tpu.memory_space<vmem>>
        %parallel_loop3A_546 = tpu.vector_load_idx %parallel_loop3A_545[%parallel_loop3A_461, %parallel_loop3A_541] : memref<128x16xf32, #tpu.memory_space<vmem>>[vector<16xi32>, vector<16xi32>], vector<16xf32>,
        %parallel_loop3A_547 = arith.addf %parallel_loop3A_539, %parallel_loop3A_546 : vector<16xf32>
        %parallel_loop3A_548 = arith.index_cast %parallel_loop3A_464 : i32 to index
        %parallel_loop3A_549 = tpu.vector_load %arg20[%parallel_loop3A_548] {strides = array<i32>} : memref<5120xf32, #tpu.memory_space<vmem>>, vector<16xf32>,
        tpu.vector_store %arg20[%parallel_loop3A_548], %parallel_loop3A_547 {strides = array<i32>} : memref<5120xf32, #tpu.memory_space<vmem>>, vector<16xf32>,
        %parallel_loop3A_550 = arith.constant 5 : i32
        %parallel_loop3A_551 = vector.broadcast %parallel_loop3A_550 : i32 to vector<16xi32>
        %parallel_loop3A_552 = arith.constant 0 : i32
        %parallel_loop3A_553 = arith.constant 0 : i32
        %parallel_loop3A_554 = tpu.memref_slice %arg14[%parallel_loop3A_232, %parallel_loop3A_552, %parallel_loop3A_553] : memref<8x128x16xf32, #tpu.memory_space<vmem>> -> memref<1x128x16xf32, #tpu.memory_space<vmem>>
        %parallel_loop3A_555 = tpu.memref_squeeze %parallel_loop3A_554 : memref<1x128x16xf32, #tpu.memory_space<vmem>> -> memref<128x16xf32, #tpu.memory_space<vmem>>
        %parallel_loop3A_556 = tpu.vector_load_idx %parallel_loop3A_555[%parallel_loop3A_461, %parallel_loop3A_551] : memref<128x16xf32, #tpu.memory_space<vmem>>[vector<16xi32>, vector<16xi32>], vector<16xf32>,
        %parallel_loop3A_557 = arith.constant 5 : i32
        %parallel_loop3A_558 = vector.broadcast %parallel_loop3A_557 : i32 to vector<16xi32>
        %parallel_loop3A_559 = arith.constant 0 : i32
        %parallel_loop3A_560 = arith.constant 0 : i32
        %parallel_loop3A_561 = tpu.memref_slice %arg15[%parallel_loop3A_233, %parallel_loop3A_559, %parallel_loop3A_560] : memref<8x128x16xf32, #tpu.memory_space<vmem>> -> memref<1x128x16xf32, #tpu.memory_space<vmem>>
        %parallel_loop3A_562 = tpu.memref_squeeze %parallel_loop3A_561 : memref<1x128x16xf32, #tpu.memory_space<vmem>> -> memref<128x16xf32, #tpu.memory_space<vmem>>
        %parallel_loop3A_563 = tpu.vector_load_idx %parallel_loop3A_562[%parallel_loop3A_461, %parallel_loop3A_558] : memref<128x16xf32, #tpu.memory_space<vmem>>[vector<16xi32>, vector<16xi32>], vector<16xf32>,
        %parallel_loop3A_564 = arith.addf %parallel_loop3A_556, %parallel_loop3A_563 : vector<16xf32>
        %parallel_loop3A_565 = arith.index_cast %parallel_loop3A_464 : i32 to index
        %parallel_loop3A_566 = tpu.vector_load %arg21[%parallel_loop3A_565] {strides = array<i32>} : memref<5120xf32, #tpu.memory_space<vmem>>, vector<16xf32>,
        tpu.vector_store %arg21[%parallel_loop3A_565], %parallel_loop3A_564 {strides = array<i32>} : memref<5120xf32, #tpu.memory_space<vmem>>, vector<16xf32>,
      } {sc.loop_unroll_factor = 8 : i64, sc.parallel_access}
      %add3A_234 = arith.constant 8 : i32
      %add3A_235 = arith.addi %add3A_206, %add3A_234 : i32
      %lt3A_236 = arith.constant 40 : i32
      %lt3A_237 = arith.cmpi slt, %add3A_235, %lt3A_236 : i32
      %convert_element_type3A_238 = arith.extui %lt3A_237 : i1 to i32
      %cond3A_239 = arith.constant 0 : i32
      %cond3A_240 = arith.cmpi ne, %convert_element_type3A_238, %cond3A_239 : i32
      scf.if %cond3A_240 {
        %mul3A_457 = arith.constant 128 : i32
        %mul3A_458 = arith.muli %add3A_235, %mul3A_457 : i32
        %dma_start3A_459 = arith.constant 1 : i32
        %dma_start3A_460 = arith.constant 0 : i32
        %dma_start3A_461 = arith.constant 0 : i32
        %dma_start3A_462 = tpu.memref_slice %arg14[%dma_start3A_459, %dma_start3A_460, %dma_start3A_461] : memref<8x128x16xf32, #tpu.memory_space<vmem>> -> memref<1x128x16xf32, #tpu.memory_space<vmem>>
        %dma_start3A_463 = tpu.memref_squeeze %dma_start3A_462 : memref<1x128x16xf32, #tpu.memory_space<vmem>> -> memref<128x16xf32, #tpu.memory_space<vmem>>
        %dma_start3A_464 = tpu.memref_slice %arg12[%mul3A_458] : memref<5120xi32, #tpu.memory_space<vmem>> -> memref<128xi32, #tpu.memory_space<vmem>>
        %dma_start3A_465 = arith.constant 0 : i32
        %dma_start3A_466 = arith.constant 0 : i32
        %dma_start3A_467 = tpu.memref_slice %arg2[%dma_start3A_465, %dma_start3A_466] : memref<20000x16xf32, #tpu.memory_space<hbm>> -> memref<20000x16xf32, #tpu.memory_space<hbm>>
        tpu.enqueue_indirect_dma source(%dma_start3A_467 : memref<20000x16xf32, #tpu.memory_space<hbm>>) target(%dma_start3A_463 : memref<128x16xf32, #tpu.memory_space<vmem>>) offsets(%dma_start3A_464 : memref<128xi32, #tpu.memory_space<vmem>>) semaphore(%arg23 : memref<!tpu.dma_semaphore, #tpu.memory_space<semaphore_mem>>)
        %mul3A_468 = arith.constant 128 : i32
        %mul3A_469 = arith.muli %add3A_235, %mul3A_468 : i32
        %dma_start3A_470 = arith.constant 1 : i32
        %dma_start3A_471 = arith.constant 0 : i32
        %dma_start3A_472 = arith.constant 0 : i32
        %dma_start3A_473 = tpu.memref_slice %arg15[%dma_start3A_470, %dma_start3A_471, %dma_start3A_472] : memref<8x128x16xf32, #tpu.memory_space<vmem>> -> memref<1x128x16xf32, #tpu.memory_space<vmem>>
        %dma_start3A_474 = tpu.memref_squeeze %dma_start3A_473 : memref<1x128x16xf32, #tpu.memory_space<vmem>> -> memref<128x16xf32, #tpu.memory_space<vmem>>
        %dma_start3A_475 = tpu.memref_slice %arg13[%mul3A_469] : memref<5120xi32, #tpu.memory_space<vmem>> -> memref<128xi32, #tpu.memory_space<vmem>>
        %dma_start3A_476 = arith.constant 0 : i32
        %dma_start3A_477 = arith.constant 0 : i32
        %dma_start3A_478 = tpu.memref_slice %arg3[%dma_start3A_476, %dma_start3A_477] : memref<20000x16xf32, #tpu.memory_space<hbm>> -> memref<20000x16xf32, #tpu.memory_space<hbm>>
        tpu.enqueue_indirect_dma source(%dma_start3A_478 : memref<20000x16xf32, #tpu.memory_space<hbm>>) target(%dma_start3A_474 : memref<128x16xf32, #tpu.memory_space<vmem>>) offsets(%dma_start3A_475 : memref<128xi32, #tpu.memory_space<vmem>>) semaphore(%arg31 : memref<!tpu.dma_semaphore, #tpu.memory_space<semaphore_mem>>)
      } else {
      }
      %add3A_241 = arith.constant 2 : i32
      %add3A_242 = arith.addi %mul3A_173, %add3A_241 : i32
      %dma_wait3A_243 = arith.constant 2 : i32
      %dma_wait3A_244 = arith.constant 0 : i32
      %dma_wait3A_245 = arith.constant 0 : i32
      %dma_wait3A_246 = tpu.memref_slice %arg14[%dma_wait3A_243, %dma_wait3A_244, %dma_wait3A_245] : memref<8x128x16xf32, #tpu.memory_space<vmem>> -> memref<1x128x16xf32, #tpu.memory_space<vmem>>
      %dma_wait3A_247 = tpu.memref_squeeze %dma_wait3A_246 : memref<1x128x16xf32, #tpu.memory_space<vmem>> -> memref<128x16xf32, #tpu.memory_space<vmem>>
      %dma_wait3A_248 = arith.constant 0 : i32
      %dma_wait3A_249 = tpu.memref_slice %arg12[%dma_wait3A_248] : memref<5120xi32, #tpu.memory_space<vmem>> -> memref<128xi32, #tpu.memory_space<vmem>>
      %dma_wait3A_250 = arith.constant 0 : i32
      %dma_wait3A_251 = arith.constant 0 : i32
      %dma_wait3A_252 = tpu.memref_slice %arg2[%dma_wait3A_250, %dma_wait3A_251] : memref<20000x16xf32, #tpu.memory_space<hbm>> -> memref<20000x16xf32, #tpu.memory_space<hbm>>
      tpu.wait_indirect_dma semaphore(%arg24 : memref<!tpu.dma_semaphore, #tpu.memory_space<semaphore_mem>>) src(%dma_wait3A_252 : memref<20000x16xf32, #tpu.memory_space<hbm>>) dst(%dma_wait3A_247 : memref<128x16xf32, #tpu.memory_space<vmem>>)
      %dma_wait3A_253 = arith.constant 2 : i32
      %dma_wait3A_254 = arith.constant 0 : i32
      %dma_wait3A_255 = arith.constant 0 : i32
      %dma_wait3A_256 = tpu.memref_slice %arg15[%dma_wait3A_253, %dma_wait3A_254, %dma_wait3A_255] : memref<8x128x16xf32, #tpu.memory_space<vmem>> -> memref<1x128x16xf32, #tpu.memory_space<vmem>>
      %dma_wait3A_257 = tpu.memref_squeeze %dma_wait3A_256 : memref<1x128x16xf32, #tpu.memory_space<vmem>> -> memref<128x16xf32, #tpu.memory_space<vmem>>
      %dma_wait3A_258 = arith.constant 0 : i32
      %dma_wait3A_259 = tpu.memref_slice %arg13[%dma_wait3A_258] : memref<5120xi32, #tpu.memory_space<vmem>> -> memref<128xi32, #tpu.memory_space<vmem>>
      %dma_wait3A_260 = arith.constant 0 : i32
      %dma_wait3A_261 = arith.constant 0 : i32
      %dma_wait3A_262 = tpu.memref_slice %arg3[%dma_wait3A_260, %dma_wait3A_261] : memref<20000x16xf32, #tpu.memory_space<hbm>> -> memref<20000x16xf32, #tpu.memory_space<hbm>>
      tpu.wait_indirect_dma semaphore(%arg32 : memref<!tpu.dma_semaphore, #tpu.memory_space<semaphore_mem>>) src(%dma_wait3A_262 : memref<20000x16xf32, #tpu.memory_space<hbm>>) dst(%dma_wait3A_257 : memref<128x16xf32, #tpu.memory_space<vmem>>)
      %mul3A_263 = arith.constant 128 : i32
      %mul3A_264 = arith.muli %add3A_242, %mul3A_263 : i32
      %parallel_loop3A_265 = arith.constant 0 : i32
      %parallel_loop3A_266 = arith.constant 8 : i32
      %parallel_loop3A_267 = arith.constant 1 : i32
      %parallel_loop3A_268 = arith.constant 2 : i32
      %parallel_loop3A_269 = arith.constant 2 : i32
      scf.for %parallel_loop3A_457 = %parallel_loop3A_265 to %parallel_loop3A_266 step %parallel_loop3A_267  : i32 {
        %parallel_loop3A_458 = arith.constant 16 : i32
        %parallel_loop3A_459 = arith.muli %parallel_loop3A_457, %parallel_loop3A_458 : i32
        %parallel_loop3A_460 = vector.broadcast %parallel_loop3A_459 : i32 to vector<16xi32>
        %parallel_loop3A_461 = arith.addi %iota3A, %parallel_loop3A_460 : vector<16xi32>
        %parallel_loop3A_462 = arith.constant 16 : i32
        %parallel_loop3A_463 = arith.muli %parallel_loop3A_457, %parallel_loop3A_462 : i32
        %parallel_loop3A_464 = arith.addi %mul3A_264, %parallel_loop3A_463 : i32
        %parallel_loop3A_465 = arith.constant 0 : i32
        %parallel_loop3A_466 = vector.broadcast %parallel_loop3A_465 : i32 to vector<16xi32>
        %parallel_loop3A_467 = arith.constant 0 : i32
        %parallel_loop3A_468 = arith.constant 0 : i32
        %parallel_loop3A_469 = tpu.memref_slice %arg14[%parallel_loop3A_268, %parallel_loop3A_467, %parallel_loop3A_468] : memref<8x128x16xf32, #tpu.memory_space<vmem>> -> memref<1x128x16xf32, #tpu.memory_space<vmem>>
        %parallel_loop3A_470 = tpu.memref_squeeze %parallel_loop3A_469 : memref<1x128x16xf32, #tpu.memory_space<vmem>> -> memref<128x16xf32, #tpu.memory_space<vmem>>
        %parallel_loop3A_471 = tpu.vector_load_idx %parallel_loop3A_470[%parallel_loop3A_461, %parallel_loop3A_466] : memref<128x16xf32, #tpu.memory_space<vmem>>[vector<16xi32>, vector<16xi32>], vector<16xf32>,
        %parallel_loop3A_472 = arith.constant 0 : i32
        %parallel_loop3A_473 = vector.broadcast %parallel_loop3A_472 : i32 to vector<16xi32>
        %parallel_loop3A_474 = arith.constant 0 : i32
        %parallel_loop3A_475 = arith.constant 0 : i32
        %parallel_loop3A_476 = tpu.memref_slice %arg15[%parallel_loop3A_269, %parallel_loop3A_474, %parallel_loop3A_475] : memref<8x128x16xf32, #tpu.memory_space<vmem>> -> memref<1x128x16xf32, #tpu.memory_space<vmem>>
        %parallel_loop3A_477 = tpu.memref_squeeze %parallel_loop3A_476 : memref<1x128x16xf32, #tpu.memory_space<vmem>> -> memref<128x16xf32, #tpu.memory_space<vmem>>
        %parallel_loop3A_478 = tpu.vector_load_idx %parallel_loop3A_477[%parallel_loop3A_461, %parallel_loop3A_473] : memref<128x16xf32, #tpu.memory_space<vmem>>[vector<16xi32>, vector<16xi32>], vector<16xf32>,
        %parallel_loop3A_479 = arith.addf %parallel_loop3A_471, %parallel_loop3A_478 : vector<16xf32>
        %parallel_loop3A_480 = arith.index_cast %parallel_loop3A_464 : i32 to index
        %parallel_loop3A_481 = tpu.vector_load %arg16[%parallel_loop3A_480] {strides = array<i32>} : memref<5120xf32, #tpu.memory_space<vmem>>, vector<16xf32>,
        tpu.vector_store %arg16[%parallel_loop3A_480], %parallel_loop3A_479 {strides = array<i32>} : memref<5120xf32, #tpu.memory_space<vmem>>, vector<16xf32>,
        %parallel_loop3A_482 = arith.constant 1 : i32
        %parallel_loop3A_483 = vector.broadcast %parallel_loop3A_482 : i32 to vector<16xi32>
        %parallel_loop3A_484 = arith.constant 0 : i32
        %parallel_loop3A_485 = arith.constant 0 : i32
        %parallel_loop3A_486 = tpu.memref_slice %arg14[%parallel_loop3A_268, %parallel_loop3A_484, %parallel_loop3A_485] : memref<8x128x16xf32, #tpu.memory_space<vmem>> -> memref<1x128x16xf32, #tpu.memory_space<vmem>>
        %parallel_loop3A_487 = tpu.memref_squeeze %parallel_loop3A_486 : memref<1x128x16xf32, #tpu.memory_space<vmem>> -> memref<128x16xf32, #tpu.memory_space<vmem>>
        %parallel_loop3A_488 = tpu.vector_load_idx %parallel_loop3A_487[%parallel_loop3A_461, %parallel_loop3A_483] : memref<128x16xf32, #tpu.memory_space<vmem>>[vector<16xi32>, vector<16xi32>], vector<16xf32>,
        %parallel_loop3A_489 = arith.constant 1 : i32
        %parallel_loop3A_490 = vector.broadcast %parallel_loop3A_489 : i32 to vector<16xi32>
        %parallel_loop3A_491 = arith.constant 0 : i32
        %parallel_loop3A_492 = arith.constant 0 : i32
        %parallel_loop3A_493 = tpu.memref_slice %arg15[%parallel_loop3A_269, %parallel_loop3A_491, %parallel_loop3A_492] : memref<8x128x16xf32, #tpu.memory_space<vmem>> -> memref<1x128x16xf32, #tpu.memory_space<vmem>>
        %parallel_loop3A_494 = tpu.memref_squeeze %parallel_loop3A_493 : memref<1x128x16xf32, #tpu.memory_space<vmem>> -> memref<128x16xf32, #tpu.memory_space<vmem>>
        %parallel_loop3A_495 = tpu.vector_load_idx %parallel_loop3A_494[%parallel_loop3A_461, %parallel_loop3A_490] : memref<128x16xf32, #tpu.memory_space<vmem>>[vector<16xi32>, vector<16xi32>], vector<16xf32>,
        %parallel_loop3A_496 = arith.addf %parallel_loop3A_488, %parallel_loop3A_495 : vector<16xf32>
        %parallel_loop3A_497 = arith.index_cast %parallel_loop3A_464 : i32 to index
        %parallel_loop3A_498 = tpu.vector_load %arg17[%parallel_loop3A_497] {strides = array<i32>} : memref<5120xf32, #tpu.memory_space<vmem>>, vector<16xf32>,
        tpu.vector_store %arg17[%parallel_loop3A_497], %parallel_loop3A_496 {strides = array<i32>} : memref<5120xf32, #tpu.memory_space<vmem>>, vector<16xf32>,
        %parallel_loop3A_499 = arith.constant 2 : i32
        %parallel_loop3A_500 = vector.broadcast %parallel_loop3A_499 : i32 to vector<16xi32>
        %parallel_loop3A_501 = arith.constant 0 : i32
        %parallel_loop3A_502 = arith.constant 0 : i32
        %parallel_loop3A_503 = tpu.memref_slice %arg14[%parallel_loop3A_268, %parallel_loop3A_501, %parallel_loop3A_502] : memref<8x128x16xf32, #tpu.memory_space<vmem>> -> memref<1x128x16xf32, #tpu.memory_space<vmem>>
        %parallel_loop3A_504 = tpu.memref_squeeze %parallel_loop3A_503 : memref<1x128x16xf32, #tpu.memory_space<vmem>> -> memref<128x16xf32, #tpu.memory_space<vmem>>
        %parallel_loop3A_505 = tpu.vector_load_idx %parallel_loop3A_504[%parallel_loop3A_461, %parallel_loop3A_500] : memref<128x16xf32, #tpu.memory_space<vmem>>[vector<16xi32>, vector<16xi32>], vector<16xf32>,
        %parallel_loop3A_506 = arith.constant 2 : i32
        %parallel_loop3A_507 = vector.broadcast %parallel_loop3A_506 : i32 to vector<16xi32>
        %parallel_loop3A_508 = arith.constant 0 : i32
        %parallel_loop3A_509 = arith.constant 0 : i32
        %parallel_loop3A_510 = tpu.memref_slice %arg15[%parallel_loop3A_269, %parallel_loop3A_508, %parallel_loop3A_509] : memref<8x128x16xf32, #tpu.memory_space<vmem>> -> memref<1x128x16xf32, #tpu.memory_space<vmem>>
        %parallel_loop3A_511 = tpu.memref_squeeze %parallel_loop3A_510 : memref<1x128x16xf32, #tpu.memory_space<vmem>> -> memref<128x16xf32, #tpu.memory_space<vmem>>
        %parallel_loop3A_512 = tpu.vector_load_idx %parallel_loop3A_511[%parallel_loop3A_461, %parallel_loop3A_507] : memref<128x16xf32, #tpu.memory_space<vmem>>[vector<16xi32>, vector<16xi32>], vector<16xf32>,
        %parallel_loop3A_513 = arith.addf %parallel_loop3A_505, %parallel_loop3A_512 : vector<16xf32>
        %parallel_loop3A_514 = arith.index_cast %parallel_loop3A_464 : i32 to index
        %parallel_loop3A_515 = tpu.vector_load %arg18[%parallel_loop3A_514] {strides = array<i32>} : memref<5120xf32, #tpu.memory_space<vmem>>, vector<16xf32>,
        tpu.vector_store %arg18[%parallel_loop3A_514], %parallel_loop3A_513 {strides = array<i32>} : memref<5120xf32, #tpu.memory_space<vmem>>, vector<16xf32>,
        %parallel_loop3A_516 = arith.constant 3 : i32
        %parallel_loop3A_517 = vector.broadcast %parallel_loop3A_516 : i32 to vector<16xi32>
        %parallel_loop3A_518 = arith.constant 0 : i32
        %parallel_loop3A_519 = arith.constant 0 : i32
        %parallel_loop3A_520 = tpu.memref_slice %arg14[%parallel_loop3A_268, %parallel_loop3A_518, %parallel_loop3A_519] : memref<8x128x16xf32, #tpu.memory_space<vmem>> -> memref<1x128x16xf32, #tpu.memory_space<vmem>>
        %parallel_loop3A_521 = tpu.memref_squeeze %parallel_loop3A_520 : memref<1x128x16xf32, #tpu.memory_space<vmem>> -> memref<128x16xf32, #tpu.memory_space<vmem>>
        %parallel_loop3A_522 = tpu.vector_load_idx %parallel_loop3A_521[%parallel_loop3A_461, %parallel_loop3A_517] : memref<128x16xf32, #tpu.memory_space<vmem>>[vector<16xi32>, vector<16xi32>], vector<16xf32>,
        %parallel_loop3A_523 = arith.constant 3 : i32
        %parallel_loop3A_524 = vector.broadcast %parallel_loop3A_523 : i32 to vector<16xi32>
        %parallel_loop3A_525 = arith.constant 0 : i32
        %parallel_loop3A_526 = arith.constant 0 : i32
        %parallel_loop3A_527 = tpu.memref_slice %arg15[%parallel_loop3A_269, %parallel_loop3A_525, %parallel_loop3A_526] : memref<8x128x16xf32, #tpu.memory_space<vmem>> -> memref<1x128x16xf32, #tpu.memory_space<vmem>>
        %parallel_loop3A_528 = tpu.memref_squeeze %parallel_loop3A_527 : memref<1x128x16xf32, #tpu.memory_space<vmem>> -> memref<128x16xf32, #tpu.memory_space<vmem>>
        %parallel_loop3A_529 = tpu.vector_load_idx %parallel_loop3A_528[%parallel_loop3A_461, %parallel_loop3A_524] : memref<128x16xf32, #tpu.memory_space<vmem>>[vector<16xi32>, vector<16xi32>], vector<16xf32>,
        %parallel_loop3A_530 = arith.addf %parallel_loop3A_522, %parallel_loop3A_529 : vector<16xf32>
        %parallel_loop3A_531 = arith.index_cast %parallel_loop3A_464 : i32 to index
        %parallel_loop3A_532 = tpu.vector_load %arg19[%parallel_loop3A_531] {strides = array<i32>} : memref<5120xf32, #tpu.memory_space<vmem>>, vector<16xf32>,
        tpu.vector_store %arg19[%parallel_loop3A_531], %parallel_loop3A_530 {strides = array<i32>} : memref<5120xf32, #tpu.memory_space<vmem>>, vector<16xf32>,
        %parallel_loop3A_533 = arith.constant 4 : i32
        %parallel_loop3A_534 = vector.broadcast %parallel_loop3A_533 : i32 to vector<16xi32>
        %parallel_loop3A_535 = arith.constant 0 : i32
        %parallel_loop3A_536 = arith.constant 0 : i32
        %parallel_loop3A_537 = tpu.memref_slice %arg14[%parallel_loop3A_268, %parallel_loop3A_535, %parallel_loop3A_536] : memref<8x128x16xf32, #tpu.memory_space<vmem>> -> memref<1x128x16xf32, #tpu.memory_space<vmem>>
        %parallel_loop3A_538 = tpu.memref_squeeze %parallel_loop3A_537 : memref<1x128x16xf32, #tpu.memory_space<vmem>> -> memref<128x16xf32, #tpu.memory_space<vmem>>
        %parallel_loop3A_539 = tpu.vector_load_idx %parallel_loop3A_538[%parallel_loop3A_461, %parallel_loop3A_534] : memref<128x16xf32, #tpu.memory_space<vmem>>[vector<16xi32>, vector<16xi32>], vector<16xf32>,
        %parallel_loop3A_540 = arith.constant 4 : i32
        %parallel_loop3A_541 = vector.broadcast %parallel_loop3A_540 : i32 to vector<16xi32>
        %parallel_loop3A_542 = arith.constant 0 : i32
        %parallel_loop3A_543 = arith.constant 0 : i32
        %parallel_loop3A_544 = tpu.memref_slice %arg15[%parallel_loop3A_269, %parallel_loop3A_542, %parallel_loop3A_543] : memref<8x128x16xf32, #tpu.memory_space<vmem>> -> memref<1x128x16xf32, #tpu.memory_space<vmem>>
        %parallel_loop3A_545 = tpu.memref_squeeze %parallel_loop3A_544 : memref<1x128x16xf32, #tpu.memory_space<vmem>> -> memref<128x16xf32, #tpu.memory_space<vmem>>
        %parallel_loop3A_546 = tpu.vector_load_idx %parallel_loop3A_545[%parallel_loop3A_461, %parallel_loop3A_541] : memref<128x16xf32, #tpu.memory_space<vmem>>[vector<16xi32>, vector<16xi32>], vector<16xf32>,
        %parallel_loop3A_547 = arith.addf %parallel_loop3A_539, %parallel_loop3A_546 : vector<16xf32>
        %parallel_loop3A_548 = arith.index_cast %parallel_loop3A_464 : i32 to index
        %parallel_loop3A_549 = tpu.vector_load %arg20[%parallel_loop3A_548] {strides = array<i32>} : memref<5120xf32, #tpu.memory_space<vmem>>, vector<16xf32>,
        tpu.vector_store %arg20[%parallel_loop3A_548], %parallel_loop3A_547 {strides = array<i32>} : memref<5120xf32, #tpu.memory_space<vmem>>, vector<16xf32>,
        %parallel_loop3A_550 = arith.constant 5 : i32
        %parallel_loop3A_551 = vector.broadcast %parallel_loop3A_550 : i32 to vector<16xi32>
        %parallel_loop3A_552 = arith.constant 0 : i32
        %parallel_loop3A_553 = arith.constant 0 : i32
        %parallel_loop3A_554 = tpu.memref_slice %arg14[%parallel_loop3A_268, %parallel_loop3A_552, %parallel_loop3A_553] : memref<8x128x16xf32, #tpu.memory_space<vmem>> -> memref<1x128x16xf32, #tpu.memory_space<vmem>>
        %parallel_loop3A_555 = tpu.memref_squeeze %parallel_loop3A_554 : memref<1x128x16xf32, #tpu.memory_space<vmem>> -> memref<128x16xf32, #tpu.memory_space<vmem>>
        %parallel_loop3A_556 = tpu.vector_load_idx %parallel_loop3A_555[%parallel_loop3A_461, %parallel_loop3A_551] : memref<128x16xf32, #tpu.memory_space<vmem>>[vector<16xi32>, vector<16xi32>], vector<16xf32>,
        %parallel_loop3A_557 = arith.constant 5 : i32
        %parallel_loop3A_558 = vector.broadcast %parallel_loop3A_557 : i32 to vector<16xi32>
        %parallel_loop3A_559 = arith.constant 0 : i32
        %parallel_loop3A_560 = arith.constant 0 : i32
        %parallel_loop3A_561 = tpu.memref_slice %arg15[%parallel_loop3A_269, %parallel_loop3A_559, %parallel_loop3A_560] : memref<8x128x16xf32, #tpu.memory_space<vmem>> -> memref<1x128x16xf32, #tpu.memory_space<vmem>>
        %parallel_loop3A_562 = tpu.memref_squeeze %parallel_loop3A_561 : memref<1x128x16xf32, #tpu.memory_space<vmem>> -> memref<128x16xf32, #tpu.memory_space<vmem>>
        %parallel_loop3A_563 = tpu.vector_load_idx %parallel_loop3A_562[%parallel_loop3A_461, %parallel_loop3A_558] : memref<128x16xf32, #tpu.memory_space<vmem>>[vector<16xi32>, vector<16xi32>], vector<16xf32>,
        %parallel_loop3A_564 = arith.addf %parallel_loop3A_556, %parallel_loop3A_563 : vector<16xf32>
        %parallel_loop3A_565 = arith.index_cast %parallel_loop3A_464 : i32 to index
        %parallel_loop3A_566 = tpu.vector_load %arg21[%parallel_loop3A_565] {strides = array<i32>} : memref<5120xf32, #tpu.memory_space<vmem>>, vector<16xf32>,
        tpu.vector_store %arg21[%parallel_loop3A_565], %parallel_loop3A_564 {strides = array<i32>} : memref<5120xf32, #tpu.memory_space<vmem>>, vector<16xf32>,
      } {sc.loop_unroll_factor = 8 : i64, sc.parallel_access}
      %add3A_270 = arith.constant 8 : i32
      %add3A_271 = arith.addi %add3A_242, %add3A_270 : i32
      %lt3A_272 = arith.constant 40 : i32
      %lt3A_273 = arith.cmpi slt, %add3A_271, %lt3A_272 : i32
      %convert_element_type3A_274 = arith.extui %lt3A_273 : i1 to i32
      %cond3A_275 = arith.constant 0 : i32
      %cond3A_276 = arith.cmpi ne, %convert_element_type3A_274, %cond3A_275 : i32
      scf.if %cond3A_276 {
        %mul3A_457 = arith.constant 128 : i32
        %mul3A_458 = arith.muli %add3A_271, %mul3A_457 : i32
        %dma_start3A_459 = arith.constant 2 : i32
        %dma_start3A_460 = arith.constant 0 : i32
        %dma_start3A_461 = arith.constant 0 : i32
        %dma_start3A_462 = tpu.memref_slice %arg14[%dma_start3A_459, %dma_start3A_460, %dma_start3A_461] : memref<8x128x16xf32, #tpu.memory_space<vmem>> -> memref<1x128x16xf32, #tpu.memory_space<vmem>>
        %dma_start3A_463 = tpu.memref_squeeze %dma_start3A_462 : memref<1x128x16xf32, #tpu.memory_space<vmem>> -> memref<128x16xf32, #tpu.memory_space<vmem>>
        %dma_start3A_464 = tpu.memref_slice %arg12[%mul3A_458] : memref<5120xi32, #tpu.memory_space<vmem>> -> memref<128xi32, #tpu.memory_space<vmem>>
        %dma_start3A_465 = arith.constant 0 : i32
        %dma_start3A_466 = arith.constant 0 : i32
        %dma_start3A_467 = tpu.memref_slice %arg2[%dma_start3A_465, %dma_start3A_466] : memref<20000x16xf32, #tpu.memory_space<hbm>> -> memref<20000x16xf32, #tpu.memory_space<hbm>>
        tpu.enqueue_indirect_dma source(%dma_start3A_467 : memref<20000x16xf32, #tpu.memory_space<hbm>>) target(%dma_start3A_463 : memref<128x16xf32, #tpu.memory_space<vmem>>) offsets(%dma_start3A_464 : memref<128xi32, #tpu.memory_space<vmem>>) semaphore(%arg24 : memref<!tpu.dma_semaphore, #tpu.memory_space<semaphore_mem>>)
        %mul3A_468 = arith.constant 128 : i32
        %mul3A_469 = arith.muli %add3A_271, %mul3A_468 : i32
        %dma_start3A_470 = arith.constant 2 : i32
        %dma_start3A_471 = arith.constant 0 : i32
        %dma_start3A_472 = arith.constant 0 : i32
        %dma_start3A_473 = tpu.memref_slice %arg15[%dma_start3A_470, %dma_start3A_471, %dma_start3A_472] : memref<8x128x16xf32, #tpu.memory_space<vmem>> -> memref<1x128x16xf32, #tpu.memory_space<vmem>>
        %dma_start3A_474 = tpu.memref_squeeze %dma_start3A_473 : memref<1x128x16xf32, #tpu.memory_space<vmem>> -> memref<128x16xf32, #tpu.memory_space<vmem>>
        %dma_start3A_475 = tpu.memref_slice %arg13[%mul3A_469] : memref<5120xi32, #tpu.memory_space<vmem>> -> memref<128xi32, #tpu.memory_space<vmem>>
        %dma_start3A_476 = arith.constant 0 : i32
        %dma_start3A_477 = arith.constant 0 : i32
        %dma_start3A_478 = tpu.memref_slice %arg3[%dma_start3A_476, %dma_start3A_477] : memref<20000x16xf32, #tpu.memory_space<hbm>> -> memref<20000x16xf32, #tpu.memory_space<hbm>>
        tpu.enqueue_indirect_dma source(%dma_start3A_478 : memref<20000x16xf32, #tpu.memory_space<hbm>>) target(%dma_start3A_474 : memref<128x16xf32, #tpu.memory_space<vmem>>) offsets(%dma_start3A_475 : memref<128xi32, #tpu.memory_space<vmem>>) semaphore(%arg32 : memref<!tpu.dma_semaphore, #tpu.memory_space<semaphore_mem>>)
      } else {
      }
      %add3A_277 = arith.constant 3 : i32
      %add3A_278 = arith.addi %mul3A_173, %add3A_277 : i32
      %dma_wait3A_279 = arith.constant 3 : i32
      %dma_wait3A_280 = arith.constant 0 : i32
      %dma_wait3A_281 = arith.constant 0 : i32
      %dma_wait3A_282 = tpu.memref_slice %arg14[%dma_wait3A_279, %dma_wait3A_280, %dma_wait3A_281] : memref<8x128x16xf32, #tpu.memory_space<vmem>> -> memref<1x128x16xf32, #tpu.memory_space<vmem>>
      %dma_wait3A_283 = tpu.memref_squeeze %dma_wait3A_282 : memref<1x128x16xf32, #tpu.memory_space<vmem>> -> memref<128x16xf32, #tpu.memory_space<vmem>>
      %dma_wait3A_284 = arith.constant 0 : i32
      %dma_wait3A_285 = tpu.memref_slice %arg12[%dma_wait3A_284] : memref<5120xi32, #tpu.memory_space<vmem>> -> memref<128xi32, #tpu.memory_space<vmem>>
      %dma_wait3A_286 = arith.constant 0 : i32
      %dma_wait3A_287 = arith.constant 0 : i32
      %dma_wait3A_288 = tpu.memref_slice %arg2[%dma_wait3A_286, %dma_wait3A_287] : memref<20000x16xf32, #tpu.memory_space<hbm>> -> memref<20000x16xf32, #tpu.memory_space<hbm>>
      tpu.wait_indirect_dma semaphore(%arg25 : memref<!tpu.dma_semaphore, #tpu.memory_space<semaphore_mem>>) src(%dma_wait3A_288 : memref<20000x16xf32, #tpu.memory_space<hbm>>) dst(%dma_wait3A_283 : memref<128x16xf32, #tpu.memory_space<vmem>>)
      %dma_wait3A_289 = arith.constant 3 : i32
      %dma_wait3A_290 = arith.constant 0 : i32
      %dma_wait3A_291 = arith.constant 0 : i32
      %dma_wait3A_292 = tpu.memref_slice %arg15[%dma_wait3A_289, %dma_wait3A_290, %dma_wait3A_291] : memref<8x128x16xf32, #tpu.memory_space<vmem>> -> memref<1x128x16xf32, #tpu.memory_space<vmem>>
      %dma_wait3A_293 = tpu.memref_squeeze %dma_wait3A_292 : memref<1x128x16xf32, #tpu.memory_space<vmem>> -> memref<128x16xf32, #tpu.memory_space<vmem>>
      %dma_wait3A_294 = arith.constant 0 : i32
      %dma_wait3A_295 = tpu.memref_slice %arg13[%dma_wait3A_294] : memref<5120xi32, #tpu.memory_space<vmem>> -> memref<128xi32, #tpu.memory_space<vmem>>
      %dma_wait3A_296 = arith.constant 0 : i32
      %dma_wait3A_297 = arith.constant 0 : i32
      %dma_wait3A_298 = tpu.memref_slice %arg3[%dma_wait3A_296, %dma_wait3A_297] : memref<20000x16xf32, #tpu.memory_space<hbm>> -> memref<20000x16xf32, #tpu.memory_space<hbm>>
      tpu.wait_indirect_dma semaphore(%arg33 : memref<!tpu.dma_semaphore, #tpu.memory_space<semaphore_mem>>) src(%dma_wait3A_298 : memref<20000x16xf32, #tpu.memory_space<hbm>>) dst(%dma_wait3A_293 : memref<128x16xf32, #tpu.memory_space<vmem>>)
      %mul3A_299 = arith.constant 128 : i32
      %mul3A_300 = arith.muli %add3A_278, %mul3A_299 : i32
      %parallel_loop3A_301 = arith.constant 0 : i32
      %parallel_loop3A_302 = arith.constant 8 : i32
      %parallel_loop3A_303 = arith.constant 1 : i32
      %parallel_loop3A_304 = arith.constant 3 : i32
      %parallel_loop3A_305 = arith.constant 3 : i32
      scf.for %parallel_loop3A_457 = %parallel_loop3A_301 to %parallel_loop3A_302 step %parallel_loop3A_303  : i32 {
        %parallel_loop3A_458 = arith.constant 16 : i32
        %parallel_loop3A_459 = arith.muli %parallel_loop3A_457, %parallel_loop3A_458 : i32
        %parallel_loop3A_460 = vector.broadcast %parallel_loop3A_459 : i32 to vector<16xi32>
        %parallel_loop3A_461 = arith.addi %iota3A, %parallel_loop3A_460 : vector<16xi32>
        %parallel_loop3A_462 = arith.constant 16 : i32
        %parallel_loop3A_463 = arith.muli %parallel_loop3A_457, %parallel_loop3A_462 : i32
        %parallel_loop3A_464 = arith.addi %mul3A_300, %parallel_loop3A_463 : i32
        %parallel_loop3A_465 = arith.constant 0 : i32
        %parallel_loop3A_466 = vector.broadcast %parallel_loop3A_465 : i32 to vector<16xi32>
        %parallel_loop3A_467 = arith.constant 0 : i32
        %parallel_loop3A_468 = arith.constant 0 : i32
        %parallel_loop3A_469 = tpu.memref_slice %arg14[%parallel_loop3A_304, %parallel_loop3A_467, %parallel_loop3A_468] : memref<8x128x16xf32, #tpu.memory_space<vmem>> -> memref<1x128x16xf32, #tpu.memory_space<vmem>>
        %parallel_loop3A_470 = tpu.memref_squeeze %parallel_loop3A_469 : memref<1x128x16xf32, #tpu.memory_space<vmem>> -> memref<128x16xf32, #tpu.memory_space<vmem>>
        %parallel_loop3A_471 = tpu.vector_load_idx %parallel_loop3A_470[%parallel_loop3A_461, %parallel_loop3A_466] : memref<128x16xf32, #tpu.memory_space<vmem>>[vector<16xi32>, vector<16xi32>], vector<16xf32>,
        %parallel_loop3A_472 = arith.constant 0 : i32
        %parallel_loop3A_473 = vector.broadcast %parallel_loop3A_472 : i32 to vector<16xi32>
        %parallel_loop3A_474 = arith.constant 0 : i32
        %parallel_loop3A_475 = arith.constant 0 : i32
        %parallel_loop3A_476 = tpu.memref_slice %arg15[%parallel_loop3A_305, %parallel_loop3A_474, %parallel_loop3A_475] : memref<8x128x16xf32, #tpu.memory_space<vmem>> -> memref<1x128x16xf32, #tpu.memory_space<vmem>>
        %parallel_loop3A_477 = tpu.memref_squeeze %parallel_loop3A_476 : memref<1x128x16xf32, #tpu.memory_space<vmem>> -> memref<128x16xf32, #tpu.memory_space<vmem>>
        %parallel_loop3A_478 = tpu.vector_load_idx %parallel_loop3A_477[%parallel_loop3A_461, %parallel_loop3A_473] : memref<128x16xf32, #tpu.memory_space<vmem>>[vector<16xi32>, vector<16xi32>], vector<16xf32>,
        %parallel_loop3A_479 = arith.addf %parallel_loop3A_471, %parallel_loop3A_478 : vector<16xf32>
        %parallel_loop3A_480 = arith.index_cast %parallel_loop3A_464 : i32 to index
        %parallel_loop3A_481 = tpu.vector_load %arg16[%parallel_loop3A_480] {strides = array<i32>} : memref<5120xf32, #tpu.memory_space<vmem>>, vector<16xf32>,
        tpu.vector_store %arg16[%parallel_loop3A_480], %parallel_loop3A_479 {strides = array<i32>} : memref<5120xf32, #tpu.memory_space<vmem>>, vector<16xf32>,
        %parallel_loop3A_482 = arith.constant 1 : i32
        %parallel_loop3A_483 = vector.broadcast %parallel_loop3A_482 : i32 to vector<16xi32>
        %parallel_loop3A_484 = arith.constant 0 : i32
        %parallel_loop3A_485 = arith.constant 0 : i32
        %parallel_loop3A_486 = tpu.memref_slice %arg14[%parallel_loop3A_304, %parallel_loop3A_484, %parallel_loop3A_485] : memref<8x128x16xf32, #tpu.memory_space<vmem>> -> memref<1x128x16xf32, #tpu.memory_space<vmem>>
        %parallel_loop3A_487 = tpu.memref_squeeze %parallel_loop3A_486 : memref<1x128x16xf32, #tpu.memory_space<vmem>> -> memref<128x16xf32, #tpu.memory_space<vmem>>
        %parallel_loop3A_488 = tpu.vector_load_idx %parallel_loop3A_487[%parallel_loop3A_461, %parallel_loop3A_483] : memref<128x16xf32, #tpu.memory_space<vmem>>[vector<16xi32>, vector<16xi32>], vector<16xf32>,
        %parallel_loop3A_489 = arith.constant 1 : i32
        %parallel_loop3A_490 = vector.broadcast %parallel_loop3A_489 : i32 to vector<16xi32>
        %parallel_loop3A_491 = arith.constant 0 : i32
        %parallel_loop3A_492 = arith.constant 0 : i32
        %parallel_loop3A_493 = tpu.memref_slice %arg15[%parallel_loop3A_305, %parallel_loop3A_491, %parallel_loop3A_492] : memref<8x128x16xf32, #tpu.memory_space<vmem>> -> memref<1x128x16xf32, #tpu.memory_space<vmem>>
        %parallel_loop3A_494 = tpu.memref_squeeze %parallel_loop3A_493 : memref<1x128x16xf32, #tpu.memory_space<vmem>> -> memref<128x16xf32, #tpu.memory_space<vmem>>
        %parallel_loop3A_495 = tpu.vector_load_idx %parallel_loop3A_494[%parallel_loop3A_461, %parallel_loop3A_490] : memref<128x16xf32, #tpu.memory_space<vmem>>[vector<16xi32>, vector<16xi32>], vector<16xf32>,
        %parallel_loop3A_496 = arith.addf %parallel_loop3A_488, %parallel_loop3A_495 : vector<16xf32>
        %parallel_loop3A_497 = arith.index_cast %parallel_loop3A_464 : i32 to index
        %parallel_loop3A_498 = tpu.vector_load %arg17[%parallel_loop3A_497] {strides = array<i32>} : memref<5120xf32, #tpu.memory_space<vmem>>, vector<16xf32>,
        tpu.vector_store %arg17[%parallel_loop3A_497], %parallel_loop3A_496 {strides = array<i32>} : memref<5120xf32, #tpu.memory_space<vmem>>, vector<16xf32>,
        %parallel_loop3A_499 = arith.constant 2 : i32
        %parallel_loop3A_500 = vector.broadcast %parallel_loop3A_499 : i32 to vector<16xi32>
        %parallel_loop3A_501 = arith.constant 0 : i32
        %parallel_loop3A_502 = arith.constant 0 : i32
        %parallel_loop3A_503 = tpu.memref_slice %arg14[%parallel_loop3A_304, %parallel_loop3A_501, %parallel_loop3A_502] : memref<8x128x16xf32, #tpu.memory_space<vmem>> -> memref<1x128x16xf32, #tpu.memory_space<vmem>>
        %parallel_loop3A_504 = tpu.memref_squeeze %parallel_loop3A_503 : memref<1x128x16xf32, #tpu.memory_space<vmem>> -> memref<128x16xf32, #tpu.memory_space<vmem>>
        %parallel_loop3A_505 = tpu.vector_load_idx %parallel_loop3A_504[%parallel_loop3A_461, %parallel_loop3A_500] : memref<128x16xf32, #tpu.memory_space<vmem>>[vector<16xi32>, vector<16xi32>], vector<16xf32>,
        %parallel_loop3A_506 = arith.constant 2 : i32
        %parallel_loop3A_507 = vector.broadcast %parallel_loop3A_506 : i32 to vector<16xi32>
        %parallel_loop3A_508 = arith.constant 0 : i32
        %parallel_loop3A_509 = arith.constant 0 : i32
        %parallel_loop3A_510 = tpu.memref_slice %arg15[%parallel_loop3A_305, %parallel_loop3A_508, %parallel_loop3A_509] : memref<8x128x16xf32, #tpu.memory_space<vmem>> -> memref<1x128x16xf32, #tpu.memory_space<vmem>>
        %parallel_loop3A_511 = tpu.memref_squeeze %parallel_loop3A_510 : memref<1x128x16xf32, #tpu.memory_space<vmem>> -> memref<128x16xf32, #tpu.memory_space<vmem>>
        %parallel_loop3A_512 = tpu.vector_load_idx %parallel_loop3A_511[%parallel_loop3A_461, %parallel_loop3A_507] : memref<128x16xf32, #tpu.memory_space<vmem>>[vector<16xi32>, vector<16xi32>], vector<16xf32>,
        %parallel_loop3A_513 = arith.addf %parallel_loop3A_505, %parallel_loop3A_512 : vector<16xf32>
        %parallel_loop3A_514 = arith.index_cast %parallel_loop3A_464 : i32 to index
        %parallel_loop3A_515 = tpu.vector_load %arg18[%parallel_loop3A_514] {strides = array<i32>} : memref<5120xf32, #tpu.memory_space<vmem>>, vector<16xf32>,
        tpu.vector_store %arg18[%parallel_loop3A_514], %parallel_loop3A_513 {strides = array<i32>} : memref<5120xf32, #tpu.memory_space<vmem>>, vector<16xf32>,
        %parallel_loop3A_516 = arith.constant 3 : i32
        %parallel_loop3A_517 = vector.broadcast %parallel_loop3A_516 : i32 to vector<16xi32>
        %parallel_loop3A_518 = arith.constant 0 : i32
        %parallel_loop3A_519 = arith.constant 0 : i32
        %parallel_loop3A_520 = tpu.memref_slice %arg14[%parallel_loop3A_304, %parallel_loop3A_518, %parallel_loop3A_519] : memref<8x128x16xf32, #tpu.memory_space<vmem>> -> memref<1x128x16xf32, #tpu.memory_space<vmem>>
        %parallel_loop3A_521 = tpu.memref_squeeze %parallel_loop3A_520 : memref<1x128x16xf32, #tpu.memory_space<vmem>> -> memref<128x16xf32, #tpu.memory_space<vmem>>
        %parallel_loop3A_522 = tpu.vector_load_idx %parallel_loop3A_521[%parallel_loop3A_461, %parallel_loop3A_517] : memref<128x16xf32, #tpu.memory_space<vmem>>[vector<16xi32>, vector<16xi32>], vector<16xf32>,
        %parallel_loop3A_523 = arith.constant 3 : i32
        %parallel_loop3A_524 = vector.broadcast %parallel_loop3A_523 : i32 to vector<16xi32>
        %parallel_loop3A_525 = arith.constant 0 : i32
        %parallel_loop3A_526 = arith.constant 0 : i32
        %parallel_loop3A_527 = tpu.memref_slice %arg15[%parallel_loop3A_305, %parallel_loop3A_525, %parallel_loop3A_526] : memref<8x128x16xf32, #tpu.memory_space<vmem>> -> memref<1x128x16xf32, #tpu.memory_space<vmem>>
        %parallel_loop3A_528 = tpu.memref_squeeze %parallel_loop3A_527 : memref<1x128x16xf32, #tpu.memory_space<vmem>> -> memref<128x16xf32, #tpu.memory_space<vmem>>
        %parallel_loop3A_529 = tpu.vector_load_idx %parallel_loop3A_528[%parallel_loop3A_461, %parallel_loop3A_524] : memref<128x16xf32, #tpu.memory_space<vmem>>[vector<16xi32>, vector<16xi32>], vector<16xf32>,
        %parallel_loop3A_530 = arith.addf %parallel_loop3A_522, %parallel_loop3A_529 : vector<16xf32>
        %parallel_loop3A_531 = arith.index_cast %parallel_loop3A_464 : i32 to index
        %parallel_loop3A_532 = tpu.vector_load %arg19[%parallel_loop3A_531] {strides = array<i32>} : memref<5120xf32, #tpu.memory_space<vmem>>, vector<16xf32>,
        tpu.vector_store %arg19[%parallel_loop3A_531], %parallel_loop3A_530 {strides = array<i32>} : memref<5120xf32, #tpu.memory_space<vmem>>, vector<16xf32>,
        %parallel_loop3A_533 = arith.constant 4 : i32
        %parallel_loop3A_534 = vector.broadcast %parallel_loop3A_533 : i32 to vector<16xi32>
        %parallel_loop3A_535 = arith.constant 0 : i32
        %parallel_loop3A_536 = arith.constant 0 : i32
        %parallel_loop3A_537 = tpu.memref_slice %arg14[%parallel_loop3A_304, %parallel_loop3A_535, %parallel_loop3A_536] : memref<8x128x16xf32, #tpu.memory_space<vmem>> -> memref<1x128x16xf32, #tpu.memory_space<vmem>>
        %parallel_loop3A_538 = tpu.memref_squeeze %parallel_loop3A_537 : memref<1x128x16xf32, #tpu.memory_space<vmem>> -> memref<128x16xf32, #tpu.memory_space<vmem>>
        %parallel_loop3A_539 = tpu.vector_load_idx %parallel_loop3A_538[%parallel_loop3A_461, %parallel_loop3A_534] : memref<128x16xf32, #tpu.memory_space<vmem>>[vector<16xi32>, vector<16xi32>], vector<16xf32>,
        %parallel_loop3A_540 = arith.constant 4 : i32
        %parallel_loop3A_541 = vector.broadcast %parallel_loop3A_540 : i32 to vector<16xi32>
        %parallel_loop3A_542 = arith.constant 0 : i32
        %parallel_loop3A_543 = arith.constant 0 : i32
        %parallel_loop3A_544 = tpu.memref_slice %arg15[%parallel_loop3A_305, %parallel_loop3A_542, %parallel_loop3A_543] : memref<8x128x16xf32, #tpu.memory_space<vmem>> -> memref<1x128x16xf32, #tpu.memory_space<vmem>>
        %parallel_loop3A_545 = tpu.memref_squeeze %parallel_loop3A_544 : memref<1x128x16xf32, #tpu.memory_space<vmem>> -> memref<128x16xf32, #tpu.memory_space<vmem>>
        %parallel_loop3A_546 = tpu.vector_load_idx %parallel_loop3A_545[%parallel_loop3A_461, %parallel_loop3A_541] : memref<128x16xf32, #tpu.memory_space<vmem>>[vector<16xi32>, vector<16xi32>], vector<16xf32>,
        %parallel_loop3A_547 = arith.addf %parallel_loop3A_539, %parallel_loop3A_546 : vector<16xf32>
        %parallel_loop3A_548 = arith.index_cast %parallel_loop3A_464 : i32 to index
        %parallel_loop3A_549 = tpu.vector_load %arg20[%parallel_loop3A_548] {strides = array<i32>} : memref<5120xf32, #tpu.memory_space<vmem>>, vector<16xf32>,
        tpu.vector_store %arg20[%parallel_loop3A_548], %parallel_loop3A_547 {strides = array<i32>} : memref<5120xf32, #tpu.memory_space<vmem>>, vector<16xf32>,
        %parallel_loop3A_550 = arith.constant 5 : i32
        %parallel_loop3A_551 = vector.broadcast %parallel_loop3A_550 : i32 to vector<16xi32>
        %parallel_loop3A_552 = arith.constant 0 : i32
        %parallel_loop3A_553 = arith.constant 0 : i32
        %parallel_loop3A_554 = tpu.memref_slice %arg14[%parallel_loop3A_304, %parallel_loop3A_552, %parallel_loop3A_553] : memref<8x128x16xf32, #tpu.memory_space<vmem>> -> memref<1x128x16xf32, #tpu.memory_space<vmem>>
        %parallel_loop3A_555 = tpu.memref_squeeze %parallel_loop3A_554 : memref<1x128x16xf32, #tpu.memory_space<vmem>> -> memref<128x16xf32, #tpu.memory_space<vmem>>
        %parallel_loop3A_556 = tpu.vector_load_idx %parallel_loop3A_555[%parallel_loop3A_461, %parallel_loop3A_551] : memref<128x16xf32, #tpu.memory_space<vmem>>[vector<16xi32>, vector<16xi32>], vector<16xf32>,
        %parallel_loop3A_557 = arith.constant 5 : i32
        %parallel_loop3A_558 = vector.broadcast %parallel_loop3A_557 : i32 to vector<16xi32>
        %parallel_loop3A_559 = arith.constant 0 : i32
        %parallel_loop3A_560 = arith.constant 0 : i32
        %parallel_loop3A_561 = tpu.memref_slice %arg15[%parallel_loop3A_305, %parallel_loop3A_559, %parallel_loop3A_560] : memref<8x128x16xf32, #tpu.memory_space<vmem>> -> memref<1x128x16xf32, #tpu.memory_space<vmem>>
        %parallel_loop3A_562 = tpu.memref_squeeze %parallel_loop3A_561 : memref<1x128x16xf32, #tpu.memory_space<vmem>> -> memref<128x16xf32, #tpu.memory_space<vmem>>
        %parallel_loop3A_563 = tpu.vector_load_idx %parallel_loop3A_562[%parallel_loop3A_461, %parallel_loop3A_558] : memref<128x16xf32, #tpu.memory_space<vmem>>[vector<16xi32>, vector<16xi32>], vector<16xf32>,
        %parallel_loop3A_564 = arith.addf %parallel_loop3A_556, %parallel_loop3A_563 : vector<16xf32>
        %parallel_loop3A_565 = arith.index_cast %parallel_loop3A_464 : i32 to index
        %parallel_loop3A_566 = tpu.vector_load %arg21[%parallel_loop3A_565] {strides = array<i32>} : memref<5120xf32, #tpu.memory_space<vmem>>, vector<16xf32>,
        tpu.vector_store %arg21[%parallel_loop3A_565], %parallel_loop3A_564 {strides = array<i32>} : memref<5120xf32, #tpu.memory_space<vmem>>, vector<16xf32>,
      } {sc.loop_unroll_factor = 8 : i64, sc.parallel_access}
      %add3A_306 = arith.constant 8 : i32
      %add3A_307 = arith.addi %add3A_278, %add3A_306 : i32
      %lt3A_308 = arith.constant 40 : i32
      %lt3A_309 = arith.cmpi slt, %add3A_307, %lt3A_308 : i32
      %convert_element_type3A_310 = arith.extui %lt3A_309 : i1 to i32
      %cond3A_311 = arith.constant 0 : i32
      %cond3A_312 = arith.cmpi ne, %convert_element_type3A_310, %cond3A_311 : i32
      scf.if %cond3A_312 {
        %mul3A_457 = arith.constant 128 : i32
        %mul3A_458 = arith.muli %add3A_307, %mul3A_457 : i32
        %dma_start3A_459 = arith.constant 3 : i32
        %dma_start3A_460 = arith.constant 0 : i32
        %dma_start3A_461 = arith.constant 0 : i32
        %dma_start3A_462 = tpu.memref_slice %arg14[%dma_start3A_459, %dma_start3A_460, %dma_start3A_461] : memref<8x128x16xf32, #tpu.memory_space<vmem>> -> memref<1x128x16xf32, #tpu.memory_space<vmem>>
        %dma_start3A_463 = tpu.memref_squeeze %dma_start3A_462 : memref<1x128x16xf32, #tpu.memory_space<vmem>> -> memref<128x16xf32, #tpu.memory_space<vmem>>
        %dma_start3A_464 = tpu.memref_slice %arg12[%mul3A_458] : memref<5120xi32, #tpu.memory_space<vmem>> -> memref<128xi32, #tpu.memory_space<vmem>>
        %dma_start3A_465 = arith.constant 0 : i32
        %dma_start3A_466 = arith.constant 0 : i32
        %dma_start3A_467 = tpu.memref_slice %arg2[%dma_start3A_465, %dma_start3A_466] : memref<20000x16xf32, #tpu.memory_space<hbm>> -> memref<20000x16xf32, #tpu.memory_space<hbm>>
        tpu.enqueue_indirect_dma source(%dma_start3A_467 : memref<20000x16xf32, #tpu.memory_space<hbm>>) target(%dma_start3A_463 : memref<128x16xf32, #tpu.memory_space<vmem>>) offsets(%dma_start3A_464 : memref<128xi32, #tpu.memory_space<vmem>>) semaphore(%arg25 : memref<!tpu.dma_semaphore, #tpu.memory_space<semaphore_mem>>)
        %mul3A_468 = arith.constant 128 : i32
        %mul3A_469 = arith.muli %add3A_307, %mul3A_468 : i32
        %dma_start3A_470 = arith.constant 3 : i32
        %dma_start3A_471 = arith.constant 0 : i32
        %dma_start3A_472 = arith.constant 0 : i32
        %dma_start3A_473 = tpu.memref_slice %arg15[%dma_start3A_470, %dma_start3A_471, %dma_start3A_472] : memref<8x128x16xf32, #tpu.memory_space<vmem>> -> memref<1x128x16xf32, #tpu.memory_space<vmem>>
        %dma_start3A_474 = tpu.memref_squeeze %dma_start3A_473 : memref<1x128x16xf32, #tpu.memory_space<vmem>> -> memref<128x16xf32, #tpu.memory_space<vmem>>
        %dma_start3A_475 = tpu.memref_slice %arg13[%mul3A_469] : memref<5120xi32, #tpu.memory_space<vmem>> -> memref<128xi32, #tpu.memory_space<vmem>>
        %dma_start3A_476 = arith.constant 0 : i32
        %dma_start3A_477 = arith.constant 0 : i32
        %dma_start3A_478 = tpu.memref_slice %arg3[%dma_start3A_476, %dma_start3A_477] : memref<20000x16xf32, #tpu.memory_space<hbm>> -> memref<20000x16xf32, #tpu.memory_space<hbm>>
        tpu.enqueue_indirect_dma source(%dma_start3A_478 : memref<20000x16xf32, #tpu.memory_space<hbm>>) target(%dma_start3A_474 : memref<128x16xf32, #tpu.memory_space<vmem>>) offsets(%dma_start3A_475 : memref<128xi32, #tpu.memory_space<vmem>>) semaphore(%arg33 : memref<!tpu.dma_semaphore, #tpu.memory_space<semaphore_mem>>)
      } else {
      }
      %add3A_313 = arith.constant 4 : i32
      %add3A_314 = arith.addi %mul3A_173, %add3A_313 : i32
      %dma_wait3A_315 = arith.constant 4 : i32
      %dma_wait3A_316 = arith.constant 0 : i32
      %dma_wait3A_317 = arith.constant 0 : i32
      %dma_wait3A_318 = tpu.memref_slice %arg14[%dma_wait3A_315, %dma_wait3A_316, %dma_wait3A_317] : memref<8x128x16xf32, #tpu.memory_space<vmem>> -> memref<1x128x16xf32, #tpu.memory_space<vmem>>
      %dma_wait3A_319 = tpu.memref_squeeze %dma_wait3A_318 : memref<1x128x16xf32, #tpu.memory_space<vmem>> -> memref<128x16xf32, #tpu.memory_space<vmem>>
      %dma_wait3A_320 = arith.constant 0 : i32
      %dma_wait3A_321 = tpu.memref_slice %arg12[%dma_wait3A_320] : memref<5120xi32, #tpu.memory_space<vmem>> -> memref<128xi32, #tpu.memory_space<vmem>>
      %dma_wait3A_322 = arith.constant 0 : i32
      %dma_wait3A_323 = arith.constant 0 : i32
      %dma_wait3A_324 = tpu.memref_slice %arg2[%dma_wait3A_322, %dma_wait3A_323] : memref<20000x16xf32, #tpu.memory_space<hbm>> -> memref<20000x16xf32, #tpu.memory_space<hbm>>
      tpu.wait_indirect_dma semaphore(%arg26 : memref<!tpu.dma_semaphore, #tpu.memory_space<semaphore_mem>>) src(%dma_wait3A_324 : memref<20000x16xf32, #tpu.memory_space<hbm>>) dst(%dma_wait3A_319 : memref<128x16xf32, #tpu.memory_space<vmem>>)
      %dma_wait3A_325 = arith.constant 4 : i32
      %dma_wait3A_326 = arith.constant 0 : i32
      %dma_wait3A_327 = arith.constant 0 : i32
      %dma_wait3A_328 = tpu.memref_slice %arg15[%dma_wait3A_325, %dma_wait3A_326, %dma_wait3A_327] : memref<8x128x16xf32, #tpu.memory_space<vmem>> -> memref<1x128x16xf32, #tpu.memory_space<vmem>>
      %dma_wait3A_329 = tpu.memref_squeeze %dma_wait3A_328 : memref<1x128x16xf32, #tpu.memory_space<vmem>> -> memref<128x16xf32, #tpu.memory_space<vmem>>
      %dma_wait3A_330 = arith.constant 0 : i32
      %dma_wait3A_331 = tpu.memref_slice %arg13[%dma_wait3A_330] : memref<5120xi32, #tpu.memory_space<vmem>> -> memref<128xi32, #tpu.memory_space<vmem>>
      %dma_wait3A_332 = arith.constant 0 : i32
      %dma_wait3A_333 = arith.constant 0 : i32
      %dma_wait3A_334 = tpu.memref_slice %arg3[%dma_wait3A_332, %dma_wait3A_333] : memref<20000x16xf32, #tpu.memory_space<hbm>> -> memref<20000x16xf32, #tpu.memory_space<hbm>>
      tpu.wait_indirect_dma semaphore(%arg34 : memref<!tpu.dma_semaphore, #tpu.memory_space<semaphore_mem>>) src(%dma_wait3A_334 : memref<20000x16xf32, #tpu.memory_space<hbm>>) dst(%dma_wait3A_329 : memref<128x16xf32, #tpu.memory_space<vmem>>)
      %mul3A_335 = arith.constant 128 : i32
      %mul3A_336 = arith.muli %add3A_314, %mul3A_335 : i32
      %parallel_loop3A_337 = arith.constant 0 : i32
      %parallel_loop3A_338 = arith.constant 8 : i32
      %parallel_loop3A_339 = arith.constant 1 : i32
      %parallel_loop3A_340 = arith.constant 4 : i32
      %parallel_loop3A_341 = arith.constant 4 : i32
      scf.for %parallel_loop3A_457 = %parallel_loop3A_337 to %parallel_loop3A_338 step %parallel_loop3A_339  : i32 {
        %parallel_loop3A_458 = arith.constant 16 : i32
        %parallel_loop3A_459 = arith.muli %parallel_loop3A_457, %parallel_loop3A_458 : i32
        %parallel_loop3A_460 = vector.broadcast %parallel_loop3A_459 : i32 to vector<16xi32>
        %parallel_loop3A_461 = arith.addi %iota3A, %parallel_loop3A_460 : vector<16xi32>
        %parallel_loop3A_462 = arith.constant 16 : i32
        %parallel_loop3A_463 = arith.muli %parallel_loop3A_457, %parallel_loop3A_462 : i32
        %parallel_loop3A_464 = arith.addi %mul3A_336, %parallel_loop3A_463 : i32
        %parallel_loop3A_465 = arith.constant 0 : i32
        %parallel_loop3A_466 = vector.broadcast %parallel_loop3A_465 : i32 to vector<16xi32>
        %parallel_loop3A_467 = arith.constant 0 : i32
        %parallel_loop3A_468 = arith.constant 0 : i32
        %parallel_loop3A_469 = tpu.memref_slice %arg14[%parallel_loop3A_340, %parallel_loop3A_467, %parallel_loop3A_468] : memref<8x128x16xf32, #tpu.memory_space<vmem>> -> memref<1x128x16xf32, #tpu.memory_space<vmem>>
        %parallel_loop3A_470 = tpu.memref_squeeze %parallel_loop3A_469 : memref<1x128x16xf32, #tpu.memory_space<vmem>> -> memref<128x16xf32, #tpu.memory_space<vmem>>
        %parallel_loop3A_471 = tpu.vector_load_idx %parallel_loop3A_470[%parallel_loop3A_461, %parallel_loop3A_466] : memref<128x16xf32, #tpu.memory_space<vmem>>[vector<16xi32>, vector<16xi32>], vector<16xf32>,
        %parallel_loop3A_472 = arith.constant 0 : i32
        %parallel_loop3A_473 = vector.broadcast %parallel_loop3A_472 : i32 to vector<16xi32>
        %parallel_loop3A_474 = arith.constant 0 : i32
        %parallel_loop3A_475 = arith.constant 0 : i32
        %parallel_loop3A_476 = tpu.memref_slice %arg15[%parallel_loop3A_341, %parallel_loop3A_474, %parallel_loop3A_475] : memref<8x128x16xf32, #tpu.memory_space<vmem>> -> memref<1x128x16xf32, #tpu.memory_space<vmem>>
        %parallel_loop3A_477 = tpu.memref_squeeze %parallel_loop3A_476 : memref<1x128x16xf32, #tpu.memory_space<vmem>> -> memref<128x16xf32, #tpu.memory_space<vmem>>
        %parallel_loop3A_478 = tpu.vector_load_idx %parallel_loop3A_477[%parallel_loop3A_461, %parallel_loop3A_473] : memref<128x16xf32, #tpu.memory_space<vmem>>[vector<16xi32>, vector<16xi32>], vector<16xf32>,
        %parallel_loop3A_479 = arith.addf %parallel_loop3A_471, %parallel_loop3A_478 : vector<16xf32>
        %parallel_loop3A_480 = arith.index_cast %parallel_loop3A_464 : i32 to index
        %parallel_loop3A_481 = tpu.vector_load %arg16[%parallel_loop3A_480] {strides = array<i32>} : memref<5120xf32, #tpu.memory_space<vmem>>, vector<16xf32>,
        tpu.vector_store %arg16[%parallel_loop3A_480], %parallel_loop3A_479 {strides = array<i32>} : memref<5120xf32, #tpu.memory_space<vmem>>, vector<16xf32>,
        %parallel_loop3A_482 = arith.constant 1 : i32
        %parallel_loop3A_483 = vector.broadcast %parallel_loop3A_482 : i32 to vector<16xi32>
        %parallel_loop3A_484 = arith.constant 0 : i32
        %parallel_loop3A_485 = arith.constant 0 : i32
        %parallel_loop3A_486 = tpu.memref_slice %arg14[%parallel_loop3A_340, %parallel_loop3A_484, %parallel_loop3A_485] : memref<8x128x16xf32, #tpu.memory_space<vmem>> -> memref<1x128x16xf32, #tpu.memory_space<vmem>>
        %parallel_loop3A_487 = tpu.memref_squeeze %parallel_loop3A_486 : memref<1x128x16xf32, #tpu.memory_space<vmem>> -> memref<128x16xf32, #tpu.memory_space<vmem>>
        %parallel_loop3A_488 = tpu.vector_load_idx %parallel_loop3A_487[%parallel_loop3A_461, %parallel_loop3A_483] : memref<128x16xf32, #tpu.memory_space<vmem>>[vector<16xi32>, vector<16xi32>], vector<16xf32>,
        %parallel_loop3A_489 = arith.constant 1 : i32
        %parallel_loop3A_490 = vector.broadcast %parallel_loop3A_489 : i32 to vector<16xi32>
        %parallel_loop3A_491 = arith.constant 0 : i32
        %parallel_loop3A_492 = arith.constant 0 : i32
        %parallel_loop3A_493 = tpu.memref_slice %arg15[%parallel_loop3A_341, %parallel_loop3A_491, %parallel_loop3A_492] : memref<8x128x16xf32, #tpu.memory_space<vmem>> -> memref<1x128x16xf32, #tpu.memory_space<vmem>>
        %parallel_loop3A_494 = tpu.memref_squeeze %parallel_loop3A_493 : memref<1x128x16xf32, #tpu.memory_space<vmem>> -> memref<128x16xf32, #tpu.memory_space<vmem>>
        %parallel_loop3A_495 = tpu.vector_load_idx %parallel_loop3A_494[%parallel_loop3A_461, %parallel_loop3A_490] : memref<128x16xf32, #tpu.memory_space<vmem>>[vector<16xi32>, vector<16xi32>], vector<16xf32>,
        %parallel_loop3A_496 = arith.addf %parallel_loop3A_488, %parallel_loop3A_495 : vector<16xf32>
        %parallel_loop3A_497 = arith.index_cast %parallel_loop3A_464 : i32 to index
        %parallel_loop3A_498 = tpu.vector_load %arg17[%parallel_loop3A_497] {strides = array<i32>} : memref<5120xf32, #tpu.memory_space<vmem>>, vector<16xf32>,
        tpu.vector_store %arg17[%parallel_loop3A_497], %parallel_loop3A_496 {strides = array<i32>} : memref<5120xf32, #tpu.memory_space<vmem>>, vector<16xf32>,
        %parallel_loop3A_499 = arith.constant 2 : i32
        %parallel_loop3A_500 = vector.broadcast %parallel_loop3A_499 : i32 to vector<16xi32>
        %parallel_loop3A_501 = arith.constant 0 : i32
        %parallel_loop3A_502 = arith.constant 0 : i32
        %parallel_loop3A_503 = tpu.memref_slice %arg14[%parallel_loop3A_340, %parallel_loop3A_501, %parallel_loop3A_502] : memref<8x128x16xf32, #tpu.memory_space<vmem>> -> memref<1x128x16xf32, #tpu.memory_space<vmem>>
        %parallel_loop3A_504 = tpu.memref_squeeze %parallel_loop3A_503 : memref<1x128x16xf32, #tpu.memory_space<vmem>> -> memref<128x16xf32, #tpu.memory_space<vmem>>
        %parallel_loop3A_505 = tpu.vector_load_idx %parallel_loop3A_504[%parallel_loop3A_461, %parallel_loop3A_500] : memref<128x16xf32, #tpu.memory_space<vmem>>[vector<16xi32>, vector<16xi32>], vector<16xf32>,
        %parallel_loop3A_506 = arith.constant 2 : i32
        %parallel_loop3A_507 = vector.broadcast %parallel_loop3A_506 : i32 to vector<16xi32>
        %parallel_loop3A_508 = arith.constant 0 : i32
        %parallel_loop3A_509 = arith.constant 0 : i32
        %parallel_loop3A_510 = tpu.memref_slice %arg15[%parallel_loop3A_341, %parallel_loop3A_508, %parallel_loop3A_509] : memref<8x128x16xf32, #tpu.memory_space<vmem>> -> memref<1x128x16xf32, #tpu.memory_space<vmem>>
        %parallel_loop3A_511 = tpu.memref_squeeze %parallel_loop3A_510 : memref<1x128x16xf32, #tpu.memory_space<vmem>> -> memref<128x16xf32, #tpu.memory_space<vmem>>
        %parallel_loop3A_512 = tpu.vector_load_idx %parallel_loop3A_511[%parallel_loop3A_461, %parallel_loop3A_507] : memref<128x16xf32, #tpu.memory_space<vmem>>[vector<16xi32>, vector<16xi32>], vector<16xf32>,
        %parallel_loop3A_513 = arith.addf %parallel_loop3A_505, %parallel_loop3A_512 : vector<16xf32>
        %parallel_loop3A_514 = arith.index_cast %parallel_loop3A_464 : i32 to index
        %parallel_loop3A_515 = tpu.vector_load %arg18[%parallel_loop3A_514] {strides = array<i32>} : memref<5120xf32, #tpu.memory_space<vmem>>, vector<16xf32>,
        tpu.vector_store %arg18[%parallel_loop3A_514], %parallel_loop3A_513 {strides = array<i32>} : memref<5120xf32, #tpu.memory_space<vmem>>, vector<16xf32>,
        %parallel_loop3A_516 = arith.constant 3 : i32
        %parallel_loop3A_517 = vector.broadcast %parallel_loop3A_516 : i32 to vector<16xi32>
        %parallel_loop3A_518 = arith.constant 0 : i32
        %parallel_loop3A_519 = arith.constant 0 : i32
        %parallel_loop3A_520 = tpu.memref_slice %arg14[%parallel_loop3A_340, %parallel_loop3A_518, %parallel_loop3A_519] : memref<8x128x16xf32, #tpu.memory_space<vmem>> -> memref<1x128x16xf32, #tpu.memory_space<vmem>>
        %parallel_loop3A_521 = tpu.memref_squeeze %parallel_loop3A_520 : memref<1x128x16xf32, #tpu.memory_space<vmem>> -> memref<128x16xf32, #tpu.memory_space<vmem>>
        %parallel_loop3A_522 = tpu.vector_load_idx %parallel_loop3A_521[%parallel_loop3A_461, %parallel_loop3A_517] : memref<128x16xf32, #tpu.memory_space<vmem>>[vector<16xi32>, vector<16xi32>], vector<16xf32>,
        %parallel_loop3A_523 = arith.constant 3 : i32
        %parallel_loop3A_524 = vector.broadcast %parallel_loop3A_523 : i32 to vector<16xi32>
        %parallel_loop3A_525 = arith.constant 0 : i32
        %parallel_loop3A_526 = arith.constant 0 : i32
        %parallel_loop3A_527 = tpu.memref_slice %arg15[%parallel_loop3A_341, %parallel_loop3A_525, %parallel_loop3A_526] : memref<8x128x16xf32, #tpu.memory_space<vmem>> -> memref<1x128x16xf32, #tpu.memory_space<vmem>>
        %parallel_loop3A_528 = tpu.memref_squeeze %parallel_loop3A_527 : memref<1x128x16xf32, #tpu.memory_space<vmem>> -> memref<128x16xf32, #tpu.memory_space<vmem>>
        %parallel_loop3A_529 = tpu.vector_load_idx %parallel_loop3A_528[%parallel_loop3A_461, %parallel_loop3A_524] : memref<128x16xf32, #tpu.memory_space<vmem>>[vector<16xi32>, vector<16xi32>], vector<16xf32>,
        %parallel_loop3A_530 = arith.addf %parallel_loop3A_522, %parallel_loop3A_529 : vector<16xf32>
        %parallel_loop3A_531 = arith.index_cast %parallel_loop3A_464 : i32 to index
        %parallel_loop3A_532 = tpu.vector_load %arg19[%parallel_loop3A_531] {strides = array<i32>} : memref<5120xf32, #tpu.memory_space<vmem>>, vector<16xf32>,
        tpu.vector_store %arg19[%parallel_loop3A_531], %parallel_loop3A_530 {strides = array<i32>} : memref<5120xf32, #tpu.memory_space<vmem>>, vector<16xf32>,
        %parallel_loop3A_533 = arith.constant 4 : i32
        %parallel_loop3A_534 = vector.broadcast %parallel_loop3A_533 : i32 to vector<16xi32>
        %parallel_loop3A_535 = arith.constant 0 : i32
        %parallel_loop3A_536 = arith.constant 0 : i32
        %parallel_loop3A_537 = tpu.memref_slice %arg14[%parallel_loop3A_340, %parallel_loop3A_535, %parallel_loop3A_536] : memref<8x128x16xf32, #tpu.memory_space<vmem>> -> memref<1x128x16xf32, #tpu.memory_space<vmem>>
        %parallel_loop3A_538 = tpu.memref_squeeze %parallel_loop3A_537 : memref<1x128x16xf32, #tpu.memory_space<vmem>> -> memref<128x16xf32, #tpu.memory_space<vmem>>
        %parallel_loop3A_539 = tpu.vector_load_idx %parallel_loop3A_538[%parallel_loop3A_461, %parallel_loop3A_534] : memref<128x16xf32, #tpu.memory_space<vmem>>[vector<16xi32>, vector<16xi32>], vector<16xf32>,
        %parallel_loop3A_540 = arith.constant 4 : i32
        %parallel_loop3A_541 = vector.broadcast %parallel_loop3A_540 : i32 to vector<16xi32>
        %parallel_loop3A_542 = arith.constant 0 : i32
        %parallel_loop3A_543 = arith.constant 0 : i32
        %parallel_loop3A_544 = tpu.memref_slice %arg15[%parallel_loop3A_341, %parallel_loop3A_542, %parallel_loop3A_543] : memref<8x128x16xf32, #tpu.memory_space<vmem>> -> memref<1x128x16xf32, #tpu.memory_space<vmem>>
        %parallel_loop3A_545 = tpu.memref_squeeze %parallel_loop3A_544 : memref<1x128x16xf32, #tpu.memory_space<vmem>> -> memref<128x16xf32, #tpu.memory_space<vmem>>
        %parallel_loop3A_546 = tpu.vector_load_idx %parallel_loop3A_545[%parallel_loop3A_461, %parallel_loop3A_541] : memref<128x16xf32, #tpu.memory_space<vmem>>[vector<16xi32>, vector<16xi32>], vector<16xf32>,
        %parallel_loop3A_547 = arith.addf %parallel_loop3A_539, %parallel_loop3A_546 : vector<16xf32>
        %parallel_loop3A_548 = arith.index_cast %parallel_loop3A_464 : i32 to index
        %parallel_loop3A_549 = tpu.vector_load %arg20[%parallel_loop3A_548] {strides = array<i32>} : memref<5120xf32, #tpu.memory_space<vmem>>, vector<16xf32>,
        tpu.vector_store %arg20[%parallel_loop3A_548], %parallel_loop3A_547 {strides = array<i32>} : memref<5120xf32, #tpu.memory_space<vmem>>, vector<16xf32>,
        %parallel_loop3A_550 = arith.constant 5 : i32
        %parallel_loop3A_551 = vector.broadcast %parallel_loop3A_550 : i32 to vector<16xi32>
        %parallel_loop3A_552 = arith.constant 0 : i32
        %parallel_loop3A_553 = arith.constant 0 : i32
        %parallel_loop3A_554 = tpu.memref_slice %arg14[%parallel_loop3A_340, %parallel_loop3A_552, %parallel_loop3A_553] : memref<8x128x16xf32, #tpu.memory_space<vmem>> -> memref<1x128x16xf32, #tpu.memory_space<vmem>>
        %parallel_loop3A_555 = tpu.memref_squeeze %parallel_loop3A_554 : memref<1x128x16xf32, #tpu.memory_space<vmem>> -> memref<128x16xf32, #tpu.memory_space<vmem>>
        %parallel_loop3A_556 = tpu.vector_load_idx %parallel_loop3A_555[%parallel_loop3A_461, %parallel_loop3A_551] : memref<128x16xf32, #tpu.memory_space<vmem>>[vector<16xi32>, vector<16xi32>], vector<16xf32>,
        %parallel_loop3A_557 = arith.constant 5 : i32
        %parallel_loop3A_558 = vector.broadcast %parallel_loop3A_557 : i32 to vector<16xi32>
        %parallel_loop3A_559 = arith.constant 0 : i32
        %parallel_loop3A_560 = arith.constant 0 : i32
        %parallel_loop3A_561 = tpu.memref_slice %arg15[%parallel_loop3A_341, %parallel_loop3A_559, %parallel_loop3A_560] : memref<8x128x16xf32, #tpu.memory_space<vmem>> -> memref<1x128x16xf32, #tpu.memory_space<vmem>>
        %parallel_loop3A_562 = tpu.memref_squeeze %parallel_loop3A_561 : memref<1x128x16xf32, #tpu.memory_space<vmem>> -> memref<128x16xf32, #tpu.memory_space<vmem>>
        %parallel_loop3A_563 = tpu.vector_load_idx %parallel_loop3A_562[%parallel_loop3A_461, %parallel_loop3A_558] : memref<128x16xf32, #tpu.memory_space<vmem>>[vector<16xi32>, vector<16xi32>], vector<16xf32>,
        %parallel_loop3A_564 = arith.addf %parallel_loop3A_556, %parallel_loop3A_563 : vector<16xf32>
        %parallel_loop3A_565 = arith.index_cast %parallel_loop3A_464 : i32 to index
        %parallel_loop3A_566 = tpu.vector_load %arg21[%parallel_loop3A_565] {strides = array<i32>} : memref<5120xf32, #tpu.memory_space<vmem>>, vector<16xf32>,
        tpu.vector_store %arg21[%parallel_loop3A_565], %parallel_loop3A_564 {strides = array<i32>} : memref<5120xf32, #tpu.memory_space<vmem>>, vector<16xf32>,
      } {sc.loop_unroll_factor = 8 : i64, sc.parallel_access}
      %add3A_342 = arith.constant 8 : i32
      %add3A_343 = arith.addi %add3A_314, %add3A_342 : i32
      %lt3A_344 = arith.constant 40 : i32
      %lt3A_345 = arith.cmpi slt, %add3A_343, %lt3A_344 : i32
      %convert_element_type3A_346 = arith.extui %lt3A_345 : i1 to i32
      %cond3A_347 = arith.constant 0 : i32
      %cond3A_348 = arith.cmpi ne, %convert_element_type3A_346, %cond3A_347 : i32
      scf.if %cond3A_348 {
        %mul3A_457 = arith.constant 128 : i32
        %mul3A_458 = arith.muli %add3A_343, %mul3A_457 : i32
        %dma_start3A_459 = arith.constant 4 : i32
        %dma_start3A_460 = arith.constant 0 : i32
        %dma_start3A_461 = arith.constant 0 : i32
        %dma_start3A_462 = tpu.memref_slice %arg14[%dma_start3A_459, %dma_start3A_460, %dma_start3A_461] : memref<8x128x16xf32, #tpu.memory_space<vmem>> -> memref<1x128x16xf32, #tpu.memory_space<vmem>>
        %dma_start3A_463 = tpu.memref_squeeze %dma_start3A_462 : memref<1x128x16xf32, #tpu.memory_space<vmem>> -> memref<128x16xf32, #tpu.memory_space<vmem>>
        %dma_start3A_464 = tpu.memref_slice %arg12[%mul3A_458] : memref<5120xi32, #tpu.memory_space<vmem>> -> memref<128xi32, #tpu.memory_space<vmem>>
        %dma_start3A_465 = arith.constant 0 : i32
        %dma_start3A_466 = arith.constant 0 : i32
        %dma_start3A_467 = tpu.memref_slice %arg2[%dma_start3A_465, %dma_start3A_466] : memref<20000x16xf32, #tpu.memory_space<hbm>> -> memref<20000x16xf32, #tpu.memory_space<hbm>>
        tpu.enqueue_indirect_dma source(%dma_start3A_467 : memref<20000x16xf32, #tpu.memory_space<hbm>>) target(%dma_start3A_463 : memref<128x16xf32, #tpu.memory_space<vmem>>) offsets(%dma_start3A_464 : memref<128xi32, #tpu.memory_space<vmem>>) semaphore(%arg26 : memref<!tpu.dma_semaphore, #tpu.memory_space<semaphore_mem>>)
        %mul3A_468 = arith.constant 128 : i32
        %mul3A_469 = arith.muli %add3A_343, %mul3A_468 : i32
        %dma_start3A_470 = arith.constant 4 : i32
        %dma_start3A_471 = arith.constant 0 : i32
        %dma_start3A_472 = arith.constant 0 : i32
        %dma_start3A_473 = tpu.memref_slice %arg15[%dma_start3A_470, %dma_start3A_471, %dma_start3A_472] : memref<8x128x16xf32, #tpu.memory_space<vmem>> -> memref<1x128x16xf32, #tpu.memory_space<vmem>>
        %dma_start3A_474 = tpu.memref_squeeze %dma_start3A_473 : memref<1x128x16xf32, #tpu.memory_space<vmem>> -> memref<128x16xf32, #tpu.memory_space<vmem>>
        %dma_start3A_475 = tpu.memref_slice %arg13[%mul3A_469] : memref<5120xi32, #tpu.memory_space<vmem>> -> memref<128xi32, #tpu.memory_space<vmem>>
        %dma_start3A_476 = arith.constant 0 : i32
        %dma_start3A_477 = arith.constant 0 : i32
        %dma_start3A_478 = tpu.memref_slice %arg3[%dma_start3A_476, %dma_start3A_477] : memref<20000x16xf32, #tpu.memory_space<hbm>> -> memref<20000x16xf32, #tpu.memory_space<hbm>>
        tpu.enqueue_indirect_dma source(%dma_start3A_478 : memref<20000x16xf32, #tpu.memory_space<hbm>>) target(%dma_start3A_474 : memref<128x16xf32, #tpu.memory_space<vmem>>) offsets(%dma_start3A_475 : memref<128xi32, #tpu.memory_space<vmem>>) semaphore(%arg34 : memref<!tpu.dma_semaphore, #tpu.memory_space<semaphore_mem>>)
      } else {
      }
      %add3A_349 = arith.constant 5 : i32
      %add3A_350 = arith.addi %mul3A_173, %add3A_349 : i32
      %dma_wait3A_351 = arith.constant 5 : i32
      %dma_wait3A_352 = arith.constant 0 : i32
      %dma_wait3A_353 = arith.constant 0 : i32
      %dma_wait3A_354 = tpu.memref_slice %arg14[%dma_wait3A_351, %dma_wait3A_352, %dma_wait3A_353] : memref<8x128x16xf32, #tpu.memory_space<vmem>> -> memref<1x128x16xf32, #tpu.memory_space<vmem>>
      %dma_wait3A_355 = tpu.memref_squeeze %dma_wait3A_354 : memref<1x128x16xf32, #tpu.memory_space<vmem>> -> memref<128x16xf32, #tpu.memory_space<vmem>>
      %dma_wait3A_356 = arith.constant 0 : i32
      %dma_wait3A_357 = tpu.memref_slice %arg12[%dma_wait3A_356] : memref<5120xi32, #tpu.memory_space<vmem>> -> memref<128xi32, #tpu.memory_space<vmem>>
      %dma_wait3A_358 = arith.constant 0 : i32
      %dma_wait3A_359 = arith.constant 0 : i32
      %dma_wait3A_360 = tpu.memref_slice %arg2[%dma_wait3A_358, %dma_wait3A_359] : memref<20000x16xf32, #tpu.memory_space<hbm>> -> memref<20000x16xf32, #tpu.memory_space<hbm>>
      tpu.wait_indirect_dma semaphore(%arg27 : memref<!tpu.dma_semaphore, #tpu.memory_space<semaphore_mem>>) src(%dma_wait3A_360 : memref<20000x16xf32, #tpu.memory_space<hbm>>) dst(%dma_wait3A_355 : memref<128x16xf32, #tpu.memory_space<vmem>>)
      %dma_wait3A_361 = arith.constant 5 : i32
      %dma_wait3A_362 = arith.constant 0 : i32
      %dma_wait3A_363 = arith.constant 0 : i32
      %dma_wait3A_364 = tpu.memref_slice %arg15[%dma_wait3A_361, %dma_wait3A_362, %dma_wait3A_363] : memref<8x128x16xf32, #tpu.memory_space<vmem>> -> memref<1x128x16xf32, #tpu.memory_space<vmem>>
      %dma_wait3A_365 = tpu.memref_squeeze %dma_wait3A_364 : memref<1x128x16xf32, #tpu.memory_space<vmem>> -> memref<128x16xf32, #tpu.memory_space<vmem>>
      %dma_wait3A_366 = arith.constant 0 : i32
      %dma_wait3A_367 = tpu.memref_slice %arg13[%dma_wait3A_366] : memref<5120xi32, #tpu.memory_space<vmem>> -> memref<128xi32, #tpu.memory_space<vmem>>
      %dma_wait3A_368 = arith.constant 0 : i32
      %dma_wait3A_369 = arith.constant 0 : i32
      %dma_wait3A_370 = tpu.memref_slice %arg3[%dma_wait3A_368, %dma_wait3A_369] : memref<20000x16xf32, #tpu.memory_space<hbm>> -> memref<20000x16xf32, #tpu.memory_space<hbm>>
      tpu.wait_indirect_dma semaphore(%arg35 : memref<!tpu.dma_semaphore, #tpu.memory_space<semaphore_mem>>) src(%dma_wait3A_370 : memref<20000x16xf32, #tpu.memory_space<hbm>>) dst(%dma_wait3A_365 : memref<128x16xf32, #tpu.memory_space<vmem>>)
      %mul3A_371 = arith.constant 128 : i32
      %mul3A_372 = arith.muli %add3A_350, %mul3A_371 : i32
      %parallel_loop3A_373 = arith.constant 0 : i32
      %parallel_loop3A_374 = arith.constant 8 : i32
      %parallel_loop3A_375 = arith.constant 1 : i32
      %parallel_loop3A_376 = arith.constant 5 : i32
      %parallel_loop3A_377 = arith.constant 5 : i32
      scf.for %parallel_loop3A_457 = %parallel_loop3A_373 to %parallel_loop3A_374 step %parallel_loop3A_375  : i32 {
        %parallel_loop3A_458 = arith.constant 16 : i32
        %parallel_loop3A_459 = arith.muli %parallel_loop3A_457, %parallel_loop3A_458 : i32
        %parallel_loop3A_460 = vector.broadcast %parallel_loop3A_459 : i32 to vector<16xi32>
        %parallel_loop3A_461 = arith.addi %iota3A, %parallel_loop3A_460 : vector<16xi32>
        %parallel_loop3A_462 = arith.constant 16 : i32
        %parallel_loop3A_463 = arith.muli %parallel_loop3A_457, %parallel_loop3A_462 : i32
        %parallel_loop3A_464 = arith.addi %mul3A_372, %parallel_loop3A_463 : i32
        %parallel_loop3A_465 = arith.constant 0 : i32
        %parallel_loop3A_466 = vector.broadcast %parallel_loop3A_465 : i32 to vector<16xi32>
        %parallel_loop3A_467 = arith.constant 0 : i32
        %parallel_loop3A_468 = arith.constant 0 : i32
        %parallel_loop3A_469 = tpu.memref_slice %arg14[%parallel_loop3A_376, %parallel_loop3A_467, %parallel_loop3A_468] : memref<8x128x16xf32, #tpu.memory_space<vmem>> -> memref<1x128x16xf32, #tpu.memory_space<vmem>>
        %parallel_loop3A_470 = tpu.memref_squeeze %parallel_loop3A_469 : memref<1x128x16xf32, #tpu.memory_space<vmem>> -> memref<128x16xf32, #tpu.memory_space<vmem>>
        %parallel_loop3A_471 = tpu.vector_load_idx %parallel_loop3A_470[%parallel_loop3A_461, %parallel_loop3A_466] : memref<128x16xf32, #tpu.memory_space<vmem>>[vector<16xi32>, vector<16xi32>], vector<16xf32>,
        %parallel_loop3A_472 = arith.constant 0 : i32
        %parallel_loop3A_473 = vector.broadcast %parallel_loop3A_472 : i32 to vector<16xi32>
        %parallel_loop3A_474 = arith.constant 0 : i32
        %parallel_loop3A_475 = arith.constant 0 : i32
        %parallel_loop3A_476 = tpu.memref_slice %arg15[%parallel_loop3A_377, %parallel_loop3A_474, %parallel_loop3A_475] : memref<8x128x16xf32, #tpu.memory_space<vmem>> -> memref<1x128x16xf32, #tpu.memory_space<vmem>>
        %parallel_loop3A_477 = tpu.memref_squeeze %parallel_loop3A_476 : memref<1x128x16xf32, #tpu.memory_space<vmem>> -> memref<128x16xf32, #tpu.memory_space<vmem>>
        %parallel_loop3A_478 = tpu.vector_load_idx %parallel_loop3A_477[%parallel_loop3A_461, %parallel_loop3A_473] : memref<128x16xf32, #tpu.memory_space<vmem>>[vector<16xi32>, vector<16xi32>], vector<16xf32>,
        %parallel_loop3A_479 = arith.addf %parallel_loop3A_471, %parallel_loop3A_478 : vector<16xf32>
        %parallel_loop3A_480 = arith.index_cast %parallel_loop3A_464 : i32 to index
        %parallel_loop3A_481 = tpu.vector_load %arg16[%parallel_loop3A_480] {strides = array<i32>} : memref<5120xf32, #tpu.memory_space<vmem>>, vector<16xf32>,
        tpu.vector_store %arg16[%parallel_loop3A_480], %parallel_loop3A_479 {strides = array<i32>} : memref<5120xf32, #tpu.memory_space<vmem>>, vector<16xf32>,
        %parallel_loop3A_482 = arith.constant 1 : i32
        %parallel_loop3A_483 = vector.broadcast %parallel_loop3A_482 : i32 to vector<16xi32>
        %parallel_loop3A_484 = arith.constant 0 : i32
        %parallel_loop3A_485 = arith.constant 0 : i32
        %parallel_loop3A_486 = tpu.memref_slice %arg14[%parallel_loop3A_376, %parallel_loop3A_484, %parallel_loop3A_485] : memref<8x128x16xf32, #tpu.memory_space<vmem>> -> memref<1x128x16xf32, #tpu.memory_space<vmem>>
        %parallel_loop3A_487 = tpu.memref_squeeze %parallel_loop3A_486 : memref<1x128x16xf32, #tpu.memory_space<vmem>> -> memref<128x16xf32, #tpu.memory_space<vmem>>
        %parallel_loop3A_488 = tpu.vector_load_idx %parallel_loop3A_487[%parallel_loop3A_461, %parallel_loop3A_483] : memref<128x16xf32, #tpu.memory_space<vmem>>[vector<16xi32>, vector<16xi32>], vector<16xf32>,
        %parallel_loop3A_489 = arith.constant 1 : i32
        %parallel_loop3A_490 = vector.broadcast %parallel_loop3A_489 : i32 to vector<16xi32>
        %parallel_loop3A_491 = arith.constant 0 : i32
        %parallel_loop3A_492 = arith.constant 0 : i32
        %parallel_loop3A_493 = tpu.memref_slice %arg15[%parallel_loop3A_377, %parallel_loop3A_491, %parallel_loop3A_492] : memref<8x128x16xf32, #tpu.memory_space<vmem>> -> memref<1x128x16xf32, #tpu.memory_space<vmem>>
        %parallel_loop3A_494 = tpu.memref_squeeze %parallel_loop3A_493 : memref<1x128x16xf32, #tpu.memory_space<vmem>> -> memref<128x16xf32, #tpu.memory_space<vmem>>
        %parallel_loop3A_495 = tpu.vector_load_idx %parallel_loop3A_494[%parallel_loop3A_461, %parallel_loop3A_490] : memref<128x16xf32, #tpu.memory_space<vmem>>[vector<16xi32>, vector<16xi32>], vector<16xf32>,
        %parallel_loop3A_496 = arith.addf %parallel_loop3A_488, %parallel_loop3A_495 : vector<16xf32>
        %parallel_loop3A_497 = arith.index_cast %parallel_loop3A_464 : i32 to index
        %parallel_loop3A_498 = tpu.vector_load %arg17[%parallel_loop3A_497] {strides = array<i32>} : memref<5120xf32, #tpu.memory_space<vmem>>, vector<16xf32>,
        tpu.vector_store %arg17[%parallel_loop3A_497], %parallel_loop3A_496 {strides = array<i32>} : memref<5120xf32, #tpu.memory_space<vmem>>, vector<16xf32>,
        %parallel_loop3A_499 = arith.constant 2 : i32
        %parallel_loop3A_500 = vector.broadcast %parallel_loop3A_499 : i32 to vector<16xi32>
        %parallel_loop3A_501 = arith.constant 0 : i32
        %parallel_loop3A_502 = arith.constant 0 : i32
        %parallel_loop3A_503 = tpu.memref_slice %arg14[%parallel_loop3A_376, %parallel_loop3A_501, %parallel_loop3A_502] : memref<8x128x16xf32, #tpu.memory_space<vmem>> -> memref<1x128x16xf32, #tpu.memory_space<vmem>>
        %parallel_loop3A_504 = tpu.memref_squeeze %parallel_loop3A_503 : memref<1x128x16xf32, #tpu.memory_space<vmem>> -> memref<128x16xf32, #tpu.memory_space<vmem>>
        %parallel_loop3A_505 = tpu.vector_load_idx %parallel_loop3A_504[%parallel_loop3A_461, %parallel_loop3A_500] : memref<128x16xf32, #tpu.memory_space<vmem>>[vector<16xi32>, vector<16xi32>], vector<16xf32>,
        %parallel_loop3A_506 = arith.constant 2 : i32
        %parallel_loop3A_507 = vector.broadcast %parallel_loop3A_506 : i32 to vector<16xi32>
        %parallel_loop3A_508 = arith.constant 0 : i32
        %parallel_loop3A_509 = arith.constant 0 : i32
        %parallel_loop3A_510 = tpu.memref_slice %arg15[%parallel_loop3A_377, %parallel_loop3A_508, %parallel_loop3A_509] : memref<8x128x16xf32, #tpu.memory_space<vmem>> -> memref<1x128x16xf32, #tpu.memory_space<vmem>>
        %parallel_loop3A_511 = tpu.memref_squeeze %parallel_loop3A_510 : memref<1x128x16xf32, #tpu.memory_space<vmem>> -> memref<128x16xf32, #tpu.memory_space<vmem>>
        %parallel_loop3A_512 = tpu.vector_load_idx %parallel_loop3A_511[%parallel_loop3A_461, %parallel_loop3A_507] : memref<128x16xf32, #tpu.memory_space<vmem>>[vector<16xi32>, vector<16xi32>], vector<16xf32>,
        %parallel_loop3A_513 = arith.addf %parallel_loop3A_505, %parallel_loop3A_512 : vector<16xf32>
        %parallel_loop3A_514 = arith.index_cast %parallel_loop3A_464 : i32 to index
        %parallel_loop3A_515 = tpu.vector_load %arg18[%parallel_loop3A_514] {strides = array<i32>} : memref<5120xf32, #tpu.memory_space<vmem>>, vector<16xf32>,
        tpu.vector_store %arg18[%parallel_loop3A_514], %parallel_loop3A_513 {strides = array<i32>} : memref<5120xf32, #tpu.memory_space<vmem>>, vector<16xf32>,
        %parallel_loop3A_516 = arith.constant 3 : i32
        %parallel_loop3A_517 = vector.broadcast %parallel_loop3A_516 : i32 to vector<16xi32>
        %parallel_loop3A_518 = arith.constant 0 : i32
        %parallel_loop3A_519 = arith.constant 0 : i32
        %parallel_loop3A_520 = tpu.memref_slice %arg14[%parallel_loop3A_376, %parallel_loop3A_518, %parallel_loop3A_519] : memref<8x128x16xf32, #tpu.memory_space<vmem>> -> memref<1x128x16xf32, #tpu.memory_space<vmem>>
        %parallel_loop3A_521 = tpu.memref_squeeze %parallel_loop3A_520 : memref<1x128x16xf32, #tpu.memory_space<vmem>> -> memref<128x16xf32, #tpu.memory_space<vmem>>
        %parallel_loop3A_522 = tpu.vector_load_idx %parallel_loop3A_521[%parallel_loop3A_461, %parallel_loop3A_517] : memref<128x16xf32, #tpu.memory_space<vmem>>[vector<16xi32>, vector<16xi32>], vector<16xf32>,
        %parallel_loop3A_523 = arith.constant 3 : i32
        %parallel_loop3A_524 = vector.broadcast %parallel_loop3A_523 : i32 to vector<16xi32>
        %parallel_loop3A_525 = arith.constant 0 : i32
        %parallel_loop3A_526 = arith.constant 0 : i32
        %parallel_loop3A_527 = tpu.memref_slice %arg15[%parallel_loop3A_377, %parallel_loop3A_525, %parallel_loop3A_526] : memref<8x128x16xf32, #tpu.memory_space<vmem>> -> memref<1x128x16xf32, #tpu.memory_space<vmem>>
        %parallel_loop3A_528 = tpu.memref_squeeze %parallel_loop3A_527 : memref<1x128x16xf32, #tpu.memory_space<vmem>> -> memref<128x16xf32, #tpu.memory_space<vmem>>
        %parallel_loop3A_529 = tpu.vector_load_idx %parallel_loop3A_528[%parallel_loop3A_461, %parallel_loop3A_524] : memref<128x16xf32, #tpu.memory_space<vmem>>[vector<16xi32>, vector<16xi32>], vector<16xf32>,
        %parallel_loop3A_530 = arith.addf %parallel_loop3A_522, %parallel_loop3A_529 : vector<16xf32>
        %parallel_loop3A_531 = arith.index_cast %parallel_loop3A_464 : i32 to index
        %parallel_loop3A_532 = tpu.vector_load %arg19[%parallel_loop3A_531] {strides = array<i32>} : memref<5120xf32, #tpu.memory_space<vmem>>, vector<16xf32>,
        tpu.vector_store %arg19[%parallel_loop3A_531], %parallel_loop3A_530 {strides = array<i32>} : memref<5120xf32, #tpu.memory_space<vmem>>, vector<16xf32>,
        %parallel_loop3A_533 = arith.constant 4 : i32
        %parallel_loop3A_534 = vector.broadcast %parallel_loop3A_533 : i32 to vector<16xi32>
        %parallel_loop3A_535 = arith.constant 0 : i32
        %parallel_loop3A_536 = arith.constant 0 : i32
        %parallel_loop3A_537 = tpu.memref_slice %arg14[%parallel_loop3A_376, %parallel_loop3A_535, %parallel_loop3A_536] : memref<8x128x16xf32, #tpu.memory_space<vmem>> -> memref<1x128x16xf32, #tpu.memory_space<vmem>>
        %parallel_loop3A_538 = tpu.memref_squeeze %parallel_loop3A_537 : memref<1x128x16xf32, #tpu.memory_space<vmem>> -> memref<128x16xf32, #tpu.memory_space<vmem>>
        %parallel_loop3A_539 = tpu.vector_load_idx %parallel_loop3A_538[%parallel_loop3A_461, %parallel_loop3A_534] : memref<128x16xf32, #tpu.memory_space<vmem>>[vector<16xi32>, vector<16xi32>], vector<16xf32>,
        %parallel_loop3A_540 = arith.constant 4 : i32
        %parallel_loop3A_541 = vector.broadcast %parallel_loop3A_540 : i32 to vector<16xi32>
        %parallel_loop3A_542 = arith.constant 0 : i32
        %parallel_loop3A_543 = arith.constant 0 : i32
        %parallel_loop3A_544 = tpu.memref_slice %arg15[%parallel_loop3A_377, %parallel_loop3A_542, %parallel_loop3A_543] : memref<8x128x16xf32, #tpu.memory_space<vmem>> -> memref<1x128x16xf32, #tpu.memory_space<vmem>>
        %parallel_loop3A_545 = tpu.memref_squeeze %parallel_loop3A_544 : memref<1x128x16xf32, #tpu.memory_space<vmem>> -> memref<128x16xf32, #tpu.memory_space<vmem>>
        %parallel_loop3A_546 = tpu.vector_load_idx %parallel_loop3A_545[%parallel_loop3A_461, %parallel_loop3A_541] : memref<128x16xf32, #tpu.memory_space<vmem>>[vector<16xi32>, vector<16xi32>], vector<16xf32>,
        %parallel_loop3A_547 = arith.addf %parallel_loop3A_539, %parallel_loop3A_546 : vector<16xf32>
        %parallel_loop3A_548 = arith.index_cast %parallel_loop3A_464 : i32 to index
        %parallel_loop3A_549 = tpu.vector_load %arg20[%parallel_loop3A_548] {strides = array<i32>} : memref<5120xf32, #tpu.memory_space<vmem>>, vector<16xf32>,
        tpu.vector_store %arg20[%parallel_loop3A_548], %parallel_loop3A_547 {strides = array<i32>} : memref<5120xf32, #tpu.memory_space<vmem>>, vector<16xf32>,
        %parallel_loop3A_550 = arith.constant 5 : i32
        %parallel_loop3A_551 = vector.broadcast %parallel_loop3A_550 : i32 to vector<16xi32>
        %parallel_loop3A_552 = arith.constant 0 : i32
        %parallel_loop3A_553 = arith.constant 0 : i32
        %parallel_loop3A_554 = tpu.memref_slice %arg14[%parallel_loop3A_376, %parallel_loop3A_552, %parallel_loop3A_553] : memref<8x128x16xf32, #tpu.memory_space<vmem>> -> memref<1x128x16xf32, #tpu.memory_space<vmem>>
        %parallel_loop3A_555 = tpu.memref_squeeze %parallel_loop3A_554 : memref<1x128x16xf32, #tpu.memory_space<vmem>> -> memref<128x16xf32, #tpu.memory_space<vmem>>
        %parallel_loop3A_556 = tpu.vector_load_idx %parallel_loop3A_555[%parallel_loop3A_461, %parallel_loop3A_551] : memref<128x16xf32, #tpu.memory_space<vmem>>[vector<16xi32>, vector<16xi32>], vector<16xf32>,
        %parallel_loop3A_557 = arith.constant 5 : i32
        %parallel_loop3A_558 = vector.broadcast %parallel_loop3A_557 : i32 to vector<16xi32>
        %parallel_loop3A_559 = arith.constant 0 : i32
        %parallel_loop3A_560 = arith.constant 0 : i32
        %parallel_loop3A_561 = tpu.memref_slice %arg15[%parallel_loop3A_377, %parallel_loop3A_559, %parallel_loop3A_560] : memref<8x128x16xf32, #tpu.memory_space<vmem>> -> memref<1x128x16xf32, #tpu.memory_space<vmem>>
        %parallel_loop3A_562 = tpu.memref_squeeze %parallel_loop3A_561 : memref<1x128x16xf32, #tpu.memory_space<vmem>> -> memref<128x16xf32, #tpu.memory_space<vmem>>
        %parallel_loop3A_563 = tpu.vector_load_idx %parallel_loop3A_562[%parallel_loop3A_461, %parallel_loop3A_558] : memref<128x16xf32, #tpu.memory_space<vmem>>[vector<16xi32>, vector<16xi32>], vector<16xf32>,
        %parallel_loop3A_564 = arith.addf %parallel_loop3A_556, %parallel_loop3A_563 : vector<16xf32>
        %parallel_loop3A_565 = arith.index_cast %parallel_loop3A_464 : i32 to index
        %parallel_loop3A_566 = tpu.vector_load %arg21[%parallel_loop3A_565] {strides = array<i32>} : memref<5120xf32, #tpu.memory_space<vmem>>, vector<16xf32>,
        tpu.vector_store %arg21[%parallel_loop3A_565], %parallel_loop3A_564 {strides = array<i32>} : memref<5120xf32, #tpu.memory_space<vmem>>, vector<16xf32>,
      } {sc.loop_unroll_factor = 8 : i64, sc.parallel_access}
      %add3A_378 = arith.constant 8 : i32
      %add3A_379 = arith.addi %add3A_350, %add3A_378 : i32
      %lt3A_380 = arith.constant 40 : i32
      %lt3A_381 = arith.cmpi slt, %add3A_379, %lt3A_380 : i32
      %convert_element_type3A_382 = arith.extui %lt3A_381 : i1 to i32
      %cond3A_383 = arith.constant 0 : i32
      %cond3A_384 = arith.cmpi ne, %convert_element_type3A_382, %cond3A_383 : i32
      scf.if %cond3A_384 {
        %mul3A_457 = arith.constant 128 : i32
        %mul3A_458 = arith.muli %add3A_379, %mul3A_457 : i32
        %dma_start3A_459 = arith.constant 5 : i32
        %dma_start3A_460 = arith.constant 0 : i32
        %dma_start3A_461 = arith.constant 0 : i32
        %dma_start3A_462 = tpu.memref_slice %arg14[%dma_start3A_459, %dma_start3A_460, %dma_start3A_461] : memref<8x128x16xf32, #tpu.memory_space<vmem>> -> memref<1x128x16xf32, #tpu.memory_space<vmem>>
        %dma_start3A_463 = tpu.memref_squeeze %dma_start3A_462 : memref<1x128x16xf32, #tpu.memory_space<vmem>> -> memref<128x16xf32, #tpu.memory_space<vmem>>
        %dma_start3A_464 = tpu.memref_slice %arg12[%mul3A_458] : memref<5120xi32, #tpu.memory_space<vmem>> -> memref<128xi32, #tpu.memory_space<vmem>>
        %dma_start3A_465 = arith.constant 0 : i32
        %dma_start3A_466 = arith.constant 0 : i32
        %dma_start3A_467 = tpu.memref_slice %arg2[%dma_start3A_465, %dma_start3A_466] : memref<20000x16xf32, #tpu.memory_space<hbm>> -> memref<20000x16xf32, #tpu.memory_space<hbm>>
        tpu.enqueue_indirect_dma source(%dma_start3A_467 : memref<20000x16xf32, #tpu.memory_space<hbm>>) target(%dma_start3A_463 : memref<128x16xf32, #tpu.memory_space<vmem>>) offsets(%dma_start3A_464 : memref<128xi32, #tpu.memory_space<vmem>>) semaphore(%arg27 : memref<!tpu.dma_semaphore, #tpu.memory_space<semaphore_mem>>)
        %mul3A_468 = arith.constant 128 : i32
        %mul3A_469 = arith.muli %add3A_379, %mul3A_468 : i32
        %dma_start3A_470 = arith.constant 5 : i32
        %dma_start3A_471 = arith.constant 0 : i32
        %dma_start3A_472 = arith.constant 0 : i32
        %dma_start3A_473 = tpu.memref_slice %arg15[%dma_start3A_470, %dma_start3A_471, %dma_start3A_472] : memref<8x128x16xf32, #tpu.memory_space<vmem>> -> memref<1x128x16xf32, #tpu.memory_space<vmem>>
        %dma_start3A_474 = tpu.memref_squeeze %dma_start3A_473 : memref<1x128x16xf32, #tpu.memory_space<vmem>> -> memref<128x16xf32, #tpu.memory_space<vmem>>
        %dma_start3A_475 = tpu.memref_slice %arg13[%mul3A_469] : memref<5120xi32, #tpu.memory_space<vmem>> -> memref<128xi32, #tpu.memory_space<vmem>>
        %dma_start3A_476 = arith.constant 0 : i32
        %dma_start3A_477 = arith.constant 0 : i32
        %dma_start3A_478 = tpu.memref_slice %arg3[%dma_start3A_476, %dma_start3A_477] : memref<20000x16xf32, #tpu.memory_space<hbm>> -> memref<20000x16xf32, #tpu.memory_space<hbm>>
        tpu.enqueue_indirect_dma source(%dma_start3A_478 : memref<20000x16xf32, #tpu.memory_space<hbm>>) target(%dma_start3A_474 : memref<128x16xf32, #tpu.memory_space<vmem>>) offsets(%dma_start3A_475 : memref<128xi32, #tpu.memory_space<vmem>>) semaphore(%arg35 : memref<!tpu.dma_semaphore, #tpu.memory_space<semaphore_mem>>)
      } else {
      }
      %add3A_385 = arith.constant 6 : i32
      %add3A_386 = arith.addi %mul3A_173, %add3A_385 : i32
      %dma_wait3A_387 = arith.constant 6 : i32
      %dma_wait3A_388 = arith.constant 0 : i32
      %dma_wait3A_389 = arith.constant 0 : i32
      %dma_wait3A_390 = tpu.memref_slice %arg14[%dma_wait3A_387, %dma_wait3A_388, %dma_wait3A_389] : memref<8x128x16xf32, #tpu.memory_space<vmem>> -> memref<1x128x16xf32, #tpu.memory_space<vmem>>
      %dma_wait3A_391 = tpu.memref_squeeze %dma_wait3A_390 : memref<1x128x16xf32, #tpu.memory_space<vmem>> -> memref<128x16xf32, #tpu.memory_space<vmem>>
      %dma_wait3A_392 = arith.constant 0 : i32
      %dma_wait3A_393 = tpu.memref_slice %arg12[%dma_wait3A_392] : memref<5120xi32, #tpu.memory_space<vmem>> -> memref<128xi32, #tpu.memory_space<vmem>>
      %dma_wait3A_394 = arith.constant 0 : i32
      %dma_wait3A_395 = arith.constant 0 : i32
      %dma_wait3A_396 = tpu.memref_slice %arg2[%dma_wait3A_394, %dma_wait3A_395] : memref<20000x16xf32, #tpu.memory_space<hbm>> -> memref<20000x16xf32, #tpu.memory_space<hbm>>
      tpu.wait_indirect_dma semaphore(%arg28 : memref<!tpu.dma_semaphore, #tpu.memory_space<semaphore_mem>>) src(%dma_wait3A_396 : memref<20000x16xf32, #tpu.memory_space<hbm>>) dst(%dma_wait3A_391 : memref<128x16xf32, #tpu.memory_space<vmem>>)
      %dma_wait3A_397 = arith.constant 6 : i32
      %dma_wait3A_398 = arith.constant 0 : i32
      %dma_wait3A_399 = arith.constant 0 : i32
      %dma_wait3A_400 = tpu.memref_slice %arg15[%dma_wait3A_397, %dma_wait3A_398, %dma_wait3A_399] : memref<8x128x16xf32, #tpu.memory_space<vmem>> -> memref<1x128x16xf32, #tpu.memory_space<vmem>>
      %dma_wait3A_401 = tpu.memref_squeeze %dma_wait3A_400 : memref<1x128x16xf32, #tpu.memory_space<vmem>> -> memref<128x16xf32, #tpu.memory_space<vmem>>
      %dma_wait3A_402 = arith.constant 0 : i32
      %dma_wait3A_403 = tpu.memref_slice %arg13[%dma_wait3A_402] : memref<5120xi32, #tpu.memory_space<vmem>> -> memref<128xi32, #tpu.memory_space<vmem>>
      %dma_wait3A_404 = arith.constant 0 : i32
      %dma_wait3A_405 = arith.constant 0 : i32
      %dma_wait3A_406 = tpu.memref_slice %arg3[%dma_wait3A_404, %dma_wait3A_405] : memref<20000x16xf32, #tpu.memory_space<hbm>> -> memref<20000x16xf32, #tpu.memory_space<hbm>>
      tpu.wait_indirect_dma semaphore(%arg36 : memref<!tpu.dma_semaphore, #tpu.memory_space<semaphore_mem>>) src(%dma_wait3A_406 : memref<20000x16xf32, #tpu.memory_space<hbm>>) dst(%dma_wait3A_401 : memref<128x16xf32, #tpu.memory_space<vmem>>)
      %mul3A_407 = arith.constant 128 : i32
      %mul3A_408 = arith.muli %add3A_386, %mul3A_407 : i32
      %parallel_loop3A_409 = arith.constant 0 : i32
      %parallel_loop3A_410 = arith.constant 8 : i32
      %parallel_loop3A_411 = arith.constant 1 : i32
      %parallel_loop3A_412 = arith.constant 6 : i32
      %parallel_loop3A_413 = arith.constant 6 : i32
      scf.for %parallel_loop3A_457 = %parallel_loop3A_409 to %parallel_loop3A_410 step %parallel_loop3A_411  : i32 {
        %parallel_loop3A_458 = arith.constant 16 : i32
        %parallel_loop3A_459 = arith.muli %parallel_loop3A_457, %parallel_loop3A_458 : i32
        %parallel_loop3A_460 = vector.broadcast %parallel_loop3A_459 : i32 to vector<16xi32>
        %parallel_loop3A_461 = arith.addi %iota3A, %parallel_loop3A_460 : vector<16xi32>
        %parallel_loop3A_462 = arith.constant 16 : i32
        %parallel_loop3A_463 = arith.muli %parallel_loop3A_457, %parallel_loop3A_462 : i32
        %parallel_loop3A_464 = arith.addi %mul3A_408, %parallel_loop3A_463 : i32
        %parallel_loop3A_465 = arith.constant 0 : i32
        %parallel_loop3A_466 = vector.broadcast %parallel_loop3A_465 : i32 to vector<16xi32>
        %parallel_loop3A_467 = arith.constant 0 : i32
        %parallel_loop3A_468 = arith.constant 0 : i32
        %parallel_loop3A_469 = tpu.memref_slice %arg14[%parallel_loop3A_412, %parallel_loop3A_467, %parallel_loop3A_468] : memref<8x128x16xf32, #tpu.memory_space<vmem>> -> memref<1x128x16xf32, #tpu.memory_space<vmem>>
        %parallel_loop3A_470 = tpu.memref_squeeze %parallel_loop3A_469 : memref<1x128x16xf32, #tpu.memory_space<vmem>> -> memref<128x16xf32, #tpu.memory_space<vmem>>
        %parallel_loop3A_471 = tpu.vector_load_idx %parallel_loop3A_470[%parallel_loop3A_461, %parallel_loop3A_466] : memref<128x16xf32, #tpu.memory_space<vmem>>[vector<16xi32>, vector<16xi32>], vector<16xf32>,
        %parallel_loop3A_472 = arith.constant 0 : i32
        %parallel_loop3A_473 = vector.broadcast %parallel_loop3A_472 : i32 to vector<16xi32>
        %parallel_loop3A_474 = arith.constant 0 : i32
        %parallel_loop3A_475 = arith.constant 0 : i32
        %parallel_loop3A_476 = tpu.memref_slice %arg15[%parallel_loop3A_413, %parallel_loop3A_474, %parallel_loop3A_475] : memref<8x128x16xf32, #tpu.memory_space<vmem>> -> memref<1x128x16xf32, #tpu.memory_space<vmem>>
        %parallel_loop3A_477 = tpu.memref_squeeze %parallel_loop3A_476 : memref<1x128x16xf32, #tpu.memory_space<vmem>> -> memref<128x16xf32, #tpu.memory_space<vmem>>
        %parallel_loop3A_478 = tpu.vector_load_idx %parallel_loop3A_477[%parallel_loop3A_461, %parallel_loop3A_473] : memref<128x16xf32, #tpu.memory_space<vmem>>[vector<16xi32>, vector<16xi32>], vector<16xf32>,
        %parallel_loop3A_479 = arith.addf %parallel_loop3A_471, %parallel_loop3A_478 : vector<16xf32>
        %parallel_loop3A_480 = arith.index_cast %parallel_loop3A_464 : i32 to index
        %parallel_loop3A_481 = tpu.vector_load %arg16[%parallel_loop3A_480] {strides = array<i32>} : memref<5120xf32, #tpu.memory_space<vmem>>, vector<16xf32>,
        tpu.vector_store %arg16[%parallel_loop3A_480], %parallel_loop3A_479 {strides = array<i32>} : memref<5120xf32, #tpu.memory_space<vmem>>, vector<16xf32>,
        %parallel_loop3A_482 = arith.constant 1 : i32
        %parallel_loop3A_483 = vector.broadcast %parallel_loop3A_482 : i32 to vector<16xi32>
        %parallel_loop3A_484 = arith.constant 0 : i32
        %parallel_loop3A_485 = arith.constant 0 : i32
        %parallel_loop3A_486 = tpu.memref_slice %arg14[%parallel_loop3A_412, %parallel_loop3A_484, %parallel_loop3A_485] : memref<8x128x16xf32, #tpu.memory_space<vmem>> -> memref<1x128x16xf32, #tpu.memory_space<vmem>>
        %parallel_loop3A_487 = tpu.memref_squeeze %parallel_loop3A_486 : memref<1x128x16xf32, #tpu.memory_space<vmem>> -> memref<128x16xf32, #tpu.memory_space<vmem>>
        %parallel_loop3A_488 = tpu.vector_load_idx %parallel_loop3A_487[%parallel_loop3A_461, %parallel_loop3A_483] : memref<128x16xf32, #tpu.memory_space<vmem>>[vector<16xi32>, vector<16xi32>], vector<16xf32>,
        %parallel_loop3A_489 = arith.constant 1 : i32
        %parallel_loop3A_490 = vector.broadcast %parallel_loop3A_489 : i32 to vector<16xi32>
        %parallel_loop3A_491 = arith.constant 0 : i32
        %parallel_loop3A_492 = arith.constant 0 : i32
        %parallel_loop3A_493 = tpu.memref_slice %arg15[%parallel_loop3A_413, %parallel_loop3A_491, %parallel_loop3A_492] : memref<8x128x16xf32, #tpu.memory_space<vmem>> -> memref<1x128x16xf32, #tpu.memory_space<vmem>>
        %parallel_loop3A_494 = tpu.memref_squeeze %parallel_loop3A_493 : memref<1x128x16xf32, #tpu.memory_space<vmem>> -> memref<128x16xf32, #tpu.memory_space<vmem>>
        %parallel_loop3A_495 = tpu.vector_load_idx %parallel_loop3A_494[%parallel_loop3A_461, %parallel_loop3A_490] : memref<128x16xf32, #tpu.memory_space<vmem>>[vector<16xi32>, vector<16xi32>], vector<16xf32>,
        %parallel_loop3A_496 = arith.addf %parallel_loop3A_488, %parallel_loop3A_495 : vector<16xf32>
        %parallel_loop3A_497 = arith.index_cast %parallel_loop3A_464 : i32 to index
        %parallel_loop3A_498 = tpu.vector_load %arg17[%parallel_loop3A_497] {strides = array<i32>} : memref<5120xf32, #tpu.memory_space<vmem>>, vector<16xf32>,
        tpu.vector_store %arg17[%parallel_loop3A_497], %parallel_loop3A_496 {strides = array<i32>} : memref<5120xf32, #tpu.memory_space<vmem>>, vector<16xf32>,
        %parallel_loop3A_499 = arith.constant 2 : i32
        %parallel_loop3A_500 = vector.broadcast %parallel_loop3A_499 : i32 to vector<16xi32>
        %parallel_loop3A_501 = arith.constant 0 : i32
        %parallel_loop3A_502 = arith.constant 0 : i32
        %parallel_loop3A_503 = tpu.memref_slice %arg14[%parallel_loop3A_412, %parallel_loop3A_501, %parallel_loop3A_502] : memref<8x128x16xf32, #tpu.memory_space<vmem>> -> memref<1x128x16xf32, #tpu.memory_space<vmem>>
        %parallel_loop3A_504 = tpu.memref_squeeze %parallel_loop3A_503 : memref<1x128x16xf32, #tpu.memory_space<vmem>> -> memref<128x16xf32, #tpu.memory_space<vmem>>
        %parallel_loop3A_505 = tpu.vector_load_idx %parallel_loop3A_504[%parallel_loop3A_461, %parallel_loop3A_500] : memref<128x16xf32, #tpu.memory_space<vmem>>[vector<16xi32>, vector<16xi32>], vector<16xf32>,
        %parallel_loop3A_506 = arith.constant 2 : i32
        %parallel_loop3A_507 = vector.broadcast %parallel_loop3A_506 : i32 to vector<16xi32>
        %parallel_loop3A_508 = arith.constant 0 : i32
        %parallel_loop3A_509 = arith.constant 0 : i32
        %parallel_loop3A_510 = tpu.memref_slice %arg15[%parallel_loop3A_413, %parallel_loop3A_508, %parallel_loop3A_509] : memref<8x128x16xf32, #tpu.memory_space<vmem>> -> memref<1x128x16xf32, #tpu.memory_space<vmem>>
        %parallel_loop3A_511 = tpu.memref_squeeze %parallel_loop3A_510 : memref<1x128x16xf32, #tpu.memory_space<vmem>> -> memref<128x16xf32, #tpu.memory_space<vmem>>
        %parallel_loop3A_512 = tpu.vector_load_idx %parallel_loop3A_511[%parallel_loop3A_461, %parallel_loop3A_507] : memref<128x16xf32, #tpu.memory_space<vmem>>[vector<16xi32>, vector<16xi32>], vector<16xf32>,
        %parallel_loop3A_513 = arith.addf %parallel_loop3A_505, %parallel_loop3A_512 : vector<16xf32>
        %parallel_loop3A_514 = arith.index_cast %parallel_loop3A_464 : i32 to index
        %parallel_loop3A_515 = tpu.vector_load %arg18[%parallel_loop3A_514] {strides = array<i32>} : memref<5120xf32, #tpu.memory_space<vmem>>, vector<16xf32>,
        tpu.vector_store %arg18[%parallel_loop3A_514], %parallel_loop3A_513 {strides = array<i32>} : memref<5120xf32, #tpu.memory_space<vmem>>, vector<16xf32>,
        %parallel_loop3A_516 = arith.constant 3 : i32
        %parallel_loop3A_517 = vector.broadcast %parallel_loop3A_516 : i32 to vector<16xi32>
        %parallel_loop3A_518 = arith.constant 0 : i32
        %parallel_loop3A_519 = arith.constant 0 : i32
        %parallel_loop3A_520 = tpu.memref_slice %arg14[%parallel_loop3A_412, %parallel_loop3A_518, %parallel_loop3A_519] : memref<8x128x16xf32, #tpu.memory_space<vmem>> -> memref<1x128x16xf32, #tpu.memory_space<vmem>>
        %parallel_loop3A_521 = tpu.memref_squeeze %parallel_loop3A_520 : memref<1x128x16xf32, #tpu.memory_space<vmem>> -> memref<128x16xf32, #tpu.memory_space<vmem>>
        %parallel_loop3A_522 = tpu.vector_load_idx %parallel_loop3A_521[%parallel_loop3A_461, %parallel_loop3A_517] : memref<128x16xf32, #tpu.memory_space<vmem>>[vector<16xi32>, vector<16xi32>], vector<16xf32>,
        %parallel_loop3A_523 = arith.constant 3 : i32
        %parallel_loop3A_524 = vector.broadcast %parallel_loop3A_523 : i32 to vector<16xi32>
        %parallel_loop3A_525 = arith.constant 0 : i32
        %parallel_loop3A_526 = arith.constant 0 : i32
        %parallel_loop3A_527 = tpu.memref_slice %arg15[%parallel_loop3A_413, %parallel_loop3A_525, %parallel_loop3A_526] : memref<8x128x16xf32, #tpu.memory_space<vmem>> -> memref<1x128x16xf32, #tpu.memory_space<vmem>>
        %parallel_loop3A_528 = tpu.memref_squeeze %parallel_loop3A_527 : memref<1x128x16xf32, #tpu.memory_space<vmem>> -> memref<128x16xf32, #tpu.memory_space<vmem>>
        %parallel_loop3A_529 = tpu.vector_load_idx %parallel_loop3A_528[%parallel_loop3A_461, %parallel_loop3A_524] : memref<128x16xf32, #tpu.memory_space<vmem>>[vector<16xi32>, vector<16xi32>], vector<16xf32>,
        %parallel_loop3A_530 = arith.addf %parallel_loop3A_522, %parallel_loop3A_529 : vector<16xf32>
        %parallel_loop3A_531 = arith.index_cast %parallel_loop3A_464 : i32 to index
        %parallel_loop3A_532 = tpu.vector_load %arg19[%parallel_loop3A_531] {strides = array<i32>} : memref<5120xf32, #tpu.memory_space<vmem>>, vector<16xf32>,
        tpu.vector_store %arg19[%parallel_loop3A_531], %parallel_loop3A_530 {strides = array<i32>} : memref<5120xf32, #tpu.memory_space<vmem>>, vector<16xf32>,
        %parallel_loop3A_533 = arith.constant 4 : i32
        %parallel_loop3A_534 = vector.broadcast %parallel_loop3A_533 : i32 to vector<16xi32>
        %parallel_loop3A_535 = arith.constant 0 : i32
        %parallel_loop3A_536 = arith.constant 0 : i32
        %parallel_loop3A_537 = tpu.memref_slice %arg14[%parallel_loop3A_412, %parallel_loop3A_535, %parallel_loop3A_536] : memref<8x128x16xf32, #tpu.memory_space<vmem>> -> memref<1x128x16xf32, #tpu.memory_space<vmem>>
        %parallel_loop3A_538 = tpu.memref_squeeze %parallel_loop3A_537 : memref<1x128x16xf32, #tpu.memory_space<vmem>> -> memref<128x16xf32, #tpu.memory_space<vmem>>
        %parallel_loop3A_539 = tpu.vector_load_idx %parallel_loop3A_538[%parallel_loop3A_461, %parallel_loop3A_534] : memref<128x16xf32, #tpu.memory_space<vmem>>[vector<16xi32>, vector<16xi32>], vector<16xf32>,
        %parallel_loop3A_540 = arith.constant 4 : i32
        %parallel_loop3A_541 = vector.broadcast %parallel_loop3A_540 : i32 to vector<16xi32>
        %parallel_loop3A_542 = arith.constant 0 : i32
        %parallel_loop3A_543 = arith.constant 0 : i32
        %parallel_loop3A_544 = tpu.memref_slice %arg15[%parallel_loop3A_413, %parallel_loop3A_542, %parallel_loop3A_543] : memref<8x128x16xf32, #tpu.memory_space<vmem>> -> memref<1x128x16xf32, #tpu.memory_space<vmem>>
        %parallel_loop3A_545 = tpu.memref_squeeze %parallel_loop3A_544 : memref<1x128x16xf32, #tpu.memory_space<vmem>> -> memref<128x16xf32, #tpu.memory_space<vmem>>
        %parallel_loop3A_546 = tpu.vector_load_idx %parallel_loop3A_545[%parallel_loop3A_461, %parallel_loop3A_541] : memref<128x16xf32, #tpu.memory_space<vmem>>[vector<16xi32>, vector<16xi32>], vector<16xf32>,
        %parallel_loop3A_547 = arith.addf %parallel_loop3A_539, %parallel_loop3A_546 : vector<16xf32>
        %parallel_loop3A_548 = arith.index_cast %parallel_loop3A_464 : i32 to index
        %parallel_loop3A_549 = tpu.vector_load %arg20[%parallel_loop3A_548] {strides = array<i32>} : memref<5120xf32, #tpu.memory_space<vmem>>, vector<16xf32>,
        tpu.vector_store %arg20[%parallel_loop3A_548], %parallel_loop3A_547 {strides = array<i32>} : memref<5120xf32, #tpu.memory_space<vmem>>, vector<16xf32>,
        %parallel_loop3A_550 = arith.constant 5 : i32
        %parallel_loop3A_551 = vector.broadcast %parallel_loop3A_550 : i32 to vector<16xi32>
        %parallel_loop3A_552 = arith.constant 0 : i32
        %parallel_loop3A_553 = arith.constant 0 : i32
        %parallel_loop3A_554 = tpu.memref_slice %arg14[%parallel_loop3A_412, %parallel_loop3A_552, %parallel_loop3A_553] : memref<8x128x16xf32, #tpu.memory_space<vmem>> -> memref<1x128x16xf32, #tpu.memory_space<vmem>>
        %parallel_loop3A_555 = tpu.memref_squeeze %parallel_loop3A_554 : memref<1x128x16xf32, #tpu.memory_space<vmem>> -> memref<128x16xf32, #tpu.memory_space<vmem>>
        %parallel_loop3A_556 = tpu.vector_load_idx %parallel_loop3A_555[%parallel_loop3A_461, %parallel_loop3A_551] : memref<128x16xf32, #tpu.memory_space<vmem>>[vector<16xi32>, vector<16xi32>], vector<16xf32>,
        %parallel_loop3A_557 = arith.constant 5 : i32
        %parallel_loop3A_558 = vector.broadcast %parallel_loop3A_557 : i32 to vector<16xi32>
        %parallel_loop3A_559 = arith.constant 0 : i32
        %parallel_loop3A_560 = arith.constant 0 : i32
        %parallel_loop3A_561 = tpu.memref_slice %arg15[%parallel_loop3A_413, %parallel_loop3A_559, %parallel_loop3A_560] : memref<8x128x16xf32, #tpu.memory_space<vmem>> -> memref<1x128x16xf32, #tpu.memory_space<vmem>>
        %parallel_loop3A_562 = tpu.memref_squeeze %parallel_loop3A_561 : memref<1x128x16xf32, #tpu.memory_space<vmem>> -> memref<128x16xf32, #tpu.memory_space<vmem>>
        %parallel_loop3A_563 = tpu.vector_load_idx %parallel_loop3A_562[%parallel_loop3A_461, %parallel_loop3A_558] : memref<128x16xf32, #tpu.memory_space<vmem>>[vector<16xi32>, vector<16xi32>], vector<16xf32>,
        %parallel_loop3A_564 = arith.addf %parallel_loop3A_556, %parallel_loop3A_563 : vector<16xf32>
        %parallel_loop3A_565 = arith.index_cast %parallel_loop3A_464 : i32 to index
        %parallel_loop3A_566 = tpu.vector_load %arg21[%parallel_loop3A_565] {strides = array<i32>} : memref<5120xf32, #tpu.memory_space<vmem>>, vector<16xf32>,
        tpu.vector_store %arg21[%parallel_loop3A_565], %parallel_loop3A_564 {strides = array<i32>} : memref<5120xf32, #tpu.memory_space<vmem>>, vector<16xf32>,
      } {sc.loop_unroll_factor = 8 : i64, sc.parallel_access}
      %add3A_414 = arith.constant 8 : i32
      %add3A_415 = arith.addi %add3A_386, %add3A_414 : i32
      %lt3A_416 = arith.constant 40 : i32
      %lt3A_417 = arith.cmpi slt, %add3A_415, %lt3A_416 : i32
      %convert_element_type3A_418 = arith.extui %lt3A_417 : i1 to i32
      %cond3A_419 = arith.constant 0 : i32
      %cond3A_420 = arith.cmpi ne, %convert_element_type3A_418, %cond3A_419 : i32
      scf.if %cond3A_420 {
        %mul3A_457 = arith.constant 128 : i32
        %mul3A_458 = arith.muli %add3A_415, %mul3A_457 : i32
        %dma_start3A_459 = arith.constant 6 : i32
        %dma_start3A_460 = arith.constant 0 : i32
        %dma_start3A_461 = arith.constant 0 : i32
        %dma_start3A_462 = tpu.memref_slice %arg14[%dma_start3A_459, %dma_start3A_460, %dma_start3A_461] : memref<8x128x16xf32, #tpu.memory_space<vmem>> -> memref<1x128x16xf32, #tpu.memory_space<vmem>>
        %dma_start3A_463 = tpu.memref_squeeze %dma_start3A_462 : memref<1x128x16xf32, #tpu.memory_space<vmem>> -> memref<128x16xf32, #tpu.memory_space<vmem>>
        %dma_start3A_464 = tpu.memref_slice %arg12[%mul3A_458] : memref<5120xi32, #tpu.memory_space<vmem>> -> memref<128xi32, #tpu.memory_space<vmem>>
        %dma_start3A_465 = arith.constant 0 : i32
        %dma_start3A_466 = arith.constant 0 : i32
        %dma_start3A_467 = tpu.memref_slice %arg2[%dma_start3A_465, %dma_start3A_466] : memref<20000x16xf32, #tpu.memory_space<hbm>> -> memref<20000x16xf32, #tpu.memory_space<hbm>>
        tpu.enqueue_indirect_dma source(%dma_start3A_467 : memref<20000x16xf32, #tpu.memory_space<hbm>>) target(%dma_start3A_463 : memref<128x16xf32, #tpu.memory_space<vmem>>) offsets(%dma_start3A_464 : memref<128xi32, #tpu.memory_space<vmem>>) semaphore(%arg28 : memref<!tpu.dma_semaphore, #tpu.memory_space<semaphore_mem>>)
        %mul3A_468 = arith.constant 128 : i32
        %mul3A_469 = arith.muli %add3A_415, %mul3A_468 : i32
        %dma_start3A_470 = arith.constant 6 : i32
        %dma_start3A_471 = arith.constant 0 : i32
        %dma_start3A_472 = arith.constant 0 : i32
        %dma_start3A_473 = tpu.memref_slice %arg15[%dma_start3A_470, %dma_start3A_471, %dma_start3A_472] : memref<8x128x16xf32, #tpu.memory_space<vmem>> -> memref<1x128x16xf32, #tpu.memory_space<vmem>>
        %dma_start3A_474 = tpu.memref_squeeze %dma_start3A_473 : memref<1x128x16xf32, #tpu.memory_space<vmem>> -> memref<128x16xf32, #tpu.memory_space<vmem>>
        %dma_start3A_475 = tpu.memref_slice %arg13[%mul3A_469] : memref<5120xi32, #tpu.memory_space<vmem>> -> memref<128xi32, #tpu.memory_space<vmem>>
        %dma_start3A_476 = arith.constant 0 : i32
        %dma_start3A_477 = arith.constant 0 : i32
        %dma_start3A_478 = tpu.memref_slice %arg3[%dma_start3A_476, %dma_start3A_477] : memref<20000x16xf32, #tpu.memory_space<hbm>> -> memref<20000x16xf32, #tpu.memory_space<hbm>>
        tpu.enqueue_indirect_dma source(%dma_start3A_478 : memref<20000x16xf32, #tpu.memory_space<hbm>>) target(%dma_start3A_474 : memref<128x16xf32, #tpu.memory_space<vmem>>) offsets(%dma_start3A_475 : memref<128xi32, #tpu.memory_space<vmem>>) semaphore(%arg36 : memref<!tpu.dma_semaphore, #tpu.memory_space<semaphore_mem>>)
      } else {
      }
      %add3A_421 = arith.constant 7 : i32
      %add3A_422 = arith.addi %mul3A_173, %add3A_421 : i32
      %dma_wait3A_423 = arith.constant 7 : i32
      %dma_wait3A_424 = arith.constant 0 : i32
      %dma_wait3A_425 = arith.constant 0 : i32
      %dma_wait3A_426 = tpu.memref_slice %arg14[%dma_wait3A_423, %dma_wait3A_424, %dma_wait3A_425] : memref<8x128x16xf32, #tpu.memory_space<vmem>> -> memref<1x128x16xf32, #tpu.memory_space<vmem>>
      %dma_wait3A_427 = tpu.memref_squeeze %dma_wait3A_426 : memref<1x128x16xf32, #tpu.memory_space<vmem>> -> memref<128x16xf32, #tpu.memory_space<vmem>>
      %dma_wait3A_428 = arith.constant 0 : i32
      %dma_wait3A_429 = tpu.memref_slice %arg12[%dma_wait3A_428] : memref<5120xi32, #tpu.memory_space<vmem>> -> memref<128xi32, #tpu.memory_space<vmem>>
      %dma_wait3A_430 = arith.constant 0 : i32
      %dma_wait3A_431 = arith.constant 0 : i32
      %dma_wait3A_432 = tpu.memref_slice %arg2[%dma_wait3A_430, %dma_wait3A_431] : memref<20000x16xf32, #tpu.memory_space<hbm>> -> memref<20000x16xf32, #tpu.memory_space<hbm>>
      tpu.wait_indirect_dma semaphore(%arg29 : memref<!tpu.dma_semaphore, #tpu.memory_space<semaphore_mem>>) src(%dma_wait3A_432 : memref<20000x16xf32, #tpu.memory_space<hbm>>) dst(%dma_wait3A_427 : memref<128x16xf32, #tpu.memory_space<vmem>>)
      %dma_wait3A_433 = arith.constant 7 : i32
      %dma_wait3A_434 = arith.constant 0 : i32
      %dma_wait3A_435 = arith.constant 0 : i32
      %dma_wait3A_436 = tpu.memref_slice %arg15[%dma_wait3A_433, %dma_wait3A_434, %dma_wait3A_435] : memref<8x128x16xf32, #tpu.memory_space<vmem>> -> memref<1x128x16xf32, #tpu.memory_space<vmem>>
      %dma_wait3A_437 = tpu.memref_squeeze %dma_wait3A_436 : memref<1x128x16xf32, #tpu.memory_space<vmem>> -> memref<128x16xf32, #tpu.memory_space<vmem>>
      %dma_wait3A_438 = arith.constant 0 : i32
      %dma_wait3A_439 = tpu.memref_slice %arg13[%dma_wait3A_438] : memref<5120xi32, #tpu.memory_space<vmem>> -> memref<128xi32, #tpu.memory_space<vmem>>
      %dma_wait3A_440 = arith.constant 0 : i32
      %dma_wait3A_441 = arith.constant 0 : i32
      %dma_wait3A_442 = tpu.memref_slice %arg3[%dma_wait3A_440, %dma_wait3A_441] : memref<20000x16xf32, #tpu.memory_space<hbm>> -> memref<20000x16xf32, #tpu.memory_space<hbm>>
      tpu.wait_indirect_dma semaphore(%arg37 : memref<!tpu.dma_semaphore, #tpu.memory_space<semaphore_mem>>) src(%dma_wait3A_442 : memref<20000x16xf32, #tpu.memory_space<hbm>>) dst(%dma_wait3A_437 : memref<128x16xf32, #tpu.memory_space<vmem>>)
      %mul3A_443 = arith.constant 128 : i32
      %mul3A_444 = arith.muli %add3A_422, %mul3A_443 : i32
      %parallel_loop3A_445 = arith.constant 0 : i32
      %parallel_loop3A_446 = arith.constant 8 : i32
      %parallel_loop3A_447 = arith.constant 1 : i32
      %parallel_loop3A_448 = arith.constant 7 : i32
      %parallel_loop3A_449 = arith.constant 7 : i32
      scf.for %parallel_loop3A_457 = %parallel_loop3A_445 to %parallel_loop3A_446 step %parallel_loop3A_447  : i32 {
        %parallel_loop3A_458 = arith.constant 16 : i32
        %parallel_loop3A_459 = arith.muli %parallel_loop3A_457, %parallel_loop3A_458 : i32
        %parallel_loop3A_460 = vector.broadcast %parallel_loop3A_459 : i32 to vector<16xi32>
        %parallel_loop3A_461 = arith.addi %iota3A, %parallel_loop3A_460 : vector<16xi32>
        %parallel_loop3A_462 = arith.constant 16 : i32
        %parallel_loop3A_463 = arith.muli %parallel_loop3A_457, %parallel_loop3A_462 : i32
        %parallel_loop3A_464 = arith.addi %mul3A_444, %parallel_loop3A_463 : i32
        %parallel_loop3A_465 = arith.constant 0 : i32
        %parallel_loop3A_466 = vector.broadcast %parallel_loop3A_465 : i32 to vector<16xi32>
        %parallel_loop3A_467 = arith.constant 0 : i32
        %parallel_loop3A_468 = arith.constant 0 : i32
        %parallel_loop3A_469 = tpu.memref_slice %arg14[%parallel_loop3A_448, %parallel_loop3A_467, %parallel_loop3A_468] : memref<8x128x16xf32, #tpu.memory_space<vmem>> -> memref<1x128x16xf32, #tpu.memory_space<vmem>>
        %parallel_loop3A_470 = tpu.memref_squeeze %parallel_loop3A_469 : memref<1x128x16xf32, #tpu.memory_space<vmem>> -> memref<128x16xf32, #tpu.memory_space<vmem>>
        %parallel_loop3A_471 = tpu.vector_load_idx %parallel_loop3A_470[%parallel_loop3A_461, %parallel_loop3A_466] : memref<128x16xf32, #tpu.memory_space<vmem>>[vector<16xi32>, vector<16xi32>], vector<16xf32>,
        %parallel_loop3A_472 = arith.constant 0 : i32
        %parallel_loop3A_473 = vector.broadcast %parallel_loop3A_472 : i32 to vector<16xi32>
        %parallel_loop3A_474 = arith.constant 0 : i32
        %parallel_loop3A_475 = arith.constant 0 : i32
        %parallel_loop3A_476 = tpu.memref_slice %arg15[%parallel_loop3A_449, %parallel_loop3A_474, %parallel_loop3A_475] : memref<8x128x16xf32, #tpu.memory_space<vmem>> -> memref<1x128x16xf32, #tpu.memory_space<vmem>>
        %parallel_loop3A_477 = tpu.memref_squeeze %parallel_loop3A_476 : memref<1x128x16xf32, #tpu.memory_space<vmem>> -> memref<128x16xf32, #tpu.memory_space<vmem>>
        %parallel_loop3A_478 = tpu.vector_load_idx %parallel_loop3A_477[%parallel_loop3A_461, %parallel_loop3A_473] : memref<128x16xf32, #tpu.memory_space<vmem>>[vector<16xi32>, vector<16xi32>], vector<16xf32>,
        %parallel_loop3A_479 = arith.addf %parallel_loop3A_471, %parallel_loop3A_478 : vector<16xf32>
        %parallel_loop3A_480 = arith.index_cast %parallel_loop3A_464 : i32 to index
        %parallel_loop3A_481 = tpu.vector_load %arg16[%parallel_loop3A_480] {strides = array<i32>} : memref<5120xf32, #tpu.memory_space<vmem>>, vector<16xf32>,
        tpu.vector_store %arg16[%parallel_loop3A_480], %parallel_loop3A_479 {strides = array<i32>} : memref<5120xf32, #tpu.memory_space<vmem>>, vector<16xf32>,
        %parallel_loop3A_482 = arith.constant 1 : i32
        %parallel_loop3A_483 = vector.broadcast %parallel_loop3A_482 : i32 to vector<16xi32>
        %parallel_loop3A_484 = arith.constant 0 : i32
        %parallel_loop3A_485 = arith.constant 0 : i32
        %parallel_loop3A_486 = tpu.memref_slice %arg14[%parallel_loop3A_448, %parallel_loop3A_484, %parallel_loop3A_485] : memref<8x128x16xf32, #tpu.memory_space<vmem>> -> memref<1x128x16xf32, #tpu.memory_space<vmem>>
        %parallel_loop3A_487 = tpu.memref_squeeze %parallel_loop3A_486 : memref<1x128x16xf32, #tpu.memory_space<vmem>> -> memref<128x16xf32, #tpu.memory_space<vmem>>
        %parallel_loop3A_488 = tpu.vector_load_idx %parallel_loop3A_487[%parallel_loop3A_461, %parallel_loop3A_483] : memref<128x16xf32, #tpu.memory_space<vmem>>[vector<16xi32>, vector<16xi32>], vector<16xf32>,
        %parallel_loop3A_489 = arith.constant 1 : i32
        %parallel_loop3A_490 = vector.broadcast %parallel_loop3A_489 : i32 to vector<16xi32>
        %parallel_loop3A_491 = arith.constant 0 : i32
        %parallel_loop3A_492 = arith.constant 0 : i32
        %parallel_loop3A_493 = tpu.memref_slice %arg15[%parallel_loop3A_449, %parallel_loop3A_491, %parallel_loop3A_492] : memref<8x128x16xf32, #tpu.memory_space<vmem>> -> memref<1x128x16xf32, #tpu.memory_space<vmem>>
        %parallel_loop3A_494 = tpu.memref_squeeze %parallel_loop3A_493 : memref<1x128x16xf32, #tpu.memory_space<vmem>> -> memref<128x16xf32, #tpu.memory_space<vmem>>
        %parallel_loop3A_495 = tpu.vector_load_idx %parallel_loop3A_494[%parallel_loop3A_461, %parallel_loop3A_490] : memref<128x16xf32, #tpu.memory_space<vmem>>[vector<16xi32>, vector<16xi32>], vector<16xf32>,
        %parallel_loop3A_496 = arith.addf %parallel_loop3A_488, %parallel_loop3A_495 : vector<16xf32>
        %parallel_loop3A_497 = arith.index_cast %parallel_loop3A_464 : i32 to index
        %parallel_loop3A_498 = tpu.vector_load %arg17[%parallel_loop3A_497] {strides = array<i32>} : memref<5120xf32, #tpu.memory_space<vmem>>, vector<16xf32>,
        tpu.vector_store %arg17[%parallel_loop3A_497], %parallel_loop3A_496 {strides = array<i32>} : memref<5120xf32, #tpu.memory_space<vmem>>, vector<16xf32>,
        %parallel_loop3A_499 = arith.constant 2 : i32
        %parallel_loop3A_500 = vector.broadcast %parallel_loop3A_499 : i32 to vector<16xi32>
        %parallel_loop3A_501 = arith.constant 0 : i32
        %parallel_loop3A_502 = arith.constant 0 : i32
        %parallel_loop3A_503 = tpu.memref_slice %arg14[%parallel_loop3A_448, %parallel_loop3A_501, %parallel_loop3A_502] : memref<8x128x16xf32, #tpu.memory_space<vmem>> -> memref<1x128x16xf32, #tpu.memory_space<vmem>>
        %parallel_loop3A_504 = tpu.memref_squeeze %parallel_loop3A_503 : memref<1x128x16xf32, #tpu.memory_space<vmem>> -> memref<128x16xf32, #tpu.memory_space<vmem>>
        %parallel_loop3A_505 = tpu.vector_load_idx %parallel_loop3A_504[%parallel_loop3A_461, %parallel_loop3A_500] : memref<128x16xf32, #tpu.memory_space<vmem>>[vector<16xi32>, vector<16xi32>], vector<16xf32>,
        %parallel_loop3A_506 = arith.constant 2 : i32
        %parallel_loop3A_507 = vector.broadcast %parallel_loop3A_506 : i32 to vector<16xi32>
        %parallel_loop3A_508 = arith.constant 0 : i32
        %parallel_loop3A_509 = arith.constant 0 : i32
        %parallel_loop3A_510 = tpu.memref_slice %arg15[%parallel_loop3A_449, %parallel_loop3A_508, %parallel_loop3A_509] : memref<8x128x16xf32, #tpu.memory_space<vmem>> -> memref<1x128x16xf32, #tpu.memory_space<vmem>>
        %parallel_loop3A_511 = tpu.memref_squeeze %parallel_loop3A_510 : memref<1x128x16xf32, #tpu.memory_space<vmem>> -> memref<128x16xf32, #tpu.memory_space<vmem>>
        %parallel_loop3A_512 = tpu.vector_load_idx %parallel_loop3A_511[%parallel_loop3A_461, %parallel_loop3A_507] : memref<128x16xf32, #tpu.memory_space<vmem>>[vector<16xi32>, vector<16xi32>], vector<16xf32>,
        %parallel_loop3A_513 = arith.addf %parallel_loop3A_505, %parallel_loop3A_512 : vector<16xf32>
        %parallel_loop3A_514 = arith.index_cast %parallel_loop3A_464 : i32 to index
        %parallel_loop3A_515 = tpu.vector_load %arg18[%parallel_loop3A_514] {strides = array<i32>} : memref<5120xf32, #tpu.memory_space<vmem>>, vector<16xf32>,
        tpu.vector_store %arg18[%parallel_loop3A_514], %parallel_loop3A_513 {strides = array<i32>} : memref<5120xf32, #tpu.memory_space<vmem>>, vector<16xf32>,
        %parallel_loop3A_516 = arith.constant 3 : i32
        %parallel_loop3A_517 = vector.broadcast %parallel_loop3A_516 : i32 to vector<16xi32>
        %parallel_loop3A_518 = arith.constant 0 : i32
        %parallel_loop3A_519 = arith.constant 0 : i32
        %parallel_loop3A_520 = tpu.memref_slice %arg14[%parallel_loop3A_448, %parallel_loop3A_518, %parallel_loop3A_519] : memref<8x128x16xf32, #tpu.memory_space<vmem>> -> memref<1x128x16xf32, #tpu.memory_space<vmem>>
        %parallel_loop3A_521 = tpu.memref_squeeze %parallel_loop3A_520 : memref<1x128x16xf32, #tpu.memory_space<vmem>> -> memref<128x16xf32, #tpu.memory_space<vmem>>
        %parallel_loop3A_522 = tpu.vector_load_idx %parallel_loop3A_521[%parallel_loop3A_461, %parallel_loop3A_517] : memref<128x16xf32, #tpu.memory_space<vmem>>[vector<16xi32>, vector<16xi32>], vector<16xf32>,
        %parallel_loop3A_523 = arith.constant 3 : i32
        %parallel_loop3A_524 = vector.broadcast %parallel_loop3A_523 : i32 to vector<16xi32>
        %parallel_loop3A_525 = arith.constant 0 : i32
        %parallel_loop3A_526 = arith.constant 0 : i32
        %parallel_loop3A_527 = tpu.memref_slice %arg15[%parallel_loop3A_449, %parallel_loop3A_525, %parallel_loop3A_526] : memref<8x128x16xf32, #tpu.memory_space<vmem>> -> memref<1x128x16xf32, #tpu.memory_space<vmem>>
        %parallel_loop3A_528 = tpu.memref_squeeze %parallel_loop3A_527 : memref<1x128x16xf32, #tpu.memory_space<vmem>> -> memref<128x16xf32, #tpu.memory_space<vmem>>
        %parallel_loop3A_529 = tpu.vector_load_idx %parallel_loop3A_528[%parallel_loop3A_461, %parallel_loop3A_524] : memref<128x16xf32, #tpu.memory_space<vmem>>[vector<16xi32>, vector<16xi32>], vector<16xf32>,
        %parallel_loop3A_530 = arith.addf %parallel_loop3A_522, %parallel_loop3A_529 : vector<16xf32>
        %parallel_loop3A_531 = arith.index_cast %parallel_loop3A_464 : i32 to index
        %parallel_loop3A_532 = tpu.vector_load %arg19[%parallel_loop3A_531] {strides = array<i32>} : memref<5120xf32, #tpu.memory_space<vmem>>, vector<16xf32>,
        tpu.vector_store %arg19[%parallel_loop3A_531], %parallel_loop3A_530 {strides = array<i32>} : memref<5120xf32, #tpu.memory_space<vmem>>, vector<16xf32>,
        %parallel_loop3A_533 = arith.constant 4 : i32
        %parallel_loop3A_534 = vector.broadcast %parallel_loop3A_533 : i32 to vector<16xi32>
        %parallel_loop3A_535 = arith.constant 0 : i32
        %parallel_loop3A_536 = arith.constant 0 : i32
        %parallel_loop3A_537 = tpu.memref_slice %arg14[%parallel_loop3A_448, %parallel_loop3A_535, %parallel_loop3A_536] : memref<8x128x16xf32, #tpu.memory_space<vmem>> -> memref<1x128x16xf32, #tpu.memory_space<vmem>>
        %parallel_loop3A_538 = tpu.memref_squeeze %parallel_loop3A_537 : memref<1x128x16xf32, #tpu.memory_space<vmem>> -> memref<128x16xf32, #tpu.memory_space<vmem>>
        %parallel_loop3A_539 = tpu.vector_load_idx %parallel_loop3A_538[%parallel_loop3A_461, %parallel_loop3A_534] : memref<128x16xf32, #tpu.memory_space<vmem>>[vector<16xi32>, vector<16xi32>], vector<16xf32>,
        %parallel_loop3A_540 = arith.constant 4 : i32
        %parallel_loop3A_541 = vector.broadcast %parallel_loop3A_540 : i32 to vector<16xi32>
        %parallel_loop3A_542 = arith.constant 0 : i32
        %parallel_loop3A_543 = arith.constant 0 : i32
        %parallel_loop3A_544 = tpu.memref_slice %arg15[%parallel_loop3A_449, %parallel_loop3A_542, %parallel_loop3A_543] : memref<8x128x16xf32, #tpu.memory_space<vmem>> -> memref<1x128x16xf32, #tpu.memory_space<vmem>>
        %parallel_loop3A_545 = tpu.memref_squeeze %parallel_loop3A_544 : memref<1x128x16xf32, #tpu.memory_space<vmem>> -> memref<128x16xf32, #tpu.memory_space<vmem>>
        %parallel_loop3A_546 = tpu.vector_load_idx %parallel_loop3A_545[%parallel_loop3A_461, %parallel_loop3A_541] : memref<128x16xf32, #tpu.memory_space<vmem>>[vector<16xi32>, vector<16xi32>], vector<16xf32>,
        %parallel_loop3A_547 = arith.addf %parallel_loop3A_539, %parallel_loop3A_546 : vector<16xf32>
        %parallel_loop3A_548 = arith.index_cast %parallel_loop3A_464 : i32 to index
        %parallel_loop3A_549 = tpu.vector_load %arg20[%parallel_loop3A_548] {strides = array<i32>} : memref<5120xf32, #tpu.memory_space<vmem>>, vector<16xf32>,
        tpu.vector_store %arg20[%parallel_loop3A_548], %parallel_loop3A_547 {strides = array<i32>} : memref<5120xf32, #tpu.memory_space<vmem>>, vector<16xf32>,
        %parallel_loop3A_550 = arith.constant 5 : i32
        %parallel_loop3A_551 = vector.broadcast %parallel_loop3A_550 : i32 to vector<16xi32>
        %parallel_loop3A_552 = arith.constant 0 : i32
        %parallel_loop3A_553 = arith.constant 0 : i32
        %parallel_loop3A_554 = tpu.memref_slice %arg14[%parallel_loop3A_448, %parallel_loop3A_552, %parallel_loop3A_553] : memref<8x128x16xf32, #tpu.memory_space<vmem>> -> memref<1x128x16xf32, #tpu.memory_space<vmem>>
        %parallel_loop3A_555 = tpu.memref_squeeze %parallel_loop3A_554 : memref<1x128x16xf32, #tpu.memory_space<vmem>> -> memref<128x16xf32, #tpu.memory_space<vmem>>
        %parallel_loop3A_556 = tpu.vector_load_idx %parallel_loop3A_555[%parallel_loop3A_461, %parallel_loop3A_551] : memref<128x16xf32, #tpu.memory_space<vmem>>[vector<16xi32>, vector<16xi32>], vector<16xf32>,
        %parallel_loop3A_557 = arith.constant 5 : i32
        %parallel_loop3A_558 = vector.broadcast %parallel_loop3A_557 : i32 to vector<16xi32>
        %parallel_loop3A_559 = arith.constant 0 : i32
        %parallel_loop3A_560 = arith.constant 0 : i32
        %parallel_loop3A_561 = tpu.memref_slice %arg15[%parallel_loop3A_449, %parallel_loop3A_559, %parallel_loop3A_560] : memref<8x128x16xf32, #tpu.memory_space<vmem>> -> memref<1x128x16xf32, #tpu.memory_space<vmem>>
        %parallel_loop3A_562 = tpu.memref_squeeze %parallel_loop3A_561 : memref<1x128x16xf32, #tpu.memory_space<vmem>> -> memref<128x16xf32, #tpu.memory_space<vmem>>
        %parallel_loop3A_563 = tpu.vector_load_idx %parallel_loop3A_562[%parallel_loop3A_461, %parallel_loop3A_558] : memref<128x16xf32, #tpu.memory_space<vmem>>[vector<16xi32>, vector<16xi32>], vector<16xf32>,
        %parallel_loop3A_564 = arith.addf %parallel_loop3A_556, %parallel_loop3A_563 : vector<16xf32>
        %parallel_loop3A_565 = arith.index_cast %parallel_loop3A_464 : i32 to index
        %parallel_loop3A_566 = tpu.vector_load %arg21[%parallel_loop3A_565] {strides = array<i32>} : memref<5120xf32, #tpu.memory_space<vmem>>, vector<16xf32>,
        tpu.vector_store %arg21[%parallel_loop3A_565], %parallel_loop3A_564 {strides = array<i32>} : memref<5120xf32, #tpu.memory_space<vmem>>, vector<16xf32>,
      } {sc.loop_unroll_factor = 8 : i64, sc.parallel_access}
      %add3A_450 = arith.constant 8 : i32
      %add3A_451 = arith.addi %add3A_422, %add3A_450 : i32
      %lt3A_452 = arith.constant 40 : i32
      %lt3A_453 = arith.cmpi slt, %add3A_451, %lt3A_452 : i32
      %convert_element_type3A_454 = arith.extui %lt3A_453 : i1 to i32
      %cond3A_455 = arith.constant 0 : i32
      %cond3A_456 = arith.cmpi ne, %convert_element_type3A_454, %cond3A_455 : i32
      scf.if %cond3A_456 {
        %mul3A_457 = arith.constant 128 : i32
        %mul3A_458 = arith.muli %add3A_451, %mul3A_457 : i32
        %dma_start3A_459 = arith.constant 7 : i32
        %dma_start3A_460 = arith.constant 0 : i32
        %dma_start3A_461 = arith.constant 0 : i32
        %dma_start3A_462 = tpu.memref_slice %arg14[%dma_start3A_459, %dma_start3A_460, %dma_start3A_461] : memref<8x128x16xf32, #tpu.memory_space<vmem>> -> memref<1x128x16xf32, #tpu.memory_space<vmem>>
        %dma_start3A_463 = tpu.memref_squeeze %dma_start3A_462 : memref<1x128x16xf32, #tpu.memory_space<vmem>> -> memref<128x16xf32, #tpu.memory_space<vmem>>
        %dma_start3A_464 = tpu.memref_slice %arg12[%mul3A_458] : memref<5120xi32, #tpu.memory_space<vmem>> -> memref<128xi32, #tpu.memory_space<vmem>>
        %dma_start3A_465 = arith.constant 0 : i32
        %dma_start3A_466 = arith.constant 0 : i32
        %dma_start3A_467 = tpu.memref_slice %arg2[%dma_start3A_465, %dma_start3A_466] : memref<20000x16xf32, #tpu.memory_space<hbm>> -> memref<20000x16xf32, #tpu.memory_space<hbm>>
        tpu.enqueue_indirect_dma source(%dma_start3A_467 : memref<20000x16xf32, #tpu.memory_space<hbm>>) target(%dma_start3A_463 : memref<128x16xf32, #tpu.memory_space<vmem>>) offsets(%dma_start3A_464 : memref<128xi32, #tpu.memory_space<vmem>>) semaphore(%arg29 : memref<!tpu.dma_semaphore, #tpu.memory_space<semaphore_mem>>)
        %mul3A_468 = arith.constant 128 : i32
        %mul3A_469 = arith.muli %add3A_451, %mul3A_468 : i32
        %dma_start3A_470 = arith.constant 7 : i32
        %dma_start3A_471 = arith.constant 0 : i32
        %dma_start3A_472 = arith.constant 0 : i32
        %dma_start3A_473 = tpu.memref_slice %arg15[%dma_start3A_470, %dma_start3A_471, %dma_start3A_472] : memref<8x128x16xf32, #tpu.memory_space<vmem>> -> memref<1x128x16xf32, #tpu.memory_space<vmem>>
        %dma_start3A_474 = tpu.memref_squeeze %dma_start3A_473 : memref<1x128x16xf32, #tpu.memory_space<vmem>> -> memref<128x16xf32, #tpu.memory_space<vmem>>
        %dma_start3A_475 = tpu.memref_slice %arg13[%mul3A_469] : memref<5120xi32, #tpu.memory_space<vmem>> -> memref<128xi32, #tpu.memory_space<vmem>>
        %dma_start3A_476 = arith.constant 0 : i32
        %dma_start3A_477 = arith.constant 0 : i32
        %dma_start3A_478 = tpu.memref_slice %arg3[%dma_start3A_476, %dma_start3A_477] : memref<20000x16xf32, #tpu.memory_space<hbm>> -> memref<20000x16xf32, #tpu.memory_space<hbm>>
        tpu.enqueue_indirect_dma source(%dma_start3A_478 : memref<20000x16xf32, #tpu.memory_space<hbm>>) target(%dma_start3A_474 : memref<128x16xf32, #tpu.memory_space<vmem>>) offsets(%dma_start3A_475 : memref<128xi32, #tpu.memory_space<vmem>>) semaphore(%arg37 : memref<!tpu.dma_semaphore, #tpu.memory_space<semaphore_mem>>)
      } else {
      }
    }
    %scan3A_168 = arith.constant 5 : i32
    %mul3A_169 = arith.constant 5120 : i32
    %mul3A_170 = arith.muli %add3A, %mul3A_169 : i32
    "tpu.region"() ({
      %run_scoped3A = tpu.sem_alloc : memref<!tpu.dma_semaphore, #tpu.memory_space<semaphore_mem>>
      %dma_start3A_171 = tpu.memref_slice %arg6[%mul3A_170] : memref<163840xf32, #tpu.memory_space<hbm>> -> memref<5120xf32, #tpu.memory_space<hbm>>
      %dma_start3A_172 = tpu.memref_slice %arg6[%mul3A_170] : memref<163840xf32, #tpu.memory_space<hbm>> -> memref<5120xf32, #tpu.memory_space<hbm>>
      tpu.enqueue_dma source(%arg16 : memref<5120xf32, #tpu.memory_space<vmem>>) target(%dma_start3A_172 : memref<5120xf32, #tpu.memory_space<hbm>>) target_semaphore(%run_scoped3A : memref<!tpu.dma_semaphore, #tpu.memory_space<semaphore_mem>>)
      %dma_wait3A = tpu.memref_slice %arg6[%mul3A_170] : memref<163840xf32, #tpu.memory_space<hbm>> -> memref<5120xf32, #tpu.memory_space<hbm>>
      %dma_wait3A_173 = tpu.memref_slice %arg6[%mul3A_170] : memref<163840xf32, #tpu.memory_space<hbm>> -> memref<5120xf32, #tpu.memory_space<hbm>>
      tpu.wait_dma2 semaphore(%run_scoped3A : memref<!tpu.dma_semaphore, #tpu.memory_space<semaphore_mem>>) src(%arg16 : memref<5120xf32, #tpu.memory_space<vmem>>) dst(%dma_wait3A_173 : memref<5120xf32, #tpu.memory_space<hbm>>)
      tpu.yield
    }) : () -> ()
    "tpu.region"() ({
      %run_scoped3A = tpu.sem_alloc : memref<!tpu.dma_semaphore, #tpu.memory_space<semaphore_mem>>
      %dma_start3A_171 = tpu.memref_slice %arg7[%mul3A_170] : memref<163840xf32, #tpu.memory_space<hbm>> -> memref<5120xf32, #tpu.memory_space<hbm>>
      %dma_start3A_172 = tpu.memref_slice %arg7[%mul3A_170] : memref<163840xf32, #tpu.memory_space<hbm>> -> memref<5120xf32, #tpu.memory_space<hbm>>
      tpu.enqueue_dma source(%arg17 : memref<5120xf32, #tpu.memory_space<vmem>>) target(%dma_start3A_172 : memref<5120xf32, #tpu.memory_space<hbm>>) target_semaphore(%run_scoped3A : memref<!tpu.dma_semaphore, #tpu.memory_space<semaphore_mem>>)
      %dma_wait3A = tpu.memref_slice %arg7[%mul3A_170] : memref<163840xf32, #tpu.memory_space<hbm>> -> memref<5120xf32, #tpu.memory_space<hbm>>
      %dma_wait3A_173 = tpu.memref_slice %arg7[%mul3A_170] : memref<163840xf32, #tpu.memory_space<hbm>> -> memref<5120xf32, #tpu.memory_space<hbm>>
      tpu.wait_dma2 semaphore(%run_scoped3A : memref<!tpu.dma_semaphore, #tpu.memory_space<semaphore_mem>>) src(%arg17 : memref<5120xf32, #tpu.memory_space<vmem>>) dst(%dma_wait3A_173 : memref<5120xf32, #tpu.memory_space<hbm>>)
      tpu.yield
    }) : () -> ()
    "tpu.region"() ({
      %run_scoped3A = tpu.sem_alloc : memref<!tpu.dma_semaphore, #tpu.memory_space<semaphore_mem>>
      %dma_start3A_171 = tpu.memref_slice %arg8[%mul3A_170] : memref<163840xf32, #tpu.memory_space<hbm>> -> memref<5120xf32, #tpu.memory_space<hbm>>
      %dma_start3A_172 = tpu.memref_slice %arg8[%mul3A_170] : memref<163840xf32, #tpu.memory_space<hbm>> -> memref<5120xf32, #tpu.memory_space<hbm>>
      tpu.enqueue_dma source(%arg18 : memref<5120xf32, #tpu.memory_space<vmem>>) target(%dma_start3A_172 : memref<5120xf32, #tpu.memory_space<hbm>>) target_semaphore(%run_scoped3A : memref<!tpu.dma_semaphore, #tpu.memory_space<semaphore_mem>>)
      %dma_wait3A = tpu.memref_slice %arg8[%mul3A_170] : memref<163840xf32, #tpu.memory_space<hbm>> -> memref<5120xf32, #tpu.memory_space<hbm>>
      %dma_wait3A_173 = tpu.memref_slice %arg8[%mul3A_170] : memref<163840xf32, #tpu.memory_space<hbm>> -> memref<5120xf32, #tpu.memory_space<hbm>>
      tpu.wait_dma2 semaphore(%run_scoped3A : memref<!tpu.dma_semaphore, #tpu.memory_space<semaphore_mem>>) src(%arg18 : memref<5120xf32, #tpu.memory_space<vmem>>) dst(%dma_wait3A_173 : memref<5120xf32, #tpu.memory_space<hbm>>)
      tpu.yield
    }) : () -> ()
    "tpu.region"() ({
      %run_scoped3A = tpu.sem_alloc : memref<!tpu.dma_semaphore, #tpu.memory_space<semaphore_mem>>
      %dma_start3A_171 = tpu.memref_slice %arg9[%mul3A_170] : memref<163840xf32, #tpu.memory_space<hbm>> -> memref<5120xf32, #tpu.memory_space<hbm>>
      %dma_start3A_172 = tpu.memref_slice %arg9[%mul3A_170] : memref<163840xf32, #tpu.memory_space<hbm>> -> memref<5120xf32, #tpu.memory_space<hbm>>
      tpu.enqueue_dma source(%arg19 : memref<5120xf32, #tpu.memory_space<vmem>>) target(%dma_start3A_172 : memref<5120xf32, #tpu.memory_space<hbm>>) target_semaphore(%run_scoped3A : memref<!tpu.dma_semaphore, #tpu.memory_space<semaphore_mem>>)
      %dma_wait3A = tpu.memref_slice %arg9[%mul3A_170] : memref<163840xf32, #tpu.memory_space<hbm>> -> memref<5120xf32, #tpu.memory_space<hbm>>
      %dma_wait3A_173 = tpu.memref_slice %arg9[%mul3A_170] : memref<163840xf32, #tpu.memory_space<hbm>> -> memref<5120xf32, #tpu.memory_space<hbm>>
      tpu.wait_dma2 semaphore(%run_scoped3A : memref<!tpu.dma_semaphore, #tpu.memory_space<semaphore_mem>>) src(%arg19 : memref<5120xf32, #tpu.memory_space<vmem>>) dst(%dma_wait3A_173 : memref<5120xf32, #tpu.memory_space<hbm>>)
      tpu.yield
    }) : () -> ()
    "tpu.region"() ({
      %run_scoped3A = tpu.sem_alloc : memref<!tpu.dma_semaphore, #tpu.memory_space<semaphore_mem>>
      %dma_start3A_171 = tpu.memref_slice %arg10[%mul3A_170] : memref<163840xf32, #tpu.memory_space<hbm>> -> memref<5120xf32, #tpu.memory_space<hbm>>
      %dma_start3A_172 = tpu.memref_slice %arg10[%mul3A_170] : memref<163840xf32, #tpu.memory_space<hbm>> -> memref<5120xf32, #tpu.memory_space<hbm>>
      tpu.enqueue_dma source(%arg20 : memref<5120xf32, #tpu.memory_space<vmem>>) target(%dma_start3A_172 : memref<5120xf32, #tpu.memory_space<hbm>>) target_semaphore(%run_scoped3A : memref<!tpu.dma_semaphore, #tpu.memory_space<semaphore_mem>>)
      %dma_wait3A = tpu.memref_slice %arg10[%mul3A_170] : memref<163840xf32, #tpu.memory_space<hbm>> -> memref<5120xf32, #tpu.memory_space<hbm>>
      %dma_wait3A_173 = tpu.memref_slice %arg10[%mul3A_170] : memref<163840xf32, #tpu.memory_space<hbm>> -> memref<5120xf32, #tpu.memory_space<hbm>>
      tpu.wait_dma2 semaphore(%run_scoped3A : memref<!tpu.dma_semaphore, #tpu.memory_space<semaphore_mem>>) src(%arg20 : memref<5120xf32, #tpu.memory_space<vmem>>) dst(%dma_wait3A_173 : memref<5120xf32, #tpu.memory_space<hbm>>)
      tpu.yield
    }) : () -> ()
    "tpu.region"() ({
      %run_scoped3A = tpu.sem_alloc : memref<!tpu.dma_semaphore, #tpu.memory_space<semaphore_mem>>
      %dma_start3A_171 = tpu.memref_slice %arg11[%mul3A_170] : memref<163840xf32, #tpu.memory_space<hbm>> -> memref<5120xf32, #tpu.memory_space<hbm>>
      %dma_start3A_172 = tpu.memref_slice %arg11[%mul3A_170] : memref<163840xf32, #tpu.memory_space<hbm>> -> memref<5120xf32, #tpu.memory_space<hbm>>
      tpu.enqueue_dma source(%arg21 : memref<5120xf32, #tpu.memory_space<vmem>>) target(%dma_start3A_172 : memref<5120xf32, #tpu.memory_space<hbm>>) target_semaphore(%run_scoped3A : memref<!tpu.dma_semaphore, #tpu.memory_space<semaphore_mem>>)
      %dma_wait3A = tpu.memref_slice %arg11[%mul3A_170] : memref<163840xf32, #tpu.memory_space<hbm>> -> memref<5120xf32, #tpu.memory_space<hbm>>
      %dma_wait3A_173 = tpu.memref_slice %arg11[%mul3A_170] : memref<163840xf32, #tpu.memory_space<hbm>> -> memref<5120xf32, #tpu.memory_space<hbm>>
      tpu.wait_dma2 semaphore(%run_scoped3A : memref<!tpu.dma_semaphore, #tpu.memory_space<semaphore_mem>>) src(%arg21 : memref<5120xf32, #tpu.memory_space<vmem>>) dst(%dma_wait3A_173 : memref<5120xf32, #tpu.memory_space<hbm>>)
      tpu.yield
    }) : () -> ()
    return
  }
}

module attributes {stable_mosaic.version = 14 : i64} {
  func.func @_tc_tables_body(%arg0: i32, %arg1: memref<4000x128xf32, #tpu.memory_space<vmem>>, %arg2: memref<4000x128xf32, #tpu.memory_space<vmem>>, %arg3: memref<128x16xf32, #tpu.memory_space<vmem>>, %arg4: memref<128x16xf32, #tpu.memory_space<vmem>>, %arg5: memref<4000x16xf32, #tpu.memory_space<vmem>>, %arg6: memref<4000x16xf32, #tpu.memory_space<vmem>>) attributes {dimension_semantics = [#tpu.dimension_semantics<arbitrary>], iteration_bounds = array<i64: 5>, scalar_prefetch = 0 : i64, scratch_operands = 0 : i64, tpu.core_type = #tpu.core_type<tc>, window_params = [{transform_indices = @transform_0, window_bounds = array<i64: 4000, 128>}, {transform_indices = @transform_1, window_bounds = array<i64: 4000, 128>}, {pipeline_mode = #tpu.pipeline_mode<synchronous>, transform_indices = @transform_2, window_bounds = array<i64: 128, 16>}, {pipeline_mode = #tpu.pipeline_mode<synchronous>, transform_indices = @transform_3, window_bounds = array<i64: 128, 16>}, {transform_indices = @transform_4, window_bounds = array<i64: 4000, 16>}, {transform_indices = @transform_5, window_bounds = array<i64: 4000, 16>}]} {
    %iota3A = tpu.iota {dimensions = array<i32: 1>} : vector<4000x16xi32>
    %get3A = arith.constant 0 : index
    %get3A_0 = arith.constant 0 : index
    %get3A_1 = vector.load %arg1[%get3A, %get3A_0] : memref<4000x128xf32, #tpu.memory_space<vmem>>, vector<4000x128xf32>
    %slice3A = vector.extract_strided_slice %get3A_1 {offsets = [1, 0], sizes = [3999, 128], strides = [1, 1]} : vector<4000x128xf32> to vector<3999x128xf32>
    %slice3A_2 = vector.extract_strided_slice %get3A_1 {offsets = [0, 0], sizes = [1, 128], strides = [1, 1]} : vector<4000x128xf32> to vector<1x128xf32>
    %concatenate3A = tpu.concatenate %slice3A, %slice3A_2 in 0 : vector<3999x128xf32>, vector<1x128xf32> -> vector<4000x128xf32>
    %add3A = arith.addf %get3A_1, %concatenate3A : vector<4000x128xf32>
    %mul3A = arith.constant 5.000000e-01 : f32
    %mul3A_3 = vector.broadcast %mul3A : f32 to vector<4000x128xf32>
    %mul3A_4 = arith.mulf %add3A, %mul3A_3 : vector<4000x128xf32>
    %get3A_5 = arith.constant 0 : index
    %get3A_6 = arith.constant 0 : index
    %get3A_7 = vector.load %arg3[%get3A_5, %get3A_6] : memref<128x16xf32, #tpu.memory_space<vmem>>, vector<128x16xf32>
    %dot_general3A = arith.constant dense<0.000000e+00> : vector<4000x16xf32>
    %dot_general3A_8 = tpu.matmul %mul3A_4, %get3A_7, %dot_general3A {dimension_numbers = #tpu.dot_dimension_numbers<[1], [0], [0], [1], [0, 0, 1, 1], [], []>, transpose_lhs_hint = false} : vector<4000x128xf32>, vector<128x16xf32>, vector<4000x16xf32> -> vector<4000x16xf32>
    %mul3A_9 = arith.mulf %mul3A_4, %mul3A_4 : vector<4000x128xf32>
    %reduce_sum3A = arith.constant dense<0.000000e+00> : vector<4000xf32>
    %reduce_sum3A_10 = vector.multi_reduction <add>, %mul3A_9, %reduce_sum3A [1] : vector<4000x128xf32> to vector<4000xf32>
    %broadcast_in_dim3A = vector.shape_cast %reduce_sum3A_10 : vector<4000xf32> to vector<4000x1xf32>
    %eq3A = arith.constant 5 : i32
    %eq3A_11 = vector.broadcast %eq3A : i32 to vector<4000x16xi32>
    %eq3A_12 = arith.cmpi eq, %iota3A, %eq3A_11 : vector<4000x16xi32>
    %jit3A = arith.constant 0.000000e+00 : f32
    %broadcast_in_dim3A_13 = vector.shape_cast %broadcast_in_dim3A : vector<4000x1xf32> to vector<4000x1xf32>
    %broadcast_in_dim3A_14 = vector.broadcast %broadcast_in_dim3A_13 : vector<4000x1xf32> to vector<4000x16xf32>
    %broadcast_in_dim3A_15 = vector.broadcast %jit3A : f32 to vector<4000x16xf32>
    %select_n3A = arith.select %eq3A_12, %broadcast_in_dim3A_14, %broadcast_in_dim3A_15 : vector<4000x16xi1>, vector<4000x16xf32>
    %add3A_16 = arith.addf %dot_general3A_8, %select_n3A : vector<4000x16xf32>
    %swap3A = arith.constant 0 : index
    %swap3A_17 = arith.constant 0 : index
    %swap3A_18 = vector.load %arg5[%swap3A, %swap3A_17] : memref<4000x16xf32, #tpu.memory_space<vmem>>, vector<4000x16xf32>
    tpu.vector_store %arg5[%swap3A, %swap3A_17], %add3A_16 {strides = array<i32>} : memref<4000x16xf32, #tpu.memory_space<vmem>>, vector<4000x16xf32>,
    %get3A_19 = arith.constant 0 : index
    %get3A_20 = arith.constant 0 : index
    %get3A_21 = vector.load %arg2[%get3A_19, %get3A_20] : memref<4000x128xf32, #tpu.memory_space<vmem>>, vector<4000x128xf32>
    %slice3A_22 = vector.extract_strided_slice %get3A_21 {offsets = [1, 0], sizes = [3999, 128], strides = [1, 1]} : vector<4000x128xf32> to vector<3999x128xf32>
    %slice3A_23 = vector.extract_strided_slice %get3A_21 {offsets = [0, 0], sizes = [1, 128], strides = [1, 1]} : vector<4000x128xf32> to vector<1x128xf32>
    %concatenate3A_24 = tpu.concatenate %slice3A_22, %slice3A_23 in 0 : vector<3999x128xf32>, vector<1x128xf32> -> vector<4000x128xf32>
    %add3A_25 = arith.addf %get3A_21, %concatenate3A_24 : vector<4000x128xf32>
    %mul3A_26 = arith.constant 5.000000e-01 : f32
    %mul3A_27 = vector.broadcast %mul3A_26 : f32 to vector<4000x128xf32>
    %mul3A_28 = arith.mulf %add3A_25, %mul3A_27 : vector<4000x128xf32>
    %get3A_29 = arith.constant 0 : index
    %get3A_30 = arith.constant 0 : index
    %get3A_31 = vector.load %arg4[%get3A_29, %get3A_30] : memref<128x16xf32, #tpu.memory_space<vmem>>, vector<128x16xf32>
    %dot_general3A_32 = arith.constant dense<0.000000e+00> : vector<4000x16xf32>
    %dot_general3A_33 = tpu.matmul %mul3A_28, %get3A_31, %dot_general3A_32 {dimension_numbers = #tpu.dot_dimension_numbers<[1], [0], [0], [1], [0, 0, 1, 1], [], []>, transpose_lhs_hint = false} : vector<4000x128xf32>, vector<128x16xf32>, vector<4000x16xf32> -> vector<4000x16xf32>
    %mul3A_34 = arith.mulf %mul3A_28, %mul3A_28 : vector<4000x128xf32>
    %reduce_sum3A_35 = arith.constant dense<0.000000e+00> : vector<4000xf32>
    %reduce_sum3A_36 = vector.multi_reduction <add>, %mul3A_34, %reduce_sum3A_35 [1] : vector<4000x128xf32> to vector<4000xf32>
    %broadcast_in_dim3A_37 = vector.shape_cast %reduce_sum3A_36 : vector<4000xf32> to vector<4000x1xf32>
    %eq3A_38 = arith.constant 5 : i32
    %eq3A_39 = vector.broadcast %eq3A_38 : i32 to vector<4000x16xi32>
    %eq3A_40 = arith.cmpi eq, %iota3A, %eq3A_39 : vector<4000x16xi32>
    %jit3A_41 = arith.constant 0.000000e+00 : f32
    %broadcast_in_dim3A_42 = vector.shape_cast %broadcast_in_dim3A_37 : vector<4000x1xf32> to vector<4000x1xf32>
    %broadcast_in_dim3A_43 = vector.broadcast %broadcast_in_dim3A_42 : vector<4000x1xf32> to vector<4000x16xf32>
    %broadcast_in_dim3A_44 = vector.broadcast %jit3A_41 : f32 to vector<4000x16xf32>
    %select_n3A_45 = arith.select %eq3A_40, %broadcast_in_dim3A_43, %broadcast_in_dim3A_44 : vector<4000x16xi1>, vector<4000x16xf32>
    %add3A_46 = arith.addf %dot_general3A_33, %select_n3A_45 : vector<4000x16xf32>
    %swap3A_47 = arith.constant 0 : index
    %swap3A_48 = arith.constant 0 : index
    %swap3A_49 = vector.load %arg6[%swap3A_47, %swap3A_48] : memref<4000x16xf32, #tpu.memory_space<vmem>>, vector<4000x16xf32>
    tpu.vector_store %arg6[%swap3A_47, %swap3A_48], %add3A_46 {strides = array<i32>} : memref<4000x16xf32, #tpu.memory_space<vmem>>, vector<4000x16xf32>,
    return
  }
  func.func @transform_0(%arg0: i32) -> (i32, i32) {
    %c0_i32 = arith.constant 0 : i32
    %c0_i32_0 = arith.constant 0 : i32
    return %arg0, %c0_i32 : i32, i32
  }
  func.func @transform_1(%arg0: i32) -> (i32, i32) {
    %c0_i32 = arith.constant 0 : i32
    %c0_i32_0 = arith.constant 0 : i32
    return %arg0, %c0_i32 : i32, i32
  }
  func.func @transform_2(%arg0: i32) -> (i32, i32) {
    %c0_i32 = arith.constant 0 : i32
    %c0_i32_0 = arith.constant 0 : i32
    %c0_i32_1 = arith.constant 0 : i32
    return %c0_i32, %c0_i32_0 : i32, i32
  }
  func.func @transform_3(%arg0: i32) -> (i32, i32) {
    %c0_i32 = arith.constant 0 : i32
    %c0_i32_0 = arith.constant 0 : i32
    %c0_i32_1 = arith.constant 0 : i32
    return %c0_i32, %c0_i32_0 : i32, i32
  }
  func.func @transform_4(%arg0: i32) -> (i32, i32) {
    %c0_i32 = arith.constant 0 : i32
    %c0_i32_0 = arith.constant 0 : i32
    return %arg0, %c0_i32 : i32, i32
  }
  func.func @transform_5(%arg0: i32) -> (i32, i32) {
    %c0_i32 = arith.constant 0 : i32
    %c0_i32_0 = arith.constant 0 : i32
    return %arg0, %c0_i32 : i32, i32
  }
}

module attributes {stable_mosaic.version = 14 : i64} {
  func.func @_tc_idx_body(%arg0: i32, %arg1: memref<1250x128xf32, #tpu.memory_space<vmem>>, %arg2: memref<1250x128xf32, #tpu.memory_space<vmem>>, %arg3: memref<128x512xf32, #tpu.memory_space<vmem>>, %arg4: memref<1250x512xi32, #tpu.memory_space<vmem>>, %arg5: memref<1250x512xi32, #tpu.memory_space<vmem>>) attributes {dimension_semantics = [#tpu.dimension_semantics<arbitrary>], iteration_bounds = array<i64: 1>, scalar_prefetch = 0 : i64, scratch_operands = 0 : i64, tpu.core_type = #tpu.core_type<tc>, window_params = [{pipeline_mode = #tpu.pipeline_mode<synchronous>, transform_indices = @transform_0, window_bounds = array<i64: 1250, 128>}, {pipeline_mode = #tpu.pipeline_mode<synchronous>, transform_indices = @transform_1, window_bounds = array<i64: 1250, 128>}, {pipeline_mode = #tpu.pipeline_mode<synchronous>, transform_indices = @transform_2, window_bounds = array<i64: 128, 512>}, {pipeline_mode = #tpu.pipeline_mode<synchronous>, transform_indices = @transform_3, window_bounds = array<i64: 1250, 512>}, {pipeline_mode = #tpu.pipeline_mode<synchronous>, transform_indices = @transform_4, window_bounds = array<i64: 1250, 512>}]} {
    %iota3A = tpu.iota {dimensions = array<i32: 1>} : vector<1250x512xi32>
    %and3A = arith.constant 3 : i32
    %and3A_0 = vector.broadcast %and3A : i32 to vector<1250x512xi32>
    %and3A_1 = arith.andi %iota3A, %and3A_0 : vector<1250x512xi32>
    %shift_right_arithmetic3A = arith.constant 1 : i32
    %shift_right_arithmetic3A_2 = vector.broadcast %shift_right_arithmetic3A : i32 to vector<1250x512xi32>
    %shift_right_arithmetic3A_3 = arith.shrsi %and3A_1, %shift_right_arithmetic3A_2 : vector<1250x512xi32>
    %convert_element_type3A = arith.sitofp %shift_right_arithmetic3A_3 : vector<1250x512xi32> to vector<1250x512xf32>
    %and3A_4 = arith.constant 1 : i32
    %and3A_5 = vector.broadcast %and3A_4 : i32 to vector<1250x512xi32>
    %and3A_6 = arith.andi %and3A_1, %and3A_5 : vector<1250x512xi32>
    %convert_element_type3A_7 = arith.sitofp %and3A_6 : vector<1250x512xi32> to vector<1250x512xf32>
    %get3A = arith.constant 0 : index
    %get3A_8 = arith.constant 0 : index
    %get3A_9 = vector.load %arg3[%get3A, %get3A_8] : memref<128x512xf32, #tpu.memory_space<vmem>>, vector<128x512xf32>
    %get3A_10 = arith.constant 0 : index
    %get3A_11 = arith.constant 0 : index
    %get3A_12 = vector.load %arg1[%get3A_10, %get3A_11] : memref<1250x128xf32, #tpu.memory_space<vmem>>, vector<1250x128xf32>
    %dot_general3A = arith.constant dense<0.000000e+00> : vector<1250x512xf32>
    %dot_general3A_13 = tpu.matmul %get3A_12, %get3A_9, %dot_general3A {dimension_numbers = #tpu.dot_dimension_numbers<[1], [0], [0], [1], [0, 0, 1, 1], [], []>, precision = #tpu.contract_precision<fp32>, transpose_lhs_hint = false} : vector<1250x128xf32>, vector<128x512xf32>, vector<1250x512xf32> -> vector<1250x512xf32>
    %get3A_14 = arith.constant 0 : index
    %get3A_15 = arith.constant 0 : index
    %get3A_16 = vector.load %arg2[%get3A_14, %get3A_15] : memref<1250x128xf32, #tpu.memory_space<vmem>>, vector<1250x128xf32>
    %dot_general3A_17 = arith.constant dense<0.000000e+00> : vector<1250x512xf32>
    %dot_general3A_18 = tpu.matmul %get3A_16, %get3A_9, %dot_general3A_17 {dimension_numbers = #tpu.dot_dimension_numbers<[1], [0], [0], [1], [0, 0, 1, 1], [], []>, precision = #tpu.contract_precision<fp32>, transpose_lhs_hint = false} : vector<1250x128xf32>, vector<128x512xf32>, vector<1250x512xf32> -> vector<1250x512xf32>
    %mul3A = arith.constant 2.000000e+00 : f32
    %mul3A_19 = vector.broadcast %mul3A : f32 to vector<1250x512xf32>
    %mul3A_20 = arith.mulf %mul3A_19, %dot_general3A_13 : vector<1250x512xf32>
    %add3A = arith.addf %mul3A_20, %convert_element_type3A : vector<1250x512xf32>
    %convert_element_type3A_21 = arith.fptosi %add3A : vector<1250x512xf32> to vector<1250x512xi32>
    %swap3A = arith.constant 0 : index
    %swap3A_22 = arith.constant 0 : index
    %swap3A_23 = vector.load %arg4[%swap3A, %swap3A_22] : memref<1250x512xi32, #tpu.memory_space<vmem>>, vector<1250x512xi32>
    tpu.vector_store %arg4[%swap3A, %swap3A_22], %convert_element_type3A_21 {strides = array<i32>} : memref<1250x512xi32, #tpu.memory_space<vmem>>, vector<1250x512xi32>,
    %mul3A_24 = arith.constant 2.000000e+00 : f32
    %mul3A_25 = vector.broadcast %mul3A_24 : f32 to vector<1250x512xf32>
    %mul3A_26 = arith.mulf %mul3A_25, %dot_general3A_18 : vector<1250x512xf32>
    %add3A_27 = arith.addf %mul3A_26, %convert_element_type3A_7 : vector<1250x512xf32>
    %convert_element_type3A_28 = arith.fptosi %add3A_27 : vector<1250x512xf32> to vector<1250x512xi32>
    %swap3A_29 = arith.constant 0 : index
    %swap3A_30 = arith.constant 0 : index
    %swap3A_31 = vector.load %arg5[%swap3A_29, %swap3A_30] : memref<1250x512xi32, #tpu.memory_space<vmem>>, vector<1250x512xi32>
    tpu.vector_store %arg5[%swap3A_29, %swap3A_30], %convert_element_type3A_28 {strides = array<i32>} : memref<1250x512xi32, #tpu.memory_space<vmem>>, vector<1250x512xi32>,
    return
  }
  func.func @transform_0(%arg0: i32) -> (i32, i32) {
    %c0_i32 = arith.constant 0 : i32
    %c0_i32_0 = arith.constant 0 : i32
    %c0_i32_1 = arith.constant 0 : i32
    return %c0_i32, %c0_i32_0 : i32, i32
  }
  func.func @transform_1(%arg0: i32) -> (i32, i32) {
    %c0_i32 = arith.constant 0 : i32
    %c0_i32_0 = arith.constant 0 : i32
    %c0_i32_1 = arith.constant 0 : i32
    return %c0_i32, %c0_i32_0 : i32, i32
  }
  func.func @transform_2(%arg0: i32) -> (i32, i32) {
    %c0_i32 = arith.constant 0 : i32
    %c0_i32_0 = arith.constant 0 : i32
    %c0_i32_1 = arith.constant 0 : i32
    return %c0_i32, %c0_i32_0 : i32, i32
  }
  func.func @transform_3(%arg0: i32) -> (i32, i32) {
    %c0_i32 = arith.constant 0 : i32
    %c0_i32_0 = arith.constant 0 : i32
    %c0_i32_1 = arith.constant 0 : i32
    return %c0_i32, %c0_i32_0 : i32, i32
  }
  func.func @transform_4(%arg0: i32) -> (i32, i32) {
    %c0_i32 = arith.constant 0 : i32
    %c0_i32_0 = arith.constant 0 : i32
    %c0_i32_1 = arith.constant 0 : i32
    return %c0_i32, %c0_i32_0 : i32, i32
  }
}

module attributes {stable_mosaic.version = 14 : i64} {
  func.func @_tc_final_body(%arg0: i32, %arg1: memref<1280x128xf32, #tpu.memory_space<vmem>>, %arg2: memref<1280x128xf32, #tpu.memory_space<vmem>>, %arg3: memref<1280x128xf32, #tpu.memory_space<vmem>>, %arg4: memref<1280x128xf32, #tpu.memory_space<vmem>>, %arg5: memref<1280x128xf32, #tpu.memory_space<vmem>>, %arg6: memref<1280x128xf32, #tpu.memory_space<vmem>>, %arg7: memref<8xf32, #tpu.memory_space<smem>>, %arg8: memref<1280x512xf32, #tpu.memory_space<vmem>>) attributes {dimension_semantics = [#tpu.dimension_semantics<arbitrary>], iteration_bounds = array<i64: 1>, scalar_prefetch = 0 : i64, scratch_operands = 0 : i64, tpu.core_type = #tpu.core_type<tc>, window_params = [{pipeline_mode = #tpu.pipeline_mode<synchronous>, transform_indices = @transform_0, window_bounds = array<i64: 1280, 128>}, {pipeline_mode = #tpu.pipeline_mode<synchronous>, transform_indices = @transform_1, window_bounds = array<i64: 1280, 128>}, {pipeline_mode = #tpu.pipeline_mode<synchronous>, transform_indices = @transform_2, window_bounds = array<i64: 1280, 128>}, {pipeline_mode = #tpu.pipeline_mode<synchronous>, transform_indices = @transform_3, window_bounds = array<i64: 1280, 128>}, {pipeline_mode = #tpu.pipeline_mode<synchronous>, transform_indices = @transform_4, window_bounds = array<i64: 1280, 128>}, {pipeline_mode = #tpu.pipeline_mode<synchronous>, transform_indices = @transform_5, window_bounds = array<i64: 1280, 128>}, {transform_indices = @transform_6, window_bounds = array<i64: 8>}, {pipeline_mode = #tpu.pipeline_mode<synchronous>, transform_indices = @transform_7, window_bounds = array<i64: 1280, 512>}]} {
    %get3A = arith.constant 0 : index
    %get3A_0 = arith.constant 0 : index
    %get3A_1 = vector.load %arg5[%get3A, %get3A_0] : memref<1280x128xf32, #tpu.memory_space<vmem>>, vector<1280x128xf32>
    %mul3A = arith.constant 3.906250e-03 : f32
    %mul3A_2 = vector.broadcast %mul3A : f32 to vector<1280x128xf32>
    %mul3A_3 = arith.mulf %get3A_1, %mul3A_2 : vector<1280x128xf32>
    %get3A_4 = arith.constant 0 : index
    %get3A_5 = arith.constant 0 : index
    %get3A_6 = vector.load %arg6[%get3A_4, %get3A_5] : memref<1280x128xf32, #tpu.memory_space<vmem>>, vector<1280x128xf32>
    %mul3A_7 = arith.constant 3.906250e-03 : f32
    %mul3A_8 = vector.broadcast %mul3A_7 : f32 to vector<1280x128xf32>
    %mul3A_9 = arith.mulf %get3A_6, %mul3A_8 : vector<1280x128xf32>
    %mul3A_10 = arith.mulf %mul3A_3, %mul3A_3 : vector<1280x128xf32>
    %sub3A = arith.subf %mul3A_9, %mul3A_10 : vector<1280x128xf32>
    %max3A = arith.constant 0.000000e+00 : f32
    %max3A_11 = vector.broadcast %max3A : f32 to vector<1280x128xf32>
    %max3A_12 = arith.maximumf %sub3A, %max3A_11 : vector<1280x128xf32>
    %add3A = arith.constant 9.99999974E-6 : f32
    %add3A_13 = vector.broadcast %add3A : f32 to vector<1280x128xf32>
    %add3A_14 = arith.addf %max3A_12, %add3A_13 : vector<1280x128xf32>
    %rsqrt3A = math.rsqrt %add3A_14 : vector<1280x128xf32>
    %iota3A = tpu.iota {dimensions = array<i32: 0>} : vector<128x512xi32>
    %iota3A_15 = tpu.iota {dimensions = array<i32: 1>} : vector<128x512xi32>
    %get3A_16 = arith.constant 0 : index
    %get3A_17 = arith.constant 0 : index
    %get3A_18 = vector.load %arg1[%get3A_16, %get3A_17] : memref<1280x128xf32, #tpu.memory_space<vmem>>, vector<1280x128xf32>
    %get3A_19 = arith.constant 0 : index
    %get3A_20 = memref.load %arg7[%get3A_19] : memref<8xf32, #tpu.memory_space<smem>>
    %mul3A_21 = vector.broadcast %get3A_20 : f32 to vector<1280x128xf32>
    %mul3A_22 = arith.mulf %mul3A_3, %mul3A_21 : vector<1280x128xf32>
    %sub3A_23 = arith.subf %get3A_18, %mul3A_22 : vector<1280x128xf32>
    %mul3A_24 = arith.mulf %sub3A_23, %rsqrt3A : vector<1280x128xf32>
    %get3A_25 = arith.constant 4 : index
    %get3A_26 = memref.load %arg7[%get3A_25] : memref<8xf32, #tpu.memory_space<smem>>
    %add3A_27 = vector.broadcast %get3A_26 : f32 to vector<1280x128xf32>
    %add3A_28 = arith.addf %mul3A_24, %add3A_27 : vector<1280x128xf32>
    %logistic3A = arith.negf %add3A_28 : vector<1280x128xf32>
    %logistic3A_29 = math.exp %logistic3A : vector<1280x128xf32>
    %logistic3A_30 = arith.constant 1.000000e+00 : f32
    %logistic3A_31 = vector.broadcast %logistic3A_30 : f32 to vector<1280x128xf32>
    %logistic3A_32 = arith.addf %logistic3A_31, %logistic3A_29 : vector<1280x128xf32>
    %logistic3A_33 = arith.divf %logistic3A_31, %logistic3A_32 : vector<1280x128xf32>
    %mul3A_34 = arith.constant 4 : i32
    %mul3A_35 = vector.broadcast %mul3A_34 : i32 to vector<128x512xi32>
    %mul3A_36 = arith.muli %mul3A_35, %iota3A : vector<128x512xi32>
    %add3A_37 = arith.constant 0 : i32
    %add3A_38 = vector.broadcast %add3A_37 : i32 to vector<128x512xi32>
    %add3A_39 = arith.addi %mul3A_36, %add3A_38 : vector<128x512xi32>
    %eq3A = arith.cmpi eq, %iota3A_15, %add3A_39 : vector<128x512xi32>
    %convert_element_type3A = arith.extui %eq3A : vector<128x512xi1> to vector<128x512xi32>
    %convert_element_type3A_40 = arith.sitofp %convert_element_type3A : vector<128x512xi32> to vector<128x512xf32>
    %dot_general3A = arith.constant dense<0.000000e+00> : vector<1280x512xf32>
    %dot_general3A_41 = tpu.matmul %logistic3A_33, %convert_element_type3A_40, %dot_general3A {dimension_numbers = #tpu.dot_dimension_numbers<[1], [0], [0], [1], [0, 0, 1, 1], [], []>, transpose_lhs_hint = false} : vector<1280x128xf32>, vector<128x512xf32>, vector<1280x512xf32> -> vector<1280x512xf32>
    %get3A_42 = arith.constant 0 : index
    %get3A_43 = arith.constant 0 : index
    %get3A_44 = vector.load %arg2[%get3A_42, %get3A_43] : memref<1280x128xf32, #tpu.memory_space<vmem>>, vector<1280x128xf32>
    %get3A_45 = arith.constant 1 : index
    %get3A_46 = memref.load %arg7[%get3A_45] : memref<8xf32, #tpu.memory_space<smem>>
    %mul3A_47 = vector.broadcast %get3A_46 : f32 to vector<1280x128xf32>
    %mul3A_48 = arith.mulf %mul3A_3, %mul3A_47 : vector<1280x128xf32>
    %sub3A_49 = arith.subf %get3A_44, %mul3A_48 : vector<1280x128xf32>
    %mul3A_50 = arith.mulf %sub3A_49, %rsqrt3A : vector<1280x128xf32>
    %get3A_51 = arith.constant 5 : index
    %get3A_52 = memref.load %arg7[%get3A_51] : memref<8xf32, #tpu.memory_space<smem>>
    %add3A_53 = vector.broadcast %get3A_52 : f32 to vector<1280x128xf32>
    %add3A_54 = arith.addf %mul3A_50, %add3A_53 : vector<1280x128xf32>
    %logistic3A_55 = arith.negf %add3A_54 : vector<1280x128xf32>
    %logistic3A_56 = math.exp %logistic3A_55 : vector<1280x128xf32>
    %logistic3A_57 = arith.constant 1.000000e+00 : f32
    %logistic3A_58 = vector.broadcast %logistic3A_57 : f32 to vector<1280x128xf32>
    %logistic3A_59 = arith.addf %logistic3A_58, %logistic3A_56 : vector<1280x128xf32>
    %logistic3A_60 = arith.divf %logistic3A_58, %logistic3A_59 : vector<1280x128xf32>
    %mul3A_61 = arith.constant 4 : i32
    %mul3A_62 = vector.broadcast %mul3A_61 : i32 to vector<128x512xi32>
    %mul3A_63 = arith.muli %mul3A_62, %iota3A : vector<128x512xi32>
    %add3A_64 = arith.constant 1 : i32
    %add3A_65 = vector.broadcast %add3A_64 : i32 to vector<128x512xi32>
    %add3A_66 = arith.addi %mul3A_63, %add3A_65 : vector<128x512xi32>
    %eq3A_67 = arith.cmpi eq, %iota3A_15, %add3A_66 : vector<128x512xi32>
    %convert_element_type3A_68 = arith.extui %eq3A_67 : vector<128x512xi1> to vector<128x512xi32>
    %convert_element_type3A_69 = arith.sitofp %convert_element_type3A_68 : vector<128x512xi32> to vector<128x512xf32>
    %dot_general3A_70 = arith.constant dense<0.000000e+00> : vector<1280x512xf32>
    %dot_general3A_71 = tpu.matmul %logistic3A_60, %convert_element_type3A_69, %dot_general3A_70 {dimension_numbers = #tpu.dot_dimension_numbers<[1], [0], [0], [1], [0, 0, 1, 1], [], []>, transpose_lhs_hint = false} : vector<1280x128xf32>, vector<128x512xf32>, vector<1280x512xf32> -> vector<1280x512xf32>
    %add3A_72 = arith.addf %dot_general3A_41, %dot_general3A_71 : vector<1280x512xf32>
    %get3A_73 = arith.constant 0 : index
    %get3A_74 = arith.constant 0 : index
    %get3A_75 = vector.load %arg3[%get3A_73, %get3A_74] : memref<1280x128xf32, #tpu.memory_space<vmem>>, vector<1280x128xf32>
    %get3A_76 = arith.constant 2 : index
    %get3A_77 = memref.load %arg7[%get3A_76] : memref<8xf32, #tpu.memory_space<smem>>
    %mul3A_78 = vector.broadcast %get3A_77 : f32 to vector<1280x128xf32>
    %mul3A_79 = arith.mulf %mul3A_3, %mul3A_78 : vector<1280x128xf32>
    %sub3A_80 = arith.subf %get3A_75, %mul3A_79 : vector<1280x128xf32>
    %mul3A_81 = arith.mulf %sub3A_80, %rsqrt3A : vector<1280x128xf32>
    %get3A_82 = arith.constant 6 : index
    %get3A_83 = memref.load %arg7[%get3A_82] : memref<8xf32, #tpu.memory_space<smem>>
    %add3A_84 = vector.broadcast %get3A_83 : f32 to vector<1280x128xf32>
    %add3A_85 = arith.addf %mul3A_81, %add3A_84 : vector<1280x128xf32>
    %logistic3A_86 = arith.negf %add3A_85 : vector<1280x128xf32>
    %logistic3A_87 = math.exp %logistic3A_86 : vector<1280x128xf32>
    %logistic3A_88 = arith.constant 1.000000e+00 : f32
    %logistic3A_89 = vector.broadcast %logistic3A_88 : f32 to vector<1280x128xf32>
    %logistic3A_90 = arith.addf %logistic3A_89, %logistic3A_87 : vector<1280x128xf32>
    %logistic3A_91 = arith.divf %logistic3A_89, %logistic3A_90 : vector<1280x128xf32>
    %mul3A_92 = arith.constant 4 : i32
    %mul3A_93 = vector.broadcast %mul3A_92 : i32 to vector<128x512xi32>
    %mul3A_94 = arith.muli %mul3A_93, %iota3A : vector<128x512xi32>
    %add3A_95 = arith.constant 2 : i32
    %add3A_96 = vector.broadcast %add3A_95 : i32 to vector<128x512xi32>
    %add3A_97 = arith.addi %mul3A_94, %add3A_96 : vector<128x512xi32>
    %eq3A_98 = arith.cmpi eq, %iota3A_15, %add3A_97 : vector<128x512xi32>
    %convert_element_type3A_99 = arith.extui %eq3A_98 : vector<128x512xi1> to vector<128x512xi32>
    %convert_element_type3A_100 = arith.sitofp %convert_element_type3A_99 : vector<128x512xi32> to vector<128x512xf32>
    %dot_general3A_101 = arith.constant dense<0.000000e+00> : vector<1280x512xf32>
    %dot_general3A_102 = tpu.matmul %logistic3A_91, %convert_element_type3A_100, %dot_general3A_101 {dimension_numbers = #tpu.dot_dimension_numbers<[1], [0], [0], [1], [0, 0, 1, 1], [], []>, transpose_lhs_hint = false} : vector<1280x128xf32>, vector<128x512xf32>, vector<1280x512xf32> -> vector<1280x512xf32>
    %add3A_103 = arith.addf %add3A_72, %dot_general3A_102 : vector<1280x512xf32>
    %get3A_104 = arith.constant 0 : index
    %get3A_105 = arith.constant 0 : index
    %get3A_106 = vector.load %arg4[%get3A_104, %get3A_105] : memref<1280x128xf32, #tpu.memory_space<vmem>>, vector<1280x128xf32>
    %get3A_107 = arith.constant 3 : index
    %get3A_108 = memref.load %arg7[%get3A_107] : memref<8xf32, #tpu.memory_space<smem>>
    %mul3A_109 = vector.broadcast %get3A_108 : f32 to vector<1280x128xf32>
    %mul3A_110 = arith.mulf %mul3A_3, %mul3A_109 : vector<1280x128xf32>
    %sub3A_111 = arith.subf %get3A_106, %mul3A_110 : vector<1280x128xf32>
    %mul3A_112 = arith.mulf %sub3A_111, %rsqrt3A : vector<1280x128xf32>
    %get3A_113 = arith.constant 7 : index
    %get3A_114 = memref.load %arg7[%get3A_113] : memref<8xf32, #tpu.memory_space<smem>>
    %add3A_115 = vector.broadcast %get3A_114 : f32 to vector<1280x128xf32>
    %add3A_116 = arith.addf %mul3A_112, %add3A_115 : vector<1280x128xf32>
    %logistic3A_117 = arith.negf %add3A_116 : vector<1280x128xf32>
    %logistic3A_118 = math.exp %logistic3A_117 : vector<1280x128xf32>
    %logistic3A_119 = arith.constant 1.000000e+00 : f32
    %logistic3A_120 = vector.broadcast %logistic3A_119 : f32 to vector<1280x128xf32>
    %logistic3A_121 = arith.addf %logistic3A_120, %logistic3A_118 : vector<1280x128xf32>
    %logistic3A_122 = arith.divf %logistic3A_120, %logistic3A_121 : vector<1280x128xf32>
    %mul3A_123 = arith.constant 4 : i32
    %mul3A_124 = vector.broadcast %mul3A_123 : i32 to vector<128x512xi32>
    %mul3A_125 = arith.muli %mul3A_124, %iota3A : vector<128x512xi32>
    %add3A_126 = arith.constant 3 : i32
    %add3A_127 = vector.broadcast %add3A_126 : i32 to vector<128x512xi32>
    %add3A_128 = arith.addi %mul3A_125, %add3A_127 : vector<128x512xi32>
    %eq3A_129 = arith.cmpi eq, %iota3A_15, %add3A_128 : vector<128x512xi32>
    %convert_element_type3A_130 = arith.extui %eq3A_129 : vector<128x512xi1> to vector<128x512xi32>
    %convert_element_type3A_131 = arith.sitofp %convert_element_type3A_130 : vector<128x512xi32> to vector<128x512xf32>
    %dot_general3A_132 = arith.constant dense<0.000000e+00> : vector<1280x512xf32>
    %dot_general3A_133 = tpu.matmul %logistic3A_122, %convert_element_type3A_131, %dot_general3A_132 {dimension_numbers = #tpu.dot_dimension_numbers<[1], [0], [0], [1], [0, 0, 1, 1], [], []>, transpose_lhs_hint = false} : vector<1280x128xf32>, vector<128x512xf32>, vector<1280x512xf32> -> vector<1280x512xf32>
    %add3A_134 = arith.addf %add3A_103, %dot_general3A_133 : vector<1280x512xf32>
    %swap3A = arith.constant 0 : index
    %swap3A_135 = arith.constant 0 : index
    %swap3A_136 = vector.load %arg8[%swap3A, %swap3A_135] : memref<1280x512xf32, #tpu.memory_space<vmem>>, vector<1280x512xf32>
    tpu.vector_store %arg8[%swap3A, %swap3A_135], %add3A_134 {strides = array<i32>} : memref<1280x512xf32, #tpu.memory_space<vmem>>, vector<1280x512xf32>,
    return
  }
  func.func @transform_0(%arg0: i32) -> (i32, i32) {
    %c0_i32 = arith.constant 0 : i32
    %c0_i32_0 = arith.constant 0 : i32
    %c0_i32_1 = arith.constant 0 : i32
    return %c0_i32, %c0_i32_0 : i32, i32
  }
  func.func @transform_1(%arg0: i32) -> (i32, i32) {
    %c0_i32 = arith.constant 0 : i32
    %c0_i32_0 = arith.constant 0 : i32
    %c0_i32_1 = arith.constant 0 : i32
    return %c0_i32, %c0_i32_0 : i32, i32
  }
  func.func @transform_2(%arg0: i32) -> (i32, i32) {
    %c0_i32 = arith.constant 0 : i32
    %c0_i32_0 = arith.constant 0 : i32
    %c0_i32_1 = arith.constant 0 : i32
    return %c0_i32, %c0_i32_0 : i32, i32
  }
  func.func @transform_3(%arg0: i32) -> (i32, i32) {
    %c0_i32 = arith.constant 0 : i32
    %c0_i32_0 = arith.constant 0 : i32
    %c0_i32_1 = arith.constant 0 : i32
    return %c0_i32, %c0_i32_0 : i32, i32
  }
  func.func @transform_4(%arg0: i32) -> (i32, i32) {
    %c0_i32 = arith.constant 0 : i32
    %c0_i32_0 = arith.constant 0 : i32
    %c0_i32_1 = arith.constant 0 : i32
    return %c0_i32, %c0_i32_0 : i32, i32
  }
  func.func @transform_5(%arg0: i32) -> (i32, i32) {
    %c0_i32 = arith.constant 0 : i32
    %c0_i32_0 = arith.constant 0 : i32
    %c0_i32_1 = arith.constant 0 : i32
    return %c0_i32, %c0_i32_0 : i32, i32
  }
  func.func @transform_6(%arg0: i32) -> i32 {
    %c0_i32 = arith.constant 0 : i32
    %c0_i32_0 = arith.constant 0 : i32
    return %c0_i32 : i32
  }
  func.func @transform_7(%arg0: i32) -> (i32, i32) {
    %c0_i32 = arith.constant 0 : i32
    %c0_i32_0 = arith.constant 0 : i32
    %c0_i32_1 = arith.constant 0 : i32
    return %c0_i32, %c0_i32_0 : i32, i32
  }
}

</mosaic_0001>

<sc_bundles>
// kernel: kernel.6.cloned.1.call-start
scs
__scs_entry_jumppad:
0x0: {  	(pc) =	sbr.rel $0x88, $3  }
0x1: {  	(tag) =	ssettag $0x0;
	lr =	simm.s32 $0x1  }
0x2: {  	[smem:$0x3F9A] =	sst lr;
	_ =	strace $0xD0000000  }
0x3: {  	_ = 	snop  }
0x4: {  	_ = 	snop  }
0x5: {  	_ = 	snop  }
0x6: {  	_ = 	snop  }
0x7: {  	_ = 	snop  }
__scs_overlays_trampoline_lowered:
0x8: {  	[smem:$0x3FA9] =	sst s0  }
0x9: {  	[smem:$0x3FAA] =	sst s1  }
0xa: {  	[smem:$0x3FAB] =	sst s2  }
0xb: {  	[smem:$0x3FAC] =	sst s3  }
0xc: {  	[smem:$0x3FAD] =	sst s4  }
0xd: {  	[smem:$0x3FAE] =	sst s5  }
0xe: {  	[smem:$0x3FAF] =	sst s6  }
0xf: {  	[smem:$0x3FB0] =	sst s7  }
0x10: {  	[smem:$0x3FB1] =	sst s8  }
0x11: {  	[smem:$0x3FB2] =	sst s9;
	s0 =	simm.s32 @!p0 $0x0  }
0x12: {  	s1 =	sld [smem:$0x3F98];
	s0 =	simm.s32 @p0 $0x1  }
0x13: {  	[smem:$0x3FB3] =	sst s0;
	s0 =	simm.s32 @!p1 $0x0  }
0x14: {  	s2 =	sld [smem:$0x3F97];
	s0 =	simm.s32 @p1 $0x1  }
0x15: {  	[smem:$0x3FB4] =	sst s0;
	s0 =	simm.s32 @!p2 $0x0  }
0x16: {  	s3 =	sld [smem:$0x3FDB];
	s0 =	simm.s32 @p2 $0x1  }
0x17: {  	s4 =	simm.s32 $0x1BF5;
	[smem:$0x3FB6] =	sst s0  }
0x18: {  	s0 =	sld [smem:$0x3F99];
	_ =	swait.ge [sflag:s4], $0x0  }
0x19: {  	s7 =	sld [smem:$0x3F9A]  }
0x1a: {  	s8 =	sadd.s32 $0xFFFFE003, lr  }
0x1b: {  	s9 =	sadd.s32 $0xFFFFFEF7, lr;
	s5 =	simm.s32 $0xFFFFFFFF;
	p2 =	slt.u32 s8, $0xFFFFF086  }
0x1c: {  	p1 =	slt.u32 s9, $0xF7A;
	s5 =	simm.s32 @!p2 $0x0  }
0x1d: {  	s5 =	simm.s32 @p1 $0x1;
	p0 =	seq.s32 s7, s2  }
0x1e: {  	s7 =	smul.u32 @!p0 $0xF7A, s2;
	p2 =	seq.s32 @!p0 s5, $0x0  }
0x1f: {  	s9 =	smul.u32 $0xF7A, s1;
	s8 =	simm.s32 @!p0 $0x1BF5;
	p2 =	por !p2, p0  }
0x20: {  	[sflag:s8] =	ssyncset.s32 @!p0 $0xFFFFF086;
	s6 =	sadd.s32 @!p0 s3, s7;
	s7 =	simm.s32 @!p0 $0x108  }
0x21: {  	s3 =	sadd.s32 s3, s9;
	s6 =	sadd.s32 @!p0 $0x88, s6;
	s7 =	simm.s32 @p2 $0x1082  }
0x22: {  	[simem:s7], [sflag:s8] =	dma.local @!p0 [hbm:s6], $0xF7A  }
0x23: {  	s9 =	sor.u32 $0xD0000000, s2;
	s6 =	simm.s32 $0x108;
	_ =	swait.ge @!p0 [sflag:s8], $0x0  }
0x24: {  	s3 =	sadd.s32 $0x88, s3;
	s6 =	simm.s32 @!p1 $0x1082;
	[sflag:s4] =	ssyncset.s32 $0xFFFFF086  }
0x25: {  	[simem:s6], [sflag:s4] =	dma.local [hbm:s3], $0xF7A  }
0x26: {  	[smem:$0x3F9A] =	sst s1;
	(tag) =	ssettag s2;
	_ =	strace s9  }
0x27: {  	s1 =	sld [smem:$0x3FAA]  }
0x28: {  	s2 =	sld [smem:$0x3FAB]  }
0x29: {  	s4 =	sld [smem:$0x3FAD]  }
0x2a: {  	p0 =	seq.s32 s5, $0x0;
	s5 =	sld [smem:$0x3FAE]  }
0x2b: {  	s6 =	sld [smem:$0x3FAF]  }
0x2c: {  	s7 =	sld [smem:$0x3FB0]  }
0x2d: {  	s3 =	simm.s32 $0x108;
	s8 =	sld [smem:$0x3FB1]  }
0x2e: {  	s3 =	simm.s32 @!p0 $0x1082;
	s9 =	sld [smem:$0x3FB2]  }
0x2f: {  	lr =	sadd.s32 s0, s3;
	s0 =	sld [smem:$0x3FA9]  }
0x30: {  	s3 =	sld [smem:$0x3FAC]  }
0x31: {  	[smem:$0x3FB5] =	sst s10  }
0x32: {  	s10 =	sld [smem:$0x3FB3];
	_ =	sdelay $0x3  }
0x33: {  	p0 =	seq.s32 s10, $0x1;
	s10 =	sld [smem:$0x3FB5];
	_ =	sdelay $0x3  }
0x34: {  	[smem:$0x3FB5] =	sst s10  }
0x35: {  	s10 =	sld [smem:$0x3FB4];
	_ =	sdelay $0x3  }
0x36: {  	p1 =	seq.s32 s10, $0x1;
	s10 =	sld [smem:$0x3FB5];
	_ =	sdelay $0x3  }
0x37: {  	[smem:$0x3FB5] =	sst s10  }
0x38: {  	s10 =	sld [smem:$0x3FB6]  }
0x39: {  	_ = 	snop;
	(pc) =	sbr.ind lr, $3  }
0x3a: {  	_ = 	snop  }
0x3b: {  	_ = 	snop  }
0x3c: {  	p2 =	seq.s32 s10, $0x1;
	s10 =	sld [smem:$0x3FB5]  }
0x3d: {  	_ =	shalt  }
0x3e: {  	_ =	shalt  }
0x3f: {  	_ =	shalt  }
0x40: {  	_ =	shalt  }
0x41: {  	_ =	shalt  }
0x42: {  	_ =	shalt  }
0x43: {  	_ =	shalt  }
0x44: {  	_ =	shalt  }
0x45: {  	_ =	shalt  }
0x46: {  	_ =	shalt  }
0x47: {  	_ =	shalt  }
0x48: {  	_ =	shalt  }
0x49: {  	_ =	shalt  }
0x4a: {  	_ =	shalt  }
0x4b: {  	_ =	shalt  }
0x4c: {  	_ =	shalt  }
0x4d: {  	_ =	shalt  }
0x4e: {  	_ =	shalt  }
0x4f: {  	_ =	shalt  }
0x50: {  	_ =	shalt  }
0x51: {  	_ =	shalt  }
0x52: {  	_ =	shalt  }
0x53: {  	_ =	shalt  }
0x54: {  	_ =	shalt  }
0x55: {  	_ =	shalt  }
0x56: {  	_ =	shalt  }
0x57: {  	_ =	shalt  }
0x58: {  	_ =	shalt  }
0x59: {  	_ =	shalt  }
0x5a: {  	_ =	shalt  }
0x5b: {  	_ =	shalt  }
0x5c: {  	_ =	shalt  }
0x5d: {  	_ =	shalt  }
0x5e: {  	_ =	shalt  }
0x5f: {  	_ =	shalt  }
0x60: {  	_ =	shalt  }
0x61: {  	_ =	shalt  }
0x62: {  	_ =	shalt  }
0x63: {  	_ =	shalt  }
0x64: {  	_ =	shalt  }
0x65: {  	_ =	shalt  }
0x66: {  	_ =	shalt  }
0x67: {  	_ =	shalt  }
0x68: {  	_ =	shalt  }
0x69: {  	_ =	shalt  }
0x6a: {  	_ =	shalt  }
0x6b: {  	_ =	shalt  }
0x6c: {  	_ =	shalt  }
0x6d: {  	_ =	shalt  }
0x6e: {  	_ =	shalt  }
0x6f: {  	_ =	shalt  }
0x70: {  	_ =	shalt  }
0x71: {  	_ =	shalt  }
0x72: {  	_ =	shalt  }
0x73: {  	_ =	shalt  }
0x74: {  	_ =	shalt  }
0x75: {  	_ =	shalt  }
0x76: {  	_ =	shalt  }
0x77: {  	_ =	shalt  }
0x78: {  	_ =	shalt  }
0x79: {  	_ =	shalt  }
0x7a: {  	_ =	shalt  }
0x7b: {  	_ =	shalt  }
0x7c: {  	_ =	shalt  }
0x7d: {  	_ =	shalt  }
0x7e: {  	_ =	shalt  }
0x7f: {  	_ =	shalt  }
0x80: {  	_ =	shalt  }
0x81: {  	_ =	shalt  }
0x82: {  	_ =	shalt  }
0x83: {  	_ =	shalt  }
0x84: {  	_ =	shalt  }
0x85: {  	_ =	shalt  }
0x86: {  	_ =	shalt  }
0x87: {  	_ =	shalt  }
.Lfunc_end0:
.L_simem_size_0:
called_computation_lowered:
.L_overlay_start_0:
0x88: {  	s2 =	sld [smem:$0x3FD9]  }
0x89: {  	s3 =	sld [smem:$0x3FFE];
	_ =	sdelay $0x1  }
0x8a: {  	s1 =	srdreg.scid  }
0x8b: {  	s0 =	sand.u32 $0x1, s1  }
0x8c: {  	s14 =	sshll.u32 s0, $0xA;
	s2 =	sadd.s32 s3, s2  }
0x8d: {  	s2 =	sadd.s32 s2, s14  }
0x8e: {  	[smem:$0x3FC1] =	sst s2  }
0x8f: {  	_ = 	snop  }
0x90: {  	s2 =	sld [smem:$0x3FD0];
	_ =	sdelay $0x2  }
0x91: {  	s15 =	simm.s32 $0xA;
	s4 =	simm.s32 $0x10  }
0x92: {  	[smem:s4], [sflag:s15] =	dma.local [hbm:s2], $0x1  }
0x93: {  	_ =	swait.eq [sflag:s15], $0x1  }
0x94: {  	[sflag:s15] =	ssyncset.done $0x0  }
0x95: {  	[sflag:s15] =	ssyncadd.s32 $0xFFFFFFFF  }
0x96: {  	s16 =	sld [smem:$0x11];
	(tm) =	ssettm $0x1  }
0x97: {  	s17 =	sld [smem:$0x3FFB];
	_ =	sdelay $0x3  }
0x98: {  	_ =	strace s17  }
0x99: {  	s3 =	sld [smem:$0x3FFC];
	_ =	sdelay $0x3  }
0x9a: {  	_ =	strace s3  }
0x9b: {  	s3 =	sld [smem:$0x3FFD];
	_ =	sdelay $0x3  }
0x9c: {  	_ =	strace s3  }
0x9d: {  	_ =	strace $0x8FFFFFFF  }
0x9e: {  	s18 =	sld [smem:$0x3FDB];
	_ =	sdelay $0x1  }
0x9f: {  	s19 =	simm.s32 $_scs_section_size  }
0xa0: {  	s5 =	simm.s32 $_size__tile_overlayer_lowered;
	s6 =	simm.s32 $_tile_overlayer_lowered  }
0xa1: {  	s22 =	simm.s32 $0x1BFF;
	s21 =	sshll.u32 s6, $0x1;
	s3 =	sadd.s32 s19, s18  }
0xa2: {  	s7 =	simm.s32 $0x0;
	s20 =	sshll.u32 s5, $0x1;
	s5 =	sadd.s32 s21, s3  }
0xa3: {  	[timem:s7], [sflag:s22] =	dma.local [hbm:s5], s20  }
0xa4: {  	_ =	swait.ge [sflag:s22], s20  }
0xa5: {  	s4 =	ssub.s32 $0x0, s20;
	[sflag:s22] =	ssyncset.done $0x0  }
0xa6: {  	[sflag:s22] =	ssyncadd.s32 s4;
	_ =	sdelay $0x1  }
0xa7: {  	s23 =	simm.s32 $0x1B8B  }
0xa8: {  	_ =	swait.ge [sflag:s23], $0x1  }
0xa9: {  	[sflag:s23] =	ssyncset.done $0x0  }
0xaa: {  	s25 =	simm.s32 $0x1B8E;
	s24 =	sld [smem:$0x3FFE];
	[sflag:s23] =	ssyncadd.s32 $0xFFFFFFFF  }
0xab: {  	s26 =	simm.s32 $execute0_lowered;
	[smem:$0x3FD2] =	sst s25  }
0xac: {  	s5 =	sshll.u32 s26, $0x1;
	_ =	strace $0x80000046;
	[dreg:$0x1] =	wrdreg $0xFFFFFFFF  }
0xad: {  	s28 =	simm.s32 $_size_execute0_lowered;
	s3 =	sadd.s32 s3, s5;
	[dreg:$0x0] =	wrdreg $0x0  }
0xae: {  	s5 =	sshll.u32 s28, $0x1;
	[dreg:$0x2] =	wrdreg s3  }
0xaf: {  	[dreg:$0x3] =	wrdreg s5  }
0xb0: {  	[dreg:$0x4] =	wrdreg $0xC0  }
0xb1: {  	_ =	task [dreg:s7], $0x5FFFF  }
0xb2: {  	[dreg:$0x1] =	wrdreg $0xFFFFFFFF  }
0xb3: {  	[dreg:$0x0] =	wrdreg $0x60  }
0xb4: {  	[dreg:$0x2] =	wrdreg s16  }
0xb5: {  	[dreg:$0x3] =	wrdreg s24  }
0xb6: {  	[dreg:$0x4] =	wrdreg $0x9  }
0xb7: {  	_ =	task.clear_ibuf [dreg:s7], $0x5FFFF;
	_ =	strace $0x90000046  }
0xb8: {  	s29 =	simm.s32 $0x9;
	_ =	strace $0x80000048  }
0xb9: {  	_ =	swait.ge [sflag:s29], $0x1  }
0xba: {  	[sflag:s29] =	ssyncadd.s32 $0xFFFFFFFF  }
0xbb: {  	_ =	strace $0x90000048  }
0xbc: {  	_ =	sfence  }
0xbd: {  	s30 =	sld [smem:$0x0];
	_ =	sdelay $0x2  }
0xbe: {  	s31 =	sshll.u32 s1, $0xD;
	s1 =	sshrl.u32 s1, $0x2  }
0xbf: {  	s3 =	sand.u32 $0x4000, s31;
	s1 =	sadd.s32 s1, s30  }
0xc0: {  	s0 =	sor.u32 s3, s0;
	s1 =	sshll.u32 s1, $0x11  }
0xc1: {  	s0 =	sor.u32 s1, s0  }
0xc2: {  	s0 =	sadd.s32 $0x8F2B, s0  }
0xc3: {  	[sflag:s0] =	ssyncadd.remote.s32 $0x1  }
0xc4: {  	_ =	sfence.sel $0xFFFF  }
0xc5: {  	[dreg:$0x0] =	wrdreg $0xFFFFFFFF;
	(pc) =	sbr.abs _section_cstart, $3  }
0xc6: {  	[dreg:$0x1] =	wrdreg $0xFFFFFFFF  }
0xc7: {  	_ =	task.clear_ibuf [dreg:s7], $0x2FFFF;
	_ =	strace $0x9FFFFFFF  }
0xc8: {  	(tm) =	ssettm $0x7FFFFFFF  }
0xc9: {  	_ =	shalt  }
tec
execute0_lowered:
.L_overlay_start_1:
0x0: {  	(tag) =	ssettag $0x1  }
0x1: {  	s0 =	srdreg.scid;
	s2 =	rddreg [dreg:$0x0]  }
0x2: {  	s1 =	stileid.u32;
	s3 =	rddreg [dreg:$0x1]  }
0x3: {  	s7 =	simm.s32 $0x0;
	s9 =	simm.s32 $0x11;
	v0 =	vlaneseq.u32;
	s17 =	simm.s32 $0x2800  }
0x4: {  	s18 =	simm.s32 $0x6800;
	s19 =	simm.s32 $0x3000;
	s28 =	simm.s32 $0x4000;
	v0 =	vmul.u32 $0x10, v0  }
0x5: {  	s30 =	simm.s32 $0x8000;
	s29 =	simm.s32 $0x9000;
	s31 =	simm.s32 $0xA000  }
0x6: {  	s12 =	simm.s32 $0x5;
	s0 =	sand.u32 $0x1, s0;
	s1 =	sshll.u32 s1, $0x1;
	v1 =	vor.u32 $0x1, v0;
	v2 =	vor.u32 $0x2, v0  }
0x7: {  	s13 =	simm.s32 $0xD;
	s1 =	sor.u32 s0, s1;
	s0 =	ssub.s32 $0x2, s0;
	v3 =	vor.u32 $0x3, v0;
	v4 =	vor.u32 $0x4, v0;
	v5 =	vor.u32 $0x5, v0  }
0x8: {  	s14 =	simm.s32 $0xE;
	s1 =	smul.u32 $0x280, s1;
	s5 =	sshrl.u32 s0, $0x1;
	v6 =	vor.u32 $0x100, v0;
	v7 =	vor.u32 $0x101, v0;
	v8 =	vor.u32 $0x102, v0  }
0x9: {  	s16 =	simm.s32 $0x7;
	s15 =	simm.s32 $0xF;
	v9 =	vor.u32 $0x103, v0;
	v10 =	vor.u32 $0x104, v0;
	v11 =	vor.u32 $0x105, v0;
	s0 =	ssub.s32 s0, s5  }
0xa: {  	[smem:$0x7FF] =	sst s7;
	v12 =	vor.u32 $0x200, v0;
	v13 =	vor.u32 $0x201, v0;
	v14 =	vor.u32 $0x202, v0;
	s1 =	sadd.s32 s1, s3;
	s0 =	smax.u32 s0, $0x1  }
0xb: {  	_ =	strace $0x80000047;
	v15 =	vor.u32 $0x203, v0;
	v16 =	vor.u32 $0x204, v0;
	v17 =	vor.u32 $0x205, v0;
	s20 =	sadd.s32 $0xF000, s1;
	[dreg:$0xb] =	wrdreg s0  }
0xc: {  	s6 =	simm.s32 $0x10;
	v18 =	vor.u32 $0x300, v0;
	v19 =	vor.u32 $0x301, v0;
	v20 =	vor.u32 $0x302, v0;
	s21 =	sadd.s32 $0xA000, s1;
	[dreg:$0x3] =	wrdreg s20  }
0xd: {  	s10 =	simm.s32 $0x0;
	v21 =	vor.u32 $0x303, v0;
	v22 =	vor.u32 $0x304, v0;
	v23 =	vor.u32 $0x305, v0;
	s22 =	sadd.s32 $0x14000, s1;
	[dreg:$0x4] =	wrdreg s21  }
0xe: {  	s4 =	sadd.s32 $0x200, s3;
	v24 =	vor.u32 $0x400, v0;
	v25 =	vor.u32 $0x401, v0;
	v26 =	vor.u32 $0x402, v0;
	s23 =	sadd.s32 $0x19000, s1;
	[dreg:$0x5] =	wrdreg s22  }
0xf: {  	v27 =	vor.u32 $0x403, v0;
	v28 =	vor.u32 $0x404, v0;
	v29 =	vor.u32 $0x405, v0;
	s5 =	simm.s32 $0x8;
	s24 =	sadd.s32 $0x1E000, s1;
	[dreg:$0x6] =	wrdreg s23  }
0x10: {  	v30 =	vor.u32 $0x500, v0;
	v31 =	vor.u32 $0x501, v0;
	v32 =	vor.u32 $0x502, v0;
	s3 =	simm.s32 $0x6;
	s25 =	sadd.s32 $0x23000, s1;
	[dreg:$0x7] =	wrdreg s24  }
.Ltmp0:
0x11: {  	v33 =	vor.u32 $0x503, v0;
	v34 =	vor.u32 $0x504, v0;
	v35 =	vor.u32 $0x505, v0;
	s26 =	sadd.s32 $0x28000, s1;
	[dreg:$0x8] =	wrdreg s25;
	(pc) =	sbr.rel .LBB2_1-.Ltmp0, $4  }
0x12: {  	v36 =	vor.u32 $0x600, v0;
	v37 =	vor.u32 $0x601, v0;
	v38 =	vor.u32 $0x602, v0;
	s1 =	sadd.s32 $0x2D000, s1;
	s0 =	simm.s32 $0x5800;
	[dreg:$0x9] =	wrdreg s26  }
0x13: {  	v39 =	vor.u32 $0x603, v0;
	v40 =	vor.u32 $0x604, v0;
	v41 =	vor.u32 $0x605, v0;
	[dreg:$0xa] =	wrdreg s1;
	s21 =	simm.s32 $0x7000;
	s23 =	simm.s32 $0x3800  }
0x14: {  	v42 =	vor.u32 $0x700, v0;
	v43 =	vor.u32 $0x701, v0;
	v44 =	vor.u32 $0x702, v0;
	s25 =	simm.s32 $0x7800;
	s1 =	simm.s32 $0x4800;
	s20 =	simm.s32 $0x8800  }
0x15: {  	v45 =	vor.u32 $0x703, v0;
	v46 =	vor.u32 $0x704, v0;
	v47 =	vor.u32 $0x705, v0;
	s24 =	simm.s32 $0x5000;
	s26 =	simm.s32 $0x9800;
	s22 =	simm.s32 $0x6000  }
.LBB2_4:
0x16: {  	s7 =	simm.s32 $0x0;
	s8 =	rddreg [dreg:$0x5];
	s9 =	simm.s32 $0xA800  }
0x17: {  	[hbm4b:s8+s7] =	stream.linear.scatter [tilespmem:s9], [sflag:$0x11], $0x1400, $0x38;
	[tilespmem:$0x12000] =	vst v63  }
0x18: {  	s9 =	simm.s32 $0x11  }
0x19: {  	_ =	swait.ge [sflag:s9], $0x1400  }
0x1a: {  	[sflag:s9] =	ssyncset.done $0x0  }
0x1b: {  	s10 =	simm.s32 $0xBC00;
	s11 =	rddreg [dreg:$0x6];
	[sflag:s9] =	ssyncadd.s32 $0xFFFFEC00  }
0x1c: {  	[hbm4b:s11+s7] =	stream.linear.scatter [tilespmem:s10], [sflag:$0x11], $0x1400, $0x38;
	[tilespmem:$0x12000] =	vst v63  }
0x1d: {  	_ =	swait.ge [sflag:s9], $0x1400  }
0x1e: {  	[sflag:s9] =	ssyncset.done $0x0  }
0x1f: {  	s11 =	simm.s32 $0xD000;
	s10 =	rddreg [dreg:$0x7];
	[sflag:s9] =	ssyncadd.s32 $0xFFFFEC00  }
0x20: {  	[hbm4b:s10+s7] =	stream.linear.scatter [tilespmem:s11], [sflag:$0x11], $0x1400, $0x38;
	[tilespmem:$0x12000] =	vst v63  }
0x21: {  	_ =	swait.ge [sflag:s9], $0x1400  }
0x22: {  	[sflag:s9] =	ssyncset.done $0x0  }
0x23: {  	s11 =	simm.s32 $0xE400;
	s10 =	rddreg [dreg:$0x8];
	[sflag:s9] =	ssyncadd.s32 $0xFFFFEC00  }
0x24: {  	[hbm4b:s10+s7] =	stream.linear.scatter [tilespmem:s11], [sflag:$0x11], $0x1400, $0x38;
	[tilespmem:$0x12000] =	vst v63  }
0x25: {  	_ =	swait.ge [sflag:s9], $0x1400  }
0x26: {  	[sflag:s9] =	ssyncset.done $0x0  }
0x27: {  	s11 =	simm.s32 $0xF800;
	s10 =	rddreg [dreg:$0x9];
	[sflag:s9] =	ssyncadd.s32 $0xFFFFEC00  }
0x28: {  	[hbm4b:s10+s7] =	stream.linear.scatter [tilespmem:s11], [sflag:$0x11], $0x1400, $0x38;
	[tilespmem:$0x12000] =	vst v63  }
0x29: {  	_ =	swait.ge [sflag:s9], $0x1400  }
0x2a: {  	[sflag:s9] =	ssyncset.done $0x0  }
0x2b: {  	s11 =	simm.s32 $0x10C00;
	s10 =	rddreg [dreg:$0xa];
	[sflag:s9] =	ssyncadd.s32 $0xFFFFEC00  }
0x2c: {  	[hbm4b:s10+s7] =	stream.linear.scatter [tilespmem:s11], [sflag:$0x11], $0x1400, $0x38;
	[tilespmem:$0x12000] =	vst v63  }
0x2d: {  	_ =	swait.ge [sflag:s9], $0x1400  }
0x2e: {  	s8 =	rddreg [dreg:$0xc]  }
0x2f: {  	s11 =	rddreg [dreg:$0xb];
	s10 =	sadd.s32 $0x1, s8  }
0x30: {  	p0 =	sne.s32 s10, s11  }
.Ltmp1:
0x31: {  	_ = 	snop;
	(pc) =	sbr.rel @!p0 .LBB2_5-.Ltmp1, $3  }
0x32: {  	_ =	sdelay $0x1  }
0x33: {  	[sflag:s9] =	ssyncset.done $0x0  }
0x34: {  	[sflag:s9] =	ssyncadd.s32 $0xFFFFEC00  }
.LBB2_1:
0x35: {  	[dreg:$0xc] =	wrdreg s10  }
0x36: {  	s8 =	rddreg [dreg:$0x3]  }
0x37: {  	[tilespmem:s7], [sflag:$0x11] =	stream.linear.gather [hbm4b:s8+s7], $0x1400, $0x38;
	[tilespmem:$0x12000] =	vst v63  }
0x38: {  	_ =	swait.ge [sflag:s9], $0x1400  }
0x39: {  	[sflag:s9] =	ssyncset.done $0x0  }
0x3a: {  	s11 =	simm.s32 $0x1400;
	s10 =	rddreg [dreg:$0x4];
	[sflag:s9] =	ssyncadd.s32 $0xFFFFEC00  }
0x3b: {  	[tilespmem:s11], [sflag:$0x11] =	stream.linear.gather [hbm4b:s10+s7], $0x1400, $0x38;
	[tilespmem:$0x12000] =	vst v63  }
0x3c: {  	_ =	swait.ge [sflag:s9], $0x1400  }
0x3d: {  	[sflag:s9] =	ssyncset.done $0x0  }
0x3e: {  	s8 =	simm.s32 $0x80;
	[sflag:s9] =	ssyncadd.s32 $0xFFFFEC00  }
0x3f: {  	[tilespmem:s17], [sflag:$0x1] =	stream.indirect.gather [hbm4b:s2+s8], $0x10, s7, s8, $0xb8;
	[tilespmem:$0x12000] =	vst v63  }
0x40: {  	_ = 	snop  }
0x41: {  	[tilespmem:s18], [sflag:$0x9] =	stream.indirect.gather [hbm4b:s4+s8], $0x10, s11, s8, $0xb8;
	[tilespmem:$0x12000] =	vst v63  }
0x42: {  	_ = 	snop  }
0x43: {  	[tilespmem:s19], [sflag:$0x2] =	stream.indirect.gather [hbm4b:s2+s8], $0x10, s8, s8, $0xb8;
	[tilespmem:$0x12000] =	vst v63  }
0x44: {  	s11 =	simm.s32 $0x1480  }
0x45: {  	[tilespmem:s21], [sflag:$0xA] =	stream.indirect.gather [hbm4b:s4+s8], $0x10, s11, s8, $0xb8;
	[tilespmem:$0x12000] =	vst v63  }
0x46: {  	s9 =	simm.s32 $0x100  }
0x47: {  	[tilespmem:s23], [sflag:$0x3] =	stream.indirect.gather [hbm4b:s2+s8], $0x10, s9, s8, $0xb8;
	[tilespmem:$0x12000] =	vst v63  }
0x48: {  	s10 =	simm.s32 $0x1500  }
0x49: {  	[tilespmem:s25], [sflag:$0xB] =	stream.indirect.gather [hbm4b:s4+s8], $0x10, s10, s8, $0xb8;
	[tilespmem:$0x12000] =	vst v63  }
0x4a: {  	s11 =	simm.s32 $0x180  }
0x4b: {  	[tilespmem:s28], [sflag:$0x4] =	stream.indirect.gather [hbm4b:s2+s8], $0x10, s11, s8, $0xb8;
	[tilespmem:$0x12000] =	vst v63  }
0x4c: {  	s9 =	simm.s32 $0x1580  }
0x4d: {  	[tilespmem:s30], [sflag:$0xC] =	stream.indirect.gather [hbm4b:s4+s8], $0x10, s9, s8, $0xb8;
	[tilespmem:$0x12000] =	vst v63  }
0x4e: {  	s10 =	simm.s32 $0x200  }
0x4f: {  	[tilespmem:s1], [sflag:$0x5] =	stream.indirect.gather [hbm4b:s2+s8], $0x10, s10, s8, $0xb8;
	[tilespmem:$0x12000] =	vst v63  }
0x50: {  	s11 =	simm.s32 $0x1600  }
0x51: {  	[tilespmem:s20], [sflag:$0xD] =	stream.indirect.gather [hbm4b:s4+s8], $0x10, s11, s8, $0xb8;
	[tilespmem:$0x12000] =	vst v63  }
0x52: {  	s9 =	simm.s32 $0x280  }
0x53: {  	[tilespmem:s24], [sflag:$0x6] =	stream.indirect.gather [hbm4b:s2+s8], $0x10, s9, s8, $0xb8;
	[tilespmem:$0x12000] =	vst v63  }
0x54: {  	s10 =	simm.s32 $0x1680  }
0x55: {  	[tilespmem:s29], [sflag:$0xE] =	stream.indirect.gather [hbm4b:s4+s8], $0x10, s10, s8, $0xb8;
	[tilespmem:$0x12000] =	vst v63  }
0x56: {  	s11 =	simm.s32 $0x300  }
0x57: {  	[tilespmem:s0], [sflag:$0x7] =	stream.indirect.gather [hbm4b:s2+s8], $0x10, s11, s8, $0xb8;
	[tilespmem:$0x12000] =	vst v63  }
0x58: {  	s9 =	simm.s32 $0x1700  }
0x59: {  	[tilespmem:s26], [sflag:$0xF] =	stream.indirect.gather [hbm4b:s4+s8], $0x10, s9, s8, $0xb8;
	[tilespmem:$0x12000] =	vst v63  }
0x5a: {  	s10 =	simm.s32 $0x380  }
0x5b: {  	[tilespmem:s22], [sflag:$0x8] =	stream.indirect.gather [hbm4b:s2+s8], $0x10, s10, s8, $0xb8;
	[tilespmem:$0x12000] =	vst v63  }
0x5c: {  	s7 =	simm.s32 $0x0;
	s11 =	simm.s32 $0x1780  }
0x5d: {  	[tilespmem:s31], [sflag:$0x10] =	stream.indirect.gather [hbm4b:s4+s8], $0x10, s11, s8, $0xb8;
	[tilespmem:$0x12000] =	vst v63  }
.LBB2_2:
0x5e: {  	s8 =	simm.s32 $0x1  }
0x5f: {  	_ =	swait.ge [sflag:s8], $0x800  }
0x60: {  	[sflag:s8] =	ssyncset.done $0x0  }
0x61: {  	s10 =	simm.s32 $0x9;
	[sflag:s8] =	ssyncadd.s32 $0xFFFFF800  }
0x62: {  	_ =	swait.ge [sflag:s10], $0x800  }
0x63: {  	[sflag:s10] =	ssyncset.done $0x0  }
0x64: {  	[sflag:s10] =	ssyncadd.s32 $0xFFFFF800  }
0x65: {  	v48 =	vld.idx.msk [tilespmem:v0+s17+$0x0], $0xffff  }
0x66: {  	v49 =	vld.idx.msk [tilespmem:v0+s18+$0x0], $0xffff  }
0x67: {  	v50 =	vld.idx.msk [tilespmem:v6+s17+$0x0], $0xffff  }
0x68: {  	v51 =	vld.idx.msk [tilespmem:v6+s18+$0x0], $0xffff;
	_ =	sdelay $0x1  }
0x69: {  	v52 =	vld.idx.msk [tilespmem:v12+s17+$0x0], $0xffff  }
0x6a: {  	v53 =	vld.idx.msk [tilespmem:v12+s18+$0x0], $0xffff;
	v48 =	vadd.f32 v49, v48  }
0x6b: {  	s8 =	sshll.u32 s7, $0xA  }
0x6c: {  	v58 =	vadd.f32 v51, v50;
	[tilespmem:s8+$0xA800] =	vst v48  }
0x6d: {  	v59 =	vld.idx.msk [tilespmem:v1+s17+$0x0], $0xffff  }
0x6e: {  	[tilespmem:s8+$0xA810] =	vst v58;
	v60 =	vld.idx.msk [tilespmem:v1+s18+$0x0], $0xffff  }
0x6f: {  	v61 =	vadd.f32 v53, v52;
	v62 =	vld.idx.msk [tilespmem:v7+s17+$0x0], $0xffff  }
0x70: {  	v63 =	vld.idx.msk [tilespmem:v7+s18+$0x0], $0xffff  }
0x71: {  	[tilespmem:s8+$0xA820] =	vst v61  }
0x72: {  	v48 =	vld.idx.msk [tilespmem:v13+s17+$0x0], $0xffff  }
0x73: {  	v56 =	vld.idx.msk [tilespmem:v13+s18+$0x0], $0xffff;
	v49 =	vadd.f32 v60, v59;
	_ =	sdelay $0x1  }
0x74: {  	v57 =	vadd.f32 v63, v62;
	[tilespmem:s8+$0xBC00] =	vst v49  }
0x75: {  	v58 =	vld.idx.msk [tilespmem:v2+s17+$0x0], $0xffff  }
0x76: {  	[tilespmem:s8+$0xBC10] =	vst v57;
	v59 =	vld.idx.msk [tilespmem:v2+s18+$0x0], $0xffff  }
0x77: {  	v48 =	vadd.f32 v56, v48;
	v49 =	vld.idx.msk [tilespmem:v8+s17+$0x0], $0xffff  }
0x78: {  	v60 =	vld.idx.msk [tilespmem:v8+s18+$0x0], $0xffff  }
0x79: {  	[tilespmem:s8+$0xBC20] =	vst v48  }
0x7a: {  	v48 =	vld.idx.msk [tilespmem:v14+s17+$0x0], $0xffff  }
0x7b: {  	v61 =	vld.idx.msk [tilespmem:v14+s18+$0x0], $0xffff;
	v50 =	vadd.f32 v59, v58  }
0x7c: {  	v54 =	vld.idx.msk [tilespmem:v18+s18+$0x0], $0xffff  }
0x7d: {  	v62 =	vld.idx.msk [tilespmem:v18+s17+$0x0], $0xffff;
	v49 =	vadd.f32 v60, v49;
	[tilespmem:s8+$0xD000] =	vst v50  }
0x7e: {  	v50 =	vld.idx.msk [tilespmem:v3+s17+$0x0], $0xffff  }
0x7f: {  	[tilespmem:s8+$0xD010] =	vst v49;
	v63 =	vld.idx.msk [tilespmem:v3+s18+$0x0], $0xffff  }
0x80: {  	v48 =	vadd.f32 v61, v48;
	v49 =	vld.idx.msk [tilespmem:v9+s17+$0x0], $0xffff  }
0x81: {  	v57 =	vld.idx.msk [tilespmem:v9+s18+$0x0], $0xffff  }
0x82: {  	v58 =	vadd.f32 v54, v62;
	[tilespmem:s8+$0xD020] =	vst v48  }
0x83: {  	v59 =	vld.idx.msk [tilespmem:v15+s17+$0x0], $0xffff  }
0x84: {  	[tilespmem:s8+$0xA830] =	vst v58;
	v60 =	vld.idx.msk [tilespmem:v15+s18+$0x0], $0xffff;
	v61 =	vadd.f32 v63, v50  }
0x85: {  	v62 =	vld.idx.msk [tilespmem:v19+s17+$0x0], $0xffff  }
0x86: {  	v63 =	vld.idx.msk [tilespmem:v19+s18+$0x0], $0xffff;
	v56 =	vadd.f32 v57, v49;
	[tilespmem:s8+$0xE400] =	vst v61  }
0x87: {  	v49 =	vld.idx.msk [tilespmem:v4+s17+$0x0], $0xffff  }
0x88: {  	[tilespmem:s8+$0xE410] =	vst v56;
	v57 =	vld.idx.msk [tilespmem:v4+s18+$0x0], $0xffff  }
0x89: {  	v58 =	vadd.f32 v60, v59;
	v59 =	vld.idx.msk [tilespmem:v10+s17+$0x0], $0xffff  }
0x8a: {  	v60 =	vld.idx.msk [tilespmem:v10+s18+$0x0], $0xffff  }
0x8b: {  	v55 =	vld.idx.msk [tilespmem:v24+s17+$0x0], $0xffff;
	[tilespmem:s8+$0xE420] =	vst v58;
	v61 =	vadd.f32 v63, v62  }
0x8c: {  	v62 =	vld.idx.msk [tilespmem:v16+s17+$0x0], $0xffff  }
0x8d: {  	v63 =	vld.idx.msk [tilespmem:v16+s18+$0x0], $0xffff;
	[tilespmem:s8+$0xBC30] =	vst v61  }
0x8e: {  	v56 =	vadd.f32 v57, v49;
	v57 =	vld.idx.msk [tilespmem:v20+s17+$0x0], $0xffff  }
0x8f: {  	v58 =	vld.idx.msk [tilespmem:v20+s18+$0x0], $0xffff;
	v59 =	vadd.f32 v60, v59  }
0x90: {  	[tilespmem:s8+$0xF800] =	vst v56;
	v56 =	vld.idx.msk [tilespmem:v24+s18+$0x0], $0xffff  }
0x91: {  	[tilespmem:s8+$0xF810] =	vst v59;
	v59 =	vld.idx.msk [tilespmem:v36+s17+$0x0], $0xffff  }
0x92: {  	v51 =	vld.idx.msk [tilespmem:v5+s17+$0x0], $0xffff  }
0x93: {  	v54 =	vld.idx.msk [tilespmem:v5+s18+$0x0], $0xffff  }
0x94: {  	v60 =	vadd.f32 v63, v62;
	v50 =	vld.idx.msk [tilespmem:v11+s17+$0x0], $0xffff  }
0x95: {  	v52 =	vld.idx.msk [tilespmem:v11+s18+$0x0], $0xffff  }
0x96: {  	[tilespmem:s8+$0xF820] =	vst v60;
	v60 =	vld.idx.msk [tilespmem:v36+s18+$0x0], $0xffff  }
0x97: {  	v49 =	vld.idx.msk [tilespmem:v17+s17+$0x0], $0xffff  }
0x98: {  	v61 =	vadd.f32 v58, v57;
	v57 =	vld.idx.msk [tilespmem:v30+s17+$0x0], $0xffff  }
0x99: {  	v58 =	vld.idx.msk [tilespmem:v30+s18+$0x0], $0xffff  }
0x9a: {  	v53 =	vld.idx.msk [tilespmem:v17+s18+$0x0], $0xffff  }
0x9b: {  	v55 =	vadd.f32 v56, v55;
	v56 =	vld.idx.msk [tilespmem:v42+s17+$0x0], $0xffff  }
0x9c: {  	[tilespmem:s8+$0xD030] =	vst v61;
	v61 =	vld.idx.msk [tilespmem:v42+s18+$0x0], $0xffff  }
0x9d: {  	v48 =	vld.idx.msk [tilespmem:v21+s17+$0x0], $0xffff  }
0x9e: {  	[tilespmem:s8+$0xA840] =	vst v55;
	v55 =	vld.idx.msk [tilespmem:v21+s18+$0x0], $0xffff;
	v57 =	vadd.f32 v58, v57  }
0x9f: {  	v58 =	vld.idx.msk [tilespmem:v25+s17+$0x0], $0xffff  }
0xa0: {  	v59 =	vadd.f32 v60, v59;
	[tilespmem:s8+$0xA850] =	vst v57;
	v57 =	vld.idx.msk [tilespmem:v25+s18+$0x0], $0xffff  }
0xa1: {  	v60 =	vld.idx.msk [tilespmem:v31+s17+$0x0], $0xffff  }
0xa2: {  	[tilespmem:s8+$0xA860] =	vst v59;
	v56 =	vadd.f32 v61, v56;
	v59 =	vld.idx.msk [tilespmem:v31+s18+$0x0], $0xffff  }
0xa3: {  	v61 =	vld.idx.msk [tilespmem:v37+s17+$0x0], $0xffff;
	v48 =	vadd.f32 v55, v48  }
0xa4: {  	v55 =	vld.idx.msk [tilespmem:v37+s18+$0x0], $0xffff;
	[tilespmem:s8+$0xA870] =	vst v56  }
0xa5: {  	[tilespmem:s8+$0xE430] =	vst v48;
	v48 =	vld.idx.msk [tilespmem:v43+s18+$0x0], $0xffff;
	v62 =	vadd.f32 v57, v58  }
0xa6: {  	v57 =	vld.idx.msk [tilespmem:v43+s17+$0x0], $0xffff  }
0xa7: {  	v58 =	vld.idx.msk [tilespmem:v22+s17+$0x0], $0xffff;
	v56 =	vadd.f32 v59, v60;
	[tilespmem:s8+$0xBC40] =	vst v62  }
0xa8: {  	v59 =	vld.idx.msk [tilespmem:v26+s17+$0x0], $0xffff  }
0xa9: {  	v55 =	vadd.f32 v55, v61;
	v60 =	vld.idx.msk [tilespmem:v26+s18+$0x0], $0xffff;
	[tilespmem:s8+$0xBC50] =	vst v56  }
0xaa: {  	v56 =	vld.idx.msk [tilespmem:v32+s17+$0x0], $0xffff  }
0xab: {  	v61 =	vld.idx.msk [tilespmem:v32+s18+$0x0], $0xffff;
	[tilespmem:s8+$0xBC60] =	vst v55;
	v48 =	vadd.f32 v48, v57  }
0xac: {  	v55 =	vld.idx.msk [tilespmem:v38+s17+$0x0], $0xffff  }
0xad: {  	v57 =	vld.idx.msk [tilespmem:v38+s18+$0x0], $0xffff;
	[tilespmem:s8+$0xBC70] =	vst v48  }
0xae: {  	v48 =	vadd.f32 v60, v59;
	v59 =	vld.idx.msk [tilespmem:v44+s17+$0x0], $0xffff  }
0xaf: {  	v60 =	vld.idx.msk [tilespmem:v44+s18+$0x0], $0xffff  }
0xb0: {  	v56 =	vadd.f32 v61, v56;
	[tilespmem:s8+$0xD040] =	vst v48;
	v48 =	vld.idx.msk [tilespmem:v22+s18+$0x0], $0xffff  }
0xb1: {  	v61 =	vld.idx.msk [tilespmem:v27+s17+$0x0], $0xffff  }
0xb2: {  	v55 =	vadd.f32 v57, v55;
	[tilespmem:s8+$0xD050] =	vst v56;
	v56 =	vld.idx.msk [tilespmem:v27+s18+$0x0], $0xffff  }
0xb3: {  	v57 =	vld.idx.msk [tilespmem:v33+s17+$0x0], $0xffff  }
0xb4: {  	[tilespmem:s8+$0xD060] =	vst v55;
	v55 =	vld.idx.msk [tilespmem:v33+s18+$0x0], $0xffff;
	v59 =	vadd.f32 v60, v59  }
0xb5: {  	v60 =	vld.idx.msk [tilespmem:v39+s17+$0x0], $0xffff  }
0xb6: {  	v48 =	vadd.f32 v48, v58;
	v58 =	vld.idx.msk [tilespmem:v39+s18+$0x0], $0xffff;
	[tilespmem:s8+$0xD070] =	vst v59  }
0xb7: {  	v56 =	vadd.f32 v56, v61;
	v59 =	vld.idx.msk [tilespmem:v45+s17+$0x0], $0xffff  }
0xb8: {  	[tilespmem:s8+$0xF830] =	vst v48;
	v48 =	vld.idx.msk [tilespmem:v45+s18+$0x0], $0xffff  }
0xb9: {  	v55 =	vadd.f32 v55, v57;
	v61 =	vld.idx.msk [tilespmem:v23+s17+$0x0], $0xffff;
	[tilespmem:s8+$0xE440] =	vst v56  }
0xba: {  	v56 =	vld.idx.msk [tilespmem:v28+s17+$0x0], $0xffff  }
0xbb: {  	v57 =	vld.idx.msk [tilespmem:v28+s18+$0x0], $0xffff;
	[tilespmem:s8+$0xE450] =	vst v55;
	v55 =	vadd.f32 v58, v60  }
0xbc: {  	v58 =	vld.idx.msk [tilespmem:v34+s17+$0x0], $0xffff  }
0xbd: {  	v60 =	vld.idx.msk [tilespmem:v34+s18+$0x0], $0xffff;
	[tilespmem:s8+$0xE460] =	vst v55;
	v48 =	vadd.f32 v48, v59  }
0xbe: {  	v55 =	vld.idx.msk [tilespmem:v40+s17+$0x0], $0xffff  }
0xbf: {  	v59 =	vld.idx.msk [tilespmem:v40+s18+$0x0], $0xffff;
	[tilespmem:s8+$0xE470] =	vst v48  }
0xc0: {  	v63 =	vadd.f32 v57, v56;
	v56 =	vld.idx.msk [tilespmem:v46+s17+$0x0], $0xffff  }
0xc1: {  	v57 =	vld.idx.msk [tilespmem:v46+s18+$0x0], $0xffff  }
0xc2: {  	v48 =	vld.idx.msk [tilespmem:v23+s18+$0x0], $0xffff;
	v58 =	vadd.f32 v60, v58;
	[tilespmem:s8+$0xF840] =	vst v63  }
0xc3: {  	v60 =	vld.idx.msk [tilespmem:v29+s17+$0x0], $0xffff  }
0xc4: {  	[tilespmem:s8+$0xF850] =	vst v58;
	v58 =	vld.idx.msk [tilespmem:v29+s18+$0x0], $0xffff;
	v55 =	vadd.f32 v59, v55  }
0xc5: {  	v59 =	vld.idx.msk [tilespmem:v35+s17+$0x0], $0xffff  }
0xc6: {  	[tilespmem:s8+$0xF860] =	vst v55;
	v55 =	vld.idx.msk [tilespmem:v35+s18+$0x0], $0xffff;
	v56 =	vadd.f32 v57, v56  }
0xc7: {  	v57 =	vld.idx.msk [tilespmem:v41+s17+$0x0], $0xffff  }
0xc8: {  	v51 =	vadd.f32 v54, v51;
	v54 =	vld.idx.msk [tilespmem:v41+s18+$0x0], $0xffff;
	[tilespmem:s8+$0xF870] =	vst v56  }
0xc9: {  	v50 =	vadd.f32 v52, v50;
	v62 =	vld.idx.msk [tilespmem:v47+s17+$0x0], $0xffff  }
0xca: {  	[tilespmem:s8+$0x10C00] =	vst v51;
	v49 =	vadd.f32 v53, v49;
	v63 =	vld.idx.msk [tilespmem:v47+s18+$0x0], $0xffff  }
0xcb: {  	[tilespmem:s8+$0x10C10] =	vst v50;
	v48 =	vadd.f32 v48, v61  }
0xcc: {  	[tilespmem:s8+$0x10C20] =	vst v49;
	v53 =	vadd.f32 v58, v60  }
0xcd: {  	[tilespmem:s8+$0x10C30] =	vst v48;
	v55 =	vadd.f32 v55, v59  }
0xce: {  	[tilespmem:s8+$0x10C40] =	vst v53;
	v56 =	vadd.f32 v54, v57  }
0xcf: {  	[tilespmem:s8+$0x10C50] =	vst v55;
	v57 =	vadd.f32 v63, v62  }
0xd0: {  	p0 =	seq.s32 s7, $0x4;
	[tilespmem:s8+$0x10C60] =	vst v56  }
0xd1: {  	s9 =	simm.s32 @!p0 $0x80;
	s11 =	simm.s32 @!p0 $0x2800;
	s10 =	sadd.s32 @!p0 $0x400, s8;
	[tilespmem:s8+$0x10C70] =	vst v57  }
0xd2: {  	[tilespmem:s11], [sflag:$0x1] =	stream.indirect.gather @!p0 [hbm4b:s2+s9], $0x10, s10, s9, $0xb8;
	[tilespmem:$0x12000] =	vst v63  }
0xd3: {  	s10 =	sadd.s32 @!p0 $0x1800, s8;
	s11 =	simm.s32 @!p0 $0x6800  }
0xd4: {  	[tilespmem:s11], [sflag:$0x9] =	stream.indirect.gather @!p0 [hbm4b:s4+s9], $0x10, s10, s9, $0xb8;
	[tilespmem:$0x12000] =	vst v63  }
0xd5: {  	s11 =	simm.s32 $0x2  }
0xd6: {  	_ =	swait.ge [sflag:s11], $0x800  }
0xd7: {  	[sflag:s11] =	ssyncset.done $0x0  }
0xd8: {  	[sflag:s11] =	ssyncadd.s32 $0xFFFFF800;
	s11 =	simm.s32 $0xA  }
0xd9: {  	_ =	swait.ge [sflag:s11], $0x800  }
0xda: {  	[sflag:s11] =	ssyncset.done $0x0  }
0xdb: {  	[sflag:s11] =	ssyncadd.s32 $0xFFFFF800  }
0xdc: {  	v58 =	vld.idx.msk [tilespmem:v0+s19+$0x0], $0xffff  }
0xdd: {  	v59 =	vld.idx.msk [tilespmem:v0+s21+$0x0], $0xffff  }
0xde: {  	v60 =	vld.idx.msk [tilespmem:v6+s19+$0x0], $0xffff  }
0xdf: {  	v61 =	vld.idx.msk [tilespmem:v6+s21+$0x0], $0xffff;
	_ =	sdelay $0x2  }
0xe0: {  	v48 =	vadd.f32 v59, v58;
	_ =	sdelay $0x1  }
0xe1: {  	v62 =	vadd.f32 v61, v60;
	[tilespmem:s8+$0xA880] =	vst v48  }
0xe2: {  	v63 =	vld.idx.msk [tilespmem:v1+s19+$0x0], $0xffff  }
0xe3: {  	[tilespmem:s8+$0xA890] =	vst v62;
	v54 =	vld.idx.msk [tilespmem:v1+s21+$0x0], $0xffff  }
0xe4: {  	v48 =	vld.idx.msk [tilespmem:v7+s19+$0x0], $0xffff  }
0xe5: {  	v55 =	vld.idx.msk [tilespmem:v7+s21+$0x0], $0xffff;
	_ =	sdelay $0x2  }
0xe6: {  	v49 =	vadd.f32 v54, v63;
	_ =	sdelay $0x1  }
0xe7: {  	v48 =	vadd.f32 v55, v48;
	[tilespmem:s8+$0xBC80] =	vst v49  }
0xe8: {  	v49 =	vld.idx.msk [tilespmem:v2+s19+$0x0], $0xffff  }
0xe9: {  	[tilespmem:s8+$0xBC90] =	vst v48;
	v56 =	vld.idx.msk [tilespmem:v2+s21+$0x0], $0xffff  }
0xea: {  	v48 =	vld.idx.msk [tilespmem:v8+s19+$0x0], $0xffff  }
0xeb: {  	v57 =	vld.idx.msk [tilespmem:v8+s21+$0x0], $0xffff;
	_ =	sdelay $0x2  }
0xec: {  	v49 =	vadd.f32 v56, v49  }
0xed: {  	v60 =	vld.idx.msk [tilespmem:v12+s19+$0x0], $0xffff  }
0xee: {  	v61 =	vld.idx.msk [tilespmem:v12+s21+$0x0], $0xffff;
	v48 =	vadd.f32 v57, v48;
	[tilespmem:s8+$0xD080] =	vst v49  }
0xef: {  	v49 =	vld.idx.msk [tilespmem:v3+s19+$0x0], $0xffff  }
0xf0: {  	[tilespmem:s8+$0xD090] =	vst v48;
	v58 =	vld.idx.msk [tilespmem:v3+s21+$0x0], $0xffff  }
0xf1: {  	v48 =	vld.idx.msk [tilespmem:v9+s19+$0x0], $0xffff  }
0xf2: {  	v59 =	vld.idx.msk [tilespmem:v9+s21+$0x0], $0xffff;
	_ =	sdelay $0x2  }
0xf3: {  	v63 =	vadd.f32 v61, v60  }
0xf4: {  	v49 =	vadd.f32 v58, v49  }
0xf5: {  	[tilespmem:s8+$0xA8A0] =	vst v63;
	v48 =	vadd.f32 v59, v48  }
0xf6: {  	v58 =	vld.idx.msk [tilespmem:v13+s21+$0x0], $0xffff;
	[tilespmem:s8+$0xE480] =	vst v49  }
0xf7: {  	[tilespmem:s8+$0xE490] =	vst v48;
	v48 =	vld.idx.msk [tilespmem:v13+s19+$0x0], $0xffff  }
0xf8: {  	v49 =	vld.idx.msk [tilespmem:v4+s19+$0x0], $0xffff  }
0xf9: {  	v62 =	vld.idx.msk [tilespmem:v4+s21+$0x0], $0xffff  }
0xfa: {  	v56 =	vld.idx.msk [tilespmem:v10+s19+$0x0], $0xffff  }
0xfb: {  	v57 =	vld.idx.msk [tilespmem:v10+s21+$0x0], $0xffff;
	_ =	sdelay $0x1  }
0xfc: {  	v48 =	vadd.f32 v58, v48  }
0xfd: {  	v49 =	vadd.f32 v62, v49  }
0xfe: {  	[tilespmem:s8+$0xBCA0] =	vst v48  }
0xff: {  	v59 =	vadd.f32 v57, v56;
	[tilespmem:s8+$0xF880] =	vst v49;
	v48 =	vld.idx.msk [tilespmem:v14+s19+$0x0], $0xffff  }
0x100: {  	v60 =	vld.idx.msk [tilespmem:v5+s19+$0x0], $0xffff  }
0x101: {  	[tilespmem:s8+$0xF890] =	vst v59;
	v61 =	vld.idx.msk [tilespmem:v5+s21+$0x0], $0xffff  }
0x102: {  	v49 =	vld.idx.msk [tilespmem:v11+s19+$0x0], $0xffff  }
0x103: {  	v62 =	vld.idx.msk [tilespmem:v11+s21+$0x0], $0xffff  }
0x104: {  	v63 =	vld.idx.msk [tilespmem:v14+s21+$0x0], $0xffff;
	_ =	sdelay $0x2  }
0x105: {  	v50 =	vadd.f32 v61, v60  }
0x106: {  	v49 =	vadd.f32 v62, v49  }
0x107: {  	v48 =	vadd.f32 v63, v48;
	[tilespmem:s8+$0x10C80] =	vst v50  }
0x108: {  	[tilespmem:s8+$0x10C90] =	vst v49  }
0x109: {  	[tilespmem:s8+$0xD0A0] =	vst v48  }
0x10a: {  	v48 =	vld.idx.msk [tilespmem:v18+s19+$0x0], $0xffff  }
0x10b: {  	v54 =	vld.idx.msk [tilespmem:v18+s21+$0x0], $0xffff;
	_ =	sdelay $0x4  }
0x10c: {  	v48 =	vadd.f32 v54, v48  }
0x10d: {  	v55 =	vld.idx.msk [tilespmem:v15+s19+$0x0], $0xffff  }
0x10e: {  	v56 =	vld.idx.msk [tilespmem:v15+s21+$0x0], $0xffff;
	[tilespmem:s8+$0xA8B0] =	vst v48  }
0x10f: {  	v48 =	vld.idx.msk [tilespmem:v19+s19+$0x0], $0xffff  }
0x110: {  	v57 =	vld.idx.msk [tilespmem:v19+s21+$0x0], $0xffff  }
0x111: {  	v51 =	vld.idx.msk [tilespmem:v24+s19+$0x0], $0xffff  }
0x112: {  	v60 =	vld.idx.msk [tilespmem:v24+s21+$0x0], $0xffff  }
0x113: {  	v53 =	vld.idx.msk [tilespmem:v30+s19+$0x0], $0xffff  }
0x114: {  	v61 =	vld.idx.msk [tilespmem:v30+s21+$0x0], $0xffff  }
0x115: {  	v62 =	vld.idx.msk [tilespmem:v36+s19+$0x0], $0xffff;
	v48 =	vadd.f32 v57, v48  }
0x116: {  	v63 =	vld.idx.msk [tilespmem:v36+s21+$0x0], $0xffff  }
0x117: {  	v52 =	vld.idx.msk [tilespmem:v42+s19+$0x0], $0xffff;
	[tilespmem:s8+$0xBCB0] =	vst v48  }
0x118: {  	v49 =	vadd.f32 v56, v55;
	v48 =	vld.idx.msk [tilespmem:v20+s19+$0x0], $0xffff  }
0x119: {  	v59 =	vld.idx.msk [tilespmem:v20+s21+$0x0], $0xffff  }
0x11a: {  	v51 =	vadd.f32 v60, v51;
	v60 =	vld.idx.msk [tilespmem:v42+s21+$0x0], $0xffff;
	[tilespmem:s8+$0xE4A0] =	vst v49  }
0x11b: {  	v49 =	vld.idx.msk [tilespmem:v16+s19+$0x0], $0xffff  }
0x11c: {  	v61 =	vadd.f32 v61, v53;
	[tilespmem:s8+$0xA8C0] =	vst v51;
	v58 =	vld.idx.msk [tilespmem:v16+s21+$0x0], $0xffff  }
0x11d: {  	v53 =	vld.idx.msk [tilespmem:v25+s19+$0x0], $0xffff  }
0x11e: {  	[tilespmem:s8+$0xA8D0] =	vst v61;
	v54 =	vld.idx.msk [tilespmem:v25+s21+$0x0], $0xffff;
	v48 =	vadd.f32 v59, v48  }
0x11f: {  	v55 =	vld.idx.msk [tilespmem:v31+s19+$0x0], $0xffff  }
0x120: {  	v62 =	vadd.f32 v63, v62;
	v63 =	vld.idx.msk [tilespmem:v31+s21+$0x0], $0xffff;
	[tilespmem:s8+$0xD0B0] =	vst v48  }
0x121: {  	v48 =	vld.idx.msk [tilespmem:v21+s19+$0x0], $0xffff  }
0x122: {  	v49 =	vadd.f32 v58, v49;
	v58 =	vld.idx.msk [tilespmem:v21+s21+$0x0], $0xffff  }
0x123: {  	[tilespmem:s8+$0xA8E0] =	vst v62;
	v62 =	vadd.f32 v54, v53  }
0x124: {  	v61 =	vld.idx.msk [tilespmem:v37+s21+$0x0], $0xffff  }
0x125: {  	v60 =	vadd.f32 v60, v52;
	v52 =	vld.idx.msk [tilespmem:v37+s19+$0x0], $0xffff;
	[tilespmem:s8+$0xBCC0] =	vst v62  }
0x126: {  	v63 =	vadd.f32 v63, v55;
	v55 =	vld.idx.msk [tilespmem:v26+s19+$0x0], $0xffff  }
0x127: {  	[tilespmem:s8+$0xA8F0] =	vst v60;
	v60 =	vld.idx.msk [tilespmem:v26+s21+$0x0], $0xffff;
	v48 =	vadd.f32 v58, v48  }
0x128: {  	v53 =	vld.idx.msk [tilespmem:v43+s19+$0x0], $0xffff;
	[tilespmem:s8+$0xF8A0] =	vst v49  }
0x129: {  	[tilespmem:s8+$0xE4B0] =	vst v48;
	v48 =	vld.idx.msk [tilespmem:v43+s21+$0x0], $0xffff  }
0x12a: {  	v49 =	vld.idx.msk [tilespmem:v17+s19+$0x0], $0xffff  }
0x12b: {  	[tilespmem:s8+$0xBCD0] =	vst v63;
	v61 =	vadd.f32 v61, v52;
	v50 =	vld.idx.msk [tilespmem:v17+s21+$0x0], $0xffff  }
0x12c: {  	v62 =	vld.idx.msk [tilespmem:v32+s19+$0x0], $0xffff;
	v60 =	vadd.f32 v60, v55  }
0x12d: {  	v63 =	vld.idx.msk [tilespmem:v32+s21+$0x0], $0xffff;
	[tilespmem:s8+$0xBCE0] =	vst v61  }
0x12e: {  	v51 =	vld.idx.msk [tilespmem:v38+s19+$0x0], $0xffff;
	[tilespmem:s8+$0xD0C0] =	vst v60;
	v48 =	vadd.f32 v48, v53  }
0x12f: {  	v52 =	vld.idx.msk [tilespmem:v27+s19+$0x0], $0xffff  }
0x130: {  	v53 =	vld.idx.msk [tilespmem:v38+s21+$0x0], $0xffff;
	[tilespmem:s8+$0xBCF0] =	vst v48  }
0x131: {  	v55 =	vld.idx.msk [tilespmem:v44+s19+$0x0], $0xffff  }
0x132: {  	v61 =	vld.idx.msk [tilespmem:v44+s21+$0x0], $0xffff  }
0x133: {  	v62 =	vadd.f32 v63, v62;
	v54 =	vld.idx.msk [tilespmem:v22+s19+$0x0], $0xffff  }
0x134: {  	v58 =	vld.idx.msk [tilespmem:v22+s21+$0x0], $0xffff  }
0x135: {  	[tilespmem:s8+$0xD0D0] =	vst v62;
	v63 =	vld.idx.msk [tilespmem:v27+s21+$0x0], $0xffff;
	v59 =	vadd.f32 v53, v51  }
0x136: {  	v60 =	vld.idx.msk [tilespmem:v33+s21+$0x0], $0xffff  }
0x137: {  	v51 =	vld.idx.msk [tilespmem:v33+s19+$0x0], $0xffff;
	[tilespmem:s8+$0xD0E0] =	vst v59;
	v61 =	vadd.f32 v61, v55  }
0x138: {  	v55 =	vld.idx.msk [tilespmem:v39+s19+$0x0], $0xffff  }
0x139: {  	v54 =	vadd.f32 v58, v54;
	v62 =	vld.idx.msk [tilespmem:v39+s21+$0x0], $0xffff;
	[tilespmem:s8+$0xD0F0] =	vst v61  }
0x13a: {  	v63 =	vadd.f32 v63, v52;
	v52 =	vld.idx.msk [tilespmem:v45+s19+$0x0], $0xffff  }
0x13b: {  	[tilespmem:s8+$0xF8B0] =	vst v54;
	v54 =	vld.idx.msk [tilespmem:v45+s21+$0x0], $0xffff  }
0x13c: {  	[tilespmem:s8+$0xE4C0] =	vst v63;
	v57 =	vld.idx.msk [tilespmem:v23+s19+$0x0], $0xffff;
	v59 =	vadd.f32 v60, v51  }
0x13d: {  	v60 =	vld.idx.msk [tilespmem:v28+s19+$0x0], $0xffff  }
0x13e: {  	v61 =	vld.idx.msk [tilespmem:v28+s21+$0x0], $0xffff;
	[tilespmem:s8+$0xE4D0] =	vst v59;
	v62 =	vadd.f32 v62, v55  }
0x13f: {  	v55 =	vld.idx.msk [tilespmem:v34+s19+$0x0], $0xffff  }
0x140: {  	v63 =	vld.idx.msk [tilespmem:v34+s21+$0x0], $0xffff;
	[tilespmem:s8+$0xE4E0] =	vst v62;
	v59 =	vadd.f32 v54, v52  }
0x141: {  	v52 =	vld.idx.msk [tilespmem:v40+s19+$0x0], $0xffff  }
0x142: {  	v54 =	vld.idx.msk [tilespmem:v40+s21+$0x0], $0xffff;
	[tilespmem:s8+$0xE4F0] =	vst v59  }
0x143: {  	v60 =	vadd.f32 v61, v60;
	v61 =	vld.idx.msk [tilespmem:v46+s19+$0x0], $0xffff  }
0x144: {  	v62 =	vld.idx.msk [tilespmem:v46+s21+$0x0], $0xffff  }
0x145: {  	v58 =	vld.idx.msk [tilespmem:v23+s21+$0x0], $0xffff;
	[tilespmem:s8+$0xF8C0] =	vst v60;
	v63 =	vadd.f32 v63, v55  }
0x146: {  	v55 =	vld.idx.msk [tilespmem:v29+s19+$0x0], $0xffff  }
0x147: {  	v56 =	vld.idx.msk [tilespmem:v29+s21+$0x0], $0xffff;
	[tilespmem:s8+$0xF8D0] =	vst v63;
	v59 =	vadd.f32 v54, v52  }
0x148: {  	v52 =	vld.idx.msk [tilespmem:v35+s19+$0x0], $0xffff  }
0x149: {  	v54 =	vld.idx.msk [tilespmem:v35+s21+$0x0], $0xffff;
	[tilespmem:s8+$0xF8E0] =	vst v59;
	v60 =	vadd.f32 v62, v61  }
0x14a: {  	v61 =	vld.idx.msk [tilespmem:v41+s19+$0x0], $0xffff  }
0x14b: {  	v62 =	vld.idx.msk [tilespmem:v41+s21+$0x0], $0xffff;
	[tilespmem:s8+$0xF8F0] =	vst v60  }
0x14c: {  	v48 =	vld.idx.msk [tilespmem:v47+s19+$0x0], $0xffff  }
0x14d: {  	v49 =	vadd.f32 v50, v49;
	v63 =	vld.idx.msk [tilespmem:v47+s21+$0x0], $0xffff  }
0x14e: {  	v57 =	vadd.f32 v58, v57  }
0x14f: {  	[tilespmem:s8+$0x10CA0] =	vst v49;
	v56 =	vadd.f32 v56, v55  }
0x150: {  	[tilespmem:s8+$0x10CB0] =	vst v57;
	v52 =	vadd.f32 v54, v52  }
0x151: {  	[tilespmem:s8+$0x10CC0] =	vst v56;
	v58 =	vadd.f32 v62, v61  }
0x152: {  	[tilespmem:s8+$0x10CD0] =	vst v52;
	v48 =	vadd.f32 v63, v48  }
0x153: {  	[tilespmem:s8+$0x10CE0] =	vst v58  }
0x154: {  	s10 =	sadd.s32 @!p0 $0x480, s8;
	s11 =	simm.s32 @!p0 $0x3000;
	[tilespmem:s8+$0x10CF0] =	vst v48  }
0x155: {  	[tilespmem:s11], [sflag:$0x2] =	stream.indirect.gather @!p0 [hbm4b:s2+s9], $0x10, s10, s9, $0xb8;
	[tilespmem:$0x12000] =	vst v63  }
0x156: {  	s10 =	sadd.s32 @!p0 $0x1880, s8;
	s11 =	simm.s32 @!p0 $0x7000  }
0x157: {  	[tilespmem:s11], [sflag:$0xA] =	stream.indirect.gather @!p0 [hbm4b:s4+s9], $0x10, s10, s9, $0xb8;
	[tilespmem:$0x12000] =	vst v63  }
0x158: {  	s11 =	simm.s32 $0x3  }
0x159: {  	_ =	swait.ge [sflag:s11], $0x800  }
0x15a: {  	[sflag:s11] =	ssyncset.done $0x0  }
0x15b: {  	[sflag:s11] =	ssyncadd.s32 $0xFFFFF800;
	s11 =	simm.s32 $0xB  }
0x15c: {  	_ =	swait.ge [sflag:s11], $0x800  }
0x15d: {  	[sflag:s11] =	ssyncset.done $0x0  }
0x15e: {  	[sflag:s11] =	ssyncadd.s32 $0xFFFFF800  }
0x15f: {  	v59 =	vld.idx.msk [tilespmem:v0+s23+$0x0], $0xffff  }
0x160: {  	v60 =	vld.idx.msk [tilespmem:v0+s25+$0x0], $0xffff  }
0x161: {  	v61 =	vld.idx.msk [tilespmem:v6+s23+$0x0], $0xffff  }
0x162: {  	v62 =	vld.idx.msk [tilespmem:v6+s25+$0x0], $0xffff;
	_ =	sdelay $0x1  }
0x163: {  	v63 =	vld.idx.msk [tilespmem:v12+s23+$0x0], $0xffff  }
0x164: {  	v56 =	vld.idx.msk [tilespmem:v12+s25+$0x0], $0xffff;
	v48 =	vadd.f32 v60, v59;
	_ =	sdelay $0x1  }
0x165: {  	v57 =	vadd.f32 v62, v61;
	[tilespmem:s8+$0xA900] =	vst v48  }
0x166: {  	v58 =	vld.idx.msk [tilespmem:v1+s23+$0x0], $0xffff  }
0x167: {  	[tilespmem:s8+$0xA910] =	vst v57;
	v59 =	vld.idx.msk [tilespmem:v1+s25+$0x0], $0xffff  }
0x168: {  	v60 =	vadd.f32 v56, v63;
	v61 =	vld.idx.msk [tilespmem:v7+s23+$0x0], $0xffff  }
0x169: {  	v62 =	vld.idx.msk [tilespmem:v7+s25+$0x0], $0xffff  }
0x16a: {  	[tilespmem:s8+$0xA920] =	vst v60  }
0x16b: {  	v48 =	vld.idx.msk [tilespmem:v13+s23+$0x0], $0xffff  }
0x16c: {  	v63 =	vld.idx.msk [tilespmem:v13+s25+$0x0], $0xffff;
	v49 =	vadd.f32 v59, v58;
	_ =	sdelay $0x1  }
0x16d: {  	v56 =	vadd.f32 v62, v61;
	[tilespmem:s8+$0xBD00] =	vst v49  }
0x16e: {  	v57 =	vld.idx.msk [tilespmem:v2+s23+$0x0], $0xffff  }
0x16f: {  	[tilespmem:s8+$0xBD10] =	vst v56;
	v58 =	vld.idx.msk [tilespmem:v2+s25+$0x0], $0xffff  }
0x170: {  	v48 =	vadd.f32 v63, v48;
	v49 =	vld.idx.msk [tilespmem:v8+s23+$0x0], $0xffff  }
0x171: {  	v59 =	vld.idx.msk [tilespmem:v8+s25+$0x0], $0xffff  }
0x172: {  	[tilespmem:s8+$0xBD20] =	vst v48  }
0x173: {  	v48 =	vld.idx.msk [tilespmem:v14+s23+$0x0], $0xffff  }
0x174: {  	v60 =	vld.idx.msk [tilespmem:v14+s25+$0x0], $0xffff;
	v50 =	vadd.f32 v58, v57  }
0x175: {  	v61 =	vld.idx.msk [tilespmem:v18+s23+$0x0], $0xffff  }
0x176: {  	v62 =	vld.idx.msk [tilespmem:v18+s25+$0x0], $0xffff;
	v49 =	vadd.f32 v59, v49;
	[tilespmem:s8+$0xD100] =	vst v50  }
0x177: {  	v50 =	vld.idx.msk [tilespmem:v3+s23+$0x0], $0xffff  }
0x178: {  	[tilespmem:s8+$0xD110] =	vst v49;
	v63 =	vld.idx.msk [tilespmem:v3+s25+$0x0], $0xffff  }
0x179: {  	v48 =	vadd.f32 v60, v48;
	v49 =	vld.idx.msk [tilespmem:v9+s23+$0x0], $0xffff  }
0x17a: {  	v57 =	vld.idx.msk [tilespmem:v9+s25+$0x0], $0xffff  }
0x17b: {  	v58 =	vadd.f32 v62, v61;
	[tilespmem:s8+$0xD120] =	vst v48  }
0x17c: {  	v59 =	vld.idx.msk [tilespmem:v15+s23+$0x0], $0xffff  }
0x17d: {  	[tilespmem:s8+$0xA930] =	vst v58;
	v60 =	vld.idx.msk [tilespmem:v15+s25+$0x0], $0xffff;
	v61 =	vadd.f32 v63, v50  }
0x17e: {  	v62 =	vld.idx.msk [tilespmem:v19+s23+$0x0], $0xffff  }
0x17f: {  	v63 =	vld.idx.msk [tilespmem:v19+s25+$0x0], $0xffff;
	v56 =	vadd.f32 v57, v49;
	[tilespmem:s8+$0xE500] =	vst v61  }
0x180: {  	v49 =	vld.idx.msk [tilespmem:v4+s23+$0x0], $0xffff  }
0x181: {  	[tilespmem:s8+$0xE510] =	vst v56;
	v57 =	vld.idx.msk [tilespmem:v4+s25+$0x0], $0xffff  }
0x182: {  	v58 =	vadd.f32 v60, v59;
	v59 =	vld.idx.msk [tilespmem:v10+s23+$0x0], $0xffff  }
0x183: {  	v60 =	vld.idx.msk [tilespmem:v10+s25+$0x0], $0xffff  }
0x184: {  	v55 =	vld.idx.msk [tilespmem:v24+s23+$0x0], $0xffff;
	[tilespmem:s8+$0xE520] =	vst v58;
	v61 =	vadd.f32 v63, v62  }
0x185: {  	v62 =	vld.idx.msk [tilespmem:v16+s23+$0x0], $0xffff  }
0x186: {  	v63 =	vld.idx.msk [tilespmem:v16+s25+$0x0], $0xffff;
	[tilespmem:s8+$0xBD30] =	vst v61  }
0x187: {  	v56 =	vadd.f32 v57, v49;
	v57 =	vld.idx.msk [tilespmem:v20+s23+$0x0], $0xffff  }
0x188: {  	v58 =	vld.idx.msk [tilespmem:v20+s25+$0x0], $0xffff;
	v59 =	vadd.f32 v60, v59  }
0x189: {  	[tilespmem:s8+$0xF900] =	vst v56;
	v56 =	vld.idx.msk [tilespmem:v24+s25+$0x0], $0xffff  }
0x18a: {  	[tilespmem:s8+$0xF910] =	vst v59;
	v59 =	vld.idx.msk [tilespmem:v36+s23+$0x0], $0xffff  }
0x18b: {  	v51 =	vld.idx.msk [tilespmem:v5+s23+$0x0], $0xffff  }
0x18c: {  	v54 =	vld.idx.msk [tilespmem:v5+s25+$0x0], $0xffff  }
0x18d: {  	v60 =	vadd.f32 v63, v62;
	v50 =	vld.idx.msk [tilespmem:v11+s23+$0x0], $0xffff  }
0x18e: {  	v52 =	vld.idx.msk [tilespmem:v11+s25+$0x0], $0xffff  }
0x18f: {  	[tilespmem:s8+$0xF920] =	vst v60;
	v60 =	vld.idx.msk [tilespmem:v36+s25+$0x0], $0xffff  }
0x190: {  	v49 =	vld.idx.msk [tilespmem:v17+s23+$0x0], $0xffff  }
0x191: {  	v61 =	vadd.f32 v58, v57;
	v57 =	vld.idx.msk [tilespmem:v30+s23+$0x0], $0xffff  }
0x192: {  	v58 =	vld.idx.msk [tilespmem:v30+s25+$0x0], $0xffff  }
0x193: {  	v53 =	vld.idx.msk [tilespmem:v17+s25+$0x0], $0xffff  }
0x194: {  	v55 =	vadd.f32 v56, v55;
	v56 =	vld.idx.msk [tilespmem:v42+s23+$0x0], $0xffff  }
0x195: {  	[tilespmem:s8+$0xD130] =	vst v61;
	v61 =	vld.idx.msk [tilespmem:v42+s25+$0x0], $0xffff  }
0x196: {  	v48 =	vld.idx.msk [tilespmem:v21+s23+$0x0], $0xffff  }
0x197: {  	[tilespmem:s8+$0xA940] =	vst v55;
	v55 =	vld.idx.msk [tilespmem:v21+s25+$0x0], $0xffff;
	v57 =	vadd.f32 v58, v57  }
0x198: {  	v58 =	vld.idx.msk [tilespmem:v25+s23+$0x0], $0xffff  }
0x199: {  	v59 =	vadd.f32 v60, v59;
	[tilespmem:s8+$0xA950] =	vst v57;
	v57 =	vld.idx.msk [tilespmem:v25+s25+$0x0], $0xffff  }
0x19a: {  	v60 =	vld.idx.msk [tilespmem:v31+s23+$0x0], $0xffff  }
0x19b: {  	[tilespmem:s8+$0xA960] =	vst v59;
	v56 =	vadd.f32 v61, v56;
	v59 =	vld.idx.msk [tilespmem:v31+s25+$0x0], $0xffff  }
0x19c: {  	v61 =	vld.idx.msk [tilespmem:v37+s23+$0x0], $0xffff;
	v48 =	vadd.f32 v55, v48  }
0x19d: {  	v55 =	vld.idx.msk [tilespmem:v37+s25+$0x0], $0xffff;
	[tilespmem:s8+$0xA970] =	vst v56  }
0x19e: {  	[tilespmem:s8+$0xE530] =	vst v48;
	v48 =	vld.idx.msk [tilespmem:v43+s25+$0x0], $0xffff;
	v62 =	vadd.f32 v57, v58  }
0x19f: {  	v57 =	vld.idx.msk [tilespmem:v43+s23+$0x0], $0xffff  }
0x1a0: {  	v58 =	vld.idx.msk [tilespmem:v22+s23+$0x0], $0xffff;
	v56 =	vadd.f32 v59, v60;
	[tilespmem:s8+$0xBD40] =	vst v62  }
0x1a1: {  	v59 =	vld.idx.msk [tilespmem:v26+s23+$0x0], $0xffff  }
0x1a2: {  	v55 =	vadd.f32 v55, v61;
	v60 =	vld.idx.msk [tilespmem:v26+s25+$0x0], $0xffff;
	[tilespmem:s8+$0xBD50] =	vst v56  }
0x1a3: {  	v56 =	vld.idx.msk [tilespmem:v32+s23+$0x0], $0xffff  }
0x1a4: {  	v61 =	vld.idx.msk [tilespmem:v32+s25+$0x0], $0xffff;
	[tilespmem:s8+$0xBD60] =	vst v55;
	v48 =	vadd.f32 v48, v57  }
0x1a5: {  	v55 =	vld.idx.msk [tilespmem:v38+s23+$0x0], $0xffff  }
0x1a6: {  	v57 =	vld.idx.msk [tilespmem:v38+s25+$0x0], $0xffff;
	[tilespmem:s8+$0xBD70] =	vst v48  }
0x1a7: {  	v48 =	vadd.f32 v60, v59;
	v59 =	vld.idx.msk [tilespmem:v44+s23+$0x0], $0xffff  }
0x1a8: {  	v60 =	vld.idx.msk [tilespmem:v44+s25+$0x0], $0xffff  }
0x1a9: {  	v56 =	vadd.f32 v61, v56;
	[tilespmem:s8+$0xD140] =	vst v48;
	v48 =	vld.idx.msk [tilespmem:v22+s25+$0x0], $0xffff  }
0x1aa: {  	v61 =	vld.idx.msk [tilespmem:v27+s23+$0x0], $0xffff  }
0x1ab: {  	v55 =	vadd.f32 v57, v55;
	[tilespmem:s8+$0xD150] =	vst v56;
	v56 =	vld.idx.msk [tilespmem:v27+s25+$0x0], $0xffff  }
0x1ac: {  	v57 =	vld.idx.msk [tilespmem:v33+s23+$0x0], $0xffff  }
0x1ad: {  	[tilespmem:s8+$0xD160] =	vst v55;
	v55 =	vld.idx.msk [tilespmem:v33+s25+$0x0], $0xffff;
	v59 =	vadd.f32 v60, v59  }
0x1ae: {  	v60 =	vld.idx.msk [tilespmem:v39+s23+$0x0], $0xffff  }
0x1af: {  	v48 =	vadd.f32 v48, v58;
	v58 =	vld.idx.msk [tilespmem:v39+s25+$0x0], $0xffff;
	[tilespmem:s8+$0xD170] =	vst v59  }
0x1b0: {  	v56 =	vadd.f32 v56, v61;
	v59 =	vld.idx.msk [tilespmem:v45+s23+$0x0], $0xffff  }
0x1b1: {  	[tilespmem:s8+$0xF930] =	vst v48;
	v48 =	vld.idx.msk [tilespmem:v45+s25+$0x0], $0xffff  }
0x1b2: {  	v55 =	vadd.f32 v55, v57;
	v61 =	vld.idx.msk [tilespmem:v23+s23+$0x0], $0xffff;
	[tilespmem:s8+$0xE540] =	vst v56  }
0x1b3: {  	v56 =	vld.idx.msk [tilespmem:v28+s23+$0x0], $0xffff  }
0x1b4: {  	v57 =	vld.idx.msk [tilespmem:v28+s25+$0x0], $0xffff;
	[tilespmem:s8+$0xE550] =	vst v55;
	v55 =	vadd.f32 v58, v60  }
0x1b5: {  	v58 =	vld.idx.msk [tilespmem:v34+s23+$0x0], $0xffff  }
0x1b6: {  	v60 =	vld.idx.msk [tilespmem:v34+s25+$0x0], $0xffff;
	[tilespmem:s8+$0xE560] =	vst v55;
	v48 =	vadd.f32 v48, v59  }
0x1b7: {  	v55 =	vld.idx.msk [tilespmem:v40+s23+$0x0], $0xffff  }
0x1b8: {  	v59 =	vld.idx.msk [tilespmem:v40+s25+$0x0], $0xffff;
	[tilespmem:s8+$0xE570] =	vst v48  }
0x1b9: {  	v63 =	vadd.f32 v57, v56;
	v56 =	vld.idx.msk [tilespmem:v46+s23+$0x0], $0xffff  }
0x1ba: {  	v57 =	vld.idx.msk [tilespmem:v46+s25+$0x0], $0xffff  }
0x1bb: {  	v48 =	vld.idx.msk [tilespmem:v23+s25+$0x0], $0xffff;
	v58 =	vadd.f32 v60, v58;
	[tilespmem:s8+$0xF940] =	vst v63  }
0x1bc: {  	v60 =	vld.idx.msk [tilespmem:v29+s23+$0x0], $0xffff  }
0x1bd: {  	[tilespmem:s8+$0xF950] =	vst v58;
	v58 =	vld.idx.msk [tilespmem:v29+s25+$0x0], $0xffff;
	v55 =	vadd.f32 v59, v55  }
0x1be: {  	v59 =	vld.idx.msk [tilespmem:v35+s23+$0x0], $0xffff  }
0x1bf: {  	[tilespmem:s8+$0xF960] =	vst v55;
	v55 =	vld.idx.msk [tilespmem:v35+s25+$0x0], $0xffff;
	v56 =	vadd.f32 v57, v56  }
0x1c0: {  	v57 =	vld.idx.msk [tilespmem:v41+s23+$0x0], $0xffff  }
0x1c1: {  	v51 =	vadd.f32 v54, v51;
	v54 =	vld.idx.msk [tilespmem:v41+s25+$0x0], $0xffff;
	[tilespmem:s8+$0xF970] =	vst v56  }
0x1c2: {  	v50 =	vadd.f32 v52, v50;
	v62 =	vld.idx.msk [tilespmem:v47+s23+$0x0], $0xffff  }
0x1c3: {  	[tilespmem:s8+$0x10D00] =	vst v51;
	v49 =	vadd.f32 v53, v49;
	v63 =	vld.idx.msk [tilespmem:v47+s25+$0x0], $0xffff  }
0x1c4: {  	[tilespmem:s8+$0x10D10] =	vst v50;
	v48 =	vadd.f32 v48, v61  }
0x1c5: {  	[tilespmem:s8+$0x10D20] =	vst v49;
	v53 =	vadd.f32 v58, v60  }
0x1c6: {  	[tilespmem:s8+$0x10D30] =	vst v48;
	v56 =	vadd.f32 v55, v59  }
0x1c7: {  	[tilespmem:s8+$0x10D40] =	vst v53;
	v57 =	vadd.f32 v54, v57  }
0x1c8: {  	[tilespmem:s8+$0x10D50] =	vst v56;
	v58 =	vadd.f32 v63, v62  }
0x1c9: {  	[tilespmem:s8+$0x10D60] =	vst v57  }
0x1ca: {  	s10 =	sadd.s32 @!p0 $0x500, s8;
	s11 =	simm.s32 @!p0 $0x3800;
	[tilespmem:s8+$0x10D70] =	vst v58  }
0x1cb: {  	[tilespmem:s11], [sflag:$0x3] =	stream.indirect.gather @!p0 [hbm4b:s2+s9], $0x10, s10, s9, $0xb8;
	[tilespmem:$0x12000] =	vst v63  }
0x1cc: {  	s10 =	sadd.s32 @!p0 $0x1900, s8;
	s11 =	simm.s32 @!p0 $0x7800  }
0x1cd: {  	[tilespmem:s11], [sflag:$0xB] =	stream.indirect.gather @!p0 [hbm4b:s4+s9], $0x10, s10, s9, $0xb8;
	[tilespmem:$0x12000] =	vst v63  }
0x1ce: {  	s11 =	simm.s32 $0x4  }
0x1cf: {  	_ =	swait.ge [sflag:s11], $0x800  }
0x1d0: {  	[sflag:s11] =	ssyncset.done $0x0  }
0x1d1: {  	[sflag:s11] =	ssyncadd.s32 $0xFFFFF800;
	s11 =	simm.s32 $0xC  }
0x1d2: {  	_ =	swait.ge [sflag:s11], $0x800  }
0x1d3: {  	[sflag:s11] =	ssyncset.done $0x0  }
0x1d4: {  	[sflag:s11] =	ssyncadd.s32 $0xFFFFF800  }
0x1d5: {  	v59 =	vld.idx.msk [tilespmem:v0+s28+$0x0], $0xffff  }
0x1d6: {  	v60 =	vld.idx.msk [tilespmem:v0+s30+$0x0], $0xffff  }
0x1d7: {  	v61 =	vld.idx.msk [tilespmem:v6+s28+$0x0], $0xffff  }
0x1d8: {  	v62 =	vld.idx.msk [tilespmem:v6+s30+$0x0], $0xffff;
	_ =	sdelay $0x1  }
0x1d9: {  	v63 =	vld.idx.msk [tilespmem:v12+s28+$0x0], $0xffff  }
0x1da: {  	v56 =	vld.idx.msk [tilespmem:v12+s30+$0x0], $0xffff;
	v48 =	vadd.f32 v60, v59;
	_ =	sdelay $0x1  }
0x1db: {  	v57 =	vadd.f32 v62, v61;
	[tilespmem:s8+$0xA980] =	vst v48  }
0x1dc: {  	v58 =	vld.idx.msk [tilespmem:v1+s28+$0x0], $0xffff  }
0x1dd: {  	[tilespmem:s8+$0xA990] =	vst v57;
	v59 =	vld.idx.msk [tilespmem:v1+s30+$0x0], $0xffff  }
0x1de: {  	v60 =	vadd.f32 v56, v63;
	v61 =	vld.idx.msk [tilespmem:v7+s28+$0x0], $0xffff  }
0x1df: {  	v62 =	vld.idx.msk [tilespmem:v7+s30+$0x0], $0xffff  }
0x1e0: {  	[tilespmem:s8+$0xA9A0] =	vst v60  }
0x1e1: {  	v48 =	vld.idx.msk [tilespmem:v13+s28+$0x0], $0xffff  }
0x1e2: {  	v63 =	vld.idx.msk [tilespmem:v13+s30+$0x0], $0xffff;
	v49 =	vadd.f32 v59, v58;
	_ =	sdelay $0x1  }
0x1e3: {  	v56 =	vadd.f32 v62, v61;
	[tilespmem:s8+$0xBD80] =	vst v49  }
0x1e4: {  	v57 =	vld.idx.msk [tilespmem:v2+s28+$0x0], $0xffff  }
0x1e5: {  	[tilespmem:s8+$0xBD90] =	vst v56;
	v58 =	vld.idx.msk [tilespmem:v2+s30+$0x0], $0xffff  }
0x1e6: {  	v48 =	vadd.f32 v63, v48;
	v49 =	vld.idx.msk [tilespmem:v8+s28+$0x0], $0xffff  }
0x1e7: {  	v59 =	vld.idx.msk [tilespmem:v8+s30+$0x0], $0xffff  }
0x1e8: {  	[tilespmem:s8+$0xBDA0] =	vst v48  }
0x1e9: {  	v48 =	vld.idx.msk [tilespmem:v14+s28+$0x0], $0xffff  }
0x1ea: {  	v60 =	vld.idx.msk [tilespmem:v14+s30+$0x0], $0xffff;
	v50 =	vadd.f32 v58, v57  }
0x1eb: {  	v61 =	vld.idx.msk [tilespmem:v18+s28+$0x0], $0xffff  }
0x1ec: {  	v62 =	vld.idx.msk [tilespmem:v18+s30+$0x0], $0xffff;
	v49 =	vadd.f32 v59, v49;
	[tilespmem:s8+$0xD180] =	vst v50  }
0x1ed: {  	v50 =	vld.idx.msk [tilespmem:v3+s28+$0x0], $0xffff  }
0x1ee: {  	[tilespmem:s8+$0xD190] =	vst v49;
	v63 =	vld.idx.msk [tilespmem:v3+s30+$0x0], $0xffff  }
0x1ef: {  	v48 =	vadd.f32 v60, v48;
	v49 =	vld.idx.msk [tilespmem:v9+s28+$0x0], $0xffff  }
0x1f0: {  	v57 =	vld.idx.msk [tilespmem:v9+s30+$0x0], $0xffff  }
0x1f1: {  	v58 =	vadd.f32 v62, v61;
	[tilespmem:s8+$0xD1A0] =	vst v48  }
0x1f2: {  	v59 =	vld.idx.msk [tilespmem:v15+s28+$0x0], $0xffff  }
0x1f3: {  	[tilespmem:s8+$0xA9B0] =	vst v58;
	v60 =	vld.idx.msk [tilespmem:v15+s30+$0x0], $0xffff;
	v61 =	vadd.f32 v63, v50  }
0x1f4: {  	v62 =	vld.idx.msk [tilespmem:v19+s28+$0x0], $0xffff  }
0x1f5: {  	v63 =	vld.idx.msk [tilespmem:v19+s30+$0x0], $0xffff;
	v56 =	vadd.f32 v57, v49;
	[tilespmem:s8+$0xE580] =	vst v61  }
0x1f6: {  	v49 =	vld.idx.msk [tilespmem:v4+s28+$0x0], $0xffff  }
0x1f7: {  	[tilespmem:s8+$0xE590] =	vst v56;
	v57 =	vld.idx.msk [tilespmem:v4+s30+$0x0], $0xffff  }
0x1f8: {  	v58 =	vadd.f32 v60, v59;
	v59 =	vld.idx.msk [tilespmem:v10+s28+$0x0], $0xffff  }
0x1f9: {  	v60 =	vld.idx.msk [tilespmem:v10+s30+$0x0], $0xffff  }
0x1fa: {  	v55 =	vld.idx.msk [tilespmem:v24+s28+$0x0], $0xffff;
	[tilespmem:s8+$0xE5A0] =	vst v58;
	v61 =	vadd.f32 v63, v62  }
0x1fb: {  	v62 =	vld.idx.msk [tilespmem:v16+s28+$0x0], $0xffff  }
0x1fc: {  	v63 =	vld.idx.msk [tilespmem:v16+s30+$0x0], $0xffff;
	[tilespmem:s8+$0xBDB0] =	vst v61  }
0x1fd: {  	v56 =	vadd.f32 v57, v49;
	v57 =	vld.idx.msk [tilespmem:v20+s28+$0x0], $0xffff  }
0x1fe: {  	v58 =	vld.idx.msk [tilespmem:v20+s30+$0x0], $0xffff;
	v59 =	vadd.f32 v60, v59  }
0x1ff: {  	[tilespmem:s8+$0xF980] =	vst v56;
	v56 =	vld.idx.msk [tilespmem:v24+s30+$0x0], $0xffff  }
0x200: {  	[tilespmem:s8+$0xF990] =	vst v59;
	v59 =	vld.idx.msk [tilespmem:v36+s28+$0x0], $0xffff  }
0x201: {  	v51 =	vld.idx.msk [tilespmem:v5+s28+$0x0], $0xffff  }
0x202: {  	v54 =	vld.idx.msk [tilespmem:v5+s30+$0x0], $0xffff  }
0x203: {  	v60 =	vadd.f32 v63, v62;
	v50 =	vld.idx.msk [tilespmem:v11+s28+$0x0], $0xffff  }
0x204: {  	v52 =	vld.idx.msk [tilespmem:v11+s30+$0x0], $0xffff  }
0x205: {  	[tilespmem:s8+$0xF9A0] =	vst v60;
	v60 =	vld.idx.msk [tilespmem:v36+s30+$0x0], $0xffff  }
0x206: {  	v49 =	vld.idx.msk [tilespmem:v17+s28+$0x0], $0xffff  }
0x207: {  	v61 =	vadd.f32 v58, v57;
	v57 =	vld.idx.msk [tilespmem:v30+s28+$0x0], $0xffff  }
0x208: {  	v58 =	vld.idx.msk [tilespmem:v30+s30+$0x0], $0xffff  }
0x209: {  	v53 =	vld.idx.msk [tilespmem:v17+s30+$0x0], $0xffff  }
0x20a: {  	v55 =	vadd.f32 v56, v55;
	v56 =	vld.idx.msk [tilespmem:v42+s28+$0x0], $0xffff  }
0x20b: {  	[tilespmem:s8+$0xD1B0] =	vst v61;
	v61 =	vld.idx.msk [tilespmem:v42+s30+$0x0], $0xffff  }
0x20c: {  	v48 =	vld.idx.msk [tilespmem:v21+s28+$0x0], $0xffff  }
0x20d: {  	[tilespmem:s8+$0xA9C0] =	vst v55;
	v55 =	vld.idx.msk [tilespmem:v21+s30+$0x0], $0xffff;
	v57 =	vadd.f32 v58, v57  }
0x20e: {  	v58 =	vld.idx.msk [tilespmem:v25+s28+$0x0], $0xffff  }
0x20f: {  	v59 =	vadd.f32 v60, v59;
	[tilespmem:s8+$0xA9D0] =	vst v57;
	v57 =	vld.idx.msk [tilespmem:v25+s30+$0x0], $0xffff  }
0x210: {  	v60 =	vld.idx.msk [tilespmem:v31+s28+$0x0], $0xffff  }
0x211: {  	[tilespmem:s8+$0xA9E0] =	vst v59;
	v56 =	vadd.f32 v61, v56;
	v59 =	vld.idx.msk [tilespmem:v31+s30+$0x0], $0xffff  }
0x212: {  	v61 =	vld.idx.msk [tilespmem:v37+s28+$0x0], $0xffff;
	v48 =	vadd.f32 v55, v48  }
0x213: {  	v55 =	vld.idx.msk [tilespmem:v37+s30+$0x0], $0xffff;
	[tilespmem:s8+$0xA9F0] =	vst v56  }
0x214: {  	[tilespmem:s8+$0xE5B0] =	vst v48;
	v48 =	vld.idx.msk [tilespmem:v43+s30+$0x0], $0xffff;
	v62 =	vadd.f32 v57, v58  }
0x215: {  	v57 =	vld.idx.msk [tilespmem:v43+s28+$0x0], $0xffff  }
0x216: {  	v58 =	vld.idx.msk [tilespmem:v22+s28+$0x0], $0xffff;
	v56 =	vadd.f32 v59, v60;
	[tilespmem:s8+$0xBDC0] =	vst v62  }
0x217: {  	v59 =	vld.idx.msk [tilespmem:v26+s28+$0x0], $0xffff  }
0x218: {  	v55 =	vadd.f32 v55, v61;
	v60 =	vld.idx.msk [tilespmem:v26+s30+$0x0], $0xffff;
	[tilespmem:s8+$0xBDD0] =	vst v56  }
0x219: {  	v56 =	vld.idx.msk [tilespmem:v32+s28+$0x0], $0xffff  }
0x21a: {  	v61 =	vld.idx.msk [tilespmem:v32+s30+$0x0], $0xffff;
	[tilespmem:s8+$0xBDE0] =	vst v55;
	v48 =	vadd.f32 v48, v57  }
0x21b: {  	v55 =	vld.idx.msk [tilespmem:v38+s28+$0x0], $0xffff  }
0x21c: {  	v57 =	vld.idx.msk [tilespmem:v38+s30+$0x0], $0xffff;
	[tilespmem:s8+$0xBDF0] =	vst v48  }
0x21d: {  	v48 =	vadd.f32 v60, v59;
	v59 =	vld.idx.msk [tilespmem:v44+s28+$0x0], $0xffff  }
0x21e: {  	v60 =	vld.idx.msk [tilespmem:v44+s30+$0x0], $0xffff  }
0x21f: {  	v56 =	vadd.f32 v61, v56;
	[tilespmem:s8+$0xD1C0] =	vst v48;
	v48 =	vld.idx.msk [tilespmem:v22+s30+$0x0], $0xffff  }
0x220: {  	v61 =	vld.idx.msk [tilespmem:v27+s28+$0x0], $0xffff  }
0x221: {  	v55 =	vadd.f32 v57, v55;
	[tilespmem:s8+$0xD1D0] =	vst v56;
	v56 =	vld.idx.msk [tilespmem:v27+s30+$0x0], $0xffff  }
0x222: {  	v57 =	vld.idx.msk [tilespmem:v33+s28+$0x0], $0xffff  }
0x223: {  	[tilespmem:s8+$0xD1E0] =	vst v55;
	v55 =	vld.idx.msk [tilespmem:v33+s30+$0x0], $0xffff;
	v59 =	vadd.f32 v60, v59  }
0x224: {  	v60 =	vld.idx.msk [tilespmem:v39+s28+$0x0], $0xffff  }
0x225: {  	v48 =	vadd.f32 v48, v58;
	v58 =	vld.idx.msk [tilespmem:v39+s30+$0x0], $0xffff;
	[tilespmem:s8+$0xD1F0] =	vst v59  }
0x226: {  	v56 =	vadd.f32 v56, v61;
	v59 =	vld.idx.msk [tilespmem:v45+s28+$0x0], $0xffff  }
0x227: {  	[tilespmem:s8+$0xF9B0] =	vst v48;
	v48 =	vld.idx.msk [tilespmem:v45+s30+$0x0], $0xffff  }
0x228: {  	v55 =	vadd.f32 v55, v57;
	v61 =	vld.idx.msk [tilespmem:v23+s28+$0x0], $0xffff;
	[tilespmem:s8+$0xE5C0] =	vst v56  }
0x229: {  	v56 =	vld.idx.msk [tilespmem:v28+s28+$0x0], $0xffff  }
0x22a: {  	v57 =	vld.idx.msk [tilespmem:v28+s30+$0x0], $0xffff;
	[tilespmem:s8+$0xE5D0] =	vst v55;
	v55 =	vadd.f32 v58, v60  }
0x22b: {  	v58 =	vld.idx.msk [tilespmem:v34+s28+$0x0], $0xffff  }
0x22c: {  	v60 =	vld.idx.msk [tilespmem:v34+s30+$0x0], $0xffff;
	[tilespmem:s8+$0xE5E0] =	vst v55;
	v48 =	vadd.f32 v48, v59  }
0x22d: {  	v55 =	vld.idx.msk [tilespmem:v40+s28+$0x0], $0xffff  }
0x22e: {  	v59 =	vld.idx.msk [tilespmem:v40+s30+$0x0], $0xffff;
	[tilespmem:s8+$0xE5F0] =	vst v48  }
0x22f: {  	v63 =	vadd.f32 v57, v56;
	v56 =	vld.idx.msk [tilespmem:v46+s28+$0x0], $0xffff  }
0x230: {  	v57 =	vld.idx.msk [tilespmem:v46+s30+$0x0], $0xffff  }
0x231: {  	v48 =	vld.idx.msk [tilespmem:v23+s30+$0x0], $0xffff;
	v58 =	vadd.f32 v60, v58;
	[tilespmem:s8+$0xF9C0] =	vst v63  }
0x232: {  	v60 =	vld.idx.msk [tilespmem:v29+s28+$0x0], $0xffff  }
0x233: {  	[tilespmem:s8+$0xF9D0] =	vst v58;
	v58 =	vld.idx.msk [tilespmem:v29+s30+$0x0], $0xffff;
	v55 =	vadd.f32 v59, v55  }
0x234: {  	v59 =	vld.idx.msk [tilespmem:v35+s28+$0x0], $0xffff  }
0x235: {  	v62 =	vld.idx.msk [tilespmem:v35+s30+$0x0], $0xffff;
	[tilespmem:s8+$0xF9E0] =	vst v55;
	v56 =	vadd.f32 v57, v56  }
0x236: {  	v57 =	vld.idx.msk [tilespmem:v41+s28+$0x0], $0xffff  }
0x237: {  	v51 =	vadd.f32 v54, v51;
	v63 =	vld.idx.msk [tilespmem:v41+s30+$0x0], $0xffff;
	[tilespmem:s8+$0xF9F0] =	vst v56  }
0x238: {  	v50 =	vadd.f32 v52, v50;
	v52 =	vld.idx.msk [tilespmem:v47+s28+$0x0], $0xffff  }
0x239: {  	[tilespmem:s8+$0x10D80] =	vst v51;
	v49 =	vadd.f32 v53, v49;
	v56 =	vld.idx.msk [tilespmem:v47+s30+$0x0], $0xffff  }
0x23a: {  	[tilespmem:s8+$0x10D90] =	vst v50;
	v48 =	vadd.f32 v48, v61  }
0x23b: {  	[tilespmem:s8+$0x10DA0] =	vst v49;
	v61 =	vadd.f32 v58, v60  }
0x23c: {  	[tilespmem:s8+$0x10DB0] =	vst v48;
	v62 =	vadd.f32 v62, v59  }
0x23d: {  	[tilespmem:s8+$0x10DC0] =	vst v61;
	v63 =	vadd.f32 v63, v57  }
0x23e: {  	[tilespmem:s8+$0x10DD0] =	vst v62;
	v53 =	vadd.f32 v56, v52  }
0x23f: {  	[tilespmem:s8+$0x10DE0] =	vst v63  }
0x240: {  	s10 =	sadd.s32 @!p0 $0x580, s8;
	s11 =	simm.s32 @!p0 $0x4000;
	[tilespmem:s8+$0x10DF0] =	vst v53  }
0x241: {  	[tilespmem:s11], [sflag:$0x4] =	stream.indirect.gather @!p0 [hbm4b:s2+s9], $0x10, s10, s9, $0xb8;
	[tilespmem:$0x12000] =	vst v63  }
0x242: {  	s10 =	sadd.s32 @!p0 $0x1980, s8;
	s11 =	simm.s32 @!p0 $0x8000  }
0x243: {  	[tilespmem:s11], [sflag:$0xC] =	stream.indirect.gather @!p0 [hbm4b:s4+s9], $0x10, s10, s9, $0xb8;
	[tilespmem:$0x12000] =	vst v63  }
0x244: {  	_ =	swait.ge [sflag:s12], $0x800  }
0x245: {  	[sflag:s12] =	ssyncset.done $0x0  }
0x246: {  	[sflag:s12] =	ssyncadd.s32 $0xFFFFF800  }
0x247: {  	_ =	swait.ge [sflag:s13], $0x800  }
0x248: {  	[sflag:s13] =	ssyncset.done $0x0  }
0x249: {  	[sflag:s13] =	ssyncadd.s32 $0xFFFFF800  }
0x24a: {  	v54 =	vld.idx.msk [tilespmem:v0+s1+$0x0], $0xffff  }
0x24b: {  	v55 =	vld.idx.msk [tilespmem:v0+s20+$0x0], $0xffff;
	_ =	sdelay $0x4  }
0x24c: {  	v48 =	vadd.f32 v55, v54;
	_ =	sdelay $0x1  }
0x24d: {  	v58 =	vld.idx.msk [tilespmem:v6+s1+$0x0], $0xffff;
	[tilespmem:s8+$0xAA00] =	vst v48  }
0x24e: {  	v48 =	vld.idx.msk [tilespmem:v1+s1+$0x0], $0xffff  }
0x24f: {  	v56 =	vld.idx.msk [tilespmem:v1+s20+$0x0], $0xffff  }
0x250: {  	v59 =	vld.idx.msk [tilespmem:v6+s20+$0x0], $0xffff  }
0x251: {  	v60 =	vld.idx.msk [tilespmem:v12+s1+$0x0], $0xffff  }
0x252: {  	v62 =	vld.idx.msk [tilespmem:v18+s1+$0x0], $0xffff  }
0x253: {  	v63 =	vld.idx.msk [tilespmem:v18+s20+$0x0], $0xffff  }
0x254: {  	v61 =	vld.idx.msk [tilespmem:v12+s20+$0x0], $0xffff;
	v48 =	vadd.f32 v56, v48  }
0x255: {  	v50 =	vld.idx.msk [tilespmem:v24+s1+$0x0], $0xffff  }
0x256: {  	v49 =	vadd.f32 v59, v58;
	v55 =	vld.idx.msk [tilespmem:v24+s20+$0x0], $0xffff;
	[tilespmem:s8+$0xBE00] =	vst v48  }
0x257: {  	v48 =	vld.idx.msk [tilespmem:v2+s1+$0x0], $0xffff  }
0x258: {  	v62 =	vadd.f32 v63, v62;
	[tilespmem:s8+$0xAA10] =	vst v49;
	v57 =	vld.idx.msk [tilespmem:v2+s20+$0x0], $0xffff  }
0x259: {  	v51 =	vld.idx.msk [tilespmem:v7+s1+$0x0], $0xffff  }
0x25a: {  	v60 =	vadd.f32 v61, v60;
	[tilespmem:s8+$0xAA30] =	vst v62;
	v61 =	vld.idx.msk [tilespmem:v7+s20+$0x0], $0xffff  }
0x25b: {  	v59 =	vld.idx.msk [tilespmem:v19+s1+$0x0], $0xffff  }
0x25c: {  	[tilespmem:s8+$0xAA20] =	vst v60;
	v60 =	vld.idx.msk [tilespmem:v19+s20+$0x0], $0xffff;
	v58 =	vadd.f32 v55, v50  }
0x25d: {  	v63 =	vld.idx.msk [tilespmem:v13+s1+$0x0], $0xffff;
	v48 =	vadd.f32 v57, v48  }
0x25e: {  	[tilespmem:s8+$0xAA40] =	vst v58;
	v57 =	vld.idx.msk [tilespmem:v13+s20+$0x0], $0xffff  }
0x25f: {  	v61 =	vadd.f32 v61, v51;
	v51 =	vld.idx.msk [tilespmem:v25+s1+$0x0], $0xffff;
	[tilespmem:s8+$0xD200] =	vst v48  }
0x260: {  	v48 =	vld.idx.msk [tilespmem:v3+s1+$0x0], $0xffff  }
0x261: {  	v59 =	vadd.f32 v60, v59;
	v56 =	vld.idx.msk [tilespmem:v3+s20+$0x0], $0xffff  }
0x262: {  	v62 =	vld.idx.msk [tilespmem:v25+s20+$0x0], $0xffff;
	[tilespmem:s8+$0xBE10] =	vst v61  }
0x263: {  	[tilespmem:s8+$0xBE30] =	vst v59;
	v58 =	vld.idx.msk [tilespmem:v8+s20+$0x0], $0xffff;
	v63 =	vadd.f32 v57, v63  }
0x264: {  	v49 =	vld.idx.msk [tilespmem:v20+s1+$0x0], $0xffff  }
0x265: {  	v57 =	vld.idx.msk [tilespmem:v8+s1+$0x0], $0xffff;
	[tilespmem:s8+$0xBE20] =	vst v63  }
0x266: {  	v48 =	vadd.f32 v56, v48;
	v60 =	vld.idx.msk [tilespmem:v14+s1+$0x0], $0xffff  }
0x267: {  	v61 =	vld.idx.msk [tilespmem:v14+s20+$0x0], $0xffff  }
0x268: {  	[tilespmem:s8+$0xE600] =	vst v48;
	v48 =	vadd.f32 v62, v51;
	v62 =	vld.idx.msk [tilespmem:v20+s20+$0x0], $0xffff  }
0x269: {  	v52 =	vld.idx.msk [tilespmem:v4+s1+$0x0], $0xffff  }
0x26a: {  	v63 =	vadd.f32 v58, v57;
	v56 =	vld.idx.msk [tilespmem:v4+s20+$0x0], $0xffff;
	[tilespmem:s8+$0xBE40] =	vst v48  }
0x26b: {  	v53 =	vld.idx.msk [tilespmem:v26+s1+$0x0], $0xffff  }
0x26c: {  	[tilespmem:s8+$0xD210] =	vst v63;
	v54 =	vld.idx.msk [tilespmem:v26+s20+$0x0], $0xffff;
	v58 =	vadd.f32 v61, v60  }
0x26d: {  	v59 =	vld.idx.msk [tilespmem:v9+s1+$0x0], $0xffff  }
0x26e: {  	v60 =	vld.idx.msk [tilespmem:v9+s20+$0x0], $0xffff;
	[tilespmem:s8+$0xD220] =	vst v58;
	v61 =	vadd.f32 v62, v49  }
0x26f: {  	v62 =	vld.idx.msk [tilespmem:v15+s1+$0x0], $0xffff  }
0x270: {  	v63 =	vld.idx.msk [tilespmem:v15+s20+$0x0], $0xffff;
	v52 =	vadd.f32 v56, v52;
	[tilespmem:s8+$0xD230] =	vst v61  }
0x271: {  	v57 =	vadd.f32 v54, v53;
	v53 =	vld.idx.msk [tilespmem:v21+s1+$0x0], $0xffff  }
0x272: {  	v58 =	vld.idx.msk [tilespmem:v21+s20+$0x0], $0xffff;
	[tilespmem:s8+$0xFA00] =	vst v52  }
0x273: {  	v59 =	vadd.f32 v60, v59;
	v55 =	vld.idx.msk [tilespmem:v5+s1+$0x0], $0xffff;
	[tilespmem:s8+$0xD240] =	vst v57  }
0x274: {  	v60 =	vld.idx.msk [tilespmem:v27+s1+$0x0], $0xffff  }
0x275: {  	[tilespmem:s8+$0xE610] =	vst v59;
	v61 =	vld.idx.msk [tilespmem:v27+s20+$0x0], $0xffff;
	v62 =	vadd.f32 v63, v62  }
0x276: {  	v63 =	vld.idx.msk [tilespmem:v10+s1+$0x0], $0xffff  }
0x277: {  	v57 =	vld.idx.msk [tilespmem:v10+s20+$0x0], $0xffff;
	[tilespmem:s8+$0xE620] =	vst v62;
	v58 =	vadd.f32 v58, v53  }
0x278: {  	v53 =	vld.idx.msk [tilespmem:v16+s1+$0x0], $0xffff  }
0x279: {  	v54 =	vld.idx.msk [tilespmem:v16+s20+$0x0], $0xffff;
	[tilespmem:s8+$0xE630] =	vst v58  }
0x27a: {  	v59 =	vadd.f32 v61, v60;
	v50 =	vld.idx.msk [tilespmem:v22+s1+$0x0], $0xffff  }
0x27b: {  	v52 =	vld.idx.msk [tilespmem:v22+s20+$0x0], $0xffff  }
0x27c: {  	v60 =	vadd.f32 v57, v63;
	v63 =	vld.idx.msk [tilespmem:v5+s20+$0x0], $0xffff;
	[tilespmem:s8+$0xE640] =	vst v59  }
0x27d: {  	v61 =	vld.idx.msk [tilespmem:v28+s1+$0x0], $0xffff  }
0x27e: {  	[tilespmem:s8+$0xFA10] =	vst v60;
	v62 =	vld.idx.msk [tilespmem:v28+s20+$0x0], $0xffff;
	v57 =	vadd.f32 v54, v53  }
0x27f: {  	v53 =	vld.idx.msk [tilespmem:v11+s1+$0x0], $0xffff  }
0x280: {  	v54 =	vld.idx.msk [tilespmem:v11+s20+$0x0], $0xffff;
	[tilespmem:s8+$0xFA20] =	vst v57;
	v58 =	vadd.f32 v52, v50  }
0x281: {  	v50 =	vld.idx.msk [tilespmem:v17+s1+$0x0], $0xffff  }
0x282: {  	v52 =	vld.idx.msk [tilespmem:v17+s20+$0x0], $0xffff;
	[tilespmem:s8+$0xFA30] =	vst v58  }
0x283: {  	v49 =	vld.idx.msk [tilespmem:v23+s1+$0x0], $0xffff  }
0x284: {  	v59 =	vadd.f32 v62, v61;
	v60 =	vld.idx.msk [tilespmem:v23+s20+$0x0], $0xffff  }
0x285: {  	v61 =	vld.idx.msk [tilespmem:v30+s1+$0x0], $0xffff  }
0x286: {  	v62 =	vld.idx.msk [tilespmem:v30+s20+$0x0], $0xffff;
	[tilespmem:s8+$0xFA40] =	vst v59  }
0x287: {  	v48 =	vld.idx.msk [tilespmem:v29+s1+$0x0], $0xffff  }
0x288: {  	v55 =	vadd.f32 v63, v55;
	v63 =	vld.idx.msk [tilespmem:v29+s20+$0x0], $0xffff  }
0x289: {  	v53 =	vadd.f32 v54, v53  }
0x28a: {  	[tilespmem:s8+$0x10E00] =	vst v55;
	v50 =	vadd.f32 v52, v50  }
0x28b: {  	[tilespmem:s8+$0x10E10] =	vst v53;
	v49 =	vadd.f32 v60, v49  }
0x28c: {  	[tilespmem:s8+$0x10E20] =	vst v50;
	v55 =	vadd.f32 v62, v61  }
0x28d: {  	[tilespmem:s8+$0x10E30] =	vst v49;
	v48 =	vadd.f32 v63, v48  }
0x28e: {  	[tilespmem:s8+$0xAA50] =	vst v55  }
0x28f: {  	[tilespmem:s8+$0x10E40] =	vst v48;
	v48 =	vld.idx.msk [tilespmem:v31+s1+$0x0], $0xffff  }
0x290: {  	v49 =	vld.idx.msk [tilespmem:v31+s20+$0x0], $0xffff  }
0x291: {  	v57 =	vld.idx.msk [tilespmem:v36+s1+$0x0], $0xffff  }
0x292: {  	v58 =	vld.idx.msk [tilespmem:v36+s20+$0x0], $0xffff  }
0x293: {  	v59 =	vld.idx.msk [tilespmem:v42+s1+$0x0], $0xffff  }
0x294: {  	v60 =	vld.idx.msk [tilespmem:v42+s20+$0x0], $0xffff;
	_ =	sdelay $0x2  }
0x295: {  	v50 =	vadd.f32 v58, v57;
	_ =	sdelay $0x1  }
0x296: {  	v61 =	vadd.f32 v60, v59;
	[tilespmem:s8+$0xAA60] =	vst v50  }
0x297: {  	v62 =	vld.idx.msk [tilespmem:v37+s1+$0x0], $0xffff  }
0x298: {  	[tilespmem:s8+$0xAA70] =	vst v61;
	v63 =	vld.idx.msk [tilespmem:v37+s20+$0x0], $0xffff  }
0x299: {  	v50 =	vld.idx.msk [tilespmem:v43+s1+$0x0], $0xffff  }
0x29a: {  	v56 =	vld.idx.msk [tilespmem:v43+s20+$0x0], $0xffff  }
0x29b: {  	v48 =	vadd.f32 v49, v48;
	_ =	sdelay $0x1  }
0x29c: {  	[tilespmem:s8+$0xBE50] =	vst v48;
	v57 =	vadd.f32 v63, v62  }
0x29d: {  	v58 =	vld.idx.msk [tilespmem:v32+s1+$0x0], $0xffff  }
0x29e: {  	v59 =	vld.idx.msk [tilespmem:v32+s20+$0x0], $0xffff;
	v60 =	vadd.f32 v56, v50;
	[tilespmem:s8+$0xBE60] =	vst v57  }
0x29f: {  	v61 =	vld.idx.msk [tilespmem:v38+s1+$0x0], $0xffff  }
0x2a0: {  	[tilespmem:s8+$0xBE70] =	vst v60;
	v62 =	vld.idx.msk [tilespmem:v38+s20+$0x0], $0xffff  }
0x2a1: {  	v48 =	vld.idx.msk [tilespmem:v44+s1+$0x0], $0xffff  }
0x2a2: {  	v63 =	vld.idx.msk [tilespmem:v44+s20+$0x0], $0xffff  }
0x2a3: {  	v49 =	vadd.f32 v59, v58;
	_ =	sdelay $0x1  }
0x2a4: {  	[tilespmem:s8+$0xD250] =	vst v49;
	v56 =	vadd.f32 v62, v61  }
0x2a5: {  	v57 =	vld.idx.msk [tilespmem:v33+s1+$0x0], $0xffff  }
0x2a6: {  	v58 =	vld.idx.msk [tilespmem:v33+s20+$0x0], $0xffff;
	v48 =	vadd.f32 v63, v48;
	[tilespmem:s8+$0xD260] =	vst v56  }
0x2a7: {  	v49 =	vld.idx.msk [tilespmem:v39+s1+$0x0], $0xffff  }
0x2a8: {  	[tilespmem:s8+$0xD270] =	vst v48;
	v59 =	vld.idx.msk [tilespmem:v39+s20+$0x0], $0xffff  }
0x2a9: {  	v48 =	vld.idx.msk [tilespmem:v45+s1+$0x0], $0xffff  }
0x2aa: {  	v60 =	vld.idx.msk [tilespmem:v45+s20+$0x0], $0xffff  }
0x2ab: {  	v50 =	vadd.f32 v58, v57;
	_ =	sdelay $0x1  }
0x2ac: {  	[tilespmem:s8+$0xE650] =	vst v50;
	v49 =	vadd.f32 v59, v49  }
0x2ad: {  	v50 =	vld.idx.msk [tilespmem:v34+s1+$0x0], $0xffff  }
0x2ae: {  	v61 =	vld.idx.msk [tilespmem:v34+s20+$0x0], $0xffff;
	v48 =	vadd.f32 v60, v48;
	[tilespmem:s8+$0xE660] =	vst v49  }
0x2af: {  	v49 =	vld.idx.msk [tilespmem:v40+s1+$0x0], $0xffff  }
0x2b0: {  	[tilespmem:s8+$0xE670] =	vst v48;
	v62 =	vld.idx.msk [tilespmem:v40+s20+$0x0], $0xffff  }
0x2b1: {  	v48 =	vld.idx.msk [tilespmem:v46+s1+$0x0], $0xffff  }
0x2b2: {  	v63 =	vld.idx.msk [tilespmem:v46+s20+$0x0], $0xffff  }
0x2b3: {  	v50 =	vadd.f32 v61, v50;
	_ =	sdelay $0x1  }
0x2b4: {  	[tilespmem:s8+$0xFA50] =	vst v50;
	v49 =	vadd.f32 v62, v49  }
0x2b5: {  	v50 =	vld.idx.msk [tilespmem:v35+s1+$0x0], $0xffff  }
0x2b6: {  	v56 =	vld.idx.msk [tilespmem:v35+s20+$0x0], $0xffff;
	v48 =	vadd.f32 v63, v48;
	[tilespmem:s8+$0xFA60] =	vst v49  }
0x2b7: {  	v49 =	vld.idx.msk [tilespmem:v41+s1+$0x0], $0xffff  }
0x2b8: {  	[tilespmem:s8+$0xFA70] =	vst v48;
	v57 =	vld.idx.msk [tilespmem:v41+s20+$0x0], $0xffff  }
0x2b9: {  	v48 =	vld.idx.msk [tilespmem:v47+s1+$0x0], $0xffff  }
0x2ba: {  	v58 =	vld.idx.msk [tilespmem:v47+s20+$0x0], $0xffff;
	_ =	sdelay $0x2  }
0x2bb: {  	v50 =	vadd.f32 v56, v50  }
0x2bc: {  	v49 =	vadd.f32 v57, v49  }
0x2bd: {  	[tilespmem:s8+$0x10E50] =	vst v50;
	v48 =	vadd.f32 v58, v48  }
0x2be: {  	[tilespmem:s8+$0x10E60] =	vst v49  }
0x2bf: {  	s10 =	sadd.s32 @!p0 $0x600, s8;
	s11 =	simm.s32 @!p0 $0x4800;
	[tilespmem:s8+$0x10E70] =	vst v48  }
0x2c0: {  	[tilespmem:s11], [sflag:$0x5] =	stream.indirect.gather @!p0 [hbm4b:s2+s9], $0x10, s10, s9, $0xb8;
	[tilespmem:$0x12000] =	vst v63  }
0x2c1: {  	s10 =	sadd.s32 @!p0 $0x1A00, s8;
	s11 =	simm.s32 @!p0 $0x8800  }
0x2c2: {  	[tilespmem:s11], [sflag:$0xD] =	stream.indirect.gather @!p0 [hbm4b:s4+s9], $0x10, s10, s9, $0xb8;
	[tilespmem:$0x12000] =	vst v63  }
0x2c3: {  	_ =	swait.ge [sflag:s3], $0x800  }
0x2c4: {  	[sflag:s3] =	ssyncset.done $0x0  }
0x2c5: {  	[sflag:s3] =	ssyncadd.s32 $0xFFFFF800  }
0x2c6: {  	_ =	swait.ge [sflag:s14], $0x800  }
0x2c7: {  	[sflag:s14] =	ssyncset.done $0x0  }
0x2c8: {  	[sflag:s14] =	ssyncadd.s32 $0xFFFFF800  }
0x2c9: {  	v59 =	vld.idx.msk [tilespmem:v0+s24+$0x0], $0xffff  }
0x2ca: {  	v60 =	vld.idx.msk [tilespmem:v0+s29+$0x0], $0xffff  }
0x2cb: {  	v61 =	vld.idx.msk [tilespmem:v6+s24+$0x0], $0xffff  }
0x2cc: {  	v62 =	vld.idx.msk [tilespmem:v6+s29+$0x0], $0xffff;
	_ =	sdelay $0x1  }
0x2cd: {  	v63 =	vld.idx.msk [tilespmem:v12+s24+$0x0], $0xffff  }
0x2ce: {  	v56 =	vld.idx.msk [tilespmem:v12+s29+$0x0], $0xffff;
	v48 =	vadd.f32 v60, v59;
	_ =	sdelay $0x1  }
0x2cf: {  	v57 =	vadd.f32 v62, v61;
	[tilespmem:s8+$0xAA80] =	vst v48  }
0x2d0: {  	v58 =	vld.idx.msk [tilespmem:v1+s24+$0x0], $0xffff  }
0x2d1: {  	[tilespmem:s8+$0xAA90] =	vst v57;
	v59 =	vld.idx.msk [tilespmem:v1+s29+$0x0], $0xffff  }
0x2d2: {  	v60 =	vadd.f32 v56, v63;
	v61 =	vld.idx.msk [tilespmem:v7+s24+$0x0], $0xffff  }
0x2d3: {  	v62 =	vld.idx.msk [tilespmem:v7+s29+$0x0], $0xffff  }
0x2d4: {  	[tilespmem:s8+$0xAAA0] =	vst v60  }
0x2d5: {  	v48 =	vld.idx.msk [tilespmem:v13+s24+$0x0], $0xffff  }
0x2d6: {  	v63 =	vld.idx.msk [tilespmem:v13+s29+$0x0], $0xffff;
	v49 =	vadd.f32 v59, v58;
	_ =	sdelay $0x1  }
0x2d7: {  	v56 =	vadd.f32 v62, v61;
	[tilespmem:s8+$0xBE80] =	vst v49  }
0x2d8: {  	v57 =	vld.idx.msk [tilespmem:v2+s24+$0x0], $0xffff  }
0x2d9: {  	[tilespmem:s8+$0xBE90] =	vst v56;
	v58 =	vld.idx.msk [tilespmem:v2+s29+$0x0], $0xffff  }
0x2da: {  	v48 =	vadd.f32 v63, v48;
	v49 =	vld.idx.msk [tilespmem:v8+s24+$0x0], $0xffff  }
0x2db: {  	v59 =	vld.idx.msk [tilespmem:v8+s29+$0x0], $0xffff  }
0x2dc: {  	[tilespmem:s8+$0xBEA0] =	vst v48  }
0x2dd: {  	v48 =	vld.idx.msk [tilespmem:v14+s24+$0x0], $0xffff  }
0x2de: {  	v60 =	vld.idx.msk [tilespmem:v14+s29+$0x0], $0xffff;
	v50 =	vadd.f32 v58, v57  }
0x2df: {  	v61 =	vld.idx.msk [tilespmem:v18+s24+$0x0], $0xffff  }
0x2e0: {  	v62 =	vld.idx.msk [tilespmem:v18+s29+$0x0], $0xffff;
	v49 =	vadd.f32 v59, v49;
	[tilespmem:s8+$0xD280] =	vst v50  }
0x2e1: {  	v50 =	vld.idx.msk [tilespmem:v3+s24+$0x0], $0xffff  }
0x2e2: {  	[tilespmem:s8+$0xD290] =	vst v49;
	v63 =	vld.idx.msk [tilespmem:v3+s29+$0x0], $0xffff  }
0x2e3: {  	v48 =	vadd.f32 v60, v48;
	v49 =	vld.idx.msk [tilespmem:v9+s24+$0x0], $0xffff  }
0x2e4: {  	v57 =	vld.idx.msk [tilespmem:v9+s29+$0x0], $0xffff  }
0x2e5: {  	v58 =	vadd.f32 v62, v61;
	[tilespmem:s8+$0xD2A0] =	vst v48  }
0x2e6: {  	v59 =	vld.idx.msk [tilespmem:v15+s24+$0x0], $0xffff  }
0x2e7: {  	[tilespmem:s8+$0xAAB0] =	vst v58;
	v60 =	vld.idx.msk [tilespmem:v15+s29+$0x0], $0xffff;
	v61 =	vadd.f32 v63, v50  }
0x2e8: {  	v62 =	vld.idx.msk [tilespmem:v19+s24+$0x0], $0xffff  }
0x2e9: {  	v63 =	vld.idx.msk [tilespmem:v19+s29+$0x0], $0xffff;
	v56 =	vadd.f32 v57, v49;
	[tilespmem:s8+$0xE680] =	vst v61  }
0x2ea: {  	v49 =	vld.idx.msk [tilespmem:v4+s24+$0x0], $0xffff  }
0x2eb: {  	[tilespmem:s8+$0xE690] =	vst v56;
	v57 =	vld.idx.msk [tilespmem:v4+s29+$0x0], $0xffff  }
0x2ec: {  	v58 =	vadd.f32 v60, v59;
	v59 =	vld.idx.msk [tilespmem:v10+s24+$0x0], $0xffff  }
0x2ed: {  	v60 =	vld.idx.msk [tilespmem:v10+s29+$0x0], $0xffff  }
0x2ee: {  	v55 =	vld.idx.msk [tilespmem:v24+s24+$0x0], $0xffff;
	[tilespmem:s8+$0xE6A0] =	vst v58;
	v61 =	vadd.f32 v63, v62  }
0x2ef: {  	v62 =	vld.idx.msk [tilespmem:v16+s24+$0x0], $0xffff  }
0x2f0: {  	v63 =	vld.idx.msk [tilespmem:v16+s29+$0x0], $0xffff;
	[tilespmem:s8+$0xBEB0] =	vst v61  }
0x2f1: {  	v56 =	vadd.f32 v57, v49;
	v57 =	vld.idx.msk [tilespmem:v20+s24+$0x0], $0xffff  }
0x2f2: {  	v58 =	vld.idx.msk [tilespmem:v20+s29+$0x0], $0xffff;
	v59 =	vadd.f32 v60, v59  }
0x2f3: {  	[tilespmem:s8+$0xFA80] =	vst v56;
	v56 =	vld.idx.msk [tilespmem:v24+s29+$0x0], $0xffff  }
0x2f4: {  	[tilespmem:s8+$0xFA90] =	vst v59;
	v59 =	vld.idx.msk [tilespmem:v36+s24+$0x0], $0xffff  }
0x2f5: {  	v51 =	vld.idx.msk [tilespmem:v5+s24+$0x0], $0xffff  }
0x2f6: {  	v54 =	vld.idx.msk [tilespmem:v5+s29+$0x0], $0xffff  }
0x2f7: {  	v60 =	vadd.f32 v63, v62;
	v50 =	vld.idx.msk [tilespmem:v11+s24+$0x0], $0xffff  }
0x2f8: {  	v52 =	vld.idx.msk [tilespmem:v11+s29+$0x0], $0xffff  }
0x2f9: {  	[tilespmem:s8+$0xFAA0] =	vst v60;
	v60 =	vld.idx.msk [tilespmem:v36+s29+$0x0], $0xffff  }
0x2fa: {  	v49 =	vld.idx.msk [tilespmem:v17+s24+$0x0], $0xffff  }
0x2fb: {  	v61 =	vadd.f32 v58, v57;
	v57 =	vld.idx.msk [tilespmem:v30+s24+$0x0], $0xffff  }
0x2fc: {  	v58 =	vld.idx.msk [tilespmem:v30+s29+$0x0], $0xffff  }
0x2fd: {  	v53 =	vld.idx.msk [tilespmem:v17+s29+$0x0], $0xffff  }
0x2fe: {  	v55 =	vadd.f32 v56, v55;
	v56 =	vld.idx.msk [tilespmem:v42+s24+$0x0], $0xffff  }
0x2ff: {  	[tilespmem:s8+$0xD2B0] =	vst v61;
	v61 =	vld.idx.msk [tilespmem:v42+s29+$0x0], $0xffff  }
0x300: {  	v48 =	vld.idx.msk [tilespmem:v21+s24+$0x0], $0xffff  }
0x301: {  	[tilespmem:s8+$0xAAC0] =	vst v55;
	v55 =	vld.idx.msk [tilespmem:v21+s29+$0x0], $0xffff;
	v57 =	vadd.f32 v58, v57  }
0x302: {  	v58 =	vld.idx.msk [tilespmem:v25+s24+$0x0], $0xffff  }
0x303: {  	v59 =	vadd.f32 v60, v59;
	[tilespmem:s8+$0xAAD0] =	vst v57;
	v57 =	vld.idx.msk [tilespmem:v25+s29+$0x0], $0xffff  }
0x304: {  	v60 =	vld.idx.msk [tilespmem:v31+s24+$0x0], $0xffff  }
0x305: {  	[tilespmem:s8+$0xAAE0] =	vst v59;
	v56 =	vadd.f32 v61, v56;
	v59 =	vld.idx.msk [tilespmem:v31+s29+$0x0], $0xffff  }
0x306: {  	v61 =	vld.idx.msk [tilespmem:v37+s24+$0x0], $0xffff;
	v48 =	vadd.f32 v55, v48  }
0x307: {  	v55 =	vld.idx.msk [tilespmem:v37+s29+$0x0], $0xffff;
	[tilespmem:s8+$0xAAF0] =	vst v56  }
0x308: {  	[tilespmem:s8+$0xE6B0] =	vst v48;
	v48 =	vld.idx.msk [tilespmem:v43+s29+$0x0], $0xffff;
	v62 =	vadd.f32 v57, v58  }
0x309: {  	v57 =	vld.idx.msk [tilespmem:v43+s24+$0x0], $0xffff  }
0x30a: {  	v58 =	vld.idx.msk [tilespmem:v22+s24+$0x0], $0xffff;
	v56 =	vadd.f32 v59, v60;
	[tilespmem:s8+$0xBEC0] =	vst v62  }
0x30b: {  	v59 =	vld.idx.msk [tilespmem:v26+s24+$0x0], $0xffff  }
0x30c: {  	v55 =	vadd.f32 v55, v61;
	v60 =	vld.idx.msk [tilespmem:v26+s29+$0x0], $0xffff;
	[tilespmem:s8+$0xBED0] =	vst v56  }
0x30d: {  	v56 =	vld.idx.msk [tilespmem:v32+s24+$0x0], $0xffff  }
0x30e: {  	v61 =	vld.idx.msk [tilespmem:v32+s29+$0x0], $0xffff;
	[tilespmem:s8+$0xBEE0] =	vst v55;
	v48 =	vadd.f32 v48, v57  }
0x30f: {  	v55 =	vld.idx.msk [tilespmem:v38+s24+$0x0], $0xffff  }
0x310: {  	v57 =	vld.idx.msk [tilespmem:v38+s29+$0x0], $0xffff;
	[tilespmem:s8+$0xBEF0] =	vst v48  }
0x311: {  	v48 =	vadd.f32 v60, v59;
	v59 =	vld.idx.msk [tilespmem:v44+s24+$0x0], $0xffff  }
0x312: {  	v60 =	vld.idx.msk [tilespmem:v44+s29+$0x0], $0xffff  }
0x313: {  	v56 =	vadd.f32 v61, v56;
	[tilespmem:s8+$0xD2C0] =	vst v48;
	v48 =	vld.idx.msk [tilespmem:v22+s29+$0x0], $0xffff  }
0x314: {  	v61 =	vld.idx.msk [tilespmem:v27+s24+$0x0], $0xffff  }
0x315: {  	v55 =	vadd.f32 v57, v55;
	[tilespmem:s8+$0xD2D0] =	vst v56;
	v56 =	vld.idx.msk [tilespmem:v27+s29+$0x0], $0xffff  }
0x316: {  	v57 =	vld.idx.msk [tilespmem:v33+s24+$0x0], $0xffff  }
0x317: {  	[tilespmem:s8+$0xD2E0] =	vst v55;
	v55 =	vld.idx.msk [tilespmem:v33+s29+$0x0], $0xffff;
	v59 =	vadd.f32 v60, v59  }
0x318: {  	v60 =	vld.idx.msk [tilespmem:v39+s24+$0x0], $0xffff  }
0x319: {  	v48 =	vadd.f32 v48, v58;
	v58 =	vld.idx.msk [tilespmem:v39+s29+$0x0], $0xffff;
	[tilespmem:s8+$0xD2F0] =	vst v59  }
0x31a: {  	v56 =	vadd.f32 v56, v61;
	v59 =	vld.idx.msk [tilespmem:v45+s24+$0x0], $0xffff  }
0x31b: {  	[tilespmem:s8+$0xFAB0] =	vst v48;
	v48 =	vld.idx.msk [tilespmem:v45+s29+$0x0], $0xffff  }
0x31c: {  	v55 =	vadd.f32 v55, v57;
	v61 =	vld.idx.msk [tilespmem:v23+s24+$0x0], $0xffff;
	[tilespmem:s8+$0xE6C0] =	vst v56  }
0x31d: {  	v56 =	vld.idx.msk [tilespmem:v28+s24+$0x0], $0xffff  }
0x31e: {  	v57 =	vld.idx.msk [tilespmem:v28+s29+$0x0], $0xffff;
	[tilespmem:s8+$0xE6D0] =	vst v55;
	v55 =	vadd.f32 v58, v60  }
0x31f: {  	v58 =	vld.idx.msk [tilespmem:v34+s24+$0x0], $0xffff  }
0x320: {  	v60 =	vld.idx.msk [tilespmem:v34+s29+$0x0], $0xffff;
	[tilespmem:s8+$0xE6E0] =	vst v55;
	v48 =	vadd.f32 v48, v59  }
0x321: {  	v55 =	vld.idx.msk [tilespmem:v40+s24+$0x0], $0xffff  }
0x322: {  	v59 =	vld.idx.msk [tilespmem:v40+s29+$0x0], $0xffff;
	[tilespmem:s8+$0xE6F0] =	vst v48  }
0x323: {  	v63 =	vadd.f32 v57, v56;
	v56 =	vld.idx.msk [tilespmem:v46+s24+$0x0], $0xffff  }
0x324: {  	v57 =	vld.idx.msk [tilespmem:v46+s29+$0x0], $0xffff  }
0x325: {  	v48 =	vld.idx.msk [tilespmem:v23+s29+$0x0], $0xffff;
	v58 =	vadd.f32 v60, v58;
	[tilespmem:s8+$0xFAC0] =	vst v63  }
0x326: {  	v60 =	vld.idx.msk [tilespmem:v29+s24+$0x0], $0xffff  }
0x327: {  	[tilespmem:s8+$0xFAD0] =	vst v58;
	v58 =	vld.idx.msk [tilespmem:v29+s29+$0x0], $0xffff;
	v55 =	vadd.f32 v59, v55  }
0x328: {  	v59 =	vld.idx.msk [tilespmem:v35+s24+$0x0], $0xffff  }
0x329: {  	[tilespmem:s8+$0xFAE0] =	vst v55;
	v55 =	vld.idx.msk [tilespmem:v35+s29+$0x0], $0xffff;
	v56 =	vadd.f32 v57, v56  }
0x32a: {  	v57 =	vld.idx.msk [tilespmem:v41+s24+$0x0], $0xffff  }
0x32b: {  	v51 =	vadd.f32 v54, v51;
	v54 =	vld.idx.msk [tilespmem:v41+s29+$0x0], $0xffff;
	[tilespmem:s8+$0xFAF0] =	vst v56  }
0x32c: {  	v50 =	vadd.f32 v52, v50;
	v62 =	vld.idx.msk [tilespmem:v47+s24+$0x0], $0xffff  }
0x32d: {  	[tilespmem:s8+$0x10E80] =	vst v51;
	v49 =	vadd.f32 v53, v49;
	v63 =	vld.idx.msk [tilespmem:v47+s29+$0x0], $0xffff  }
0x32e: {  	[tilespmem:s8+$0x10E90] =	vst v50;
	v48 =	vadd.f32 v48, v61  }
0x32f: {  	[tilespmem:s8+$0x10EA0] =	vst v49;
	v53 =	vadd.f32 v58, v60  }
0x330: {  	[tilespmem:s8+$0x10EB0] =	vst v48;
	v56 =	vadd.f32 v55, v59  }
0x331: {  	[tilespmem:s8+$0x10EC0] =	vst v53;
	v57 =	vadd.f32 v54, v57  }
0x332: {  	[tilespmem:s8+$0x10ED0] =	vst v56;
	v58 =	vadd.f32 v63, v62  }
0x333: {  	[tilespmem:s8+$0x10EE0] =	vst v57  }
0x334: {  	s10 =	sadd.s32 @!p0 $0x680, s8;
	s11 =	simm.s32 @!p0 $0x5000;
	[tilespmem:s8+$0x10EF0] =	vst v58  }
0x335: {  	[tilespmem:s11], [sflag:$0x6] =	stream.indirect.gather @!p0 [hbm4b:s2+s9], $0x10, s10, s9, $0xb8;
	[tilespmem:$0x12000] =	vst v63  }
0x336: {  	s10 =	sadd.s32 @!p0 $0x1A80, s8;
	s11 =	simm.s32 @!p0 $0x9000  }
0x337: {  	[tilespmem:s11], [sflag:$0xE] =	stream.indirect.gather @!p0 [hbm4b:s4+s9], $0x10, s10, s9, $0xb8;
	[tilespmem:$0x12000] =	vst v63  }
0x338: {  	_ =	swait.ge [sflag:s16], $0x800  }
0x339: {  	[sflag:s16] =	ssyncset.done $0x0  }
0x33a: {  	[sflag:s16] =	ssyncadd.s32 $0xFFFFF800  }
0x33b: {  	_ =	swait.ge [sflag:s15], $0x800  }
0x33c: {  	[sflag:s15] =	ssyncset.done $0x0  }
0x33d: {  	[sflag:s15] =	ssyncadd.s32 $0xFFFFF800  }
0x33e: {  	v59 =	vld.idx.msk [tilespmem:v0+s0+$0x0], $0xffff  }
0x33f: {  	v60 =	vld.idx.msk [tilespmem:v0+s26+$0x0], $0xffff  }
0x340: {  	v61 =	vld.idx.msk [tilespmem:v6+s0+$0x0], $0xffff  }
0x341: {  	v62 =	vld.idx.msk [tilespmem:v6+s26+$0x0], $0xffff;
	_ =	sdelay $0x1  }
0x342: {  	v63 =	vld.idx.msk [tilespmem:v12+s0+$0x0], $0xffff  }
0x343: {  	v56 =	vld.idx.msk [tilespmem:v12+s26+$0x0], $0xffff;
	v48 =	vadd.f32 v60, v59;
	_ =	sdelay $0x1  }
0x344: {  	v57 =	vadd.f32 v62, v61;
	[tilespmem:s8+$0xAB00] =	vst v48  }
0x345: {  	v58 =	vld.idx.msk [tilespmem:v1+s0+$0x0], $0xffff  }
0x346: {  	[tilespmem:s8+$0xAB10] =	vst v57;
	v59 =	vld.idx.msk [tilespmem:v1+s26+$0x0], $0xffff  }
0x347: {  	v60 =	vadd.f32 v56, v63;
	v61 =	vld.idx.msk [tilespmem:v7+s0+$0x0], $0xffff  }
0x348: {  	v62 =	vld.idx.msk [tilespmem:v7+s26+$0x0], $0xffff  }
0x349: {  	[tilespmem:s8+$0xAB20] =	vst v60  }
0x34a: {  	v48 =	vld.idx.msk [tilespmem:v13+s0+$0x0], $0xffff  }
0x34b: {  	v63 =	vld.idx.msk [tilespmem:v13+s26+$0x0], $0xffff;
	v49 =	vadd.f32 v59, v58;
	_ =	sdelay $0x1  }
0x34c: {  	v56 =	vadd.f32 v62, v61;
	[tilespmem:s8+$0xBF00] =	vst v49  }
0x34d: {  	v57 =	vld.idx.msk [tilespmem:v2+s0+$0x0], $0xffff  }
0x34e: {  	[tilespmem:s8+$0xBF10] =	vst v56;
	v58 =	vld.idx.msk [tilespmem:v2+s26+$0x0], $0xffff  }
0x34f: {  	v48 =	vadd.f32 v63, v48;
	v49 =	vld.idx.msk [tilespmem:v8+s0+$0x0], $0xffff  }
0x350: {  	v59 =	vld.idx.msk [tilespmem:v8+s26+$0x0], $0xffff  }
0x351: {  	[tilespmem:s8+$0xBF20] =	vst v48  }
0x352: {  	v48 =	vld.idx.msk [tilespmem:v14+s0+$0x0], $0xffff  }
0x353: {  	v60 =	vld.idx.msk [tilespmem:v14+s26+$0x0], $0xffff;
	v50 =	vadd.f32 v58, v57  }
0x354: {  	v61 =	vld.idx.msk [tilespmem:v18+s0+$0x0], $0xffff  }
0x355: {  	v62 =	vld.idx.msk [tilespmem:v18+s26+$0x0], $0xffff;
	v49 =	vadd.f32 v59, v49;
	[tilespmem:s8+$0xD300] =	vst v50  }
0x356: {  	v50 =	vld.idx.msk [tilespmem:v3+s0+$0x0], $0xffff  }
0x357: {  	[tilespmem:s8+$0xD310] =	vst v49;
	v63 =	vld.idx.msk [tilespmem:v3+s26+$0x0], $0xffff  }
0x358: {  	v48 =	vadd.f32 v60, v48;
	v49 =	vld.idx.msk [tilespmem:v9+s0+$0x0], $0xffff  }
0x359: {  	v57 =	vld.idx.msk [tilespmem:v9+s26+$0x0], $0xffff  }
0x35a: {  	v58 =	vadd.f32 v62, v61;
	[tilespmem:s8+$0xD320] =	vst v48  }
0x35b: {  	v59 =	vld.idx.msk [tilespmem:v15+s0+$0x0], $0xffff  }
0x35c: {  	[tilespmem:s8+$0xAB30] =	vst v58;
	v60 =	vld.idx.msk [tilespmem:v15+s26+$0x0], $0xffff;
	v61 =	vadd.f32 v63, v50  }
0x35d: {  	v62 =	vld.idx.msk [tilespmem:v19+s0+$0x0], $0xffff  }
0x35e: {  	v63 =	vld.idx.msk [tilespmem:v19+s26+$0x0], $0xffff;
	v56 =	vadd.f32 v57, v49;
	[tilespmem:s8+$0xE700] =	vst v61  }
0x35f: {  	v49 =	vld.idx.msk [tilespmem:v4+s0+$0x0], $0xffff  }
0x360: {  	[tilespmem:s8+$0xE710] =	vst v56;
	v57 =	vld.idx.msk [tilespmem:v4+s26+$0x0], $0xffff  }
0x361: {  	v58 =	vadd.f32 v60, v59;
	v59 =	vld.idx.msk [tilespmem:v10+s0+$0x0], $0xffff  }
0x362: {  	v60 =	vld.idx.msk [tilespmem:v10+s26+$0x0], $0xffff  }
0x363: {  	v55 =	vld.idx.msk [tilespmem:v24+s0+$0x0], $0xffff;
	[tilespmem:s8+$0xE720] =	vst v58;
	v61 =	vadd.f32 v63, v62  }
0x364: {  	v62 =	vld.idx.msk [tilespmem:v16+s0+$0x0], $0xffff  }
0x365: {  	v63 =	vld.idx.msk [tilespmem:v16+s26+$0x0], $0xffff;
	[tilespmem:s8+$0xBF30] =	vst v61  }
0x366: {  	v56 =	vadd.f32 v57, v49;
	v57 =	vld.idx.msk [tilespmem:v20+s0+$0x0], $0xffff  }
0x367: {  	v58 =	vld.idx.msk [tilespmem:v20+s26+$0x0], $0xffff;
	v59 =	vadd.f32 v60, v59  }
0x368: {  	[tilespmem:s8+$0xFB00] =	vst v56;
	v56 =	vld.idx.msk [tilespmem:v24+s26+$0x0], $0xffff  }
0x369: {  	[tilespmem:s8+$0xFB10] =	vst v59;
	v59 =	vld.idx.msk [tilespmem:v36+s0+$0x0], $0xffff  }
0x36a: {  	v51 =	vld.idx.msk [tilespmem:v5+s0+$0x0], $0xffff  }
0x36b: {  	v54 =	vld.idx.msk [tilespmem:v5+s26+$0x0], $0xffff  }
0x36c: {  	v60 =	vadd.f32 v63, v62;
	v50 =	vld.idx.msk [tilespmem:v11+s0+$0x0], $0xffff  }
0x36d: {  	v52 =	vld.idx.msk [tilespmem:v11+s26+$0x0], $0xffff  }
0x36e: {  	[tilespmem:s8+$0xFB20] =	vst v60;
	v60 =	vld.idx.msk [tilespmem:v36+s26+$0x0], $0xffff  }
0x36f: {  	v49 =	vld.idx.msk [tilespmem:v17+s0+$0x0], $0xffff  }
0x370: {  	v61 =	vadd.f32 v58, v57;
	v57 =	vld.idx.msk [tilespmem:v30+s0+$0x0], $0xffff  }
0x371: {  	v58 =	vld.idx.msk [tilespmem:v30+s26+$0x0], $0xffff  }
0x372: {  	v53 =	vld.idx.msk [tilespmem:v17+s26+$0x0], $0xffff  }
0x373: {  	v55 =	vadd.f32 v56, v55;
	v56 =	vld.idx.msk [tilespmem:v42+s0+$0x0], $0xffff  }
0x374: {  	[tilespmem:s8+$0xD330] =	vst v61;
	v61 =	vld.idx.msk [tilespmem:v42+s26+$0x0], $0xffff  }
0x375: {  	v48 =	vld.idx.msk [tilespmem:v21+s0+$0x0], $0xffff  }
0x376: {  	[tilespmem:s8+$0xAB40] =	vst v55;
	v55 =	vld.idx.msk [tilespmem:v21+s26+$0x0], $0xffff;
	v57 =	vadd.f32 v58, v57  }
0x377: {  	v58 =	vld.idx.msk [tilespmem:v25+s0+$0x0], $0xffff  }
0x378: {  	v59 =	vadd.f32 v60, v59;
	[tilespmem:s8+$0xAB50] =	vst v57;
	v57 =	vld.idx.msk [tilespmem:v25+s26+$0x0], $0xffff  }
0x379: {  	v60 =	vld.idx.msk [tilespmem:v31+s0+$0x0], $0xffff  }
0x37a: {  	[tilespmem:s8+$0xAB60] =	vst v59;
	v56 =	vadd.f32 v61, v56;
	v59 =	vld.idx.msk [tilespmem:v31+s26+$0x0], $0xffff  }
0x37b: {  	v61 =	vld.idx.msk [tilespmem:v37+s0+$0x0], $0xffff;
	v48 =	vadd.f32 v55, v48  }
0x37c: {  	v55 =	vld.idx.msk [tilespmem:v37+s26+$0x0], $0xffff;
	[tilespmem:s8+$0xAB70] =	vst v56  }
0x37d: {  	[tilespmem:s8+$0xE730] =	vst v48;
	v48 =	vld.idx.msk [tilespmem:v43+s26+$0x0], $0xffff;
	v62 =	vadd.f32 v57, v58  }
0x37e: {  	v57 =	vld.idx.msk [tilespmem:v43+s0+$0x0], $0xffff  }
0x37f: {  	v58 =	vld.idx.msk [tilespmem:v22+s0+$0x0], $0xffff;
	v56 =	vadd.f32 v59, v60;
	[tilespmem:s8+$0xBF40] =	vst v62  }
0x380: {  	v59 =	vld.idx.msk [tilespmem:v26+s0+$0x0], $0xffff  }
0x381: {  	v55 =	vadd.f32 v55, v61;
	v60 =	vld.idx.msk [tilespmem:v26+s26+$0x0], $0xffff;
	[tilespmem:s8+$0xBF50] =	vst v56  }
0x382: {  	v56 =	vld.idx.msk [tilespmem:v32+s0+$0x0], $0xffff  }
0x383: {  	v61 =	vld.idx.msk [tilespmem:v32+s26+$0x0], $0xffff;
	[tilespmem:s8+$0xBF60] =	vst v55;
	v48 =	vadd.f32 v48, v57  }
0x384: {  	v55 =	vld.idx.msk [tilespmem:v38+s0+$0x0], $0xffff  }
0x385: {  	v57 =	vld.idx.msk [tilespmem:v38+s26+$0x0], $0xffff;
	[tilespmem:s8+$0xBF70] =	vst v48  }
0x386: {  	v48 =	vadd.f32 v60, v59;
	v59 =	vld.idx.msk [tilespmem:v44+s0+$0x0], $0xffff  }
0x387: {  	v60 =	vld.idx.msk [tilespmem:v44+s26+$0x0], $0xffff  }
0x388: {  	v56 =	vadd.f32 v61, v56;
	[tilespmem:s8+$0xD340] =	vst v48;
	v48 =	vld.idx.msk [tilespmem:v22+s26+$0x0], $0xffff  }
0x389: {  	v61 =	vld.idx.msk [tilespmem:v27+s0+$0x0], $0xffff  }
0x38a: {  	v55 =	vadd.f32 v57, v55;
	[tilespmem:s8+$0xD350] =	vst v56;
	v56 =	vld.idx.msk [tilespmem:v27+s26+$0x0], $0xffff  }
0x38b: {  	v57 =	vld.idx.msk [tilespmem:v33+s0+$0x0], $0xffff  }
0x38c: {  	[tilespmem:s8+$0xD360] =	vst v55;
	v55 =	vld.idx.msk [tilespmem:v33+s26+$0x0], $0xffff;
	v59 =	vadd.f32 v60, v59  }
0x38d: {  	v60 =	vld.idx.msk [tilespmem:v39+s0+$0x0], $0xffff  }
0x38e: {  	v48 =	vadd.f32 v48, v58;
	v58 =	vld.idx.msk [tilespmem:v39+s26+$0x0], $0xffff;
	[tilespmem:s8+$0xD370] =	vst v59  }
0x38f: {  	v56 =	vadd.f32 v56, v61;
	v59 =	vld.idx.msk [tilespmem:v45+s0+$0x0], $0xffff  }
0x390: {  	[tilespmem:s8+$0xFB30] =	vst v48;
	v48 =	vld.idx.msk [tilespmem:v45+s26+$0x0], $0xffff  }
0x391: {  	v55 =	vadd.f32 v55, v57;
	v61 =	vld.idx.msk [tilespmem:v23+s0+$0x0], $0xffff;
	[tilespmem:s8+$0xE740] =	vst v56  }
0x392: {  	v56 =	vld.idx.msk [tilespmem:v28+s0+$0x0], $0xffff  }
0x393: {  	v57 =	vld.idx.msk [tilespmem:v28+s26+$0x0], $0xffff;
	[tilespmem:s8+$0xE750] =	vst v55;
	v55 =	vadd.f32 v58, v60  }
0x394: {  	v58 =	vld.idx.msk [tilespmem:v34+s0+$0x0], $0xffff  }
0x395: {  	v60 =	vld.idx.msk [tilespmem:v34+s26+$0x0], $0xffff;
	[tilespmem:s8+$0xE760] =	vst v55;
	v48 =	vadd.f32 v48, v59  }
0x396: {  	v55 =	vld.idx.msk [tilespmem:v40+s0+$0x0], $0xffff  }
0x397: {  	v59 =	vld.idx.msk [tilespmem:v40+s26+$0x0], $0xffff;
	[tilespmem:s8+$0xE770] =	vst v48  }
0x398: {  	v63 =	vadd.f32 v57, v56;
	v56 =	vld.idx.msk [tilespmem:v46+s0+$0x0], $0xffff  }
0x399: {  	v57 =	vld.idx.msk [tilespmem:v46+s26+$0x0], $0xffff  }
0x39a: {  	v48 =	vld.idx.msk [tilespmem:v23+s26+$0x0], $0xffff;
	v58 =	vadd.f32 v60, v58;
	[tilespmem:s8+$0xFB40] =	vst v63  }
0x39b: {  	v60 =	vld.idx.msk [tilespmem:v29+s0+$0x0], $0xffff  }
0x39c: {  	[tilespmem:s8+$0xFB50] =	vst v58;
	v58 =	vld.idx.msk [tilespmem:v29+s26+$0x0], $0xffff;
	v55 =	vadd.f32 v59, v55  }
0x39d: {  	v59 =	vld.idx.msk [tilespmem:v35+s0+$0x0], $0xffff  }
0x39e: {  	[tilespmem:s8+$0xFB60] =	vst v55;
	v55 =	vld.idx.msk [tilespmem:v35+s26+$0x0], $0xffff;
	v56 =	vadd.f32 v57, v56  }
0x39f: {  	v57 =	vld.idx.msk [tilespmem:v41+s0+$0x0], $0xffff  }
0x3a0: {  	v51 =	vadd.f32 v54, v51;
	v54 =	vld.idx.msk [tilespmem:v41+s26+$0x0], $0xffff;
	[tilespmem:s8+$0xFB70] =	vst v56  }
0x3a1: {  	v50 =	vadd.f32 v52, v50;
	v62 =	vld.idx.msk [tilespmem:v47+s0+$0x0], $0xffff  }
0x3a2: {  	[tilespmem:s8+$0x10F00] =	vst v51;
	v49 =	vadd.f32 v53, v49;
	v63 =	vld.idx.msk [tilespmem:v47+s26+$0x0], $0xffff  }
0x3a3: {  	[tilespmem:s8+$0x10F10] =	vst v50;
	v48 =	vadd.f32 v48, v61  }
0x3a4: {  	[tilespmem:s8+$0x10F20] =	vst v49;
	v53 =	vadd.f32 v58, v60  }
0x3a5: {  	[tilespmem:s8+$0x10F30] =	vst v48;
	v56 =	vadd.f32 v55, v59  }
0x3a6: {  	[tilespmem:s8+$0x10F40] =	vst v53;
	v57 =	vadd.f32 v54, v57  }
0x3a7: {  	[tilespmem:s8+$0x10F50] =	vst v56;
	v58 =	vadd.f32 v63, v62  }
0x3a8: {  	[tilespmem:s8+$0x10F60] =	vst v57  }
0x3a9: {  	s10 =	sadd.s32 @!p0 $0x700, s8;
	s11 =	simm.s32 @!p0 $0x5800;
	[tilespmem:s8+$0x10F70] =	vst v58  }
0x3aa: {  	[tilespmem:s11], [sflag:$0x7] =	stream.indirect.gather @!p0 [hbm4b:s2+s9], $0x10, s10, s9, $0xb8;
	[tilespmem:$0x12000] =	vst v63  }
0x3ab: {  	s10 =	sadd.s32 @!p0 $0x1B00, s8;
	s11 =	simm.s32 @!p0 $0x9800  }
0x3ac: {  	[tilespmem:s11], [sflag:$0xF] =	stream.indirect.gather @!p0 [hbm4b:s4+s9], $0x10, s10, s9, $0xb8;
	[tilespmem:$0x12000] =	vst v63  }
0x3ad: {  	_ =	swait.ge [sflag:s5], $0x800  }
0x3ae: {  	[sflag:s5] =	ssyncset.done $0x0  }
0x3af: {  	[sflag:s5] =	ssyncadd.s32 $0xFFFFF800  }
0x3b0: {  	_ =	swait.ge [sflag:s6], $0x800  }
0x3b1: {  	[sflag:s6] =	ssyncset.done $0x0  }
0x3b2: {  	[sflag:s6] =	ssyncadd.s32 $0xFFFFF800  }
0x3b3: {  	v59 =	vld.idx.msk [tilespmem:v0+s22+$0x0], $0xffff  }
0x3b4: {  	v60 =	vld.idx.msk [tilespmem:v0+s31+$0x0], $0xffff  }
0x3b5: {  	v61 =	vld.idx.msk [tilespmem:v6+s22+$0x0], $0xffff  }
0x3b6: {  	v62 =	vld.idx.msk [tilespmem:v6+s31+$0x0], $0xffff;
	_ =	sdelay $0x1  }
0x3b7: {  	v63 =	vld.idx.msk [tilespmem:v12+s22+$0x0], $0xffff  }
0x3b8: {  	v56 =	vld.idx.msk [tilespmem:v12+s31+$0x0], $0xffff;
	v48 =	vadd.f32 v60, v59;
	_ =	sdelay $0x1  }
0x3b9: {  	v57 =	vadd.f32 v62, v61;
	[tilespmem:s8+$0xAB80] =	vst v48  }
0x3ba: {  	v58 =	vld.idx.msk [tilespmem:v1+s22+$0x0], $0xffff  }
0x3bb: {  	[tilespmem:s8+$0xAB90] =	vst v57;
	v59 =	vld.idx.msk [tilespmem:v1+s31+$0x0], $0xffff  }
0x3bc: {  	v60 =	vadd.f32 v56, v63;
	v61 =	vld.idx.msk [tilespmem:v7+s22+$0x0], $0xffff  }
0x3bd: {  	v62 =	vld.idx.msk [tilespmem:v7+s31+$0x0], $0xffff  }
0x3be: {  	[tilespmem:s8+$0xABA0] =	vst v60  }
0x3bf: {  	v48 =	vld.idx.msk [tilespmem:v13+s22+$0x0], $0xffff  }
0x3c0: {  	v63 =	vld.idx.msk [tilespmem:v13+s31+$0x0], $0xffff;
	v49 =	vadd.f32 v59, v58;
	_ =	sdelay $0x1  }
0x3c1: {  	v56 =	vadd.f32 v62, v61;
	[tilespmem:s8+$0xBF80] =	vst v49  }
0x3c2: {  	v57 =	vld.idx.msk [tilespmem:v2+s22+$0x0], $0xffff  }
0x3c3: {  	[tilespmem:s8+$0xBF90] =	vst v56;
	v58 =	vld.idx.msk [tilespmem:v2+s31+$0x0], $0xffff  }
0x3c4: {  	v48 =	vadd.f32 v63, v48;
	v49 =	vld.idx.msk [tilespmem:v8+s22+$0x0], $0xffff  }
0x3c5: {  	v59 =	vld.idx.msk [tilespmem:v8+s31+$0x0], $0xffff  }
0x3c6: {  	[tilespmem:s8+$0xBFA0] =	vst v48  }
0x3c7: {  	v48 =	vld.idx.msk [tilespmem:v14+s22+$0x0], $0xffff  }
0x3c8: {  	v60 =	vld.idx.msk [tilespmem:v14+s31+$0x0], $0xffff;
	v50 =	vadd.f32 v58, v57  }
0x3c9: {  	v61 =	vld.idx.msk [tilespmem:v18+s22+$0x0], $0xffff  }
0x3ca: {  	v62 =	vld.idx.msk [tilespmem:v18+s31+$0x0], $0xffff;
	v49 =	vadd.f32 v59, v49;
	[tilespmem:s8+$0xD380] =	vst v50  }
0x3cb: {  	v50 =	vld.idx.msk [tilespmem:v3+s22+$0x0], $0xffff  }
0x3cc: {  	[tilespmem:s8+$0xD390] =	vst v49;
	v63 =	vld.idx.msk [tilespmem:v3+s31+$0x0], $0xffff  }
0x3cd: {  	v48 =	vadd.f32 v60, v48;
	v49 =	vld.idx.msk [tilespmem:v9+s22+$0x0], $0xffff  }
0x3ce: {  	v57 =	vld.idx.msk [tilespmem:v9+s31+$0x0], $0xffff  }
0x3cf: {  	v58 =	vadd.f32 v62, v61;
	[tilespmem:s8+$0xD3A0] =	vst v48  }
0x3d0: {  	v59 =	vld.idx.msk [tilespmem:v15+s22+$0x0], $0xffff  }
0x3d1: {  	[tilespmem:s8+$0xABB0] =	vst v58;
	v60 =	vld.idx.msk [tilespmem:v15+s31+$0x0], $0xffff;
	v61 =	vadd.f32 v63, v50  }
0x3d2: {  	v62 =	vld.idx.msk [tilespmem:v19+s22+$0x0], $0xffff  }
0x3d3: {  	v63 =	vld.idx.msk [tilespmem:v19+s31+$0x0], $0xffff;
	v56 =	vadd.f32 v57, v49;
	[tilespmem:s8+$0xE780] =	vst v61  }
0x3d4: {  	v49 =	vld.idx.msk [tilespmem:v4+s22+$0x0], $0xffff  }
0x3d5: {  	[tilespmem:s8+$0xE790] =	vst v56;
	v57 =	vld.idx.msk [tilespmem:v4+s31+$0x0], $0xffff  }
0x3d6: {  	v58 =	vadd.f32 v60, v59;
	v59 =	vld.idx.msk [tilespmem:v10+s22+$0x0], $0xffff  }
0x3d7: {  	v60 =	vld.idx.msk [tilespmem:v10+s31+$0x0], $0xffff  }
0x3d8: {  	v55 =	vld.idx.msk [tilespmem:v24+s22+$0x0], $0xffff;
	[tilespmem:s8+$0xE7A0] =	vst v58;
	v61 =	vadd.f32 v63, v62  }
0x3d9: {  	v62 =	vld.idx.msk [tilespmem:v16+s22+$0x0], $0xffff  }
0x3da: {  	v63 =	vld.idx.msk [tilespmem:v16+s31+$0x0], $0xffff;
	[tilespmem:s8+$0xBFB0] =	vst v61  }
0x3db: {  	v56 =	vadd.f32 v57, v49;
	v57 =	vld.idx.msk [tilespmem:v20+s22+$0x0], $0xffff  }
0x3dc: {  	v58 =	vld.idx.msk [tilespmem:v20+s31+$0x0], $0xffff;
	v59 =	vadd.f32 v60, v59  }
0x3dd: {  	[tilespmem:s8+$0xFB80] =	vst v56;
	v56 =	vld.idx.msk [tilespmem:v24+s31+$0x0], $0xffff  }
0x3de: {  	[tilespmem:s8+$0xFB90] =	vst v59;
	v59 =	vld.idx.msk [tilespmem:v36+s22+$0x0], $0xffff  }
0x3df: {  	v51 =	vld.idx.msk [tilespmem:v5+s22+$0x0], $0xffff  }
0x3e0: {  	v54 =	vld.idx.msk [tilespmem:v5+s31+$0x0], $0xffff  }
0x3e1: {  	v60 =	vadd.f32 v63, v62;
	v50 =	vld.idx.msk [tilespmem:v11+s22+$0x0], $0xffff  }
0x3e2: {  	v52 =	vld.idx.msk [tilespmem:v11+s31+$0x0], $0xffff  }
0x3e3: {  	[tilespmem:s8+$0xFBA0] =	vst v60;
	v60 =	vld.idx.msk [tilespmem:v36+s31+$0x0], $0xffff  }
0x3e4: {  	v49 =	vld.idx.msk [tilespmem:v17+s22+$0x0], $0xffff  }
0x3e5: {  	v61 =	vadd.f32 v58, v57;
	v57 =	vld.idx.msk [tilespmem:v30+s22+$0x0], $0xffff  }
0x3e6: {  	v58 =	vld.idx.msk [tilespmem:v30+s31+$0x0], $0xffff  }
0x3e7: {  	v53 =	vld.idx.msk [tilespmem:v17+s31+$0x0], $0xffff  }
0x3e8: {  	v55 =	vadd.f32 v56, v55;
	v56 =	vld.idx.msk [tilespmem:v42+s22+$0x0], $0xffff  }
0x3e9: {  	[tilespmem:s8+$0xD3B0] =	vst v61;
	v61 =	vld.idx.msk [tilespmem:v42+s31+$0x0], $0xffff  }
0x3ea: {  	v48 =	vld.idx.msk [tilespmem:v21+s22+$0x0], $0xffff  }
0x3eb: {  	[tilespmem:s8+$0xABC0] =	vst v55;
	v55 =	vld.idx.msk [tilespmem:v21+s31+$0x0], $0xffff;
	v57 =	vadd.f32 v58, v57  }
0x3ec: {  	v58 =	vld.idx.msk [tilespmem:v25+s22+$0x0], $0xffff  }
0x3ed: {  	v59 =	vadd.f32 v60, v59;
	[tilespmem:s8+$0xABD0] =	vst v57;
	v57 =	vld.idx.msk [tilespmem:v25+s31+$0x0], $0xffff  }
0x3ee: {  	v60 =	vld.idx.msk [tilespmem:v31+s22+$0x0], $0xffff  }
0x3ef: {  	[tilespmem:s8+$0xABE0] =	vst v59;
	v56 =	vadd.f32 v61, v56;
	v59 =	vld.idx.msk [tilespmem:v31+s31+$0x0], $0xffff  }
0x3f0: {  	v61 =	vld.idx.msk [tilespmem:v37+s22+$0x0], $0xffff;
	v48 =	vadd.f32 v55, v48  }
0x3f1: {  	v55 =	vld.idx.msk [tilespmem:v37+s31+$0x0], $0xffff;
	[tilespmem:s8+$0xABF0] =	vst v56  }
0x3f2: {  	[tilespmem:s8+$0xE7B0] =	vst v48;
	v48 =	vld.idx.msk [tilespmem:v43+s31+$0x0], $0xffff;
	v62 =	vadd.f32 v57, v58  }
0x3f3: {  	v57 =	vld.idx.msk [tilespmem:v43+s22+$0x0], $0xffff  }
0x3f4: {  	v58 =	vld.idx.msk [tilespmem:v22+s22+$0x0], $0xffff;
	v56 =	vadd.f32 v59, v60;
	[tilespmem:s8+$0xBFC0] =	vst v62  }
0x3f5: {  	v59 =	vld.idx.msk [tilespmem:v26+s22+$0x0], $0xffff  }
0x3f6: {  	v55 =	vadd.f32 v55, v61;
	v60 =	vld.idx.msk [tilespmem:v26+s31+$0x0], $0xffff;
	[tilespmem:s8+$0xBFD0] =	vst v56  }
0x3f7: {  	v56 =	vld.idx.msk [tilespmem:v32+s22+$0x0], $0xffff  }
0x3f8: {  	v61 =	vld.idx.msk [tilespmem:v32+s31+$0x0], $0xffff;
	[tilespmem:s8+$0xBFE0] =	vst v55;
	v48 =	vadd.f32 v48, v57  }
0x3f9: {  	v55 =	vld.idx.msk [tilespmem:v38+s22+$0x0], $0xffff  }
0x3fa: {  	v57 =	vld.idx.msk [tilespmem:v38+s31+$0x0], $0xffff;
	[tilespmem:s8+$0xBFF0] =	vst v48  }
0x3fb: {  	v48 =	vadd.f32 v60, v59;
	v59 =	vld.idx.msk [tilespmem:v44+s22+$0x0], $0xffff  }
0x3fc: {  	v60 =	vld.idx.msk [tilespmem:v44+s31+$0x0], $0xffff  }
0x3fd: {  	v56 =	vadd.f32 v61, v56;
	[tilespmem:s8+$0xD3C0] =	vst v48;
	v48 =	vld.idx.msk [tilespmem:v22+s31+$0x0], $0xffff  }
0x3fe: {  	v61 =	vld.idx.msk [tilespmem:v27+s22+$0x0], $0xffff  }
0x3ff: {  	v55 =	vadd.f32 v57, v55;
	[tilespmem:s8+$0xD3D0] =	vst v56;
	v56 =	vld.idx.msk [tilespmem:v27+s31+$0x0], $0xffff  }
0x400: {  	v57 =	vld.idx.msk [tilespmem:v33+s22+$0x0], $0xffff  }
0x401: {  	[tilespmem:s8+$0xD3E0] =	vst v55;
	v55 =	vld.idx.msk [tilespmem:v33+s31+$0x0], $0xffff;
	v59 =	vadd.f32 v60, v59  }
0x402: {  	v60 =	vld.idx.msk [tilespmem:v39+s22+$0x0], $0xffff  }
0x403: {  	v48 =	vadd.f32 v48, v58;
	v58 =	vld.idx.msk [tilespmem:v39+s31+$0x0], $0xffff;
	[tilespmem:s8+$0xD3F0] =	vst v59  }
0x404: {  	v56 =	vadd.f32 v56, v61;
	v59 =	vld.idx.msk [tilespmem:v45+s22+$0x0], $0xffff  }
0x405: {  	[tilespmem:s8+$0xFBB0] =	vst v48;
	v48 =	vld.idx.msk [tilespmem:v45+s31+$0x0], $0xffff  }
0x406: {  	v55 =	vadd.f32 v55, v57;
	v61 =	vld.idx.msk [tilespmem:v23+s22+$0x0], $0xffff;
	[tilespmem:s8+$0xE7C0] =	vst v56  }
0x407: {  	v56 =	vld.idx.msk [tilespmem:v28+s22+$0x0], $0xffff  }
0x408: {  	v57 =	vld.idx.msk [tilespmem:v28+s31+$0x0], $0xffff;
	[tilespmem:s8+$0xE7D0] =	vst v55;
	v55 =	vadd.f32 v58, v60  }
0x409: {  	v58 =	vld.idx.msk [tilespmem:v34+s22+$0x0], $0xffff  }
0x40a: {  	v60 =	vld.idx.msk [tilespmem:v34+s31+$0x0], $0xffff;
	[tilespmem:s8+$0xE7E0] =	vst v55;
	v48 =	vadd.f32 v48, v59  }
0x40b: {  	v55 =	vld.idx.msk [tilespmem:v40+s22+$0x0], $0xffff  }
0x40c: {  	v59 =	vld.idx.msk [tilespmem:v40+s31+$0x0], $0xffff;
	[tilespmem:s8+$0xE7F0] =	vst v48  }
0x40d: {  	v63 =	vadd.f32 v57, v56;
	v56 =	vld.idx.msk [tilespmem:v46+s22+$0x0], $0xffff  }
0x40e: {  	v57 =	vld.idx.msk [tilespmem:v46+s31+$0x0], $0xffff  }
0x40f: {  	v48 =	vld.idx.msk [tilespmem:v23+s31+$0x0], $0xffff;
	v58 =	vadd.f32 v60, v58;
	[tilespmem:s8+$0xFBC0] =	vst v63  }
0x410: {  	v60 =	vld.idx.msk [tilespmem:v29+s22+$0x0], $0xffff  }
0x411: {  	[tilespmem:s8+$0xFBD0] =	vst v58;
	v58 =	vld.idx.msk [tilespmem:v29+s31+$0x0], $0xffff;
	v55 =	vadd.f32 v59, v55  }
0x412: {  	v59 =	vld.idx.msk [tilespmem:v35+s22+$0x0], $0xffff  }
0x413: {  	[tilespmem:s8+$0xFBE0] =	vst v55;
	v55 =	vld.idx.msk [tilespmem:v35+s31+$0x0], $0xffff;
	v56 =	vadd.f32 v57, v56  }
0x414: {  	v57 =	vld.idx.msk [tilespmem:v41+s22+$0x0], $0xffff  }
0x415: {  	v51 =	vadd.f32 v54, v51;
	v62 =	vld.idx.msk [tilespmem:v41+s31+$0x0], $0xffff;
	[tilespmem:s8+$0xFBF0] =	vst v56  }
0x416: {  	v50 =	vadd.f32 v52, v50;
	v63 =	vld.idx.msk [tilespmem:v47+s22+$0x0], $0xffff  }
0x417: {  	[tilespmem:s8+$0x10F80] =	vst v51;
	v49 =	vadd.f32 v53, v49;
	v56 =	vld.idx.msk [tilespmem:v47+s31+$0x0], $0xffff  }
0x418: {  	[tilespmem:s8+$0x10F90] =	vst v50;
	v48 =	vadd.f32 v48, v61  }
0x419: {  	[tilespmem:s8+$0x10FA0] =	vst v49;
	v60 =	vadd.f32 v58, v60  }
.Ltmp2:
0x41a: {  	[tilespmem:s8+$0x10FB0] =	vst v48;
	v61 =	vadd.f32 v55, v59;
	(pc) =	sbr.rel @p0 .LBB2_4-.Ltmp2, $4  }
0x41b: {  	[tilespmem:s8+$0x10FC0] =	vst v60;
	v62 =	vadd.f32 v62, v57  }
0x41c: {  	[tilespmem:s8+$0x10FD0] =	vst v61;
	v63 =	vadd.f32 v56, v63  }
0x41d: {  	[tilespmem:s8+$0x10FE0] =	vst v62  }
0x41e: {  	[tilespmem:s8+$0x10FF0] =	vst v63  }
.Ltmp3:
0x41f: {  	(pc) =	sbr.rel .LBB2_2-.Ltmp3, $4  }
0x420: {  	s9 =	sadd.s32 $0x780, s8;
	s10 =	simm.s32 $0x80  }
0x421: {  	[tilespmem:s22], [sflag:$0x8] =	stream.indirect.gather [hbm4b:s2+s10], $0x10, s9, s10, $0xb8;
	[tilespmem:$0x12000] =	vst v63  }
0x422: {  	s11 =	sadd.s32 $0x1B80, s8;
	s7 =	sadd.s32 $0x1, s7  }
0x423: {  	[tilespmem:s31], [sflag:$0x10] =	stream.indirect.gather [hbm4b:s4+s10], $0x10, s11, s10, $0xb8;
	[tilespmem:$0x12000] =	vst v63  }
.LBB2_5:
0x424: {  	_ =	sfence.sel $0x180000  }
0x425: {  	[bflag:$0x0] =	sbarrier.arrive $0xFFFF  }
0x426: {  	_ =	strace $0x90000047  }
0x427: {  	s0 =	stileid.u32;
	[bflag:$0x2] =	sbarrier.arrive $0xFFFF  }
0x428: {  	p0 =	sne.s32 s0, $0x0;
	s0 =	rddreg [dreg:$0x2]  }
0x429: {  	s0 =	sadd.s32 @!p0 $0x100000, s0  }
0x42a: {  	[sflag:s0] =	ssyncadd.tile.s32 @!p0 $0x1;
	_ =	shalt  }
.Lfunc_end2:
_tile_overlayer_lowered:
.L_overlay_start_2:
0x42b: {  	(tag) =	ssettag $0x2  }
0x42c: {  	s0 =	rddreg [dreg:$0x0];
	s2 =	stileid.u32  }
0x42d: {  	s1 =	rddreg [dreg:$0x1];
	p0 =	sne.s32 s2, $0x0  }
0x42e: {  	s3 =	rddreg [dreg:$0x2];
	[bflag:$0x3] =	sbarrier.arrive $0xFFFF;
	s2 =	simm.s32 @!p0 $0x1C11  }
0x42f: {  	[timem:s3], [sflag:s2] =	dma.local @!p0 [hbm:s0], s1  }
0x430: {  	s0 =	simm.s32 @!p0 $0x11  }
0x431: {  	_ =	swait.ge @!p0 [sflag:s0], s1  }
0x432: {  	s1 =	ssub.s32 @!p0 $0x0, s1;
	[sflag:s0] =	ssyncset.done @!p0 $0x0  }
0x433: {  	[sflag:s0] =	ssyncadd.s32 @!p0 s1  }
0x434: {  	[bflag:$0x3] =	sbarrier.arrive $0xFFFF  }
0x435: {  	_ =	shalt  }

</sc_bundles>
